<compile_context>
chip_gen: v7x
topology: tpu7x:2x2x1
jax: 0.10.2.dev20260603
libtpu: 0.0.44.dev20260713+nightly
codegen_flags: <defaults>
</compile_context>

<pallas_src>
import functools

import jax
import jax.numpy as jnp
from jax import lax
from jax.experimental import pallas as pl
from jax.experimental.pallas import tpu as pltpu
from jax.experimental.pallas import tpu_sc as plsc

D = 128
NC, NS = 2, 16
NW = NC * NS
N_PAD = 10240
ROWS_PER_TILE = N_PAD // NS
CHUNK = 125

def _mesh():
    return plsc.VectorSubcoreMesh(core_axis_name="c", subcore_axis_name="s",
                                  num_cores=NC, num_subcores=NS)


def _make_bincount(e):
    seg = N_PAD // NS
    n_tiles = e // 128
    q, r = divmod(n_tiles, NW)
    big = (q + 1) * 128
    small = q * 128

    @functools.partial(
        pl.kernel, mesh=_mesh(),
        out_type=[jax.ShapeDtypeStruct((N_PAD,), jnp.float32),
                  jax.ShapeDtypeStruct((N_PAD,), jnp.float32)],
        scratch_types=[
            pltpu.VMEM((big,), jnp.int32),
            pltpu.VMEM((N_PAD,), jnp.float32),
            pltpu.VMEM((NS, seg), jnp.float32),
            pltpu.VMEM_SHARED((NS, N_PAD), jnp.float32),
        ],
        compiler_params=pltpu.CompilerParams(needs_layout_passes=False),
    )
    def bincount(ei_hbm, out0_hbm, out1_hbm, src_v, hist_v, tmp_v, part_sh):
        cid = lax.axis_index("c")
        sid = lax.axis_index("s")
        wid = sid * NC + cid
        zero16 = jnp.zeros((16,), jnp.float32)

        def zrow(i, carry):
            hist_v[pl.ds(i * 16, 16)] = zero16
            return carry
        lax.fori_loop(0, N_PAD // 16, zrow, 0)

        start = (wid * q + jnp.minimum(wid, r)) * 128
        mine = jnp.where(wid < r, big, small)

        @pl.when(wid < r)
        def _():
            pltpu.sync_copy(ei_hbm.at[0, pl.ds(start, big)], src_v)

        @pl.when(wid >= r)
        def _():
            pltpu.sync_copy(ei_hbm.at[0, pl.ds(start, small)],
                            src_v.at[pl.ds(0, small)])

        ones = jnp.ones((16,), jnp.float32)

        def grp(i, carry):
            plsc.addupdate_scatter(hist_v, [src_v[pl.ds(i * 16, 16)]], ones)
            return carry
        lax.fori_loop(0, mine // 16, grp, 0)

        pltpu.sync_copy(hist_v, part_sh.at[sid])
        plsc.subcore_barrier()
        base = sid * seg
        pltpu.sync_copy(part_sh.at[:, pl.ds(base, seg)], tmp_v)
        for j in range(seg // 16):
            s = pl.ds(j * 16, 16)
            acc16 = tmp_v[0, s]
            for t in range(1, NS):
                acc16 = acc16 + tmp_v[t, s]
            hist_v[s] = acc16
        @pl.when(cid == 0)
        def _():
            pltpu.sync_copy(hist_v.at[pl.ds(0, seg)],
                            out0_hbm.at[pl.ds(base, seg)])

        @pl.when(cid == 1)
        def _():
            pltpu.sync_copy(hist_v.at[pl.ds(0, seg)],
                            out1_hbm.at[pl.ds(base, seg)])

    return bincount


def _make_aggregate(n_chunk):
    @functools.partial(
        pl.kernel, mesh=_mesh(),
        out_type=jax.ShapeDtypeStruct((NC, N_PAD, D), jnp.float32),
        scratch_types=[
            pltpu.VMEM((n_chunk // 2, CHUNK), jnp.int32),
            pltpu.VMEM((n_chunk // 2, CHUNK), jnp.int32),
            pltpu.VMEM((CHUNK, D), jnp.float32),
            pltpu.VMEM((CHUNK, D), jnp.float32),
            pltpu.VMEM_SHARED((N_PAD, D), jnp.float32),
            pltpu.SemaphoreType.DMA,
            pltpu.SemaphoreType.DMA,
        ],
        compiler_params=pltpu.CompilerParams(needs_layout_passes=False),
    )
    def aggregate(y_hbm, ei_hbm, zeros_hbm, out_hbm,
                  src_v, dst_v, rows0, rows1, acc_sh, sem0, sem1):
        cid = lax.axis_index("c")
        sid = lax.axis_index("s")
        wid = sid * NC + cid
        half = n_chunk // 2
        zcp = pltpu.async_copy(
            zeros_hbm, acc_sh.at[pl.ds(sid * ROWS_PER_TILE, ROWS_PER_TILE)],
            sem1)

        last = half - 1
        for h in range(2):
            pltpu.sync_copy(ei_hbm.at[0, wid, pl.ds(h * half, half)], src_v)
            pltpu.sync_copy(ei_hbm.at[1, wid, pl.ds(h * half, half)], dst_v)
            if h == 0:
                zcp.wait()
                plsc.subcore_barrier()
            pltpu.async_copy(y_hbm.at[src_v.at[0]], rows0, sem0)

            def pair(i, carry):
                j = i * 2
                pltpu.async_copy(y_hbm.at[src_v.at[j + 1]], rows1, sem1)
                pltpu.make_async_copy(y_hbm.at[src_v.at[j]], rows0, sem0).wait()
                pltpu.sync_copy(rows0, acc_sh.at[dst_v.at[j]], add=True)
                nxt = jnp.minimum(j + 2, last)
                pltpu.async_copy(y_hbm.at[src_v.at[nxt]], rows0, sem0)
                pltpu.make_async_copy(y_hbm.at[src_v.at[j + 1]], rows1,
                                      sem1).wait()
                pltpu.sync_copy(rows1, acc_sh.at[dst_v.at[j + 1]], add=True)
                return carry
            lax.fori_loop(0, half // 2, pair, 0)
            pltpu.make_async_copy(y_hbm.at[src_v.at[last]], rows0, sem0).wait()

        plsc.subcore_barrier()
        pltpu.sync_copy(acc_sh.at[pl.ds(sid * ROWS_PER_TILE, ROWS_PER_TILE)],
                        out_hbm.at[cid, pl.ds(sid * ROWS_PER_TILE, ROWS_PER_TILE)])

    return aggregate


_BLK = 1024


def _matmul_body(x_ref, w_ref, b_ref, re_ref, z_ref, s_ref):
    xl = lax.dot_general(x_ref[...], w_ref[...], (((1,), (1,)), ((), ())),
                         preferred_element_type=jnp.float32) + b_ref[...]
    z_ref[...] = jnp.maximum(xl, 0.0)
    s_ref[...] = jnp.maximum(xl + re_ref[...], 0.0)


def _deg_col(cnt0_ref, cnt1_ref):
    deg8 = cnt0_ref[...] + cnt1_ref[...] + 1.0
    sel = (lax.broadcasted_iota(jnp.int32, (_BLK, 8), 0) // 128
           == lax.broadcasted_iota(jnp.int32, (_BLK, 8), 1)
           ).astype(jnp.float32)
    rep = lax.dot_general(sel, deg8, (((1,), (0,)), ((), ())),
                          preferred_element_type=jnp.float32)
    keep = (lax.broadcasted_iota(jnp.int32, (_BLK, D), 0) % 128
            == lax.broadcasted_iota(jnp.int32, (_BLK, D), 1))
    return jnp.sum(jnp.where(keep, rep, 0.0), axis=1, keepdims=True)


def _scale_body(cnt0_ref, cnt1_ref, z_ref, y_ref):
    deg = _deg_col(cnt0_ref, cnt1_ref)
    y_ref[...] = lax.rsqrt(deg) * z_ref[...]


def _combine_body(cnt0_ref, cnt1_ref, acc_ref, s_ref, out_ref):
    deg = _deg_col(cnt0_ref, cnt1_ref)
    out_ref[...] = (lax.rsqrt(deg) * (acc_ref[0] + acc_ref[1])
                    + s_ref[...] / deg)


def kernel(x, edge_index, W, b, root_emb):
    n, d = x.shape
    e = edge_index.shape[1]
    assert d == D and n <= N_PAD
    e_per_w = e // NW
    assert e % 128 == 0 and e % NW == 0 and e_per_w % CHUNK == 0
    n_chunk = e_per_w // CHUNK

    ei = edge_index.astype(jnp.int32)
    ei4 = ei.reshape(2, NW, n_chunk, CHUNK)
    b2 = b.reshape(1, D)

    grid = (N_PAD // _BLK,)
    col_spec = pl.BlockSpec((8, D), lambda i: (i, 0))
    row_spec = pl.BlockSpec((_BLK, D), lambda i: (i, 0))
    full_spec = pl.BlockSpec((D, D), lambda i: (0, 0))
    vec_spec = pl.BlockSpec((1, D), lambda i: (0, 0))
    acc_spec = pl.BlockSpec((2, _BLK, D), lambda i: (0, i, 0))

    c0, c1 = _make_bincount(e)(ei)
    cnt0 = c0.reshape(N_PAD // D, D)
    cnt1 = c1.reshape(N_PAD // D, D)

    z, s = pl.pallas_call(
        _matmul_body,
        grid=grid,
        in_specs=[row_spec, full_spec, vec_spec, vec_spec],
        out_specs=[row_spec, row_spec],
        out_shape=[
            jax.ShapeDtypeStruct((n, D), jnp.float32),
            jax.ShapeDtypeStruct((n, D), jnp.float32),
        ],
    )(x, W, b2, root_emb)

    y = pl.pallas_call(
        _scale_body,
        grid=grid,
        in_specs=[col_spec, col_spec, row_spec],
        out_specs=row_spec,
        out_shape=jax.ShapeDtypeStruct((n, D), jnp.float32),
    )(cnt0, cnt1, z)

    zeros = jnp.zeros((ROWS_PER_TILE, D), jnp.float32)
    acc = _make_aggregate(n_chunk)(y, ei4, zeros)

    out = pl.pallas_call(
        _combine_body,
        grid=grid,
        in_specs=[col_spec, col_spec, acc_spec, row_spec],
        out_specs=row_spec,
        out_shape=jax.ShapeDtypeStruct((n, D), jnp.float32),
    )(cnt0, cnt1, acc, s)
    return out

# --- scband reference (transcript-rebuilt; emitter-appended) ---
"""Pipeline reference for scband-gcnconv-21930103014153 (READ-ONLY COPY).

The authoritative reference and input builder live on the scoring server;
editing this copy changes nothing except your own understanding.
"""

import jax, jax.numpy as jnp
import numpy as np

N_NODES = 10000
N_EDGES = 320000
EMB_DIM = 128


def setup_inputs(seed: int = 0) -> dict:
    key = jax.random.key(seed)
    k_x, k_e, k_w, k_b, k_r = jax.random.split(key, 5)
    x = jax.random.normal(k_x, (N_NODES, EMB_DIM), dtype=jnp.float32)
    edge_index = jax.random.randint(k_e, (2, N_EDGES), 0, N_NODES, dtype=jnp.int64)
    # Linear(emb_dim, emb_dim) params (PyTorch convention: y = x @ W.T + b)
    bound = 1.0 / np.sqrt(EMB_DIM)
    W = jax.random.uniform(k_w, (EMB_DIM, EMB_DIM), minval=-bound, maxval=bound, dtype=jnp.float32)
    b = jax.random.uniform(k_b, (EMB_DIM,), minval=-bound, maxval=bound, dtype=jnp.float32)
    # nn.Embedding(1, emb_dim) weight
    root_emb = jax.random.normal(k_r, (1, EMB_DIM), dtype=jnp.float32)
    return {"x": x, "edge_index": edge_index, "W": W, "b": b, "root_emb": root_emb}


def reference(x, edge_index, W, b, root_emb):
    src = edge_index[0]
    dst = edge_index[1]
    n = x.shape[0]
    # x = self.linear(x)
    xl = x @ W.T + b
    # degs = out_degrees + 1
    degs = jnp.bincount(src, length=n).astype(jnp.float32) + 1.0
    norm = jnp.power(degs, -0.5)[:, None]  # [N,1]
    # apply_edges(u_mul_v('norm','norm','norm'))
    edge_norm = norm[src] * norm[dst]  # [E,1]
    # apply_edges(copy_u('x','m')); m = norm * relu(m)
    m = edge_norm * jax.nn.relu(xl[src])  # [E,D]
    # update_all(copy_e, sum) -> scatter-add by dst
    new_x = jax.ops.segment_sum(m, dst, num_segments=n)
    out = new_x + jax.nn.relu(xl + root_emb) * (1.0 / degs[:, None])
    return out

if __name__ == "__main__":
    import jax
    _d = setup_inputs()
    print(jax.jit(kernel)(*tuple(_d.values())))

</pallas_src>

<mosaic_0001>
#map = affine_map<(d0, d1) -> (0, 0)>
#map1 = affine_map<(d0, d1) -> (0, 0, 0, 0)>
#map2 = affine_map<(d0, d1) -> (0, 0, 0)>
module attributes {stable_mosaic.version = 14 : i64} {
  func.func @aggregate(%arg0: i32, %arg1: i32, %arg2: memref<10000x128xf32, #tpu.memory_space<hbm>>, %arg3: memref<2x32x80x125xi32, #tpu.memory_space<hbm>>, %arg4: memref<640x128xf32, #tpu.memory_space<hbm>>, %arg5: memref<2x10240x128xf32, #tpu.memory_space<hbm>>, %arg6: memref<40x125xi32, #tpu.memory_space<vmem>>, %arg7: memref<40x125xi32, #tpu.memory_space<vmem>>, %arg8: memref<125x128xf32, #tpu.memory_space<vmem>>, %arg9: memref<125x128xf32, #tpu.memory_space<vmem>>, %arg10: memref<10240x128xf32, #tpu.memory_space<vmem_shared>>, %arg11: memref<!tpu.dma_semaphore, #tpu.memory_space<semaphore_mem>>, %arg12: memref<!tpu.dma_semaphore, #tpu.memory_space<semaphore_mem>>) attributes {dimension_semantics = [#tpu.dimension_semantics<core_parallel>, #tpu.dimension_semantics<subcore_parallel>], iteration_bounds = array<i64: 2, 16>, scalar_prefetch = 0 : i64, scratch_operands = 7 : i64, tpu.core_type = #tpu.core_type<sc_vector_subcore>, window_params = [{transform_indices = #map}, {transform_indices = #map1}, {transform_indices = #map}, {transform_indices = #map2}]} {
    %mul3A = arith.constant 2 : i32
    %mul3A_0 = arith.muli %arg1, %mul3A : i32
    %add3A = arith.addi %mul3A_0, %arg0 : i32
    %mul3A_1 = arith.constant 640 : i32
    %mul3A_2 = arith.muli %arg1, %mul3A_1 : i32
    %dma_start3A = arith.constant 0 : i32
    %dma_start3A_3 = tpu.memref_slice %arg10[%mul3A_2, %dma_start3A] : memref<10240x128xf32, #tpu.memory_space<vmem_shared>> -> memref<640x128xf32, #tpu.memory_space<vmem_shared>>
    tpu.enqueue_dma source(%arg4 : memref<640x128xf32, #tpu.memory_space<hbm>>) target(%dma_start3A_3 : memref<640x128xf32, #tpu.memory_space<vmem_shared>>) target_semaphore(%arg12 : memref<!tpu.dma_semaphore, #tpu.memory_space<semaphore_mem>>)
    %run_scoped3A = arith.constant 0 : i32
    "tpu.region"() ({
      %run_scoped3A_52 = tpu.sem_alloc : memref<!tpu.dma_semaphore, #tpu.memory_space<semaphore_mem>>
      %dma_start3A_53 = arith.constant 0 : i32
      %dma_start3A_54 = arith.constant 0 : i32
      %dma_start3A_55 = tpu.memref_slice %arg3[%run_scoped3A, %add3A, %dma_start3A_53, %dma_start3A_54] : memref<2x32x80x125xi32, #tpu.memory_space<hbm>> -> memref<1x1x40x125xi32, #tpu.memory_space<hbm>>
      %dma_start3A_56 = tpu.memref_squeeze %dma_start3A_55 : memref<1x1x40x125xi32, #tpu.memory_space<hbm>> -> memref<40x125xi32, #tpu.memory_space<hbm>>
      %dma_start3A_57 = arith.constant 0 : i32
      %dma_start3A_58 = arith.constant 0 : i32
      %dma_start3A_59 = tpu.memref_slice %arg3[%run_scoped3A, %add3A, %dma_start3A_57, %dma_start3A_58] : memref<2x32x80x125xi32, #tpu.memory_space<hbm>> -> memref<1x1x40x125xi32, #tpu.memory_space<hbm>>
      %dma_start3A_60 = tpu.memref_squeeze %dma_start3A_59 : memref<1x1x40x125xi32, #tpu.memory_space<hbm>> -> memref<40x125xi32, #tpu.memory_space<hbm>>
      tpu.enqueue_dma source(%dma_start3A_60 : memref<40x125xi32, #tpu.memory_space<hbm>>) target(%arg6 : memref<40x125xi32, #tpu.memory_space<vmem>>) target_semaphore(%run_scoped3A_52 : memref<!tpu.dma_semaphore, #tpu.memory_space<semaphore_mem>>)
      %dma_wait3A_61 = arith.constant 0 : i32
      %dma_wait3A_62 = arith.constant 0 : i32
      %dma_wait3A_63 = tpu.memref_slice %arg3[%run_scoped3A, %add3A, %dma_wait3A_61, %dma_wait3A_62] : memref<2x32x80x125xi32, #tpu.memory_space<hbm>> -> memref<1x1x40x125xi32, #tpu.memory_space<hbm>>
      %dma_wait3A_64 = tpu.memref_squeeze %dma_wait3A_63 : memref<1x1x40x125xi32, #tpu.memory_space<hbm>> -> memref<40x125xi32, #tpu.memory_space<hbm>>
      %dma_wait3A_65 = arith.constant 0 : i32
      %dma_wait3A_66 = arith.constant 0 : i32
      %dma_wait3A_67 = tpu.memref_slice %arg3[%run_scoped3A, %add3A, %dma_wait3A_65, %dma_wait3A_66] : memref<2x32x80x125xi32, #tpu.memory_space<hbm>> -> memref<1x1x40x125xi32, #tpu.memory_space<hbm>>
      %dma_wait3A_68 = tpu.memref_squeeze %dma_wait3A_67 : memref<1x1x40x125xi32, #tpu.memory_space<hbm>> -> memref<40x125xi32, #tpu.memory_space<hbm>>
      tpu.wait_dma2 semaphore(%run_scoped3A_52 : memref<!tpu.dma_semaphore, #tpu.memory_space<semaphore_mem>>) src(%dma_wait3A_68 : memref<40x125xi32, #tpu.memory_space<hbm>>) dst(%arg6 : memref<40x125xi32, #tpu.memory_space<vmem>>)
      tpu.yield
    }) : () -> ()
    %run_scoped3A_4 = arith.constant 1 : i32
    "tpu.region"() ({
      %run_scoped3A_52 = tpu.sem_alloc : memref<!tpu.dma_semaphore, #tpu.memory_space<semaphore_mem>>
      %dma_start3A_53 = arith.constant 0 : i32
      %dma_start3A_54 = arith.constant 0 : i32
      %dma_start3A_55 = tpu.memref_slice %arg3[%run_scoped3A_4, %add3A, %dma_start3A_53, %dma_start3A_54] : memref<2x32x80x125xi32, #tpu.memory_space<hbm>> -> memref<1x1x40x125xi32, #tpu.memory_space<hbm>>
      %dma_start3A_56 = tpu.memref_squeeze %dma_start3A_55 : memref<1x1x40x125xi32, #tpu.memory_space<hbm>> -> memref<40x125xi32, #tpu.memory_space<hbm>>
      %dma_start3A_57 = arith.constant 0 : i32
      %dma_start3A_58 = arith.constant 0 : i32
      %dma_start3A_59 = tpu.memref_slice %arg3[%run_scoped3A_4, %add3A, %dma_start3A_57, %dma_start3A_58] : memref<2x32x80x125xi32, #tpu.memory_space<hbm>> -> memref<1x1x40x125xi32, #tpu.memory_space<hbm>>
      %dma_start3A_60 = tpu.memref_squeeze %dma_start3A_59 : memref<1x1x40x125xi32, #tpu.memory_space<hbm>> -> memref<40x125xi32, #tpu.memory_space<hbm>>
      tpu.enqueue_dma source(%dma_start3A_60 : memref<40x125xi32, #tpu.memory_space<hbm>>) target(%arg7 : memref<40x125xi32, #tpu.memory_space<vmem>>) target_semaphore(%run_scoped3A_52 : memref<!tpu.dma_semaphore, #tpu.memory_space<semaphore_mem>>)
      %dma_wait3A_61 = arith.constant 0 : i32
      %dma_wait3A_62 = arith.constant 0 : i32
      %dma_wait3A_63 = tpu.memref_slice %arg3[%run_scoped3A_4, %add3A, %dma_wait3A_61, %dma_wait3A_62] : memref<2x32x80x125xi32, #tpu.memory_space<hbm>> -> memref<1x1x40x125xi32, #tpu.memory_space<hbm>>
      %dma_wait3A_64 = tpu.memref_squeeze %dma_wait3A_63 : memref<1x1x40x125xi32, #tpu.memory_space<hbm>> -> memref<40x125xi32, #tpu.memory_space<hbm>>
      %dma_wait3A_65 = arith.constant 0 : i32
      %dma_wait3A_66 = arith.constant 0 : i32
      %dma_wait3A_67 = tpu.memref_slice %arg3[%run_scoped3A_4, %add3A, %dma_wait3A_65, %dma_wait3A_66] : memref<2x32x80x125xi32, #tpu.memory_space<hbm>> -> memref<1x1x40x125xi32, #tpu.memory_space<hbm>>
      %dma_wait3A_68 = tpu.memref_squeeze %dma_wait3A_67 : memref<1x1x40x125xi32, #tpu.memory_space<hbm>> -> memref<40x125xi32, #tpu.memory_space<hbm>>
      tpu.wait_dma2 semaphore(%run_scoped3A_52 : memref<!tpu.dma_semaphore, #tpu.memory_space<semaphore_mem>>) src(%dma_wait3A_68 : memref<40x125xi32, #tpu.memory_space<hbm>>) dst(%arg7 : memref<40x125xi32, #tpu.memory_space<vmem>>)
      tpu.yield
    }) : () -> ()
    %dma_wait3A = arith.constant 0 : i32
    %dma_wait3A_5 = tpu.memref_slice %arg10[%mul3A_2, %dma_wait3A] : memref<10240x128xf32, #tpu.memory_space<vmem_shared>> -> memref<640x128xf32, #tpu.memory_space<vmem_shared>>
    tpu.wait_dma2 semaphore(%arg12 : memref<!tpu.dma_semaphore, #tpu.memory_space<semaphore_mem>>) src(%arg4 : memref<640x128xf32, #tpu.memory_space<hbm>>) dst(%dma_wait3A_5 : memref<640x128xf32, #tpu.memory_space<vmem_shared>>)
    %barrier3A = arith.constant 0 : index
    tpu.barrier barrier_id(%barrier3A)
    %dma_start3A_6 = arith.constant 0 : i32
    %dma_start3A_7 = arith.constant 0 : i32
    %dma_start3A_8 = tpu.memref_slice %arg6[%dma_start3A_6, %dma_start3A_7] : memref<40x125xi32, #tpu.memory_space<vmem>> -> memref<1x125xi32, #tpu.memory_space<vmem>>
    %dma_start3A_9 = tpu.memref_squeeze %dma_start3A_8 : memref<1x125xi32, #tpu.memory_space<vmem>> -> memref<125xi32, #tpu.memory_space<vmem>>
    %dma_start3A_10 = arith.constant 0 : i32
    %dma_start3A_11 = arith.constant 0 : i32
    %dma_start3A_12 = tpu.memref_slice %arg2[%dma_start3A_10, %dma_start3A_11] : memref<10000x128xf32, #tpu.memory_space<hbm>> -> memref<10000x128xf32, #tpu.memory_space<hbm>>
    tpu.enqueue_indirect_dma source(%dma_start3A_12 : memref<10000x128xf32, #tpu.memory_space<hbm>>) target(%arg8 : memref<125x128xf32, #tpu.memory_space<vmem>>) offsets(%dma_start3A_9 : memref<125xi32, #tpu.memory_space<vmem>>) semaphore(%arg11 : memref<!tpu.dma_semaphore, #tpu.memory_space<semaphore_mem>>)
    %scan3A = arith.constant 0 : i32
    %scan3A_13 = arith.constant 0 : i32
    %scan3A_14 = arith.constant 20 : i32
    %scan3A_15 = arith.addi %scan3A_13, %scan3A_14 : i32
    %scan3A_16 = arith.constant 1 : i32
    scf.for %scan3A_52 = %scan3A_13 to %scan3A_15 step %scan3A_16  : i32 {
      %mul3A_53 = arith.constant 2 : i32
      %mul3A_54 = arith.muli %scan3A_52, %mul3A_53 : i32
      %add3A_55 = arith.constant 1 : i32
      %add3A_56 = arith.addi %mul3A_54, %add3A_55 : i32
      %dma_start3A_57 = arith.constant 0 : i32
      %dma_start3A_58 = tpu.memref_slice %arg6[%add3A_56, %dma_start3A_57] : memref<40x125xi32, #tpu.memory_space<vmem>> -> memref<1x125xi32, #tpu.memory_space<vmem>>
      %dma_start3A_59 = tpu.memref_squeeze %dma_start3A_58 : memref<1x125xi32, #tpu.memory_space<vmem>> -> memref<125xi32, #tpu.memory_space<vmem>>
      %dma_start3A_60 = arith.constant 0 : i32
      %dma_start3A_61 = arith.constant 0 : i32
      %dma_start3A_62 = tpu.memref_slice %arg2[%dma_start3A_60, %dma_start3A_61] : memref<10000x128xf32, #tpu.memory_space<hbm>> -> memref<10000x128xf32, #tpu.memory_space<hbm>>
      tpu.enqueue_indirect_dma source(%dma_start3A_62 : memref<10000x128xf32, #tpu.memory_space<hbm>>) target(%arg9 : memref<125x128xf32, #tpu.memory_space<vmem>>) offsets(%dma_start3A_59 : memref<125xi32, #tpu.memory_space<vmem>>) semaphore(%arg12 : memref<!tpu.dma_semaphore, #tpu.memory_space<semaphore_mem>>)
      %dma_wait3A_63 = arith.constant 0 : i32
      %dma_wait3A_64 = tpu.memref_slice %arg6[%mul3A_54, %dma_wait3A_63] : memref<40x125xi32, #tpu.memory_space<vmem>> -> memref<1x125xi32, #tpu.memory_space<vmem>>
      %dma_wait3A_65 = tpu.memref_squeeze %dma_wait3A_64 : memref<1x125xi32, #tpu.memory_space<vmem>> -> memref<125xi32, #tpu.memory_space<vmem>>
      %dma_wait3A_66 = arith.constant 0 : i32
      %dma_wait3A_67 = arith.constant 0 : i32
      %dma_wait3A_68 = tpu.memref_slice %arg2[%dma_wait3A_66, %dma_wait3A_67] : memref<10000x128xf32, #tpu.memory_space<hbm>> -> memref<10000x128xf32, #tpu.memory_space<hbm>>
      tpu.wait_indirect_dma semaphore(%arg11 : memref<!tpu.dma_semaphore, #tpu.memory_space<semaphore_mem>>) src(%dma_wait3A_68 : memref<10000x128xf32, #tpu.memory_space<hbm>>) dst(%arg8 : memref<125x128xf32, #tpu.memory_space<vmem>>)
      "tpu.region"() ({
        %run_scoped3A_88 = tpu.sem_alloc : memref<!tpu.dma_semaphore, #tpu.memory_space<semaphore_mem>>
        %dma_start3A_89 = arith.constant 0 : i32
        %dma_start3A_90 = tpu.memref_slice %arg7[%mul3A_54, %dma_start3A_89] : memref<40x125xi32, #tpu.memory_space<vmem>> -> memref<1x125xi32, #tpu.memory_space<vmem>>
        %dma_start3A_91 = tpu.memref_squeeze %dma_start3A_90 : memref<1x125xi32, #tpu.memory_space<vmem>> -> memref<125xi32, #tpu.memory_space<vmem>>
        %dma_start3A_92 = arith.constant 0 : i32
        %dma_start3A_93 = arith.constant 0 : i32
        %dma_start3A_94 = tpu.memref_slice %arg10[%dma_start3A_92, %dma_start3A_93] : memref<10240x128xf32, #tpu.memory_space<vmem_shared>> -> memref<10240x128xf32, #tpu.memory_space<vmem_shared>>
        tpu.enqueue_indirect_dma source(%arg8 : memref<125x128xf32, #tpu.memory_space<vmem>>) target(%dma_start3A_94 : memref<10240x128xf32, #tpu.memory_space<vmem_shared>>) offsets(%dma_start3A_91 : memref<125xi32, #tpu.memory_space<vmem>>) semaphore(%run_scoped3A_88 : memref<!tpu.dma_semaphore, #tpu.memory_space<semaphore_mem>>) {add = true}
        %dma_wait3A_95 = arith.constant 0 : i32
        %dma_wait3A_96 = tpu.memref_slice %arg7[%mul3A_54, %dma_wait3A_95] : memref<40x125xi32, #tpu.memory_space<vmem>> -> memref<1x125xi32, #tpu.memory_space<vmem>>
        %dma_wait3A_97 = tpu.memref_squeeze %dma_wait3A_96 : memref<1x125xi32, #tpu.memory_space<vmem>> -> memref<125xi32, #tpu.memory_space<vmem>>
        %dma_wait3A_98 = arith.constant 0 : i32
        %dma_wait3A_99 = arith.constant 0 : i32
        %dma_wait3A_100 = tpu.memref_slice %arg10[%dma_wait3A_98, %dma_wait3A_99] : memref<10240x128xf32, #tpu.memory_space<vmem_shared>> -> memref<10240x128xf32, #tpu.memory_space<vmem_shared>>
        tpu.wait_indirect_dma semaphore(%run_scoped3A_88 : memref<!tpu.dma_semaphore, #tpu.memory_space<semaphore_mem>>) src(%arg8 : memref<125x128xf32, #tpu.memory_space<vmem>>) dst(%dma_wait3A_100 : memref<10240x128xf32, #tpu.memory_space<vmem_shared>>)
        tpu.yield
      }) : () -> ()
      %add3A_69 = arith.constant 2 : i32
      %add3A_70 = arith.addi %mul3A_54, %add3A_69 : i32
      %min3A = arith.constant 39 : i32
      %min3A_71 = arith.minsi %add3A_70, %min3A : i32
      %dma_start3A_72 = arith.constant 0 : i32
      %dma_start3A_73 = tpu.memref_slice %arg6[%min3A_71, %dma_start3A_72] : memref<40x125xi32, #tpu.memory_space<vmem>> -> memref<1x125xi32, #tpu.memory_space<vmem>>
      %dma_start3A_74 = tpu.memref_squeeze %dma_start3A_73 : memref<1x125xi32, #tpu.memory_space<vmem>> -> memref<125xi32, #tpu.memory_space<vmem>>
      %dma_start3A_75 = arith.constant 0 : i32
      %dma_start3A_76 = arith.constant 0 : i32
      %dma_start3A_77 = tpu.memref_slice %arg2[%dma_start3A_75, %dma_start3A_76] : memref<10000x128xf32, #tpu.memory_space<hbm>> -> memref<10000x128xf32, #tpu.memory_space<hbm>>
      tpu.enqueue_indirect_dma source(%dma_start3A_77 : memref<10000x128xf32, #tpu.memory_space<hbm>>) target(%arg8 : memref<125x128xf32, #tpu.memory_space<vmem>>) offsets(%dma_start3A_74 : memref<125xi32, #tpu.memory_space<vmem>>) semaphore(%arg11 : memref<!tpu.dma_semaphore, #tpu.memory_space<semaphore_mem>>)
      %add3A_78 = arith.constant 1 : i32
      %add3A_79 = arith.addi %mul3A_54, %add3A_78 : i32
      %dma_wait3A_80 = arith.constant 0 : i32
      %dma_wait3A_81 = tpu.memref_slice %arg6[%add3A_79, %dma_wait3A_80] : memref<40x125xi32, #tpu.memory_space<vmem>> -> memref<1x125xi32, #tpu.memory_space<vmem>>
      %dma_wait3A_82 = tpu.memref_squeeze %dma_wait3A_81 : memref<1x125xi32, #tpu.memory_space<vmem>> -> memref<125xi32, #tpu.memory_space<vmem>>
      %dma_wait3A_83 = arith.constant 0 : i32
      %dma_wait3A_84 = arith.constant 0 : i32
      %dma_wait3A_85 = tpu.memref_slice %arg2[%dma_wait3A_83, %dma_wait3A_84] : memref<10000x128xf32, #tpu.memory_space<hbm>> -> memref<10000x128xf32, #tpu.memory_space<hbm>>
      tpu.wait_indirect_dma semaphore(%arg12 : memref<!tpu.dma_semaphore, #tpu.memory_space<semaphore_mem>>) src(%dma_wait3A_85 : memref<10000x128xf32, #tpu.memory_space<hbm>>) dst(%arg9 : memref<125x128xf32, #tpu.memory_space<vmem>>)
      %add3A_86 = arith.constant 1 : i32
      %add3A_87 = arith.addi %mul3A_54, %add3A_86 : i32
      "tpu.region"() ({
        %run_scoped3A_88 = tpu.sem_alloc : memref<!tpu.dma_semaphore, #tpu.memory_space<semaphore_mem>>
        %dma_start3A_89 = arith.constant 0 : i32
        %dma_start3A_90 = tpu.memref_slice %arg7[%add3A_87, %dma_start3A_89] : memref<40x125xi32, #tpu.memory_space<vmem>> -> memref<1x125xi32, #tpu.memory_space<vmem>>
        %dma_start3A_91 = tpu.memref_squeeze %dma_start3A_90 : memref<1x125xi32, #tpu.memory_space<vmem>> -> memref<125xi32, #tpu.memory_space<vmem>>
        %dma_start3A_92 = arith.constant 0 : i32
        %dma_start3A_93 = arith.constant 0 : i32
        %dma_start3A_94 = tpu.memref_slice %arg10[%dma_start3A_92, %dma_start3A_93] : memref<10240x128xf32, #tpu.memory_space<vmem_shared>> -> memref<10240x128xf32, #tpu.memory_space<vmem_shared>>
        tpu.enqueue_indirect_dma source(%arg9 : memref<125x128xf32, #tpu.memory_space<vmem>>) target(%dma_start3A_94 : memref<10240x128xf32, #tpu.memory_space<vmem_shared>>) offsets(%dma_start3A_91 : memref<125xi32, #tpu.memory_space<vmem>>) semaphore(%run_scoped3A_88 : memref<!tpu.dma_semaphore, #tpu.memory_space<semaphore_mem>>) {add = true}
        %dma_wait3A_95 = arith.constant 0 : i32
        %dma_wait3A_96 = tpu.memref_slice %arg7[%add3A_87, %dma_wait3A_95] : memref<40x125xi32, #tpu.memory_space<vmem>> -> memref<1x125xi32, #tpu.memory_space<vmem>>
        %dma_wait3A_97 = tpu.memref_squeeze %dma_wait3A_96 : memref<1x125xi32, #tpu.memory_space<vmem>> -> memref<125xi32, #tpu.memory_space<vmem>>
        %dma_wait3A_98 = arith.constant 0 : i32
        %dma_wait3A_99 = arith.constant 0 : i32
        %dma_wait3A_100 = tpu.memref_slice %arg10[%dma_wait3A_98, %dma_wait3A_99] : memref<10240x128xf32, #tpu.memory_space<vmem_shared>> -> memref<10240x128xf32, #tpu.memory_space<vmem_shared>>
        tpu.wait_indirect_dma semaphore(%run_scoped3A_88 : memref<!tpu.dma_semaphore, #tpu.memory_space<semaphore_mem>>) src(%arg9 : memref<125x128xf32, #tpu.memory_space<vmem>>) dst(%dma_wait3A_100 : memref<10240x128xf32, #tpu.memory_space<vmem_shared>>)
        tpu.yield
      }) : () -> ()
    }
    %scan3A_17 = arith.constant 20 : i32
    %dma_wait3A_18 = arith.constant 39 : i32
    %dma_wait3A_19 = arith.constant 0 : i32
    %dma_wait3A_20 = tpu.memref_slice %arg6[%dma_wait3A_18, %dma_wait3A_19] : memref<40x125xi32, #tpu.memory_space<vmem>> -> memref<1x125xi32, #tpu.memory_space<vmem>>
    %dma_wait3A_21 = tpu.memref_squeeze %dma_wait3A_20 : memref<1x125xi32, #tpu.memory_space<vmem>> -> memref<125xi32, #tpu.memory_space<vmem>>
    %dma_wait3A_22 = arith.constant 0 : i32
    %dma_wait3A_23 = arith.constant 0 : i32
    %dma_wait3A_24 = tpu.memref_slice %arg2[%dma_wait3A_22, %dma_wait3A_23] : memref<10000x128xf32, #tpu.memory_space<hbm>> -> memref<10000x128xf32, #tpu.memory_space<hbm>>
    tpu.wait_indirect_dma semaphore(%arg11 : memref<!tpu.dma_semaphore, #tpu.memory_space<semaphore_mem>>) src(%dma_wait3A_24 : memref<10000x128xf32, #tpu.memory_space<hbm>>) dst(%arg8 : memref<125x128xf32, #tpu.memory_space<vmem>>)
    %run_scoped3A_25 = arith.constant 0 : i32
    "tpu.region"() ({
      %run_scoped3A_52 = tpu.sem_alloc : memref<!tpu.dma_semaphore, #tpu.memory_space<semaphore_mem>>
      %dma_start3A_53 = arith.constant 40 : i32
      %dma_start3A_54 = arith.constant 0 : i32
      %dma_start3A_55 = tpu.memref_slice %arg3[%run_scoped3A_25, %add3A, %dma_start3A_53, %dma_start3A_54] : memref<2x32x80x125xi32, #tpu.memory_space<hbm>> -> memref<1x1x40x125xi32, #tpu.memory_space<hbm>>
      %dma_start3A_56 = tpu.memref_squeeze %dma_start3A_55 : memref<1x1x40x125xi32, #tpu.memory_space<hbm>> -> memref<40x125xi32, #tpu.memory_space<hbm>>
      %dma_start3A_57 = arith.constant 40 : i32
      %dma_start3A_58 = arith.constant 0 : i32
      %dma_start3A_59 = tpu.memref_slice %arg3[%run_scoped3A_25, %add3A, %dma_start3A_57, %dma_start3A_58] : memref<2x32x80x125xi32, #tpu.memory_space<hbm>> -> memref<1x1x40x125xi32, #tpu.memory_space<hbm>>
      %dma_start3A_60 = tpu.memref_squeeze %dma_start3A_59 : memref<1x1x40x125xi32, #tpu.memory_space<hbm>> -> memref<40x125xi32, #tpu.memory_space<hbm>>
      tpu.enqueue_dma source(%dma_start3A_60 : memref<40x125xi32, #tpu.memory_space<hbm>>) target(%arg6 : memref<40x125xi32, #tpu.memory_space<vmem>>) target_semaphore(%run_scoped3A_52 : memref<!tpu.dma_semaphore, #tpu.memory_space<semaphore_mem>>)
      %dma_wait3A_61 = arith.constant 40 : i32
      %dma_wait3A_62 = arith.constant 0 : i32
      %dma_wait3A_63 = tpu.memref_slice %arg3[%run_scoped3A_25, %add3A, %dma_wait3A_61, %dma_wait3A_62] : memref<2x32x80x125xi32, #tpu.memory_space<hbm>> -> memref<1x1x40x125xi32, #tpu.memory_space<hbm>>
      %dma_wait3A_64 = tpu.memref_squeeze %dma_wait3A_63 : memref<1x1x40x125xi32, #tpu.memory_space<hbm>> -> memref<40x125xi32, #tpu.memory_space<hbm>>
      %dma_wait3A_65 = arith.constant 40 : i32
      %dma_wait3A_66 = arith.constant 0 : i32
      %dma_wait3A_67 = tpu.memref_slice %arg3[%run_scoped3A_25, %add3A, %dma_wait3A_65, %dma_wait3A_66] : memref<2x32x80x125xi32, #tpu.memory_space<hbm>> -> memref<1x1x40x125xi32, #tpu.memory_space<hbm>>
      %dma_wait3A_68 = tpu.memref_squeeze %dma_wait3A_67 : memref<1x1x40x125xi32, #tpu.memory_space<hbm>> -> memref<40x125xi32, #tpu.memory_space<hbm>>
      tpu.wait_dma2 semaphore(%run_scoped3A_52 : memref<!tpu.dma_semaphore, #tpu.memory_space<semaphore_mem>>) src(%dma_wait3A_68 : memref<40x125xi32, #tpu.memory_space<hbm>>) dst(%arg6 : memref<40x125xi32, #tpu.memory_space<vmem>>)
      tpu.yield
    }) : () -> ()
    %run_scoped3A_26 = arith.constant 1 : i32
    "tpu.region"() ({
      %run_scoped3A_52 = tpu.sem_alloc : memref<!tpu.dma_semaphore, #tpu.memory_space<semaphore_mem>>
      %dma_start3A_53 = arith.constant 40 : i32
      %dma_start3A_54 = arith.constant 0 : i32
      %dma_start3A_55 = tpu.memref_slice %arg3[%run_scoped3A_26, %add3A, %dma_start3A_53, %dma_start3A_54] : memref<2x32x80x125xi32, #tpu.memory_space<hbm>> -> memref<1x1x40x125xi32, #tpu.memory_space<hbm>>
      %dma_start3A_56 = tpu.memref_squeeze %dma_start3A_55 : memref<1x1x40x125xi32, #tpu.memory_space<hbm>> -> memref<40x125xi32, #tpu.memory_space<hbm>>
      %dma_start3A_57 = arith.constant 40 : i32
      %dma_start3A_58 = arith.constant 0 : i32
      %dma_start3A_59 = tpu.memref_slice %arg3[%run_scoped3A_26, %add3A, %dma_start3A_57, %dma_start3A_58] : memref<2x32x80x125xi32, #tpu.memory_space<hbm>> -> memref<1x1x40x125xi32, #tpu.memory_space<hbm>>
      %dma_start3A_60 = tpu.memref_squeeze %dma_start3A_59 : memref<1x1x40x125xi32, #tpu.memory_space<hbm>> -> memref<40x125xi32, #tpu.memory_space<hbm>>
      tpu.enqueue_dma source(%dma_start3A_60 : memref<40x125xi32, #tpu.memory_space<hbm>>) target(%arg7 : memref<40x125xi32, #tpu.memory_space<vmem>>) target_semaphore(%run_scoped3A_52 : memref<!tpu.dma_semaphore, #tpu.memory_space<semaphore_mem>>)
      %dma_wait3A_61 = arith.constant 40 : i32
      %dma_wait3A_62 = arith.constant 0 : i32
      %dma_wait3A_63 = tpu.memref_slice %arg3[%run_scoped3A_26, %add3A, %dma_wait3A_61, %dma_wait3A_62] : memref<2x32x80x125xi32, #tpu.memory_space<hbm>> -> memref<1x1x40x125xi32, #tpu.memory_space<hbm>>
      %dma_wait3A_64 = tpu.memref_squeeze %dma_wait3A_63 : memref<1x1x40x125xi32, #tpu.memory_space<hbm>> -> memref<40x125xi32, #tpu.memory_space<hbm>>
      %dma_wait3A_65 = arith.constant 40 : i32
      %dma_wait3A_66 = arith.constant 0 : i32
      %dma_wait3A_67 = tpu.memref_slice %arg3[%run_scoped3A_26, %add3A, %dma_wait3A_65, %dma_wait3A_66] : memref<2x32x80x125xi32, #tpu.memory_space<hbm>> -> memref<1x1x40x125xi32, #tpu.memory_space<hbm>>
      %dma_wait3A_68 = tpu.memref_squeeze %dma_wait3A_67 : memref<1x1x40x125xi32, #tpu.memory_space<hbm>> -> memref<40x125xi32, #tpu.memory_space<hbm>>
      tpu.wait_dma2 semaphore(%run_scoped3A_52 : memref<!tpu.dma_semaphore, #tpu.memory_space<semaphore_mem>>) src(%dma_wait3A_68 : memref<40x125xi32, #tpu.memory_space<hbm>>) dst(%arg7 : memref<40x125xi32, #tpu.memory_space<vmem>>)
      tpu.yield
    }) : () -> ()
    %dma_start3A_27 = arith.constant 0 : i32
    %dma_start3A_28 = arith.constant 0 : i32
    %dma_start3A_29 = tpu.memref_slice %arg6[%dma_start3A_27, %dma_start3A_28] : memref<40x125xi32, #tpu.memory_space<vmem>> -> memref<1x125xi32, #tpu.memory_space<vmem>>
    %dma_start3A_30 = tpu.memref_squeeze %dma_start3A_29 : memref<1x125xi32, #tpu.memory_space<vmem>> -> memref<125xi32, #tpu.memory_space<vmem>>
    %dma_start3A_31 = arith.constant 0 : i32
    %dma_start3A_32 = arith.constant 0 : i32
    %dma_start3A_33 = tpu.memref_slice %arg2[%dma_start3A_31, %dma_start3A_32] : memref<10000x128xf32, #tpu.memory_space<hbm>> -> memref<10000x128xf32, #tpu.memory_space<hbm>>
    tpu.enqueue_indirect_dma source(%dma_start3A_33 : memref<10000x128xf32, #tpu.memory_space<hbm>>) target(%arg8 : memref<125x128xf32, #tpu.memory_space<vmem>>) offsets(%dma_start3A_30 : memref<125xi32, #tpu.memory_space<vmem>>) semaphore(%arg11 : memref<!tpu.dma_semaphore, #tpu.memory_space<semaphore_mem>>)
    %scan3A_34 = arith.constant 0 : i32
    %scan3A_35 = arith.constant 0 : i32
    %scan3A_36 = arith.constant 20 : i32
    %scan3A_37 = arith.addi %scan3A_35, %scan3A_36 : i32
    %scan3A_38 = arith.constant 1 : i32
    scf.for %scan3A_52 = %scan3A_35 to %scan3A_37 step %scan3A_38  : i32 {
      %mul3A_53 = arith.constant 2 : i32
      %mul3A_54 = arith.muli %scan3A_52, %mul3A_53 : i32
      %add3A_55 = arith.constant 1 : i32
      %add3A_56 = arith.addi %mul3A_54, %add3A_55 : i32
      %dma_start3A_57 = arith.constant 0 : i32
      %dma_start3A_58 = tpu.memref_slice %arg6[%add3A_56, %dma_start3A_57] : memref<40x125xi32, #tpu.memory_space<vmem>> -> memref<1x125xi32, #tpu.memory_space<vmem>>
      %dma_start3A_59 = tpu.memref_squeeze %dma_start3A_58 : memref<1x125xi32, #tpu.memory_space<vmem>> -> memref<125xi32, #tpu.memory_space<vmem>>
      %dma_start3A_60 = arith.constant 0 : i32
      %dma_start3A_61 = arith.constant 0 : i32
      %dma_start3A_62 = tpu.memref_slice %arg2[%dma_start3A_60, %dma_start3A_61] : memref<10000x128xf32, #tpu.memory_space<hbm>> -> memref<10000x128xf32, #tpu.memory_space<hbm>>
      tpu.enqueue_indirect_dma source(%dma_start3A_62 : memref<10000x128xf32, #tpu.memory_space<hbm>>) target(%arg9 : memref<125x128xf32, #tpu.memory_space<vmem>>) offsets(%dma_start3A_59 : memref<125xi32, #tpu.memory_space<vmem>>) semaphore(%arg12 : memref<!tpu.dma_semaphore, #tpu.memory_space<semaphore_mem>>)
      %dma_wait3A_63 = arith.constant 0 : i32
      %dma_wait3A_64 = tpu.memref_slice %arg6[%mul3A_54, %dma_wait3A_63] : memref<40x125xi32, #tpu.memory_space<vmem>> -> memref<1x125xi32, #tpu.memory_space<vmem>>
      %dma_wait3A_65 = tpu.memref_squeeze %dma_wait3A_64 : memref<1x125xi32, #tpu.memory_space<vmem>> -> memref<125xi32, #tpu.memory_space<vmem>>
      %dma_wait3A_66 = arith.constant 0 : i32
      %dma_wait3A_67 = arith.constant 0 : i32
      %dma_wait3A_68 = tpu.memref_slice %arg2[%dma_wait3A_66, %dma_wait3A_67] : memref<10000x128xf32, #tpu.memory_space<hbm>> -> memref<10000x128xf32, #tpu.memory_space<hbm>>
      tpu.wait_indirect_dma semaphore(%arg11 : memref<!tpu.dma_semaphore, #tpu.memory_space<semaphore_mem>>) src(%dma_wait3A_68 : memref<10000x128xf32, #tpu.memory_space<hbm>>) dst(%arg8 : memref<125x128xf32, #tpu.memory_space<vmem>>)
      "tpu.region"() ({
        %run_scoped3A_88 = tpu.sem_alloc : memref<!tpu.dma_semaphore, #tpu.memory_space<semaphore_mem>>
        %dma_start3A_89 = arith.constant 0 : i32
        %dma_start3A_90 = tpu.memref_slice %arg7[%mul3A_54, %dma_start3A_89] : memref<40x125xi32, #tpu.memory_space<vmem>> -> memref<1x125xi32, #tpu.memory_space<vmem>>
        %dma_start3A_91 = tpu.memref_squeeze %dma_start3A_90 : memref<1x125xi32, #tpu.memory_space<vmem>> -> memref<125xi32, #tpu.memory_space<vmem>>
        %dma_start3A_92 = arith.constant 0 : i32
        %dma_start3A_93 = arith.constant 0 : i32
        %dma_start3A_94 = tpu.memref_slice %arg10[%dma_start3A_92, %dma_start3A_93] : memref<10240x128xf32, #tpu.memory_space<vmem_shared>> -> memref<10240x128xf32, #tpu.memory_space<vmem_shared>>
        tpu.enqueue_indirect_dma source(%arg8 : memref<125x128xf32, #tpu.memory_space<vmem>>) target(%dma_start3A_94 : memref<10240x128xf32, #tpu.memory_space<vmem_shared>>) offsets(%dma_start3A_91 : memref<125xi32, #tpu.memory_space<vmem>>) semaphore(%run_scoped3A_88 : memref<!tpu.dma_semaphore, #tpu.memory_space<semaphore_mem>>) {add = true}
        %dma_wait3A_95 = arith.constant 0 : i32
        %dma_wait3A_96 = tpu.memref_slice %arg7[%mul3A_54, %dma_wait3A_95] : memref<40x125xi32, #tpu.memory_space<vmem>> -> memref<1x125xi32, #tpu.memory_space<vmem>>
        %dma_wait3A_97 = tpu.memref_squeeze %dma_wait3A_96 : memref<1x125xi32, #tpu.memory_space<vmem>> -> memref<125xi32, #tpu.memory_space<vmem>>
        %dma_wait3A_98 = arith.constant 0 : i32
        %dma_wait3A_99 = arith.constant 0 : i32
        %dma_wait3A_100 = tpu.memref_slice %arg10[%dma_wait3A_98, %dma_wait3A_99] : memref<10240x128xf32, #tpu.memory_space<vmem_shared>> -> memref<10240x128xf32, #tpu.memory_space<vmem_shared>>
        tpu.wait_indirect_dma semaphore(%run_scoped3A_88 : memref<!tpu.dma_semaphore, #tpu.memory_space<semaphore_mem>>) src(%arg8 : memref<125x128xf32, #tpu.memory_space<vmem>>) dst(%dma_wait3A_100 : memref<10240x128xf32, #tpu.memory_space<vmem_shared>>)
        tpu.yield
      }) : () -> ()
      %add3A_69 = arith.constant 2 : i32
      %add3A_70 = arith.addi %mul3A_54, %add3A_69 : i32
      %min3A = arith.constant 39 : i32
      %min3A_71 = arith.minsi %add3A_70, %min3A : i32
      %dma_start3A_72 = arith.constant 0 : i32
      %dma_start3A_73 = tpu.memref_slice %arg6[%min3A_71, %dma_start3A_72] : memref<40x125xi32, #tpu.memory_space<vmem>> -> memref<1x125xi32, #tpu.memory_space<vmem>>
      %dma_start3A_74 = tpu.memref_squeeze %dma_start3A_73 : memref<1x125xi32, #tpu.memory_space<vmem>> -> memref<125xi32, #tpu.memory_space<vmem>>
      %dma_start3A_75 = arith.constant 0 : i32
      %dma_start3A_76 = arith.constant 0 : i32
      %dma_start3A_77 = tpu.memref_slice %arg2[%dma_start3A_75, %dma_start3A_76] : memref<10000x128xf32, #tpu.memory_space<hbm>> -> memref<10000x128xf32, #tpu.memory_space<hbm>>
      tpu.enqueue_indirect_dma source(%dma_start3A_77 : memref<10000x128xf32, #tpu.memory_space<hbm>>) target(%arg8 : memref<125x128xf32, #tpu.memory_space<vmem>>) offsets(%dma_start3A_74 : memref<125xi32, #tpu.memory_space<vmem>>) semaphore(%arg11 : memref<!tpu.dma_semaphore, #tpu.memory_space<semaphore_mem>>)
      %add3A_78 = arith.constant 1 : i32
      %add3A_79 = arith.addi %mul3A_54, %add3A_78 : i32
      %dma_wait3A_80 = arith.constant 0 : i32
      %dma_wait3A_81 = tpu.memref_slice %arg6[%add3A_79, %dma_wait3A_80] : memref<40x125xi32, #tpu.memory_space<vmem>> -> memref<1x125xi32, #tpu.memory_space<vmem>>
      %dma_wait3A_82 = tpu.memref_squeeze %dma_wait3A_81 : memref<1x125xi32, #tpu.memory_space<vmem>> -> memref<125xi32, #tpu.memory_space<vmem>>
      %dma_wait3A_83 = arith.constant 0 : i32
      %dma_wait3A_84 = arith.constant 0 : i32
      %dma_wait3A_85 = tpu.memref_slice %arg2[%dma_wait3A_83, %dma_wait3A_84] : memref<10000x128xf32, #tpu.memory_space<hbm>> -> memref<10000x128xf32, #tpu.memory_space<hbm>>
      tpu.wait_indirect_dma semaphore(%arg12 : memref<!tpu.dma_semaphore, #tpu.memory_space<semaphore_mem>>) src(%dma_wait3A_85 : memref<10000x128xf32, #tpu.memory_space<hbm>>) dst(%arg9 : memref<125x128xf32, #tpu.memory_space<vmem>>)
      %add3A_86 = arith.constant 1 : i32
      %add3A_87 = arith.addi %mul3A_54, %add3A_86 : i32
      "tpu.region"() ({
        %run_scoped3A_88 = tpu.sem_alloc : memref<!tpu.dma_semaphore, #tpu.memory_space<semaphore_mem>>
        %dma_start3A_89 = arith.constant 0 : i32
        %dma_start3A_90 = tpu.memref_slice %arg7[%add3A_87, %dma_start3A_89] : memref<40x125xi32, #tpu.memory_space<vmem>> -> memref<1x125xi32, #tpu.memory_space<vmem>>
        %dma_start3A_91 = tpu.memref_squeeze %dma_start3A_90 : memref<1x125xi32, #tpu.memory_space<vmem>> -> memref<125xi32, #tpu.memory_space<vmem>>
        %dma_start3A_92 = arith.constant 0 : i32
        %dma_start3A_93 = arith.constant 0 : i32
        %dma_start3A_94 = tpu.memref_slice %arg10[%dma_start3A_92, %dma_start3A_93] : memref<10240x128xf32, #tpu.memory_space<vmem_shared>> -> memref<10240x128xf32, #tpu.memory_space<vmem_shared>>
        tpu.enqueue_indirect_dma source(%arg9 : memref<125x128xf32, #tpu.memory_space<vmem>>) target(%dma_start3A_94 : memref<10240x128xf32, #tpu.memory_space<vmem_shared>>) offsets(%dma_start3A_91 : memref<125xi32, #tpu.memory_space<vmem>>) semaphore(%run_scoped3A_88 : memref<!tpu.dma_semaphore, #tpu.memory_space<semaphore_mem>>) {add = true}
        %dma_wait3A_95 = arith.constant 0 : i32
        %dma_wait3A_96 = tpu.memref_slice %arg7[%add3A_87, %dma_wait3A_95] : memref<40x125xi32, #tpu.memory_space<vmem>> -> memref<1x125xi32, #tpu.memory_space<vmem>>
        %dma_wait3A_97 = tpu.memref_squeeze %dma_wait3A_96 : memref<1x125xi32, #tpu.memory_space<vmem>> -> memref<125xi32, #tpu.memory_space<vmem>>
        %dma_wait3A_98 = arith.constant 0 : i32
        %dma_wait3A_99 = arith.constant 0 : i32
        %dma_wait3A_100 = tpu.memref_slice %arg10[%dma_wait3A_98, %dma_wait3A_99] : memref<10240x128xf32, #tpu.memory_space<vmem_shared>> -> memref<10240x128xf32, #tpu.memory_space<vmem_shared>>
        tpu.wait_indirect_dma semaphore(%run_scoped3A_88 : memref<!tpu.dma_semaphore, #tpu.memory_space<semaphore_mem>>) src(%arg9 : memref<125x128xf32, #tpu.memory_space<vmem>>) dst(%dma_wait3A_100 : memref<10240x128xf32, #tpu.memory_space<vmem_shared>>)
        tpu.yield
      }) : () -> ()
    }
    %scan3A_39 = arith.constant 20 : i32
    %dma_wait3A_40 = arith.constant 39 : i32
    %dma_wait3A_41 = arith.constant 0 : i32
    %dma_wait3A_42 = tpu.memref_slice %arg6[%dma_wait3A_40, %dma_wait3A_41] : memref<40x125xi32, #tpu.memory_space<vmem>> -> memref<1x125xi32, #tpu.memory_space<vmem>>
    %dma_wait3A_43 = tpu.memref_squeeze %dma_wait3A_42 : memref<1x125xi32, #tpu.memory_space<vmem>> -> memref<125xi32, #tpu.memory_space<vmem>>
    %dma_wait3A_44 = arith.constant 0 : i32
    %dma_wait3A_45 = arith.constant 0 : i32
    %dma_wait3A_46 = tpu.memref_slice %arg2[%dma_wait3A_44, %dma_wait3A_45] : memref<10000x128xf32, #tpu.memory_space<hbm>> -> memref<10000x128xf32, #tpu.memory_space<hbm>>
    tpu.wait_indirect_dma semaphore(%arg11 : memref<!tpu.dma_semaphore, #tpu.memory_space<semaphore_mem>>) src(%dma_wait3A_46 : memref<10000x128xf32, #tpu.memory_space<hbm>>) dst(%arg8 : memref<125x128xf32, #tpu.memory_space<vmem>>)
    %barrier3A_47 = arith.constant 0 : index
    tpu.barrier barrier_id(%barrier3A_47)
    %mul3A_48 = arith.constant 640 : i32
    %mul3A_49 = arith.muli %arg1, %mul3A_48 : i32
    %mul3A_50 = arith.constant 640 : i32
    %mul3A_51 = arith.muli %arg1, %mul3A_50 : i32
    "tpu.region"() ({
      %run_scoped3A_52 = tpu.sem_alloc : memref<!tpu.dma_semaphore, #tpu.memory_space<semaphore_mem>>
      %dma_start3A_53 = arith.constant 0 : i32
      %dma_start3A_54 = tpu.memref_slice %arg5[%arg0, %mul3A_51, %dma_start3A_53] : memref<2x10240x128xf32, #tpu.memory_space<hbm>> -> memref<1x640x128xf32, #tpu.memory_space<hbm>>
      %dma_start3A_55 = tpu.memref_squeeze %dma_start3A_54 : memref<1x640x128xf32, #tpu.memory_space<hbm>> -> memref<640x128xf32, #tpu.memory_space<hbm>>
      %dma_start3A_56 = arith.constant 0 : i32
      %dma_start3A_57 = tpu.memref_slice %arg10[%mul3A_49, %dma_start3A_56] : memref<10240x128xf32, #tpu.memory_space<vmem_shared>> -> memref<640x128xf32, #tpu.memory_space<vmem_shared>>
      tpu.enqueue_dma source(%dma_start3A_57 : memref<640x128xf32, #tpu.memory_space<vmem_shared>>) target(%dma_start3A_55 : memref<640x128xf32, #tpu.memory_space<hbm>>) target_semaphore(%run_scoped3A_52 : memref<!tpu.dma_semaphore, #tpu.memory_space<semaphore_mem>>)
      %dma_wait3A_58 = arith.constant 0 : i32
      %dma_wait3A_59 = tpu.memref_slice %arg5[%arg0, %mul3A_51, %dma_wait3A_58] : memref<2x10240x128xf32, #tpu.memory_space<hbm>> -> memref<1x640x128xf32, #tpu.memory_space<hbm>>
      %dma_wait3A_60 = tpu.memref_squeeze %dma_wait3A_59 : memref<1x640x128xf32, #tpu.memory_space<hbm>> -> memref<640x128xf32, #tpu.memory_space<hbm>>
      %dma_wait3A_61 = arith.constant 0 : i32
      %dma_wait3A_62 = tpu.memref_slice %arg10[%mul3A_49, %dma_wait3A_61] : memref<10240x128xf32, #tpu.memory_space<vmem_shared>> -> memref<640x128xf32, #tpu.memory_space<vmem_shared>>
      tpu.wait_dma2 semaphore(%run_scoped3A_52 : memref<!tpu.dma_semaphore, #tpu.memory_space<semaphore_mem>>) src(%dma_wait3A_62 : memref<640x128xf32, #tpu.memory_space<vmem_shared>>) dst(%dma_wait3A_60 : memref<640x128xf32, #tpu.memory_space<hbm>>)
      tpu.yield
    }) : () -> ()
    return
  }
}

#map = affine_map<(d0, d1) -> (0, 0)>
#map1 = affine_map<(d0, d1) -> (0)>
module attributes {stable_mosaic.version = 14 : i64} {
  func.func @bincount(%arg0: i32, %arg1: i32, %arg2: memref<2x320000xi32, #tpu.memory_space<hbm>>, %arg3: memref<10240xf32, #tpu.memory_space<hbm>>, %arg4: memref<10240xf32, #tpu.memory_space<hbm>>, %arg5: memref<10112xi32, #tpu.memory_space<vmem>>, %arg6: memref<10240xf32, #tpu.memory_space<vmem>>, %arg7: memref<16x640xf32, #tpu.memory_space<vmem>>, %arg8: memref<16x10240xf32, #tpu.memory_space<vmem_shared>>) attributes {dimension_semantics = [#tpu.dimension_semantics<core_parallel>, #tpu.dimension_semantics<subcore_parallel>], iteration_bounds = array<i64: 2, 16>, scalar_prefetch = 0 : i64, scratch_operands = 4 : i64, tpu.core_type = #tpu.core_type<sc_vector_subcore>, window_params = [{transform_indices = #map}, {transform_indices = #map1}, {transform_indices = #map1}]} {
    %mul3A = arith.constant 2 : i32
    %mul3A_0 = arith.muli %arg1, %mul3A : i32
    %add3A = arith.addi %mul3A_0, %arg0 : i32
    %broadcast_in_dim3A = arith.constant 0.000000e+00 : f32
    %broadcast_in_dim3A_1 = vector.broadcast %broadcast_in_dim3A : f32 to vector<16xf32>
    %scan3A = arith.constant 0 : i32
    %scan3A_2 = arith.constant 0 : i32
    %scan3A_3 = arith.constant 640 : i32
    %scan3A_4 = arith.addi %scan3A_2, %scan3A_3 : i32
    %scan3A_5 = arith.constant 1 : i32
    scf.for %scan3A_3300 = %scan3A_2 to %scan3A_4 step %scan3A_5  : i32 {
      %mul3A_3301 = arith.constant 16 : i32
      %mul3A_3302 = arith.muli %scan3A_3300, %mul3A_3301 : i32
      %swap3A_3303 = arith.index_cast %mul3A_3302 : i32 to index
      %swap3A_3304 = tpu.vector_load %arg6[%swap3A_3303] {strides = array<i32>} : memref<10240xf32, #tpu.memory_space<vmem>>, vector<16xf32>,
      tpu.vector_store %arg6[%swap3A_3303], %broadcast_in_dim3A_1 {strides = array<i32>} : memref<10240xf32, #tpu.memory_space<vmem>>, vector<16xf32>,
    }
    %scan3A_6 = arith.constant 640 : i32
    %mul3A_7 = arith.constant 78 : i32
    %mul3A_8 = arith.muli %add3A, %mul3A_7 : i32
    %min3A = arith.constant 4 : i32
    %min3A_9 = arith.minsi %add3A, %min3A : i32
    %add3A_10 = arith.addi %mul3A_8, %min3A_9 : i32
    %mul3A_11 = arith.constant 128 : i32
    %mul3A_12 = arith.muli %add3A_10, %mul3A_11 : i32
    %lt3A = arith.constant 4 : i32
    %lt3A_13 = arith.cmpi slt, %add3A, %lt3A : i32
    %jit3A = arith.constant 10112 : i32
    %jit3A_14 = arith.constant 9984 : i32
    %select_n3A = arith.select %lt3A_13, %jit3A, %jit3A_14 : i32
    %lt3A_15 = arith.constant 4 : i32
    %lt3A_16 = arith.cmpi slt, %add3A, %lt3A_15 : i32
    %convert_element_type3A = arith.extui %lt3A_16 : i1 to i32
    %cond3A = arith.constant 0 : i32
    %cond3A_17 = arith.cmpi ne, %convert_element_type3A, %cond3A : i32
    scf.if %cond3A_17 {
      %run_scoped3A = arith.constant 0 : i32
      "tpu.region"() ({
        %run_scoped3A_3300 = tpu.sem_alloc : memref<!tpu.dma_semaphore, #tpu.memory_space<semaphore_mem>>
        %dma_start3A = tpu.memref_slice %arg2[%run_scoped3A, %mul3A_12] : memref<2x320000xi32, #tpu.memory_space<hbm>> -> memref<1x10112xi32, #tpu.memory_space<hbm>>
        %dma_start3A_3301 = tpu.memref_squeeze %dma_start3A : memref<1x10112xi32, #tpu.memory_space<hbm>> -> memref<10112xi32, #tpu.memory_space<hbm>>
        %dma_start3A_3302 = tpu.memref_slice %arg2[%run_scoped3A, %mul3A_12] : memref<2x320000xi32, #tpu.memory_space<hbm>> -> memref<1x10112xi32, #tpu.memory_space<hbm>>
        %dma_start3A_3303 = tpu.memref_squeeze %dma_start3A_3302 : memref<1x10112xi32, #tpu.memory_space<hbm>> -> memref<10112xi32, #tpu.memory_space<hbm>>
        tpu.enqueue_dma source(%dma_start3A_3303 : memref<10112xi32, #tpu.memory_space<hbm>>) target(%arg5 : memref<10112xi32, #tpu.memory_space<vmem>>) target_semaphore(%run_scoped3A_3300 : memref<!tpu.dma_semaphore, #tpu.memory_space<semaphore_mem>>)
        %dma_wait3A = tpu.memref_slice %arg2[%run_scoped3A, %mul3A_12] : memref<2x320000xi32, #tpu.memory_space<hbm>> -> memref<1x10112xi32, #tpu.memory_space<hbm>>
        %dma_wait3A_3304 = tpu.memref_squeeze %dma_wait3A : memref<1x10112xi32, #tpu.memory_space<hbm>> -> memref<10112xi32, #tpu.memory_space<hbm>>
        %dma_wait3A_3305 = tpu.memref_slice %arg2[%run_scoped3A, %mul3A_12] : memref<2x320000xi32, #tpu.memory_space<hbm>> -> memref<1x10112xi32, #tpu.memory_space<hbm>>
        %dma_wait3A_3306 = tpu.memref_squeeze %dma_wait3A_3305 : memref<1x10112xi32, #tpu.memory_space<hbm>> -> memref<10112xi32, #tpu.memory_space<hbm>>
        tpu.wait_dma2 semaphore(%run_scoped3A_3300 : memref<!tpu.dma_semaphore, #tpu.memory_space<semaphore_mem>>) src(%dma_wait3A_3306 : memref<10112xi32, #tpu.memory_space<hbm>>) dst(%arg5 : memref<10112xi32, #tpu.memory_space<vmem>>)
        tpu.yield
      }) : () -> ()
    } else {
    }
    %ge3A = arith.constant 4 : i32
    %ge3A_18 = arith.cmpi sge, %add3A, %ge3A : i32
    %convert_element_type3A_19 = arith.extui %ge3A_18 : i1 to i32
    %cond3A_20 = arith.constant 0 : i32
    %cond3A_21 = arith.cmpi ne, %convert_element_type3A_19, %cond3A_20 : i32
    scf.if %cond3A_21 {
      %run_scoped3A = arith.constant 0 : i32
      "tpu.region"() ({
        %run_scoped3A_3300 = tpu.sem_alloc : memref<!tpu.dma_semaphore, #tpu.memory_space<semaphore_mem>>
        %dma_start3A = arith.constant 0 : i32
        %dma_start3A_3301 = tpu.memref_slice %arg5[%dma_start3A] : memref<10112xi32, #tpu.memory_space<vmem>> -> memref<9984xi32, #tpu.memory_space<vmem>>
        %dma_start3A_3302 = tpu.memref_slice %arg2[%run_scoped3A, %mul3A_12] : memref<2x320000xi32, #tpu.memory_space<hbm>> -> memref<1x9984xi32, #tpu.memory_space<hbm>>
        %dma_start3A_3303 = tpu.memref_squeeze %dma_start3A_3302 : memref<1x9984xi32, #tpu.memory_space<hbm>> -> memref<9984xi32, #tpu.memory_space<hbm>>
        %dma_start3A_3304 = arith.constant 0 : i32
        %dma_start3A_3305 = tpu.memref_slice %arg5[%dma_start3A_3304] : memref<10112xi32, #tpu.memory_space<vmem>> -> memref<9984xi32, #tpu.memory_space<vmem>>
        %dma_start3A_3306 = tpu.memref_slice %arg2[%run_scoped3A, %mul3A_12] : memref<2x320000xi32, #tpu.memory_space<hbm>> -> memref<1x9984xi32, #tpu.memory_space<hbm>>
        %dma_start3A_3307 = tpu.memref_squeeze %dma_start3A_3306 : memref<1x9984xi32, #tpu.memory_space<hbm>> -> memref<9984xi32, #tpu.memory_space<hbm>>
        tpu.enqueue_dma source(%dma_start3A_3307 : memref<9984xi32, #tpu.memory_space<hbm>>) target(%dma_start3A_3305 : memref<9984xi32, #tpu.memory_space<vmem>>) target_semaphore(%run_scoped3A_3300 : memref<!tpu.dma_semaphore, #tpu.memory_space<semaphore_mem>>)
        %dma_wait3A = arith.constant 0 : i32
        %dma_wait3A_3308 = tpu.memref_slice %arg5[%dma_wait3A] : memref<10112xi32, #tpu.memory_space<vmem>> -> memref<9984xi32, #tpu.memory_space<vmem>>
        %dma_wait3A_3309 = tpu.memref_slice %arg2[%run_scoped3A, %mul3A_12] : memref<2x320000xi32, #tpu.memory_space<hbm>> -> memref<1x9984xi32, #tpu.memory_space<hbm>>
        %dma_wait3A_3310 = tpu.memref_squeeze %dma_wait3A_3309 : memref<1x9984xi32, #tpu.memory_space<hbm>> -> memref<9984xi32, #tpu.memory_space<hbm>>
        %dma_wait3A_3311 = arith.constant 0 : i32
        %dma_wait3A_3312 = tpu.memref_slice %arg5[%dma_wait3A_3311] : memref<10112xi32, #tpu.memory_space<vmem>> -> memref<9984xi32, #tpu.memory_space<vmem>>
        %dma_wait3A_3313 = tpu.memref_slice %arg2[%run_scoped3A, %mul3A_12] : memref<2x320000xi32, #tpu.memory_space<hbm>> -> memref<1x9984xi32, #tpu.memory_space<hbm>>
        %dma_wait3A_3314 = tpu.memref_squeeze %dma_wait3A_3313 : memref<1x9984xi32, #tpu.memory_space<hbm>> -> memref<9984xi32, #tpu.memory_space<hbm>>
        tpu.wait_dma2 semaphore(%run_scoped3A_3300 : memref<!tpu.dma_semaphore, #tpu.memory_space<semaphore_mem>>) src(%dma_wait3A_3314 : memref<9984xi32, #tpu.memory_space<hbm>>) dst(%dma_wait3A_3312 : memref<9984xi32, #tpu.memory_space<vmem>>)
        tpu.yield
      }) : () -> ()
    } else {
    }
    %broadcast_in_dim3A_22 = arith.constant 1.000000e+00 : f32
    %broadcast_in_dim3A_23 = vector.broadcast %broadcast_in_dim3A_22 : f32 to vector<16xf32>
    %jit3A_24 = arith.constant 16 : i32
    %div3A = arith.divsi %select_n3A, %jit3A_24 : i32
    %sign3A = arith.constant 0 : i32
    %sign3A_25 = arith.cmpi sgt, %select_n3A, %sign3A : i32
    %sign3A_26 = arith.extui %sign3A_25 : i1 to i32
    %sign3A_27 = arith.constant 0 : i32
    %sign3A_28 = arith.cmpi slt, %select_n3A, %sign3A_27 : i32
    %sign3A_29 = arith.extui %sign3A_28 : i1 to i32
    %sign3A_30 = arith.subi %sign3A_26, %sign3A_29 : i32
    %sign3A_31 = arith.constant 0 : i32
    %sign3A_32 = arith.cmpi sgt, %jit3A_24, %sign3A_31 : i32
    %sign3A_33 = arith.extui %sign3A_32 : i1 to i32
    %sign3A_34 = arith.constant 0 : i32
    %sign3A_35 = arith.cmpi slt, %jit3A_24, %sign3A_34 : i32
    %sign3A_36 = arith.extui %sign3A_35 : i1 to i32
    %sign3A_37 = arith.subi %sign3A_33, %sign3A_36 : i32
    %ne3A = arith.cmpi ne, %sign3A_30, %sign3A_37 : i32
    %rem3A = arith.remsi %select_n3A, %jit3A_24 : i32
    %ne3A_38 = arith.constant 0 : i32
    %ne3A_39 = arith.cmpi ne, %rem3A, %ne3A_38 : i32
    %and3A = arith.andi %ne3A, %ne3A_39 : i1
    %sub3A = arith.constant 1 : i32
    %sub3A_40 = arith.subi %div3A, %sub3A : i32
    %select_n3A_41 = arith.select %and3A, %sub3A_40, %div3A : i32
    %while3A = arith.constant 0 : i32
    %while3A_42 = arith.constant 0 : i32
    %while3A_43 = arith.subi %select_n3A_41, %while3A_42 : i32
    %while3A_44 = arith.addi %while3A_42, %while3A_43 : i32
    %while3A_45 = arith.constant 1 : i32
    %while3A_46 = arith.divsi %while3A_43, %while3A_45 : i32
    %while3A_47 = arith.muli %while3A_46, %while3A_45 : i32
    %while3A_48 = arith.addi %while3A_42, %while3A_47 : i32
    %while3A_49 = arith.constant 1 : i32
    scf.for %while3A_3300 = %while3A_42 to %while3A_48 step %while3A_49  : i32 {
      %mul3A_3301 = arith.constant 16 : i32
      %mul3A_3302 = arith.muli %while3A_3300, %mul3A_3301 : i32
      %get3A_3303 = arith.index_cast %mul3A_3302 : i32 to index
      %get3A_3304 = tpu.vector_load %arg5[%get3A_3303] {strides = array<i32>} : memref<10112xi32, #tpu.memory_space<vmem>>, vector<16xi32>,
      tpu.vector_store_idx %arg6[%get3A_3304], %broadcast_in_dim3A_23 {add = true} : memref<10240xf32, #tpu.memory_space<vmem>>[vector<16xi32>], vector<16xf32>,
    }
    %while3A_50 = arith.constant 1 : i32
    scf.for %while3A_3300 = %while3A_48 to %while3A_44 step %while3A_50  : i32 {
      %mul3A_3301 = arith.constant 16 : i32
      %mul3A_3302 = arith.muli %while3A_3300, %mul3A_3301 : i32
      %get3A_3303 = arith.index_cast %mul3A_3302 : i32 to index
      %get3A_3304 = tpu.vector_load %arg5[%get3A_3303] {strides = array<i32>} : memref<10112xi32, #tpu.memory_space<vmem>>, vector<16xi32>,
      tpu.vector_store_idx %arg6[%get3A_3304], %broadcast_in_dim3A_23 {add = true} : memref<10240xf32, #tpu.memory_space<vmem>>[vector<16xi32>], vector<16xf32>,
    }
    "tpu.region"() ({
      %run_scoped3A = tpu.sem_alloc : memref<!tpu.dma_semaphore, #tpu.memory_space<semaphore_mem>>
      %dma_start3A = arith.constant 0 : i32
      %dma_start3A_3300 = tpu.memref_slice %arg8[%arg1, %dma_start3A] : memref<16x10240xf32, #tpu.memory_space<vmem_shared>> -> memref<1x10240xf32, #tpu.memory_space<vmem_shared>>
      %dma_start3A_3301 = tpu.memref_squeeze %dma_start3A_3300 : memref<1x10240xf32, #tpu.memory_space<vmem_shared>> -> memref<10240xf32, #tpu.memory_space<vmem_shared>>
      %dma_start3A_3302 = arith.constant 0 : i32
      %dma_start3A_3303 = tpu.memref_slice %arg8[%arg1, %dma_start3A_3302] : memref<16x10240xf32, #tpu.memory_space<vmem_shared>> -> memref<1x10240xf32, #tpu.memory_space<vmem_shared>>
      %dma_start3A_3304 = tpu.memref_squeeze %dma_start3A_3303 : memref<1x10240xf32, #tpu.memory_space<vmem_shared>> -> memref<10240xf32, #tpu.memory_space<vmem_shared>>
      tpu.enqueue_dma source(%arg6 : memref<10240xf32, #tpu.memory_space<vmem>>) target(%dma_start3A_3304 : memref<10240xf32, #tpu.memory_space<vmem_shared>>) target_semaphore(%run_scoped3A : memref<!tpu.dma_semaphore, #tpu.memory_space<semaphore_mem>>)
      %dma_wait3A = arith.constant 0 : i32
      %dma_wait3A_3305 = tpu.memref_slice %arg8[%arg1, %dma_wait3A] : memref<16x10240xf32, #tpu.memory_space<vmem_shared>> -> memref<1x10240xf32, #tpu.memory_space<vmem_shared>>
      %dma_wait3A_3306 = tpu.memref_squeeze %dma_wait3A_3305 : memref<1x10240xf32, #tpu.memory_space<vmem_shared>> -> memref<10240xf32, #tpu.memory_space<vmem_shared>>
      %dma_wait3A_3307 = arith.constant 0 : i32
      %dma_wait3A_3308 = tpu.memref_slice %arg8[%arg1, %dma_wait3A_3307] : memref<16x10240xf32, #tpu.memory_space<vmem_shared>> -> memref<1x10240xf32, #tpu.memory_space<vmem_shared>>
      %dma_wait3A_3309 = tpu.memref_squeeze %dma_wait3A_3308 : memref<1x10240xf32, #tpu.memory_space<vmem_shared>> -> memref<10240xf32, #tpu.memory_space<vmem_shared>>
      tpu.wait_dma2 semaphore(%run_scoped3A : memref<!tpu.dma_semaphore, #tpu.memory_space<semaphore_mem>>) src(%arg6 : memref<10240xf32, #tpu.memory_space<vmem>>) dst(%dma_wait3A_3309 : memref<10240xf32, #tpu.memory_space<vmem_shared>>)
      tpu.yield
    }) : () -> ()
    %barrier3A = arith.constant 0 : index
    tpu.barrier barrier_id(%barrier3A)
    %mul3A_51 = arith.constant 640 : i32
    %mul3A_52 = arith.muli %arg1, %mul3A_51 : i32
    "tpu.region"() ({
      %run_scoped3A = tpu.sem_alloc : memref<!tpu.dma_semaphore, #tpu.memory_space<semaphore_mem>>
      %dma_start3A = arith.constant 0 : i32
      %dma_start3A_3300 = tpu.memref_slice %arg8[%dma_start3A, %mul3A_52] : memref<16x10240xf32, #tpu.memory_space<vmem_shared>> -> memref<16x640xf32, #tpu.memory_space<vmem_shared>>
      %dma_start3A_3301 = arith.constant 0 : i32
      %dma_start3A_3302 = tpu.memref_slice %arg8[%dma_start3A_3301, %mul3A_52] : memref<16x10240xf32, #tpu.memory_space<vmem_shared>> -> memref<16x640xf32, #tpu.memory_space<vmem_shared>>
      tpu.enqueue_dma source(%dma_start3A_3302 : memref<16x640xf32, #tpu.memory_space<vmem_shared>>) target(%arg7 : memref<16x640xf32, #tpu.memory_space<vmem>>) target_semaphore(%run_scoped3A : memref<!tpu.dma_semaphore, #tpu.memory_space<semaphore_mem>>)
      %dma_wait3A = arith.constant 0 : i32
      %dma_wait3A_3303 = tpu.memref_slice %arg8[%dma_wait3A, %mul3A_52] : memref<16x10240xf32, #tpu.memory_space<vmem_shared>> -> memref<16x640xf32, #tpu.memory_space<vmem_shared>>
      %dma_wait3A_3304 = arith.constant 0 : i32
      %dma_wait3A_3305 = tpu.memref_slice %arg8[%dma_wait3A_3304, %mul3A_52] : memref<16x10240xf32, #tpu.memory_space<vmem_shared>> -> memref<16x640xf32, #tpu.memory_space<vmem_shared>>
      tpu.wait_dma2 semaphore(%run_scoped3A : memref<!tpu.dma_semaphore, #tpu.memory_space<semaphore_mem>>) src(%dma_wait3A_3305 : memref<16x640xf32, #tpu.memory_space<vmem_shared>>) dst(%arg7 : memref<16x640xf32, #tpu.memory_space<vmem>>)
      tpu.yield
    }) : () -> ()
    %get3A = arith.constant 0 : i32
    %get3A_53 = arith.index_cast %get3A : i32 to index
    %get3A_54 = arith.constant 0 : index
    %get3A_55 = tpu.vector_load %arg7[%get3A_53, %get3A_54] {strides = array<i32>} : memref<16x640xf32, #tpu.memory_space<vmem>>, vector<16xf32>,
    %get3A_56 = arith.constant 1 : i32
    %get3A_57 = arith.index_cast %get3A_56 : i32 to index
    %get3A_58 = arith.constant 0 : index
    %get3A_59 = tpu.vector_load %arg7[%get3A_57, %get3A_58] {strides = array<i32>} : memref<16x640xf32, #tpu.memory_space<vmem>>, vector<16xf32>,
    %add3A_60 = arith.addf %get3A_55, %get3A_59 : vector<16xf32>
    %get3A_61 = arith.constant 2 : i32
    %get3A_62 = arith.index_cast %get3A_61 : i32 to index
    %get3A_63 = arith.constant 0 : index
    %get3A_64 = tpu.vector_load %arg7[%get3A_62, %get3A_63] {strides = array<i32>} : memref<16x640xf32, #tpu.memory_space<vmem>>, vector<16xf32>,
    %add3A_65 = arith.addf %add3A_60, %get3A_64 : vector<16xf32>
    %get3A_66 = arith.constant 3 : i32
    %get3A_67 = arith.index_cast %get3A_66 : i32 to index
    %get3A_68 = arith.constant 0 : index
    %get3A_69 = tpu.vector_load %arg7[%get3A_67, %get3A_68] {strides = array<i32>} : memref<16x640xf32, #tpu.memory_space<vmem>>, vector<16xf32>,
    %add3A_70 = arith.addf %add3A_65, %get3A_69 : vector<16xf32>
    %get3A_71 = arith.constant 4 : i32
    %get3A_72 = arith.index_cast %get3A_71 : i32 to index
    %get3A_73 = arith.constant 0 : index
    %get3A_74 = tpu.vector_load %arg7[%get3A_72, %get3A_73] {strides = array<i32>} : memref<16x640xf32, #tpu.memory_space<vmem>>, vector<16xf32>,
    %add3A_75 = arith.addf %add3A_70, %get3A_74 : vector<16xf32>
    %get3A_76 = arith.constant 5 : i32
    %get3A_77 = arith.index_cast %get3A_76 : i32 to index
    %get3A_78 = arith.constant 0 : index
    %get3A_79 = tpu.vector_load %arg7[%get3A_77, %get3A_78] {strides = array<i32>} : memref<16x640xf32, #tpu.memory_space<vmem>>, vector<16xf32>,
    %add3A_80 = arith.addf %add3A_75, %get3A_79 : vector<16xf32>
    %get3A_81 = arith.constant 6 : i32
    %get3A_82 = arith.index_cast %get3A_81 : i32 to index
    %get3A_83 = arith.constant 0 : index
    %get3A_84 = tpu.vector_load %arg7[%get3A_82, %get3A_83] {strides = array<i32>} : memref<16x640xf32, #tpu.memory_space<vmem>>, vector<16xf32>,
    %add3A_85 = arith.addf %add3A_80, %get3A_84 : vector<16xf32>
    %get3A_86 = arith.constant 7 : i32
    %get3A_87 = arith.index_cast %get3A_86 : i32 to index
    %get3A_88 = arith.constant 0 : index
    %get3A_89 = tpu.vector_load %arg7[%get3A_87, %get3A_88] {strides = array<i32>} : memref<16x640xf32, #tpu.memory_space<vmem>>, vector<16xf32>,
    %add3A_90 = arith.addf %add3A_85, %get3A_89 : vector<16xf32>
    %get3A_91 = arith.constant 8 : i32
    %get3A_92 = arith.index_cast %get3A_91 : i32 to index
    %get3A_93 = arith.constant 0 : index
    %get3A_94 = tpu.vector_load %arg7[%get3A_92, %get3A_93] {strides = array<i32>} : memref<16x640xf32, #tpu.memory_space<vmem>>, vector<16xf32>,
    %add3A_95 = arith.addf %add3A_90, %get3A_94 : vector<16xf32>
    %get3A_96 = arith.constant 9 : i32
    %get3A_97 = arith.index_cast %get3A_96 : i32 to index
    %get3A_98 = arith.constant 0 : index
    %get3A_99 = tpu.vector_load %arg7[%get3A_97, %get3A_98] {strides = array<i32>} : memref<16x640xf32, #tpu.memory_space<vmem>>, vector<16xf32>,
    %add3A_100 = arith.addf %add3A_95, %get3A_99 : vector<16xf32>
    %get3A_101 = arith.constant 10 : i32
    %get3A_102 = arith.index_cast %get3A_101 : i32 to index
    %get3A_103 = arith.constant 0 : index
    %get3A_104 = tpu.vector_load %arg7[%get3A_102, %get3A_103] {strides = array<i32>} : memref<16x640xf32, #tpu.memory_space<vmem>>, vector<16xf32>,
    %add3A_105 = arith.addf %add3A_100, %get3A_104 : vector<16xf32>
    %get3A_106 = arith.constant 11 : i32
    %get3A_107 = arith.index_cast %get3A_106 : i32 to index
    %get3A_108 = arith.constant 0 : index
    %get3A_109 = tpu.vector_load %arg7[%get3A_107, %get3A_108] {strides = array<i32>} : memref<16x640xf32, #tpu.memory_space<vmem>>, vector<16xf32>,
    %add3A_110 = arith.addf %add3A_105, %get3A_109 : vector<16xf32>
    %get3A_111 = arith.constant 12 : i32
    %get3A_112 = arith.index_cast %get3A_111 : i32 to index
    %get3A_113 = arith.constant 0 : index
    %get3A_114 = tpu.vector_load %arg7[%get3A_112, %get3A_113] {strides = array<i32>} : memref<16x640xf32, #tpu.memory_space<vmem>>, vector<16xf32>,
    %add3A_115 = arith.addf %add3A_110, %get3A_114 : vector<16xf32>
    %get3A_116 = arith.constant 13 : i32
    %get3A_117 = arith.index_cast %get3A_116 : i32 to index
    %get3A_118 = arith.constant 0 : index
    %get3A_119 = tpu.vector_load %arg7[%get3A_117, %get3A_118] {strides = array<i32>} : memref<16x640xf32, #tpu.memory_space<vmem>>, vector<16xf32>,
    %add3A_120 = arith.addf %add3A_115, %get3A_119 : vector<16xf32>
    %get3A_121 = arith.constant 14 : i32
    %get3A_122 = arith.index_cast %get3A_121 : i32 to index
    %get3A_123 = arith.constant 0 : index
    %get3A_124 = tpu.vector_load %arg7[%get3A_122, %get3A_123] {strides = array<i32>} : memref<16x640xf32, #tpu.memory_space<vmem>>, vector<16xf32>,
    %add3A_125 = arith.addf %add3A_120, %get3A_124 : vector<16xf32>
    %get3A_126 = arith.constant 15 : i32
    %get3A_127 = arith.index_cast %get3A_126 : i32 to index
    %get3A_128 = arith.constant 0 : index
    %get3A_129 = tpu.vector_load %arg7[%get3A_127, %get3A_128] {strides = array<i32>} : memref<16x640xf32, #tpu.memory_space<vmem>>, vector<16xf32>,
    %add3A_130 = arith.addf %add3A_125, %get3A_129 : vector<16xf32>
    %swap3A = arith.constant 0 : index
    %swap3A_131 = tpu.vector_load %arg6[%swap3A] {strides = array<i32>} : memref<10240xf32, #tpu.memory_space<vmem>>, vector<16xf32>,
    tpu.vector_store %arg6[%swap3A], %add3A_130 {strides = array<i32>} : memref<10240xf32, #tpu.memory_space<vmem>>, vector<16xf32>,
    %get3A_132 = arith.constant 0 : i32
    %get3A_133 = arith.index_cast %get3A_132 : i32 to index
    %get3A_134 = arith.constant 16 : index
    %get3A_135 = tpu.vector_load %arg7[%get3A_133, %get3A_134] {strides = array<i32>} : memref<16x640xf32, #tpu.memory_space<vmem>>, vector<16xf32>,
    %get3A_136 = arith.constant 1 : i32
    %get3A_137 = arith.index_cast %get3A_136 : i32 to index
    %get3A_138 = arith.constant 16 : index
    %get3A_139 = tpu.vector_load %arg7[%get3A_137, %get3A_138] {strides = array<i32>} : memref<16x640xf32, #tpu.memory_space<vmem>>, vector<16xf32>,
    %add3A_140 = arith.addf %get3A_135, %get3A_139 : vector<16xf32>
    %get3A_141 = arith.constant 2 : i32
    %get3A_142 = arith.index_cast %get3A_141 : i32 to index
    %get3A_143 = arith.constant 16 : index
    %get3A_144 = tpu.vector_load %arg7[%get3A_142, %get3A_143] {strides = array<i32>} : memref<16x640xf32, #tpu.memory_space<vmem>>, vector<16xf32>,
    %add3A_145 = arith.addf %add3A_140, %get3A_144 : vector<16xf32>
    %get3A_146 = arith.constant 3 : i32
    %get3A_147 = arith.index_cast %get3A_146 : i32 to index
    %get3A_148 = arith.constant 16 : index
    %get3A_149 = tpu.vector_load %arg7[%get3A_147, %get3A_148] {strides = array<i32>} : memref<16x640xf32, #tpu.memory_space<vmem>>, vector<16xf32>,
    %add3A_150 = arith.addf %add3A_145, %get3A_149 : vector<16xf32>
    %get3A_151 = arith.constant 4 : i32
    %get3A_152 = arith.index_cast %get3A_151 : i32 to index
    %get3A_153 = arith.constant 16 : index
    %get3A_154 = tpu.vector_load %arg7[%get3A_152, %get3A_153] {strides = array<i32>} : memref<16x640xf32, #tpu.memory_space<vmem>>, vector<16xf32>,
    %add3A_155 = arith.addf %add3A_150, %get3A_154 : vector<16xf32>
    %get3A_156 = arith.constant 5 : i32
    %get3A_157 = arith.index_cast %get3A_156 : i32 to index
    %get3A_158 = arith.constant 16 : index
    %get3A_159 = tpu.vector_load %arg7[%get3A_157, %get3A_158] {strides = array<i32>} : memref<16x640xf32, #tpu.memory_space<vmem>>, vector<16xf32>,
    %add3A_160 = arith.addf %add3A_155, %get3A_159 : vector<16xf32>
    %get3A_161 = arith.constant 6 : i32
    %get3A_162 = arith.index_cast %get3A_161 : i32 to index
    %get3A_163 = arith.constant 16 : index
    %get3A_164 = tpu.vector_load %arg7[%get3A_162, %get3A_163] {strides = array<i32>} : memref<16x640xf32, #tpu.memory_space<vmem>>, vector<16xf32>,
    %add3A_165 = arith.addf %add3A_160, %get3A_164 : vector<16xf32>
    %get3A_166 = arith.constant 7 : i32
    %get3A_167 = arith.index_cast %get3A_166 : i32 to index
    %get3A_168 = arith.constant 16 : index
    %get3A_169 = tpu.vector_load %arg7[%get3A_167, %get3A_168] {strides = array<i32>} : memref<16x640xf32, #tpu.memory_space<vmem>>, vector<16xf32>,
    %add3A_170 = arith.addf %add3A_165, %get3A_169 : vector<16xf32>
    %get3A_171 = arith.constant 8 : i32
    %get3A_172 = arith.index_cast %get3A_171 : i32 to index
    %get3A_173 = arith.constant 16 : index
    %get3A_174 = tpu.vector_load %arg7[%get3A_172, %get3A_173] {strides = array<i32>} : memref<16x640xf32, #tpu.memory_space<vmem>>, vector<16xf32>,
    %add3A_175 = arith.addf %add3A_170, %get3A_174 : vector<16xf32>
    %get3A_176 = arith.constant 9 : i32
    %get3A_177 = arith.index_cast %get3A_176 : i32 to index
    %get3A_178 = arith.constant 16 : index
    %get3A_179 = tpu.vector_load %arg7[%get3A_177, %get3A_178] {strides = array<i32>} : memref<16x640xf32, #tpu.memory_space<vmem>>, vector<16xf32>,
    %add3A_180 = arith.addf %add3A_175, %get3A_179 : vector<16xf32>
    %get3A_181 = arith.constant 10 : i32
    %get3A_182 = arith.index_cast %get3A_181 : i32 to index
    %get3A_183 = arith.constant 16 : index
    %get3A_184 = tpu.vector_load %arg7[%get3A_182, %get3A_183] {strides = array<i32>} : memref<16x640xf32, #tpu.memory_space<vmem>>, vector<16xf32>,
    %add3A_185 = arith.addf %add3A_180, %get3A_184 : vector<16xf32>
    %get3A_186 = arith.constant 11 : i32
    %get3A_187 = arith.index_cast %get3A_186 : i32 to index
    %get3A_188 = arith.constant 16 : index
    %get3A_189 = tpu.vector_load %arg7[%get3A_187, %get3A_188] {strides = array<i32>} : memref<16x640xf32, #tpu.memory_space<vmem>>, vector<16xf32>,
    %add3A_190 = arith.addf %add3A_185, %get3A_189 : vector<16xf32>
    %get3A_191 = arith.constant 12 : i32
    %get3A_192 = arith.index_cast %get3A_191 : i32 to index
    %get3A_193 = arith.constant 16 : index
    %get3A_194 = tpu.vector_load %arg7[%get3A_192, %get3A_193] {strides = array<i32>} : memref<16x640xf32, #tpu.memory_space<vmem>>, vector<16xf32>,
    %add3A_195 = arith.addf %add3A_190, %get3A_194 : vector<16xf32>
    %get3A_196 = arith.constant 13 : i32
    %get3A_197 = arith.index_cast %get3A_196 : i32 to index
    %get3A_198 = arith.constant 16 : index
    %get3A_199 = tpu.vector_load %arg7[%get3A_197, %get3A_198] {strides = array<i32>} : memref<16x640xf32, #tpu.memory_space<vmem>>, vector<16xf32>,
    %add3A_200 = arith.addf %add3A_195, %get3A_199 : vector<16xf32>
    %get3A_201 = arith.constant 14 : i32
    %get3A_202 = arith.index_cast %get3A_201 : i32 to index
    %get3A_203 = arith.constant 16 : index
    %get3A_204 = tpu.vector_load %arg7[%get3A_202, %get3A_203] {strides = array<i32>} : memref<16x640xf32, #tpu.memory_space<vmem>>, vector<16xf32>,
    %add3A_205 = arith.addf %add3A_200, %get3A_204 : vector<16xf32>
    %get3A_206 = arith.constant 15 : i32
    %get3A_207 = arith.index_cast %get3A_206 : i32 to index
    %get3A_208 = arith.constant 16 : index
    %get3A_209 = tpu.vector_load %arg7[%get3A_207, %get3A_208] {strides = array<i32>} : memref<16x640xf32, #tpu.memory_space<vmem>>, vector<16xf32>,
    %add3A_210 = arith.addf %add3A_205, %get3A_209 : vector<16xf32>
    %swap3A_211 = arith.constant 16 : index
    %swap3A_212 = tpu.vector_load %arg6[%swap3A_211] {strides = array<i32>} : memref<10240xf32, #tpu.memory_space<vmem>>, vector<16xf32>,
    tpu.vector_store %arg6[%swap3A_211], %add3A_210 {strides = array<i32>} : memref<10240xf32, #tpu.memory_space<vmem>>, vector<16xf32>,
    %get3A_213 = arith.constant 0 : i32
    %get3A_214 = arith.index_cast %get3A_213 : i32 to index
    %get3A_215 = arith.constant 32 : index
    %get3A_216 = tpu.vector_load %arg7[%get3A_214, %get3A_215] {strides = array<i32>} : memref<16x640xf32, #tpu.memory_space<vmem>>, vector<16xf32>,
    %get3A_217 = arith.constant 1 : i32
    %get3A_218 = arith.index_cast %get3A_217 : i32 to index
    %get3A_219 = arith.constant 32 : index
    %get3A_220 = tpu.vector_load %arg7[%get3A_218, %get3A_219] {strides = array<i32>} : memref<16x640xf32, #tpu.memory_space<vmem>>, vector<16xf32>,
    %add3A_221 = arith.addf %get3A_216, %get3A_220 : vector<16xf32>
    %get3A_222 = arith.constant 2 : i32
    %get3A_223 = arith.index_cast %get3A_222 : i32 to index
    %get3A_224 = arith.constant 32 : index
    %get3A_225 = tpu.vector_load %arg7[%get3A_223, %get3A_224] {strides = array<i32>} : memref<16x640xf32, #tpu.memory_space<vmem>>, vector<16xf32>,
    %add3A_226 = arith.addf %add3A_221, %get3A_225 : vector<16xf32>
    %get3A_227 = arith.constant 3 : i32
    %get3A_228 = arith.index_cast %get3A_227 : i32 to index
    %get3A_229 = arith.constant 32 : index
    %get3A_230 = tpu.vector_load %arg7[%get3A_228, %get3A_229] {strides = array<i32>} : memref<16x640xf32, #tpu.memory_space<vmem>>, vector<16xf32>,
    %add3A_231 = arith.addf %add3A_226, %get3A_230 : vector<16xf32>
    %get3A_232 = arith.constant 4 : i32
    %get3A_233 = arith.index_cast %get3A_232 : i32 to index
    %get3A_234 = arith.constant 32 : index
    %get3A_235 = tpu.vector_load %arg7[%get3A_233, %get3A_234] {strides = array<i32>} : memref<16x640xf32, #tpu.memory_space<vmem>>, vector<16xf32>,
    %add3A_236 = arith.addf %add3A_231, %get3A_235 : vector<16xf32>
    %get3A_237 = arith.constant 5 : i32
    %get3A_238 = arith.index_cast %get3A_237 : i32 to index
    %get3A_239 = arith.constant 32 : index
    %get3A_240 = tpu.vector_load %arg7[%get3A_238, %get3A_239] {strides = array<i32>} : memref<16x640xf32, #tpu.memory_space<vmem>>, vector<16xf32>,
    %add3A_241 = arith.addf %add3A_236, %get3A_240 : vector<16xf32>
    %get3A_242 = arith.constant 6 : i32
    %get3A_243 = arith.index_cast %get3A_242 : i32 to index
    %get3A_244 = arith.constant 32 : index
    %get3A_245 = tpu.vector_load %arg7[%get3A_243, %get3A_244] {strides = array<i32>} : memref<16x640xf32, #tpu.memory_space<vmem>>, vector<16xf32>,
    %add3A_246 = arith.addf %add3A_241, %get3A_245 : vector<16xf32>
    %get3A_247 = arith.constant 7 : i32
    %get3A_248 = arith.index_cast %get3A_247 : i32 to index
    %get3A_249 = arith.constant 32 : index
    %get3A_250 = tpu.vector_load %arg7[%get3A_248, %get3A_249] {strides = array<i32>} : memref<16x640xf32, #tpu.memory_space<vmem>>, vector<16xf32>,
    %add3A_251 = arith.addf %add3A_246, %get3A_250 : vector<16xf32>
    %get3A_252 = arith.constant 8 : i32
    %get3A_253 = arith.index_cast %get3A_252 : i32 to index
    %get3A_254 = arith.constant 32 : index
    %get3A_255 = tpu.vector_load %arg7[%get3A_253, %get3A_254] {strides = array<i32>} : memref<16x640xf32, #tpu.memory_space<vmem>>, vector<16xf32>,
    %add3A_256 = arith.addf %add3A_251, %get3A_255 : vector<16xf32>
    %get3A_257 = arith.constant 9 : i32
    %get3A_258 = arith.index_cast %get3A_257 : i32 to index
    %get3A_259 = arith.constant 32 : index
    %get3A_260 = tpu.vector_load %arg7[%get3A_258, %get3A_259] {strides = array<i32>} : memref<16x640xf32, #tpu.memory_space<vmem>>, vector<16xf32>,
    %add3A_261 = arith.addf %add3A_256, %get3A_260 : vector<16xf32>
    %get3A_262 = arith.constant 10 : i32
    %get3A_263 = arith.index_cast %get3A_262 : i32 to index
    %get3A_264 = arith.constant 32 : index
    %get3A_265 = tpu.vector_load %arg7[%get3A_263, %get3A_264] {strides = array<i32>} : memref<16x640xf32, #tpu.memory_space<vmem>>, vector<16xf32>,
    %add3A_266 = arith.addf %add3A_261, %get3A_265 : vector<16xf32>
    %get3A_267 = arith.constant 11 : i32
    %get3A_268 = arith.index_cast %get3A_267 : i32 to index
    %get3A_269 = arith.constant 32 : index
    %get3A_270 = tpu.vector_load %arg7[%get3A_268, %get3A_269] {strides = array<i32>} : memref<16x640xf32, #tpu.memory_space<vmem>>, vector<16xf32>,
    %add3A_271 = arith.addf %add3A_266, %get3A_270 : vector<16xf32>
    %get3A_272 = arith.constant 12 : i32
    %get3A_273 = arith.index_cast %get3A_272 : i32 to index
    %get3A_274 = arith.constant 32 : index
    %get3A_275 = tpu.vector_load %arg7[%get3A_273, %get3A_274] {strides = array<i32>} : memref<16x640xf32, #tpu.memory_space<vmem>>, vector<16xf32>,
    %add3A_276 = arith.addf %add3A_271, %get3A_275 : vector<16xf32>
    %get3A_277 = arith.constant 13 : i32
    %get3A_278 = arith.index_cast %get3A_277 : i32 to index
    %get3A_279 = arith.constant 32 : index
    %get3A_280 = tpu.vector_load %arg7[%get3A_278, %get3A_279] {strides = array<i32>} : memref<16x640xf32, #tpu.memory_space<vmem>>, vector<16xf32>,
    %add3A_281 = arith.addf %add3A_276, %get3A_280 : vector<16xf32>
    %get3A_282 = arith.constant 14 : i32
    %get3A_283 = arith.index_cast %get3A_282 : i32 to index
    %get3A_284 = arith.constant 32 : index
    %get3A_285 = tpu.vector_load %arg7[%get3A_283, %get3A_284] {strides = array<i32>} : memref<16x640xf32, #tpu.memory_space<vmem>>, vector<16xf32>,
    %add3A_286 = arith.addf %add3A_281, %get3A_285 : vector<16xf32>
    %get3A_287 = arith.constant 15 : i32
    %get3A_288 = arith.index_cast %get3A_287 : i32 to index
    %get3A_289 = arith.constant 32 : index
    %get3A_290 = tpu.vector_load %arg7[%get3A_288, %get3A_289] {strides = array<i32>} : memref<16x640xf32, #tpu.memory_space<vmem>>, vector<16xf32>,
    %add3A_291 = arith.addf %add3A_286, %get3A_290 : vector<16xf32>
    %swap3A_292 = arith.constant 32 : index
    %swap3A_293 = tpu.vector_load %arg6[%swap3A_292] {strides = array<i32>} : memref<10240xf32, #tpu.memory_space<vmem>>, vector<16xf32>,
    tpu.vector_store %arg6[%swap3A_292], %add3A_291 {strides = array<i32>} : memref<10240xf32, #tpu.memory_space<vmem>>, vector<16xf32>,
    %get3A_294 = arith.constant 0 : i32
    %get3A_295 = arith.index_cast %get3A_294 : i32 to index
    %get3A_296 = arith.constant 48 : index
    %get3A_297 = tpu.vector_load %arg7[%get3A_295, %get3A_296] {strides = array<i32>} : memref<16x640xf32, #tpu.memory_space<vmem>>, vector<16xf32>,
    %get3A_298 = arith.constant 1 : i32
    %get3A_299 = arith.index_cast %get3A_298 : i32 to index
    %get3A_300 = arith.constant 48 : index
    %get3A_301 = tpu.vector_load %arg7[%get3A_299, %get3A_300] {strides = array<i32>} : memref<16x640xf32, #tpu.memory_space<vmem>>, vector<16xf32>,
    %add3A_302 = arith.addf %get3A_297, %get3A_301 : vector<16xf32>
    %get3A_303 = arith.constant 2 : i32
    %get3A_304 = arith.index_cast %get3A_303 : i32 to index
    %get3A_305 = arith.constant 48 : index
    %get3A_306 = tpu.vector_load %arg7[%get3A_304, %get3A_305] {strides = array<i32>} : memref<16x640xf32, #tpu.memory_space<vmem>>, vector<16xf32>,
    %add3A_307 = arith.addf %add3A_302, %get3A_306 : vector<16xf32>
    %get3A_308 = arith.constant 3 : i32
    %get3A_309 = arith.index_cast %get3A_308 : i32 to index
    %get3A_310 = arith.constant 48 : index
    %get3A_311 = tpu.vector_load %arg7[%get3A_309, %get3A_310] {strides = array<i32>} : memref<16x640xf32, #tpu.memory_space<vmem>>, vector<16xf32>,
    %add3A_312 = arith.addf %add3A_307, %get3A_311 : vector<16xf32>
    %get3A_313 = arith.constant 4 : i32
    %get3A_314 = arith.index_cast %get3A_313 : i32 to index
    %get3A_315 = arith.constant 48 : index
    %get3A_316 = tpu.vector_load %arg7[%get3A_314, %get3A_315] {strides = array<i32>} : memref<16x640xf32, #tpu.memory_space<vmem>>, vector<16xf32>,
    %add3A_317 = arith.addf %add3A_312, %get3A_316 : vector<16xf32>
    %get3A_318 = arith.constant 5 : i32
    %get3A_319 = arith.index_cast %get3A_318 : i32 to index
    %get3A_320 = arith.constant 48 : index
    %get3A_321 = tpu.vector_load %arg7[%get3A_319, %get3A_320] {strides = array<i32>} : memref<16x640xf32, #tpu.memory_space<vmem>>, vector<16xf32>,
    %add3A_322 = arith.addf %add3A_317, %get3A_321 : vector<16xf32>
    %get3A_323 = arith.constant 6 : i32
    %get3A_324 = arith.index_cast %get3A_323 : i32 to index
    %get3A_325 = arith.constant 48 : index
    %get3A_326 = tpu.vector_load %arg7[%get3A_324, %get3A_325] {strides = array<i32>} : memref<16x640xf32, #tpu.memory_space<vmem>>, vector<16xf32>,
    %add3A_327 = arith.addf %add3A_322, %get3A_326 : vector<16xf32>
    %get3A_328 = arith.constant 7 : i32
    %get3A_329 = arith.index_cast %get3A_328 : i32 to index
    %get3A_330 = arith.constant 48 : index
    %get3A_331 = tpu.vector_load %arg7[%get3A_329, %get3A_330] {strides = array<i32>} : memref<16x640xf32, #tpu.memory_space<vmem>>, vector<16xf32>,
    %add3A_332 = arith.addf %add3A_327, %get3A_331 : vector<16xf32>
    %get3A_333 = arith.constant 8 : i32
    %get3A_334 = arith.index_cast %get3A_333 : i32 to index
    %get3A_335 = arith.constant 48 : index
    %get3A_336 = tpu.vector_load %arg7[%get3A_334, %get3A_335] {strides = array<i32>} : memref<16x640xf32, #tpu.memory_space<vmem>>, vector<16xf32>,
    %add3A_337 = arith.addf %add3A_332, %get3A_336 : vector<16xf32>
    %get3A_338 = arith.constant 9 : i32
    %get3A_339 = arith.index_cast %get3A_338 : i32 to index
    %get3A_340 = arith.constant 48 : index
    %get3A_341 = tpu.vector_load %arg7[%get3A_339, %get3A_340] {strides = array<i32>} : memref<16x640xf32, #tpu.memory_space<vmem>>, vector<16xf32>,
    %add3A_342 = arith.addf %add3A_337, %get3A_341 : vector<16xf32>
    %get3A_343 = arith.constant 10 : i32
    %get3A_344 = arith.index_cast %get3A_343 : i32 to index
    %get3A_345 = arith.constant 48 : index
    %get3A_346 = tpu.vector_load %arg7[%get3A_344, %get3A_345] {strides = array<i32>} : memref<16x640xf32, #tpu.memory_space<vmem>>, vector<16xf32>,
    %add3A_347 = arith.addf %add3A_342, %get3A_346 : vector<16xf32>
    %get3A_348 = arith.constant 11 : i32
    %get3A_349 = arith.index_cast %get3A_348 : i32 to index
    %get3A_350 = arith.constant 48 : index
    %get3A_351 = tpu.vector_load %arg7[%get3A_349, %get3A_350] {strides = array<i32>} : memref<16x640xf32, #tpu.memory_space<vmem>>, vector<16xf32>,
    %add3A_352 = arith.addf %add3A_347, %get3A_351 : vector<16xf32>
    %get3A_353 = arith.constant 12 : i32
    %get3A_354 = arith.index_cast %get3A_353 : i32 to index
    %get3A_355 = arith.constant 48 : index
    %get3A_356 = tpu.vector_load %arg7[%get3A_354, %get3A_355] {strides = array<i32>} : memref<16x640xf32, #tpu.memory_space<vmem>>, vector<16xf32>,
    %add3A_357 = arith.addf %add3A_352, %get3A_356 : vector<16xf32>
    %get3A_358 = arith.constant 13 : i32
    %get3A_359 = arith.index_cast %get3A_358 : i32 to index
    %get3A_360 = arith.constant 48 : index
    %get3A_361 = tpu.vector_load %arg7[%get3A_359, %get3A_360] {strides = array<i32>} : memref<16x640xf32, #tpu.memory_space<vmem>>, vector<16xf32>,
    %add3A_362 = arith.addf %add3A_357, %get3A_361 : vector<16xf32>
    %get3A_363 = arith.constant 14 : i32
    %get3A_364 = arith.index_cast %get3A_363 : i32 to index
    %get3A_365 = arith.constant 48 : index
    %get3A_366 = tpu.vector_load %arg7[%get3A_364, %get3A_365] {strides = array<i32>} : memref<16x640xf32, #tpu.memory_space<vmem>>, vector<16xf32>,
    %add3A_367 = arith.addf %add3A_362, %get3A_366 : vector<16xf32>
    %get3A_368 = arith.constant 15 : i32
    %get3A_369 = arith.index_cast %get3A_368 : i32 to index
    %get3A_370 = arith.constant 48 : index
    %get3A_371 = tpu.vector_load %arg7[%get3A_369, %get3A_370] {strides = array<i32>} : memref<16x640xf32, #tpu.memory_space<vmem>>, vector<16xf32>,
    %add3A_372 = arith.addf %add3A_367, %get3A_371 : vector<16xf32>
    %swap3A_373 = arith.constant 48 : index
    %swap3A_374 = tpu.vector_load %arg6[%swap3A_373] {strides = array<i32>} : memref<10240xf32, #tpu.memory_space<vmem>>, vector<16xf32>,
    tpu.vector_store %arg6[%swap3A_373], %add3A_372 {strides = array<i32>} : memref<10240xf32, #tpu.memory_space<vmem>>, vector<16xf32>,
    %get3A_375 = arith.constant 0 : i32
    %get3A_376 = arith.index_cast %get3A_375 : i32 to index
    %get3A_377 = arith.constant 64 : index
    %get3A_378 = tpu.vector_load %arg7[%get3A_376, %get3A_377] {strides = array<i32>} : memref<16x640xf32, #tpu.memory_space<vmem>>, vector<16xf32>,
    %get3A_379 = arith.constant 1 : i32
    %get3A_380 = arith.index_cast %get3A_379 : i32 to index
    %get3A_381 = arith.constant 64 : index
    %get3A_382 = tpu.vector_load %arg7[%get3A_380, %get3A_381] {strides = array<i32>} : memref<16x640xf32, #tpu.memory_space<vmem>>, vector<16xf32>,
    %add3A_383 = arith.addf %get3A_378, %get3A_382 : vector<16xf32>
    %get3A_384 = arith.constant 2 : i32
    %get3A_385 = arith.index_cast %get3A_384 : i32 to index
    %get3A_386 = arith.constant 64 : index
    %get3A_387 = tpu.vector_load %arg7[%get3A_385, %get3A_386] {strides = array<i32>} : memref<16x640xf32, #tpu.memory_space<vmem>>, vector<16xf32>,
    %add3A_388 = arith.addf %add3A_383, %get3A_387 : vector<16xf32>
    %get3A_389 = arith.constant 3 : i32
    %get3A_390 = arith.index_cast %get3A_389 : i32 to index
    %get3A_391 = arith.constant 64 : index
    %get3A_392 = tpu.vector_load %arg7[%get3A_390, %get3A_391] {strides = array<i32>} : memref<16x640xf32, #tpu.memory_space<vmem>>, vector<16xf32>,
    %add3A_393 = arith.addf %add3A_388, %get3A_392 : vector<16xf32>
    %get3A_394 = arith.constant 4 : i32
    %get3A_395 = arith.index_cast %get3A_394 : i32 to index
    %get3A_396 = arith.constant 64 : index
    %get3A_397 = tpu.vector_load %arg7[%get3A_395, %get3A_396] {strides = array<i32>} : memref<16x640xf32, #tpu.memory_space<vmem>>, vector<16xf32>,
    %add3A_398 = arith.addf %add3A_393, %get3A_397 : vector<16xf32>
    %get3A_399 = arith.constant 5 : i32
    %get3A_400 = arith.index_cast %get3A_399 : i32 to index
    %get3A_401 = arith.constant 64 : index
    %get3A_402 = tpu.vector_load %arg7[%get3A_400, %get3A_401] {strides = array<i32>} : memref<16x640xf32, #tpu.memory_space<vmem>>, vector<16xf32>,
    %add3A_403 = arith.addf %add3A_398, %get3A_402 : vector<16xf32>
    %get3A_404 = arith.constant 6 : i32
    %get3A_405 = arith.index_cast %get3A_404 : i32 to index
    %get3A_406 = arith.constant 64 : index
    %get3A_407 = tpu.vector_load %arg7[%get3A_405, %get3A_406] {strides = array<i32>} : memref<16x640xf32, #tpu.memory_space<vmem>>, vector<16xf32>,
    %add3A_408 = arith.addf %add3A_403, %get3A_407 : vector<16xf32>
    %get3A_409 = arith.constant 7 : i32
    %get3A_410 = arith.index_cast %get3A_409 : i32 to index
    %get3A_411 = arith.constant 64 : index
    %get3A_412 = tpu.vector_load %arg7[%get3A_410, %get3A_411] {strides = array<i32>} : memref<16x640xf32, #tpu.memory_space<vmem>>, vector<16xf32>,
    %add3A_413 = arith.addf %add3A_408, %get3A_412 : vector<16xf32>
    %get3A_414 = arith.constant 8 : i32
    %get3A_415 = arith.index_cast %get3A_414 : i32 to index
    %get3A_416 = arith.constant 64 : index
    %get3A_417 = tpu.vector_load %arg7[%get3A_415, %get3A_416] {strides = array<i32>} : memref<16x640xf32, #tpu.memory_space<vmem>>, vector<16xf32>,
    %add3A_418 = arith.addf %add3A_413, %get3A_417 : vector<16xf32>
    %get3A_419 = arith.constant 9 : i32
    %get3A_420 = arith.index_cast %get3A_419 : i32 to index
    %get3A_421 = arith.constant 64 : index
    %get3A_422 = tpu.vector_load %arg7[%get3A_420, %get3A_421] {strides = array<i32>} : memref<16x640xf32, #tpu.memory_space<vmem>>, vector<16xf32>,
    %add3A_423 = arith.addf %add3A_418, %get3A_422 : vector<16xf32>
    %get3A_424 = arith.constant 10 : i32
    %get3A_425 = arith.index_cast %get3A_424 : i32 to index
    %get3A_426 = arith.constant 64 : index
    %get3A_427 = tpu.vector_load %arg7[%get3A_425, %get3A_426] {strides = array<i32>} : memref<16x640xf32, #tpu.memory_space<vmem>>, vector<16xf32>,
    %add3A_428 = arith.addf %add3A_423, %get3A_427 : vector<16xf32>
    %get3A_429 = arith.constant 11 : i32
    %get3A_430 = arith.index_cast %get3A_429 : i32 to index
    %get3A_431 = arith.constant 64 : index
    %get3A_432 = tpu.vector_load %arg7[%get3A_430, %get3A_431] {strides = array<i32>} : memref<16x640xf32, #tpu.memory_space<vmem>>, vector<16xf32>,
    %add3A_433 = arith.addf %add3A_428, %get3A_432 : vector<16xf32>
    %get3A_434 = arith.constant 12 : i32
    %get3A_435 = arith.index_cast %get3A_434 : i32 to index
    %get3A_436 = arith.constant 64 : index
    %get3A_437 = tpu.vector_load %arg7[%get3A_435, %get3A_436] {strides = array<i32>} : memref<16x640xf32, #tpu.memory_space<vmem>>, vector<16xf32>,
    %add3A_438 = arith.addf %add3A_433, %get3A_437 : vector<16xf32>
    %get3A_439 = arith.constant 13 : i32
    %get3A_440 = arith.index_cast %get3A_439 : i32 to index
    %get3A_441 = arith.constant 64 : index
    %get3A_442 = tpu.vector_load %arg7[%get3A_440, %get3A_441] {strides = array<i32>} : memref<16x640xf32, #tpu.memory_space<vmem>>, vector<16xf32>,
    %add3A_443 = arith.addf %add3A_438, %get3A_442 : vector<16xf32>
    %get3A_444 = arith.constant 14 : i32
    %get3A_445 = arith.index_cast %get3A_444 : i32 to index
    %get3A_446 = arith.constant 64 : index
    %get3A_447 = tpu.vector_load %arg7[%get3A_445, %get3A_446] {strides = array<i32>} : memref<16x640xf32, #tpu.memory_space<vmem>>, vector<16xf32>,
    %add3A_448 = arith.addf %add3A_443, %get3A_447 : vector<16xf32>
    %get3A_449 = arith.constant 15 : i32
    %get3A_450 = arith.index_cast %get3A_449 : i32 to index
    %get3A_451 = arith.constant 64 : index
    %get3A_452 = tpu.vector_load %arg7[%get3A_450, %get3A_451] {strides = array<i32>} : memref<16x640xf32, #tpu.memory_space<vmem>>, vector<16xf32>,
    %add3A_453 = arith.addf %add3A_448, %get3A_452 : vector<16xf32>
    %swap3A_454 = arith.constant 64 : index
    %swap3A_455 = tpu.vector_load %arg6[%swap3A_454] {strides = array<i32>} : memref<10240xf32, #tpu.memory_space<vmem>>, vector<16xf32>,
    tpu.vector_store %arg6[%swap3A_454], %add3A_453 {strides = array<i32>} : memref<10240xf32, #tpu.memory_space<vmem>>, vector<16xf32>,
    %get3A_456 = arith.constant 0 : i32
    %get3A_457 = arith.index_cast %get3A_456 : i32 to index
    %get3A_458 = arith.constant 80 : index
    %get3A_459 = tpu.vector_load %arg7[%get3A_457, %get3A_458] {strides = array<i32>} : memref<16x640xf32, #tpu.memory_space<vmem>>, vector<16xf32>,
    %get3A_460 = arith.constant 1 : i32
    %get3A_461 = arith.index_cast %get3A_460 : i32 to index
    %get3A_462 = arith.constant 80 : index
    %get3A_463 = tpu.vector_load %arg7[%get3A_461, %get3A_462] {strides = array<i32>} : memref<16x640xf32, #tpu.memory_space<vmem>>, vector<16xf32>,
    %add3A_464 = arith.addf %get3A_459, %get3A_463 : vector<16xf32>
    %get3A_465 = arith.constant 2 : i32
    %get3A_466 = arith.index_cast %get3A_465 : i32 to index
    %get3A_467 = arith.constant 80 : index
    %get3A_468 = tpu.vector_load %arg7[%get3A_466, %get3A_467] {strides = array<i32>} : memref<16x640xf32, #tpu.memory_space<vmem>>, vector<16xf32>,
    %add3A_469 = arith.addf %add3A_464, %get3A_468 : vector<16xf32>
    %get3A_470 = arith.constant 3 : i32
    %get3A_471 = arith.index_cast %get3A_470 : i32 to index
    %get3A_472 = arith.constant 80 : index
    %get3A_473 = tpu.vector_load %arg7[%get3A_471, %get3A_472] {strides = array<i32>} : memref<16x640xf32, #tpu.memory_space<vmem>>, vector<16xf32>,
    %add3A_474 = arith.addf %add3A_469, %get3A_473 : vector<16xf32>
    %get3A_475 = arith.constant 4 : i32
    %get3A_476 = arith.index_cast %get3A_475 : i32 to index
    %get3A_477 = arith.constant 80 : index
    %get3A_478 = tpu.vector_load %arg7[%get3A_476, %get3A_477] {strides = array<i32>} : memref<16x640xf32, #tpu.memory_space<vmem>>, vector<16xf32>,
    %add3A_479 = arith.addf %add3A_474, %get3A_478 : vector<16xf32>
    %get3A_480 = arith.constant 5 : i32
    %get3A_481 = arith.index_cast %get3A_480 : i32 to index
    %get3A_482 = arith.constant 80 : index
    %get3A_483 = tpu.vector_load %arg7[%get3A_481, %get3A_482] {strides = array<i32>} : memref<16x640xf32, #tpu.memory_space<vmem>>, vector<16xf32>,
    %add3A_484 = arith.addf %add3A_479, %get3A_483 : vector<16xf32>
    %get3A_485 = arith.constant 6 : i32
    %get3A_486 = arith.index_cast %get3A_485 : i32 to index
    %get3A_487 = arith.constant 80 : index
    %get3A_488 = tpu.vector_load %arg7[%get3A_486, %get3A_487] {strides = array<i32>} : memref<16x640xf32, #tpu.memory_space<vmem>>, vector<16xf32>,
    %add3A_489 = arith.addf %add3A_484, %get3A_488 : vector<16xf32>
    %get3A_490 = arith.constant 7 : i32
    %get3A_491 = arith.index_cast %get3A_490 : i32 to index
    %get3A_492 = arith.constant 80 : index
    %get3A_493 = tpu.vector_load %arg7[%get3A_491, %get3A_492] {strides = array<i32>} : memref<16x640xf32, #tpu.memory_space<vmem>>, vector<16xf32>,
    %add3A_494 = arith.addf %add3A_489, %get3A_493 : vector<16xf32>
    %get3A_495 = arith.constant 8 : i32
    %get3A_496 = arith.index_cast %get3A_495 : i32 to index
    %get3A_497 = arith.constant 80 : index
    %get3A_498 = tpu.vector_load %arg7[%get3A_496, %get3A_497] {strides = array<i32>} : memref<16x640xf32, #tpu.memory_space<vmem>>, vector<16xf32>,
    %add3A_499 = arith.addf %add3A_494, %get3A_498 : vector<16xf32>
    %get3A_500 = arith.constant 9 : i32
    %get3A_501 = arith.index_cast %get3A_500 : i32 to index
    %get3A_502 = arith.constant 80 : index
    %get3A_503 = tpu.vector_load %arg7[%get3A_501, %get3A_502] {strides = array<i32>} : memref<16x640xf32, #tpu.memory_space<vmem>>, vector<16xf32>,
    %add3A_504 = arith.addf %add3A_499, %get3A_503 : vector<16xf32>
    %get3A_505 = arith.constant 10 : i32
    %get3A_506 = arith.index_cast %get3A_505 : i32 to index
    %get3A_507 = arith.constant 80 : index
    %get3A_508 = tpu.vector_load %arg7[%get3A_506, %get3A_507] {strides = array<i32>} : memref<16x640xf32, #tpu.memory_space<vmem>>, vector<16xf32>,
    %add3A_509 = arith.addf %add3A_504, %get3A_508 : vector<16xf32>
    %get3A_510 = arith.constant 11 : i32
    %get3A_511 = arith.index_cast %get3A_510 : i32 to index
    %get3A_512 = arith.constant 80 : index
    %get3A_513 = tpu.vector_load %arg7[%get3A_511, %get3A_512] {strides = array<i32>} : memref<16x640xf32, #tpu.memory_space<vmem>>, vector<16xf32>,
    %add3A_514 = arith.addf %add3A_509, %get3A_513 : vector<16xf32>
    %get3A_515 = arith.constant 12 : i32
    %get3A_516 = arith.index_cast %get3A_515 : i32 to index
    %get3A_517 = arith.constant 80 : index
    %get3A_518 = tpu.vector_load %arg7[%get3A_516, %get3A_517] {strides = array<i32>} : memref<16x640xf32, #tpu.memory_space<vmem>>, vector<16xf32>,
    %add3A_519 = arith.addf %add3A_514, %get3A_518 : vector<16xf32>
    %get3A_520 = arith.constant 13 : i32
    %get3A_521 = arith.index_cast %get3A_520 : i32 to index
    %get3A_522 = arith.constant 80 : index
    %get3A_523 = tpu.vector_load %arg7[%get3A_521, %get3A_522] {strides = array<i32>} : memref<16x640xf32, #tpu.memory_space<vmem>>, vector<16xf32>,
    %add3A_524 = arith.addf %add3A_519, %get3A_523 : vector<16xf32>
    %get3A_525 = arith.constant 14 : i32
    %get3A_526 = arith.index_cast %get3A_525 : i32 to index
    %get3A_527 = arith.constant 80 : index
    %get3A_528 = tpu.vector_load %arg7[%get3A_526, %get3A_527] {strides = array<i32>} : memref<16x640xf32, #tpu.memory_space<vmem>>, vector<16xf32>,
    %add3A_529 = arith.addf %add3A_524, %get3A_528 : vector<16xf32>
    %get3A_530 = arith.constant 15 : i32
    %get3A_531 = arith.index_cast %get3A_530 : i32 to index
    %get3A_532 = arith.constant 80 : index
    %get3A_533 = tpu.vector_load %arg7[%get3A_531, %get3A_532] {strides = array<i32>} : memref<16x640xf32, #tpu.memory_space<vmem>>, vector<16xf32>,
    %add3A_534 = arith.addf %add3A_529, %get3A_533 : vector<16xf32>
    %swap3A_535 = arith.constant 80 : index
    %swap3A_536 = tpu.vector_load %arg6[%swap3A_535] {strides = array<i32>} : memref<10240xf32, #tpu.memory_space<vmem>>, vector<16xf32>,
    tpu.vector_store %arg6[%swap3A_535], %add3A_534 {strides = array<i32>} : memref<10240xf32, #tpu.memory_space<vmem>>, vector<16xf32>,
    %get3A_537 = arith.constant 0 : i32
    %get3A_538 = arith.index_cast %get3A_537 : i32 to index
    %get3A_539 = arith.constant 96 : index
    %get3A_540 = tpu.vector_load %arg7[%get3A_538, %get3A_539] {strides = array<i32>} : memref<16x640xf32, #tpu.memory_space<vmem>>, vector<16xf32>,
    %get3A_541 = arith.constant 1 : i32
    %get3A_542 = arith.index_cast %get3A_541 : i32 to index
    %get3A_543 = arith.constant 96 : index
    %get3A_544 = tpu.vector_load %arg7[%get3A_542, %get3A_543] {strides = array<i32>} : memref<16x640xf32, #tpu.memory_space<vmem>>, vector<16xf32>,
    %add3A_545 = arith.addf %get3A_540, %get3A_544 : vector<16xf32>
    %get3A_546 = arith.constant 2 : i32
    %get3A_547 = arith.index_cast %get3A_546 : i32 to index
    %get3A_548 = arith.constant 96 : index
    %get3A_549 = tpu.vector_load %arg7[%get3A_547, %get3A_548] {strides = array<i32>} : memref<16x640xf32, #tpu.memory_space<vmem>>, vector<16xf32>,
    %add3A_550 = arith.addf %add3A_545, %get3A_549 : vector<16xf32>
    %get3A_551 = arith.constant 3 : i32
    %get3A_552 = arith.index_cast %get3A_551 : i32 to index
    %get3A_553 = arith.constant 96 : index
    %get3A_554 = tpu.vector_load %arg7[%get3A_552, %get3A_553] {strides = array<i32>} : memref<16x640xf32, #tpu.memory_space<vmem>>, vector<16xf32>,
    %add3A_555 = arith.addf %add3A_550, %get3A_554 : vector<16xf32>
    %get3A_556 = arith.constant 4 : i32
    %get3A_557 = arith.index_cast %get3A_556 : i32 to index
    %get3A_558 = arith.constant 96 : index
    %get3A_559 = tpu.vector_load %arg7[%get3A_557, %get3A_558] {strides = array<i32>} : memref<16x640xf32, #tpu.memory_space<vmem>>, vector<16xf32>,
    %add3A_560 = arith.addf %add3A_555, %get3A_559 : vector<16xf32>
    %get3A_561 = arith.constant 5 : i32
    %get3A_562 = arith.index_cast %get3A_561 : i32 to index
    %get3A_563 = arith.constant 96 : index
    %get3A_564 = tpu.vector_load %arg7[%get3A_562, %get3A_563] {strides = array<i32>} : memref<16x640xf32, #tpu.memory_space<vmem>>, vector<16xf32>,
    %add3A_565 = arith.addf %add3A_560, %get3A_564 : vector<16xf32>
    %get3A_566 = arith.constant 6 : i32
    %get3A_567 = arith.index_cast %get3A_566 : i32 to index
    %get3A_568 = arith.constant 96 : index
    %get3A_569 = tpu.vector_load %arg7[%get3A_567, %get3A_568] {strides = array<i32>} : memref<16x640xf32, #tpu.memory_space<vmem>>, vector<16xf32>,
    %add3A_570 = arith.addf %add3A_565, %get3A_569 : vector<16xf32>
    %get3A_571 = arith.constant 7 : i32
    %get3A_572 = arith.index_cast %get3A_571 : i32 to index
    %get3A_573 = arith.constant 96 : index
    %get3A_574 = tpu.vector_load %arg7[%get3A_572, %get3A_573] {strides = array<i32>} : memref<16x640xf32, #tpu.memory_space<vmem>>, vector<16xf32>,
    %add3A_575 = arith.addf %add3A_570, %get3A_574 : vector<16xf32>
    %get3A_576 = arith.constant 8 : i32
    %get3A_577 = arith.index_cast %get3A_576 : i32 to index
    %get3A_578 = arith.constant 96 : index
    %get3A_579 = tpu.vector_load %arg7[%get3A_577, %get3A_578] {strides = array<i32>} : memref<16x640xf32, #tpu.memory_space<vmem>>, vector<16xf32>,
    %add3A_580 = arith.addf %add3A_575, %get3A_579 : vector<16xf32>
    %get3A_581 = arith.constant 9 : i32
    %get3A_582 = arith.index_cast %get3A_581 : i32 to index
    %get3A_583 = arith.constant 96 : index
    %get3A_584 = tpu.vector_load %arg7[%get3A_582, %get3A_583] {strides = array<i32>} : memref<16x640xf32, #tpu.memory_space<vmem>>, vector<16xf32>,
    %add3A_585 = arith.addf %add3A_580, %get3A_584 : vector<16xf32>
    %get3A_586 = arith.constant 10 : i32
    %get3A_587 = arith.index_cast %get3A_586 : i32 to index
    %get3A_588 = arith.constant 96 : index
    %get3A_589 = tpu.vector_load %arg7[%get3A_587, %get3A_588] {strides = array<i32>} : memref<16x640xf32, #tpu.memory_space<vmem>>, vector<16xf32>,
    %add3A_590 = arith.addf %add3A_585, %get3A_589 : vector<16xf32>
    %get3A_591 = arith.constant 11 : i32
    %get3A_592 = arith.index_cast %get3A_591 : i32 to index
    %get3A_593 = arith.constant 96 : index
    %get3A_594 = tpu.vector_load %arg7[%get3A_592, %get3A_593] {strides = array<i32>} : memref<16x640xf32, #tpu.memory_space<vmem>>, vector<16xf32>,
    %add3A_595 = arith.addf %add3A_590, %get3A_594 : vector<16xf32>
    %get3A_596 = arith.constant 12 : i32
    %get3A_597 = arith.index_cast %get3A_596 : i32 to index
    %get3A_598 = arith.constant 96 : index
    %get3A_599 = tpu.vector_load %arg7[%get3A_597, %get3A_598] {strides = array<i32>} : memref<16x640xf32, #tpu.memory_space<vmem>>, vector<16xf32>,
    %add3A_600 = arith.addf %add3A_595, %get3A_599 : vector<16xf32>
    %get3A_601 = arith.constant 13 : i32
    %get3A_602 = arith.index_cast %get3A_601 : i32 to index
    %get3A_603 = arith.constant 96 : index
    %get3A_604 = tpu.vector_load %arg7[%get3A_602, %get3A_603] {strides = array<i32>} : memref<16x640xf32, #tpu.memory_space<vmem>>, vector<16xf32>,
    %add3A_605 = arith.addf %add3A_600, %get3A_604 : vector<16xf32>
    %get3A_606 = arith.constant 14 : i32
    %get3A_607 = arith.index_cast %get3A_606 : i32 to index
    %get3A_608 = arith.constant 96 : index
    %get3A_609 = tpu.vector_load %arg7[%get3A_607, %get3A_608] {strides = array<i32>} : memref<16x640xf32, #tpu.memory_space<vmem>>, vector<16xf32>,
    %add3A_610 = arith.addf %add3A_605, %get3A_609 : vector<16xf32>
    %get3A_611 = arith.constant 15 : i32
    %get3A_612 = arith.index_cast %get3A_611 : i32 to index
    %get3A_613 = arith.constant 96 : index
    %get3A_614 = tpu.vector_load %arg7[%get3A_612, %get3A_613] {strides = array<i32>} : memref<16x640xf32, #tpu.memory_space<vmem>>, vector<16xf32>,
    %add3A_615 = arith.addf %add3A_610, %get3A_614 : vector<16xf32>
    %swap3A_616 = arith.constant 96 : index
    %swap3A_617 = tpu.vector_load %arg6[%swap3A_616] {strides = array<i32>} : memref<10240xf32, #tpu.memory_space<vmem>>, vector<16xf32>,
    tpu.vector_store %arg6[%swap3A_616], %add3A_615 {strides = array<i32>} : memref<10240xf32, #tpu.memory_space<vmem>>, vector<16xf32>,
    %get3A_618 = arith.constant 0 : i32
    %get3A_619 = arith.index_cast %get3A_618 : i32 to index
    %get3A_620 = arith.constant 112 : index
    %get3A_621 = tpu.vector_load %arg7[%get3A_619, %get3A_620] {strides = array<i32>} : memref<16x640xf32, #tpu.memory_space<vmem>>, vector<16xf32>,
    %get3A_622 = arith.constant 1 : i32
    %get3A_623 = arith.index_cast %get3A_622 : i32 to index
    %get3A_624 = arith.constant 112 : index
    %get3A_625 = tpu.vector_load %arg7[%get3A_623, %get3A_624] {strides = array<i32>} : memref<16x640xf32, #tpu.memory_space<vmem>>, vector<16xf32>,
    %add3A_626 = arith.addf %get3A_621, %get3A_625 : vector<16xf32>
    %get3A_627 = arith.constant 2 : i32
    %get3A_628 = arith.index_cast %get3A_627 : i32 to index
    %get3A_629 = arith.constant 112 : index
    %get3A_630 = tpu.vector_load %arg7[%get3A_628, %get3A_629] {strides = array<i32>} : memref<16x640xf32, #tpu.memory_space<vmem>>, vector<16xf32>,
    %add3A_631 = arith.addf %add3A_626, %get3A_630 : vector<16xf32>
    %get3A_632 = arith.constant 3 : i32
    %get3A_633 = arith.index_cast %get3A_632 : i32 to index
    %get3A_634 = arith.constant 112 : index
    %get3A_635 = tpu.vector_load %arg7[%get3A_633, %get3A_634] {strides = array<i32>} : memref<16x640xf32, #tpu.memory_space<vmem>>, vector<16xf32>,
    %add3A_636 = arith.addf %add3A_631, %get3A_635 : vector<16xf32>
    %get3A_637 = arith.constant 4 : i32
    %get3A_638 = arith.index_cast %get3A_637 : i32 to index
    %get3A_639 = arith.constant 112 : index
    %get3A_640 = tpu.vector_load %arg7[%get3A_638, %get3A_639] {strides = array<i32>} : memref<16x640xf32, #tpu.memory_space<vmem>>, vector<16xf32>,
    %add3A_641 = arith.addf %add3A_636, %get3A_640 : vector<16xf32>
    %get3A_642 = arith.constant 5 : i32
    %get3A_643 = arith.index_cast %get3A_642 : i32 to index
    %get3A_644 = arith.constant 112 : index
    %get3A_645 = tpu.vector_load %arg7[%get3A_643, %get3A_644] {strides = array<i32>} : memref<16x640xf32, #tpu.memory_space<vmem>>, vector<16xf32>,
    %add3A_646 = arith.addf %add3A_641, %get3A_645 : vector<16xf32>
    %get3A_647 = arith.constant 6 : i32
    %get3A_648 = arith.index_cast %get3A_647 : i32 to index
    %get3A_649 = arith.constant 112 : index
    %get3A_650 = tpu.vector_load %arg7[%get3A_648, %get3A_649] {strides = array<i32>} : memref<16x640xf32, #tpu.memory_space<vmem>>, vector<16xf32>,
    %add3A_651 = arith.addf %add3A_646, %get3A_650 : vector<16xf32>
    %get3A_652 = arith.constant 7 : i32
    %get3A_653 = arith.index_cast %get3A_652 : i32 to index
    %get3A_654 = arith.constant 112 : index
    %get3A_655 = tpu.vector_load %arg7[%get3A_653, %get3A_654] {strides = array<i32>} : memref<16x640xf32, #tpu.memory_space<vmem>>, vector<16xf32>,
    %add3A_656 = arith.addf %add3A_651, %get3A_655 : vector<16xf32>
    %get3A_657 = arith.constant 8 : i32
    %get3A_658 = arith.index_cast %get3A_657 : i32 to index
    %get3A_659 = arith.constant 112 : index
    %get3A_660 = tpu.vector_load %arg7[%get3A_658, %get3A_659] {strides = array<i32>} : memref<16x640xf32, #tpu.memory_space<vmem>>, vector<16xf32>,
    %add3A_661 = arith.addf %add3A_656, %get3A_660 : vector<16xf32>
    %get3A_662 = arith.constant 9 : i32
    %get3A_663 = arith.index_cast %get3A_662 : i32 to index
    %get3A_664 = arith.constant 112 : index
    %get3A_665 = tpu.vector_load %arg7[%get3A_663, %get3A_664] {strides = array<i32>} : memref<16x640xf32, #tpu.memory_space<vmem>>, vector<16xf32>,
    %add3A_666 = arith.addf %add3A_661, %get3A_665 : vector<16xf32>
    %get3A_667 = arith.constant 10 : i32
    %get3A_668 = arith.index_cast %get3A_667 : i32 to index
    %get3A_669 = arith.constant 112 : index
    %get3A_670 = tpu.vector_load %arg7[%get3A_668, %get3A_669] {strides = array<i32>} : memref<16x640xf32, #tpu.memory_space<vmem>>, vector<16xf32>,
    %add3A_671 = arith.addf %add3A_666, %get3A_670 : vector<16xf32>
    %get3A_672 = arith.constant 11 : i32
    %get3A_673 = arith.index_cast %get3A_672 : i32 to index
    %get3A_674 = arith.constant 112 : index
    %get3A_675 = tpu.vector_load %arg7[%get3A_673, %get3A_674] {strides = array<i32>} : memref<16x640xf32, #tpu.memory_space<vmem>>, vector<16xf32>,
    %add3A_676 = arith.addf %add3A_671, %get3A_675 : vector<16xf32>
    %get3A_677 = arith.constant 12 : i32
    %get3A_678 = arith.index_cast %get3A_677 : i32 to index
    %get3A_679 = arith.constant 112 : index
    %get3A_680 = tpu.vector_load %arg7[%get3A_678, %get3A_679] {strides = array<i32>} : memref<16x640xf32, #tpu.memory_space<vmem>>, vector<16xf32>,
    %add3A_681 = arith.addf %add3A_676, %get3A_680 : vector<16xf32>
    %get3A_682 = arith.constant 13 : i32
    %get3A_683 = arith.index_cast %get3A_682 : i32 to index
    %get3A_684 = arith.constant 112 : index
    %get3A_685 = tpu.vector_load %arg7[%get3A_683, %get3A_684] {strides = array<i32>} : memref<16x640xf32, #tpu.memory_space<vmem>>, vector<16xf32>,
    %add3A_686 = arith.addf %add3A_681, %get3A_685 : vector<16xf32>
    %get3A_687 = arith.constant 14 : i32
    %get3A_688 = arith.index_cast %get3A_687 : i32 to index
    %get3A_689 = arith.constant 112 : index
    %get3A_690 = tpu.vector_load %arg7[%get3A_688, %get3A_689] {strides = array<i32>} : memref<16x640xf32, #tpu.memory_space<vmem>>, vector<16xf32>,
    %add3A_691 = arith.addf %add3A_686, %get3A_690 : vector<16xf32>
    %get3A_692 = arith.constant 15 : i32
    %get3A_693 = arith.index_cast %get3A_692 : i32 to index
    %get3A_694 = arith.constant 112 : index
    %get3A_695 = tpu.vector_load %arg7[%get3A_693, %get3A_694] {strides = array<i32>} : memref<16x640xf32, #tpu.memory_space<vmem>>, vector<16xf32>,
    %add3A_696 = arith.addf %add3A_691, %get3A_695 : vector<16xf32>
    %swap3A_697 = arith.constant 112 : index
    %swap3A_698 = tpu.vector_load %arg6[%swap3A_697] {strides = array<i32>} : memref<10240xf32, #tpu.memory_space<vmem>>, vector<16xf32>,
    tpu.vector_store %arg6[%swap3A_697], %add3A_696 {strides = array<i32>} : memref<10240xf32, #tpu.memory_space<vmem>>, vector<16xf32>,
    %get3A_699 = arith.constant 0 : i32
    %get3A_700 = arith.index_cast %get3A_699 : i32 to index
    %get3A_701 = arith.constant 128 : index
    %get3A_702 = tpu.vector_load %arg7[%get3A_700, %get3A_701] {strides = array<i32>} : memref<16x640xf32, #tpu.memory_space<vmem>>, vector<16xf32>,
    %get3A_703 = arith.constant 1 : i32
    %get3A_704 = arith.index_cast %get3A_703 : i32 to index
    %get3A_705 = arith.constant 128 : index
    %get3A_706 = tpu.vector_load %arg7[%get3A_704, %get3A_705] {strides = array<i32>} : memref<16x640xf32, #tpu.memory_space<vmem>>, vector<16xf32>,
    %add3A_707 = arith.addf %get3A_702, %get3A_706 : vector<16xf32>
    %get3A_708 = arith.constant 2 : i32
    %get3A_709 = arith.index_cast %get3A_708 : i32 to index
    %get3A_710 = arith.constant 128 : index
    %get3A_711 = tpu.vector_load %arg7[%get3A_709, %get3A_710] {strides = array<i32>} : memref<16x640xf32, #tpu.memory_space<vmem>>, vector<16xf32>,
    %add3A_712 = arith.addf %add3A_707, %get3A_711 : vector<16xf32>
    %get3A_713 = arith.constant 3 : i32
    %get3A_714 = arith.index_cast %get3A_713 : i32 to index
    %get3A_715 = arith.constant 128 : index
    %get3A_716 = tpu.vector_load %arg7[%get3A_714, %get3A_715] {strides = array<i32>} : memref<16x640xf32, #tpu.memory_space<vmem>>, vector<16xf32>,
    %add3A_717 = arith.addf %add3A_712, %get3A_716 : vector<16xf32>
    %get3A_718 = arith.constant 4 : i32
    %get3A_719 = arith.index_cast %get3A_718 : i32 to index
    %get3A_720 = arith.constant 128 : index
    %get3A_721 = tpu.vector_load %arg7[%get3A_719, %get3A_720] {strides = array<i32>} : memref<16x640xf32, #tpu.memory_space<vmem>>, vector<16xf32>,
    %add3A_722 = arith.addf %add3A_717, %get3A_721 : vector<16xf32>
    %get3A_723 = arith.constant 5 : i32
    %get3A_724 = arith.index_cast %get3A_723 : i32 to index
    %get3A_725 = arith.constant 128 : index
    %get3A_726 = tpu.vector_load %arg7[%get3A_724, %get3A_725] {strides = array<i32>} : memref<16x640xf32, #tpu.memory_space<vmem>>, vector<16xf32>,
    %add3A_727 = arith.addf %add3A_722, %get3A_726 : vector<16xf32>
    %get3A_728 = arith.constant 6 : i32
    %get3A_729 = arith.index_cast %get3A_728 : i32 to index
    %get3A_730 = arith.constant 128 : index
    %get3A_731 = tpu.vector_load %arg7[%get3A_729, %get3A_730] {strides = array<i32>} : memref<16x640xf32, #tpu.memory_space<vmem>>, vector<16xf32>,
    %add3A_732 = arith.addf %add3A_727, %get3A_731 : vector<16xf32>
    %get3A_733 = arith.constant 7 : i32
    %get3A_734 = arith.index_cast %get3A_733 : i32 to index
    %get3A_735 = arith.constant 128 : index
    %get3A_736 = tpu.vector_load %arg7[%get3A_734, %get3A_735] {strides = array<i32>} : memref<16x640xf32, #tpu.memory_space<vmem>>, vector<16xf32>,
    %add3A_737 = arith.addf %add3A_732, %get3A_736 : vector<16xf32>
    %get3A_738 = arith.constant 8 : i32
    %get3A_739 = arith.index_cast %get3A_738 : i32 to index
    %get3A_740 = arith.constant 128 : index
    %get3A_741 = tpu.vector_load %arg7[%get3A_739, %get3A_740] {strides = array<i32>} : memref<16x640xf32, #tpu.memory_space<vmem>>, vector<16xf32>,
    %add3A_742 = arith.addf %add3A_737, %get3A_741 : vector<16xf32>
    %get3A_743 = arith.constant 9 : i32
    %get3A_744 = arith.index_cast %get3A_743 : i32 to index
    %get3A_745 = arith.constant 128 : index
    %get3A_746 = tpu.vector_load %arg7[%get3A_744, %get3A_745] {strides = array<i32>} : memref<16x640xf32, #tpu.memory_space<vmem>>, vector<16xf32>,
    %add3A_747 = arith.addf %add3A_742, %get3A_746 : vector<16xf32>
    %get3A_748 = arith.constant 10 : i32
    %get3A_749 = arith.index_cast %get3A_748 : i32 to index
    %get3A_750 = arith.constant 128 : index
    %get3A_751 = tpu.vector_load %arg7[%get3A_749, %get3A_750] {strides = array<i32>} : memref<16x640xf32, #tpu.memory_space<vmem>>, vector<16xf32>,
    %add3A_752 = arith.addf %add3A_747, %get3A_751 : vector<16xf32>
    %get3A_753 = arith.constant 11 : i32
    %get3A_754 = arith.index_cast %get3A_753 : i32 to index
    %get3A_755 = arith.constant 128 : index
    %get3A_756 = tpu.vector_load %arg7[%get3A_754, %get3A_755] {strides = array<i32>} : memref<16x640xf32, #tpu.memory_space<vmem>>, vector<16xf32>,
    %add3A_757 = arith.addf %add3A_752, %get3A_756 : vector<16xf32>
    %get3A_758 = arith.constant 12 : i32
    %get3A_759 = arith.index_cast %get3A_758 : i32 to index
    %get3A_760 = arith.constant 128 : index
    %get3A_761 = tpu.vector_load %arg7[%get3A_759, %get3A_760] {strides = array<i32>} : memref<16x640xf32, #tpu.memory_space<vmem>>, vector<16xf32>,
    %add3A_762 = arith.addf %add3A_757, %get3A_761 : vector<16xf32>
    %get3A_763 = arith.constant 13 : i32
    %get3A_764 = arith.index_cast %get3A_763 : i32 to index
    %get3A_765 = arith.constant 128 : index
    %get3A_766 = tpu.vector_load %arg7[%get3A_764, %get3A_765] {strides = array<i32>} : memref<16x640xf32, #tpu.memory_space<vmem>>, vector<16xf32>,
    %add3A_767 = arith.addf %add3A_762, %get3A_766 : vector<16xf32>
    %get3A_768 = arith.constant 14 : i32
    %get3A_769 = arith.index_cast %get3A_768 : i32 to index
    %get3A_770 = arith.constant 128 : index
    %get3A_771 = tpu.vector_load %arg7[%get3A_769, %get3A_770] {strides = array<i32>} : memref<16x640xf32, #tpu.memory_space<vmem>>, vector<16xf32>,
    %add3A_772 = arith.addf %add3A_767, %get3A_771 : vector<16xf32>
    %get3A_773 = arith.constant 15 : i32
    %get3A_774 = arith.index_cast %get3A_773 : i32 to index
    %get3A_775 = arith.constant 128 : index
    %get3A_776 = tpu.vector_load %arg7[%get3A_774, %get3A_775] {strides = array<i32>} : memref<16x640xf32, #tpu.memory_space<vmem>>, vector<16xf32>,
    %add3A_777 = arith.addf %add3A_772, %get3A_776 : vector<16xf32>
    %swap3A_778 = arith.constant 128 : index
    %swap3A_779 = tpu.vector_load %arg6[%swap3A_778] {strides = array<i32>} : memref<10240xf32, #tpu.memory_space<vmem>>, vector<16xf32>,
    tpu.vector_store %arg6[%swap3A_778], %add3A_777 {strides = array<i32>} : memref<10240xf32, #tpu.memory_space<vmem>>, vector<16xf32>,
    %get3A_780 = arith.constant 0 : i32
    %get3A_781 = arith.index_cast %get3A_780 : i32 to index
    %get3A_782 = arith.constant 144 : index
    %get3A_783 = tpu.vector_load %arg7[%get3A_781, %get3A_782] {strides = array<i32>} : memref<16x640xf32, #tpu.memory_space<vmem>>, vector<16xf32>,
    %get3A_784 = arith.constant 1 : i32
    %get3A_785 = arith.index_cast %get3A_784 : i32 to index
    %get3A_786 = arith.constant 144 : index
    %get3A_787 = tpu.vector_load %arg7[%get3A_785, %get3A_786] {strides = array<i32>} : memref<16x640xf32, #tpu.memory_space<vmem>>, vector<16xf32>,
    %add3A_788 = arith.addf %get3A_783, %get3A_787 : vector<16xf32>
    %get3A_789 = arith.constant 2 : i32
    %get3A_790 = arith.index_cast %get3A_789 : i32 to index
    %get3A_791 = arith.constant 144 : index
    %get3A_792 = tpu.vector_load %arg7[%get3A_790, %get3A_791] {strides = array<i32>} : memref<16x640xf32, #tpu.memory_space<vmem>>, vector<16xf32>,
    %add3A_793 = arith.addf %add3A_788, %get3A_792 : vector<16xf32>
    %get3A_794 = arith.constant 3 : i32
    %get3A_795 = arith.index_cast %get3A_794 : i32 to index
    %get3A_796 = arith.constant 144 : index
    %get3A_797 = tpu.vector_load %arg7[%get3A_795, %get3A_796] {strides = array<i32>} : memref<16x640xf32, #tpu.memory_space<vmem>>, vector<16xf32>,
    %add3A_798 = arith.addf %add3A_793, %get3A_797 : vector<16xf32>
    %get3A_799 = arith.constant 4 : i32
    %get3A_800 = arith.index_cast %get3A_799 : i32 to index
    %get3A_801 = arith.constant 144 : index
    %get3A_802 = tpu.vector_load %arg7[%get3A_800, %get3A_801] {strides = array<i32>} : memref<16x640xf32, #tpu.memory_space<vmem>>, vector<16xf32>,
    %add3A_803 = arith.addf %add3A_798, %get3A_802 : vector<16xf32>
    %get3A_804 = arith.constant 5 : i32
    %get3A_805 = arith.index_cast %get3A_804 : i32 to index
    %get3A_806 = arith.constant 144 : index
    %get3A_807 = tpu.vector_load %arg7[%get3A_805, %get3A_806] {strides = array<i32>} : memref<16x640xf32, #tpu.memory_space<vmem>>, vector<16xf32>,
    %add3A_808 = arith.addf %add3A_803, %get3A_807 : vector<16xf32>
    %get3A_809 = arith.constant 6 : i32
    %get3A_810 = arith.index_cast %get3A_809 : i32 to index
    %get3A_811 = arith.constant 144 : index
    %get3A_812 = tpu.vector_load %arg7[%get3A_810, %get3A_811] {strides = array<i32>} : memref<16x640xf32, #tpu.memory_space<vmem>>, vector<16xf32>,
    %add3A_813 = arith.addf %add3A_808, %get3A_812 : vector<16xf32>
    %get3A_814 = arith.constant 7 : i32
    %get3A_815 = arith.index_cast %get3A_814 : i32 to index
    %get3A_816 = arith.constant 144 : index
    %get3A_817 = tpu.vector_load %arg7[%get3A_815, %get3A_816] {strides = array<i32>} : memref<16x640xf32, #tpu.memory_space<vmem>>, vector<16xf32>,
    %add3A_818 = arith.addf %add3A_813, %get3A_817 : vector<16xf32>
    %get3A_819 = arith.constant 8 : i32
    %get3A_820 = arith.index_cast %get3A_819 : i32 to index
    %get3A_821 = arith.constant 144 : index
    %get3A_822 = tpu.vector_load %arg7[%get3A_820, %get3A_821] {strides = array<i32>} : memref<16x640xf32, #tpu.memory_space<vmem>>, vector<16xf32>,
    %add3A_823 = arith.addf %add3A_818, %get3A_822 : vector<16xf32>
    %get3A_824 = arith.constant 9 : i32
    %get3A_825 = arith.index_cast %get3A_824 : i32 to index
    %get3A_826 = arith.constant 144 : index
    %get3A_827 = tpu.vector_load %arg7[%get3A_825, %get3A_826] {strides = array<i32>} : memref<16x640xf32, #tpu.memory_space<vmem>>, vector<16xf32>,
    %add3A_828 = arith.addf %add3A_823, %get3A_827 : vector<16xf32>
    %get3A_829 = arith.constant 10 : i32
    %get3A_830 = arith.index_cast %get3A_829 : i32 to index
    %get3A_831 = arith.constant 144 : index
    %get3A_832 = tpu.vector_load %arg7[%get3A_830, %get3A_831] {strides = array<i32>} : memref<16x640xf32, #tpu.memory_space<vmem>>, vector<16xf32>,
    %add3A_833 = arith.addf %add3A_828, %get3A_832 : vector<16xf32>
    %get3A_834 = arith.constant 11 : i32
    %get3A_835 = arith.index_cast %get3A_834 : i32 to index
    %get3A_836 = arith.constant 144 : index
    %get3A_837 = tpu.vector_load %arg7[%get3A_835, %get3A_836] {strides = array<i32>} : memref<16x640xf32, #tpu.memory_space<vmem>>, vector<16xf32>,
    %add3A_838 = arith.addf %add3A_833, %get3A_837 : vector<16xf32>
    %get3A_839 = arith.constant 12 : i32
    %get3A_840 = arith.index_cast %get3A_839 : i32 to index
    %get3A_841 = arith.constant 144 : index
    %get3A_842 = tpu.vector_load %arg7[%get3A_840, %get3A_841] {strides = array<i32>} : memref<16x640xf32, #tpu.memory_space<vmem>>, vector<16xf32>,
    %add3A_843 = arith.addf %add3A_838, %get3A_842 : vector<16xf32>
    %get3A_844 = arith.constant 13 : i32
    %get3A_845 = arith.index_cast %get3A_844 : i32 to index
    %get3A_846 = arith.constant 144 : index
    %get3A_847 = tpu.vector_load %arg7[%get3A_845, %get3A_846] {strides = array<i32>} : memref<16x640xf32, #tpu.memory_space<vmem>>, vector<16xf32>,
    %add3A_848 = arith.addf %add3A_843, %get3A_847 : vector<16xf32>
    %get3A_849 = arith.constant 14 : i32
    %get3A_850 = arith.index_cast %get3A_849 : i32 to index
    %get3A_851 = arith.constant 144 : index
    %get3A_852 = tpu.vector_load %arg7[%get3A_850, %get3A_851] {strides = array<i32>} : memref<16x640xf32, #tpu.memory_space<vmem>>, vector<16xf32>,
    %add3A_853 = arith.addf %add3A_848, %get3A_852 : vector<16xf32>
    %get3A_854 = arith.constant 15 : i32
    %get3A_855 = arith.index_cast %get3A_854 : i32 to index
    %get3A_856 = arith.constant 144 : index
    %get3A_857 = tpu.vector_load %arg7[%get3A_855, %get3A_856] {strides = array<i32>} : memref<16x640xf32, #tpu.memory_space<vmem>>, vector<16xf32>,
    %add3A_858 = arith.addf %add3A_853, %get3A_857 : vector<16xf32>
    %swap3A_859 = arith.constant 144 : index
    %swap3A_860 = tpu.vector_load %arg6[%swap3A_859] {strides = array<i32>} : memref<10240xf32, #tpu.memory_space<vmem>>, vector<16xf32>,
    tpu.vector_store %arg6[%swap3A_859], %add3A_858 {strides = array<i32>} : memref<10240xf32, #tpu.memory_space<vmem>>, vector<16xf32>,
    %get3A_861 = arith.constant 0 : i32
    %get3A_862 = arith.index_cast %get3A_861 : i32 to index
    %get3A_863 = arith.constant 160 : index
    %get3A_864 = tpu.vector_load %arg7[%get3A_862, %get3A_863] {strides = array<i32>} : memref<16x640xf32, #tpu.memory_space<vmem>>, vector<16xf32>,
    %get3A_865 = arith.constant 1 : i32
    %get3A_866 = arith.index_cast %get3A_865 : i32 to index
    %get3A_867 = arith.constant 160 : index
    %get3A_868 = tpu.vector_load %arg7[%get3A_866, %get3A_867] {strides = array<i32>} : memref<16x640xf32, #tpu.memory_space<vmem>>, vector<16xf32>,
    %add3A_869 = arith.addf %get3A_864, %get3A_868 : vector<16xf32>
    %get3A_870 = arith.constant 2 : i32
    %get3A_871 = arith.index_cast %get3A_870 : i32 to index
    %get3A_872 = arith.constant 160 : index
    %get3A_873 = tpu.vector_load %arg7[%get3A_871, %get3A_872] {strides = array<i32>} : memref<16x640xf32, #tpu.memory_space<vmem>>, vector<16xf32>,
    %add3A_874 = arith.addf %add3A_869, %get3A_873 : vector<16xf32>
    %get3A_875 = arith.constant 3 : i32
    %get3A_876 = arith.index_cast %get3A_875 : i32 to index
    %get3A_877 = arith.constant 160 : index
    %get3A_878 = tpu.vector_load %arg7[%get3A_876, %get3A_877] {strides = array<i32>} : memref<16x640xf32, #tpu.memory_space<vmem>>, vector<16xf32>,
    %add3A_879 = arith.addf %add3A_874, %get3A_878 : vector<16xf32>
    %get3A_880 = arith.constant 4 : i32
    %get3A_881 = arith.index_cast %get3A_880 : i32 to index
    %get3A_882 = arith.constant 160 : index
    %get3A_883 = tpu.vector_load %arg7[%get3A_881, %get3A_882] {strides = array<i32>} : memref<16x640xf32, #tpu.memory_space<vmem>>, vector<16xf32>,
    %add3A_884 = arith.addf %add3A_879, %get3A_883 : vector<16xf32>
    %get3A_885 = arith.constant 5 : i32
    %get3A_886 = arith.index_cast %get3A_885 : i32 to index
    %get3A_887 = arith.constant 160 : index
    %get3A_888 = tpu.vector_load %arg7[%get3A_886, %get3A_887] {strides = array<i32>} : memref<16x640xf32, #tpu.memory_space<vmem>>, vector<16xf32>,
    %add3A_889 = arith.addf %add3A_884, %get3A_888 : vector<16xf32>
    %get3A_890 = arith.constant 6 : i32
    %get3A_891 = arith.index_cast %get3A_890 : i32 to index
    %get3A_892 = arith.constant 160 : index
    %get3A_893 = tpu.vector_load %arg7[%get3A_891, %get3A_892] {strides = array<i32>} : memref<16x640xf32, #tpu.memory_space<vmem>>, vector<16xf32>,
    %add3A_894 = arith.addf %add3A_889, %get3A_893 : vector<16xf32>
    %get3A_895 = arith.constant 7 : i32
    %get3A_896 = arith.index_cast %get3A_895 : i32 to index
    %get3A_897 = arith.constant 160 : index
    %get3A_898 = tpu.vector_load %arg7[%get3A_896, %get3A_897] {strides = array<i32>} : memref<16x640xf32, #tpu.memory_space<vmem>>, vector<16xf32>,
    %add3A_899 = arith.addf %add3A_894, %get3A_898 : vector<16xf32>
    %get3A_900 = arith.constant 8 : i32
    %get3A_901 = arith.index_cast %get3A_900 : i32 to index
    %get3A_902 = arith.constant 160 : index
    %get3A_903 = tpu.vector_load %arg7[%get3A_901, %get3A_902] {strides = array<i32>} : memref<16x640xf32, #tpu.memory_space<vmem>>, vector<16xf32>,
    %add3A_904 = arith.addf %add3A_899, %get3A_903 : vector<16xf32>
    %get3A_905 = arith.constant 9 : i32
    %get3A_906 = arith.index_cast %get3A_905 : i32 to index
    %get3A_907 = arith.constant 160 : index
    %get3A_908 = tpu.vector_load %arg7[%get3A_906, %get3A_907] {strides = array<i32>} : memref<16x640xf32, #tpu.memory_space<vmem>>, vector<16xf32>,
    %add3A_909 = arith.addf %add3A_904, %get3A_908 : vector<16xf32>
    %get3A_910 = arith.constant 10 : i32
    %get3A_911 = arith.index_cast %get3A_910 : i32 to index
    %get3A_912 = arith.constant 160 : index
    %get3A_913 = tpu.vector_load %arg7[%get3A_911, %get3A_912] {strides = array<i32>} : memref<16x640xf32, #tpu.memory_space<vmem>>, vector<16xf32>,
    %add3A_914 = arith.addf %add3A_909, %get3A_913 : vector<16xf32>
    %get3A_915 = arith.constant 11 : i32
    %get3A_916 = arith.index_cast %get3A_915 : i32 to index
    %get3A_917 = arith.constant 160 : index
    %get3A_918 = tpu.vector_load %arg7[%get3A_916, %get3A_917] {strides = array<i32>} : memref<16x640xf32, #tpu.memory_space<vmem>>, vector<16xf32>,
    %add3A_919 = arith.addf %add3A_914, %get3A_918 : vector<16xf32>
    %get3A_920 = arith.constant 12 : i32
    %get3A_921 = arith.index_cast %get3A_920 : i32 to index
    %get3A_922 = arith.constant 160 : index
    %get3A_923 = tpu.vector_load %arg7[%get3A_921, %get3A_922] {strides = array<i32>} : memref<16x640xf32, #tpu.memory_space<vmem>>, vector<16xf32>,
    %add3A_924 = arith.addf %add3A_919, %get3A_923 : vector<16xf32>
    %get3A_925 = arith.constant 13 : i32
    %get3A_926 = arith.index_cast %get3A_925 : i32 to index
    %get3A_927 = arith.constant 160 : index
    %get3A_928 = tpu.vector_load %arg7[%get3A_926, %get3A_927] {strides = array<i32>} : memref<16x640xf32, #tpu.memory_space<vmem>>, vector<16xf32>,
    %add3A_929 = arith.addf %add3A_924, %get3A_928 : vector<16xf32>
    %get3A_930 = arith.constant 14 : i32
    %get3A_931 = arith.index_cast %get3A_930 : i32 to index
    %get3A_932 = arith.constant 160 : index
    %get3A_933 = tpu.vector_load %arg7[%get3A_931, %get3A_932] {strides = array<i32>} : memref<16x640xf32, #tpu.memory_space<vmem>>, vector<16xf32>,
    %add3A_934 = arith.addf %add3A_929, %get3A_933 : vector<16xf32>
    %get3A_935 = arith.constant 15 : i32
    %get3A_936 = arith.index_cast %get3A_935 : i32 to index
    %get3A_937 = arith.constant 160 : index
    %get3A_938 = tpu.vector_load %arg7[%get3A_936, %get3A_937] {strides = array<i32>} : memref<16x640xf32, #tpu.memory_space<vmem>>, vector<16xf32>,
    %add3A_939 = arith.addf %add3A_934, %get3A_938 : vector<16xf32>
    %swap3A_940 = arith.constant 160 : index
    %swap3A_941 = tpu.vector_load %arg6[%swap3A_940] {strides = array<i32>} : memref<10240xf32, #tpu.memory_space<vmem>>, vector<16xf32>,
    tpu.vector_store %arg6[%swap3A_940], %add3A_939 {strides = array<i32>} : memref<10240xf32, #tpu.memory_space<vmem>>, vector<16xf32>,
    %get3A_942 = arith.constant 0 : i32
    %get3A_943 = arith.index_cast %get3A_942 : i32 to index
    %get3A_944 = arith.constant 176 : index
    %get3A_945 = tpu.vector_load %arg7[%get3A_943, %get3A_944] {strides = array<i32>} : memref<16x640xf32, #tpu.memory_space<vmem>>, vector<16xf32>,
    %get3A_946 = arith.constant 1 : i32
    %get3A_947 = arith.index_cast %get3A_946 : i32 to index
    %get3A_948 = arith.constant 176 : index
    %get3A_949 = tpu.vector_load %arg7[%get3A_947, %get3A_948] {strides = array<i32>} : memref<16x640xf32, #tpu.memory_space<vmem>>, vector<16xf32>,
    %add3A_950 = arith.addf %get3A_945, %get3A_949 : vector<16xf32>
    %get3A_951 = arith.constant 2 : i32
    %get3A_952 = arith.index_cast %get3A_951 : i32 to index
    %get3A_953 = arith.constant 176 : index
    %get3A_954 = tpu.vector_load %arg7[%get3A_952, %get3A_953] {strides = array<i32>} : memref<16x640xf32, #tpu.memory_space<vmem>>, vector<16xf32>,
    %add3A_955 = arith.addf %add3A_950, %get3A_954 : vector<16xf32>
    %get3A_956 = arith.constant 3 : i32
    %get3A_957 = arith.index_cast %get3A_956 : i32 to index
    %get3A_958 = arith.constant 176 : index
    %get3A_959 = tpu.vector_load %arg7[%get3A_957, %get3A_958] {strides = array<i32>} : memref<16x640xf32, #tpu.memory_space<vmem>>, vector<16xf32>,
    %add3A_960 = arith.addf %add3A_955, %get3A_959 : vector<16xf32>
    %get3A_961 = arith.constant 4 : i32
    %get3A_962 = arith.index_cast %get3A_961 : i32 to index
    %get3A_963 = arith.constant 176 : index
    %get3A_964 = tpu.vector_load %arg7[%get3A_962, %get3A_963] {strides = array<i32>} : memref<16x640xf32, #tpu.memory_space<vmem>>, vector<16xf32>,
    %add3A_965 = arith.addf %add3A_960, %get3A_964 : vector<16xf32>
    %get3A_966 = arith.constant 5 : i32
    %get3A_967 = arith.index_cast %get3A_966 : i32 to index
    %get3A_968 = arith.constant 176 : index
    %get3A_969 = tpu.vector_load %arg7[%get3A_967, %get3A_968] {strides = array<i32>} : memref<16x640xf32, #tpu.memory_space<vmem>>, vector<16xf32>,
    %add3A_970 = arith.addf %add3A_965, %get3A_969 : vector<16xf32>
    %get3A_971 = arith.constant 6 : i32
    %get3A_972 = arith.index_cast %get3A_971 : i32 to index
    %get3A_973 = arith.constant 176 : index
    %get3A_974 = tpu.vector_load %arg7[%get3A_972, %get3A_973] {strides = array<i32>} : memref<16x640xf32, #tpu.memory_space<vmem>>, vector<16xf32>,
    %add3A_975 = arith.addf %add3A_970, %get3A_974 : vector<16xf32>
    %get3A_976 = arith.constant 7 : i32
    %get3A_977 = arith.index_cast %get3A_976 : i32 to index
    %get3A_978 = arith.constant 176 : index
    %get3A_979 = tpu.vector_load %arg7[%get3A_977, %get3A_978] {strides = array<i32>} : memref<16x640xf32, #tpu.memory_space<vmem>>, vector<16xf32>,
    %add3A_980 = arith.addf %add3A_975, %get3A_979 : vector<16xf32>
    %get3A_981 = arith.constant 8 : i32
    %get3A_982 = arith.index_cast %get3A_981 : i32 to index
    %get3A_983 = arith.constant 176 : index
    %get3A_984 = tpu.vector_load %arg7[%get3A_982, %get3A_983] {strides = array<i32>} : memref<16x640xf32, #tpu.memory_space<vmem>>, vector<16xf32>,
    %add3A_985 = arith.addf %add3A_980, %get3A_984 : vector<16xf32>
    %get3A_986 = arith.constant 9 : i32
    %get3A_987 = arith.index_cast %get3A_986 : i32 to index
    %get3A_988 = arith.constant 176 : index
    %get3A_989 = tpu.vector_load %arg7[%get3A_987, %get3A_988] {strides = array<i32>} : memref<16x640xf32, #tpu.memory_space<vmem>>, vector<16xf32>,
    %add3A_990 = arith.addf %add3A_985, %get3A_989 : vector<16xf32>
    %get3A_991 = arith.constant 10 : i32
    %get3A_992 = arith.index_cast %get3A_991 : i32 to index
    %get3A_993 = arith.constant 176 : index
    %get3A_994 = tpu.vector_load %arg7[%get3A_992, %get3A_993] {strides = array<i32>} : memref<16x640xf32, #tpu.memory_space<vmem>>, vector<16xf32>,
    %add3A_995 = arith.addf %add3A_990, %get3A_994 : vector<16xf32>
    %get3A_996 = arith.constant 11 : i32
    %get3A_997 = arith.index_cast %get3A_996 : i32 to index
    %get3A_998 = arith.constant 176 : index
    %get3A_999 = tpu.vector_load %arg7[%get3A_997, %get3A_998] {strides = array<i32>} : memref<16x640xf32, #tpu.memory_space<vmem>>, vector<16xf32>,
    %add3A_1000 = arith.addf %add3A_995, %get3A_999 : vector<16xf32>
    %get3A_1001 = arith.constant 12 : i32
    %get3A_1002 = arith.index_cast %get3A_1001 : i32 to index
    %get3A_1003 = arith.constant 176 : index
    %get3A_1004 = tpu.vector_load %arg7[%get3A_1002, %get3A_1003] {strides = array<i32>} : memref<16x640xf32, #tpu.memory_space<vmem>>, vector<16xf32>,
    %add3A_1005 = arith.addf %add3A_1000, %get3A_1004 : vector<16xf32>
    %get3A_1006 = arith.constant 13 : i32
    %get3A_1007 = arith.index_cast %get3A_1006 : i32 to index
    %get3A_1008 = arith.constant 176 : index
    %get3A_1009 = tpu.vector_load %arg7[%get3A_1007, %get3A_1008] {strides = array<i32>} : memref<16x640xf32, #tpu.memory_space<vmem>>, vector<16xf32>,
    %add3A_1010 = arith.addf %add3A_1005, %get3A_1009 : vector<16xf32>
    %get3A_1011 = arith.constant 14 : i32
    %get3A_1012 = arith.index_cast %get3A_1011 : i32 to index
    %get3A_1013 = arith.constant 176 : index
    %get3A_1014 = tpu.vector_load %arg7[%get3A_1012, %get3A_1013] {strides = array<i32>} : memref<16x640xf32, #tpu.memory_space<vmem>>, vector<16xf32>,
    %add3A_1015 = arith.addf %add3A_1010, %get3A_1014 : vector<16xf32>
    %get3A_1016 = arith.constant 15 : i32
    %get3A_1017 = arith.index_cast %get3A_1016 : i32 to index
    %get3A_1018 = arith.constant 176 : index
    %get3A_1019 = tpu.vector_load %arg7[%get3A_1017, %get3A_1018] {strides = array<i32>} : memref<16x640xf32, #tpu.memory_space<vmem>>, vector<16xf32>,
    %add3A_1020 = arith.addf %add3A_1015, %get3A_1019 : vector<16xf32>
    %swap3A_1021 = arith.constant 176 : index
    %swap3A_1022 = tpu.vector_load %arg6[%swap3A_1021] {strides = array<i32>} : memref<10240xf32, #tpu.memory_space<vmem>>, vector<16xf32>,
    tpu.vector_store %arg6[%swap3A_1021], %add3A_1020 {strides = array<i32>} : memref<10240xf32, #tpu.memory_space<vmem>>, vector<16xf32>,
    %get3A_1023 = arith.constant 0 : i32
    %get3A_1024 = arith.index_cast %get3A_1023 : i32 to index
    %get3A_1025 = arith.constant 192 : index
    %get3A_1026 = tpu.vector_load %arg7[%get3A_1024, %get3A_1025] {strides = array<i32>} : memref<16x640xf32, #tpu.memory_space<vmem>>, vector<16xf32>,
    %get3A_1027 = arith.constant 1 : i32
    %get3A_1028 = arith.index_cast %get3A_1027 : i32 to index
    %get3A_1029 = arith.constant 192 : index
    %get3A_1030 = tpu.vector_load %arg7[%get3A_1028, %get3A_1029] {strides = array<i32>} : memref<16x640xf32, #tpu.memory_space<vmem>>, vector<16xf32>,
    %add3A_1031 = arith.addf %get3A_1026, %get3A_1030 : vector<16xf32>
    %get3A_1032 = arith.constant 2 : i32
    %get3A_1033 = arith.index_cast %get3A_1032 : i32 to index
    %get3A_1034 = arith.constant 192 : index
    %get3A_1035 = tpu.vector_load %arg7[%get3A_1033, %get3A_1034] {strides = array<i32>} : memref<16x640xf32, #tpu.memory_space<vmem>>, vector<16xf32>,
    %add3A_1036 = arith.addf %add3A_1031, %get3A_1035 : vector<16xf32>
    %get3A_1037 = arith.constant 3 : i32
    %get3A_1038 = arith.index_cast %get3A_1037 : i32 to index
    %get3A_1039 = arith.constant 192 : index
    %get3A_1040 = tpu.vector_load %arg7[%get3A_1038, %get3A_1039] {strides = array<i32>} : memref<16x640xf32, #tpu.memory_space<vmem>>, vector<16xf32>,
    %add3A_1041 = arith.addf %add3A_1036, %get3A_1040 : vector<16xf32>
    %get3A_1042 = arith.constant 4 : i32
    %get3A_1043 = arith.index_cast %get3A_1042 : i32 to index
    %get3A_1044 = arith.constant 192 : index
    %get3A_1045 = tpu.vector_load %arg7[%get3A_1043, %get3A_1044] {strides = array<i32>} : memref<16x640xf32, #tpu.memory_space<vmem>>, vector<16xf32>,
    %add3A_1046 = arith.addf %add3A_1041, %get3A_1045 : vector<16xf32>
    %get3A_1047 = arith.constant 5 : i32
    %get3A_1048 = arith.index_cast %get3A_1047 : i32 to index
    %get3A_1049 = arith.constant 192 : index
    %get3A_1050 = tpu.vector_load %arg7[%get3A_1048, %get3A_1049] {strides = array<i32>} : memref<16x640xf32, #tpu.memory_space<vmem>>, vector<16xf32>,
    %add3A_1051 = arith.addf %add3A_1046, %get3A_1050 : vector<16xf32>
    %get3A_1052 = arith.constant 6 : i32
    %get3A_1053 = arith.index_cast %get3A_1052 : i32 to index
    %get3A_1054 = arith.constant 192 : index
    %get3A_1055 = tpu.vector_load %arg7[%get3A_1053, %get3A_1054] {strides = array<i32>} : memref<16x640xf32, #tpu.memory_space<vmem>>, vector<16xf32>,
    %add3A_1056 = arith.addf %add3A_1051, %get3A_1055 : vector<16xf32>
    %get3A_1057 = arith.constant 7 : i32
    %get3A_1058 = arith.index_cast %get3A_1057 : i32 to index
    %get3A_1059 = arith.constant 192 : index
    %get3A_1060 = tpu.vector_load %arg7[%get3A_1058, %get3A_1059] {strides = array<i32>} : memref<16x640xf32, #tpu.memory_space<vmem>>, vector<16xf32>,
    %add3A_1061 = arith.addf %add3A_1056, %get3A_1060 : vector<16xf32>
    %get3A_1062 = arith.constant 8 : i32
    %get3A_1063 = arith.index_cast %get3A_1062 : i32 to index
    %get3A_1064 = arith.constant 192 : index
    %get3A_1065 = tpu.vector_load %arg7[%get3A_1063, %get3A_1064] {strides = array<i32>} : memref<16x640xf32, #tpu.memory_space<vmem>>, vector<16xf32>,
    %add3A_1066 = arith.addf %add3A_1061, %get3A_1065 : vector<16xf32>
    %get3A_1067 = arith.constant 9 : i32
    %get3A_1068 = arith.index_cast %get3A_1067 : i32 to index
    %get3A_1069 = arith.constant 192 : index
    %get3A_1070 = tpu.vector_load %arg7[%get3A_1068, %get3A_1069] {strides = array<i32>} : memref<16x640xf32, #tpu.memory_space<vmem>>, vector<16xf32>,
    %add3A_1071 = arith.addf %add3A_1066, %get3A_1070 : vector<16xf32>
    %get3A_1072 = arith.constant 10 : i32
    %get3A_1073 = arith.index_cast %get3A_1072 : i32 to index
    %get3A_1074 = arith.constant 192 : index
    %get3A_1075 = tpu.vector_load %arg7[%get3A_1073, %get3A_1074] {strides = array<i32>} : memref<16x640xf32, #tpu.memory_space<vmem>>, vector<16xf32>,
    %add3A_1076 = arith.addf %add3A_1071, %get3A_1075 : vector<16xf32>
    %get3A_1077 = arith.constant 11 : i32
    %get3A_1078 = arith.index_cast %get3A_1077 : i32 to index
    %get3A_1079 = arith.constant 192 : index
    %get3A_1080 = tpu.vector_load %arg7[%get3A_1078, %get3A_1079] {strides = array<i32>} : memref<16x640xf32, #tpu.memory_space<vmem>>, vector<16xf32>,
    %add3A_1081 = arith.addf %add3A_1076, %get3A_1080 : vector<16xf32>
    %get3A_1082 = arith.constant 12 : i32
    %get3A_1083 = arith.index_cast %get3A_1082 : i32 to index
    %get3A_1084 = arith.constant 192 : index
    %get3A_1085 = tpu.vector_load %arg7[%get3A_1083, %get3A_1084] {strides = array<i32>} : memref<16x640xf32, #tpu.memory_space<vmem>>, vector<16xf32>,
    %add3A_1086 = arith.addf %add3A_1081, %get3A_1085 : vector<16xf32>
    %get3A_1087 = arith.constant 13 : i32
    %get3A_1088 = arith.index_cast %get3A_1087 : i32 to index
    %get3A_1089 = arith.constant 192 : index
    %get3A_1090 = tpu.vector_load %arg7[%get3A_1088, %get3A_1089] {strides = array<i32>} : memref<16x640xf32, #tpu.memory_space<vmem>>, vector<16xf32>,
    %add3A_1091 = arith.addf %add3A_1086, %get3A_1090 : vector<16xf32>
    %get3A_1092 = arith.constant 14 : i32
    %get3A_1093 = arith.index_cast %get3A_1092 : i32 to index
    %get3A_1094 = arith.constant 192 : index
    %get3A_1095 = tpu.vector_load %arg7[%get3A_1093, %get3A_1094] {strides = array<i32>} : memref<16x640xf32, #tpu.memory_space<vmem>>, vector<16xf32>,
    %add3A_1096 = arith.addf %add3A_1091, %get3A_1095 : vector<16xf32>
    %get3A_1097 = arith.constant 15 : i32
    %get3A_1098 = arith.index_cast %get3A_1097 : i32 to index
    %get3A_1099 = arith.constant 192 : index
    %get3A_1100 = tpu.vector_load %arg7[%get3A_1098, %get3A_1099] {strides = array<i32>} : memref<16x640xf32, #tpu.memory_space<vmem>>, vector<16xf32>,
    %add3A_1101 = arith.addf %add3A_1096, %get3A_1100 : vector<16xf32>
    %swap3A_1102 = arith.constant 192 : index
    %swap3A_1103 = tpu.vector_load %arg6[%swap3A_1102] {strides = array<i32>} : memref<10240xf32, #tpu.memory_space<vmem>>, vector<16xf32>,
    tpu.vector_store %arg6[%swap3A_1102], %add3A_1101 {strides = array<i32>} : memref<10240xf32, #tpu.memory_space<vmem>>, vector<16xf32>,
    %get3A_1104 = arith.constant 0 : i32
    %get3A_1105 = arith.index_cast %get3A_1104 : i32 to index
    %get3A_1106 = arith.constant 208 : index
    %get3A_1107 = tpu.vector_load %arg7[%get3A_1105, %get3A_1106] {strides = array<i32>} : memref<16x640xf32, #tpu.memory_space<vmem>>, vector<16xf32>,
    %get3A_1108 = arith.constant 1 : i32
    %get3A_1109 = arith.index_cast %get3A_1108 : i32 to index
    %get3A_1110 = arith.constant 208 : index
    %get3A_1111 = tpu.vector_load %arg7[%get3A_1109, %get3A_1110] {strides = array<i32>} : memref<16x640xf32, #tpu.memory_space<vmem>>, vector<16xf32>,
    %add3A_1112 = arith.addf %get3A_1107, %get3A_1111 : vector<16xf32>
    %get3A_1113 = arith.constant 2 : i32
    %get3A_1114 = arith.index_cast %get3A_1113 : i32 to index
    %get3A_1115 = arith.constant 208 : index
    %get3A_1116 = tpu.vector_load %arg7[%get3A_1114, %get3A_1115] {strides = array<i32>} : memref<16x640xf32, #tpu.memory_space<vmem>>, vector<16xf32>,
    %add3A_1117 = arith.addf %add3A_1112, %get3A_1116 : vector<16xf32>
    %get3A_1118 = arith.constant 3 : i32
    %get3A_1119 = arith.index_cast %get3A_1118 : i32 to index
    %get3A_1120 = arith.constant 208 : index
    %get3A_1121 = tpu.vector_load %arg7[%get3A_1119, %get3A_1120] {strides = array<i32>} : memref<16x640xf32, #tpu.memory_space<vmem>>, vector<16xf32>,
    %add3A_1122 = arith.addf %add3A_1117, %get3A_1121 : vector<16xf32>
    %get3A_1123 = arith.constant 4 : i32
    %get3A_1124 = arith.index_cast %get3A_1123 : i32 to index
    %get3A_1125 = arith.constant 208 : index
    %get3A_1126 = tpu.vector_load %arg7[%get3A_1124, %get3A_1125] {strides = array<i32>} : memref<16x640xf32, #tpu.memory_space<vmem>>, vector<16xf32>,
    %add3A_1127 = arith.addf %add3A_1122, %get3A_1126 : vector<16xf32>
    %get3A_1128 = arith.constant 5 : i32
    %get3A_1129 = arith.index_cast %get3A_1128 : i32 to index
    %get3A_1130 = arith.constant 208 : index
    %get3A_1131 = tpu.vector_load %arg7[%get3A_1129, %get3A_1130] {strides = array<i32>} : memref<16x640xf32, #tpu.memory_space<vmem>>, vector<16xf32>,
    %add3A_1132 = arith.addf %add3A_1127, %get3A_1131 : vector<16xf32>
    %get3A_1133 = arith.constant 6 : i32
    %get3A_1134 = arith.index_cast %get3A_1133 : i32 to index
    %get3A_1135 = arith.constant 208 : index
    %get3A_1136 = tpu.vector_load %arg7[%get3A_1134, %get3A_1135] {strides = array<i32>} : memref<16x640xf32, #tpu.memory_space<vmem>>, vector<16xf32>,
    %add3A_1137 = arith.addf %add3A_1132, %get3A_1136 : vector<16xf32>
    %get3A_1138 = arith.constant 7 : i32
    %get3A_1139 = arith.index_cast %get3A_1138 : i32 to index
    %get3A_1140 = arith.constant 208 : index
    %get3A_1141 = tpu.vector_load %arg7[%get3A_1139, %get3A_1140] {strides = array<i32>} : memref<16x640xf32, #tpu.memory_space<vmem>>, vector<16xf32>,
    %add3A_1142 = arith.addf %add3A_1137, %get3A_1141 : vector<16xf32>
    %get3A_1143 = arith.constant 8 : i32
    %get3A_1144 = arith.index_cast %get3A_1143 : i32 to index
    %get3A_1145 = arith.constant 208 : index
    %get3A_1146 = tpu.vector_load %arg7[%get3A_1144, %get3A_1145] {strides = array<i32>} : memref<16x640xf32, #tpu.memory_space<vmem>>, vector<16xf32>,
    %add3A_1147 = arith.addf %add3A_1142, %get3A_1146 : vector<16xf32>
    %get3A_1148 = arith.constant 9 : i32
    %get3A_1149 = arith.index_cast %get3A_1148 : i32 to index
    %get3A_1150 = arith.constant 208 : index
    %get3A_1151 = tpu.vector_load %arg7[%get3A_1149, %get3A_1150] {strides = array<i32>} : memref<16x640xf32, #tpu.memory_space<vmem>>, vector<16xf32>,
    %add3A_1152 = arith.addf %add3A_1147, %get3A_1151 : vector<16xf32>
    %get3A_1153 = arith.constant 10 : i32
    %get3A_1154 = arith.index_cast %get3A_1153 : i32 to index
    %get3A_1155 = arith.constant 208 : index
    %get3A_1156 = tpu.vector_load %arg7[%get3A_1154, %get3A_1155] {strides = array<i32>} : memref<16x640xf32, #tpu.memory_space<vmem>>, vector<16xf32>,
    %add3A_1157 = arith.addf %add3A_1152, %get3A_1156 : vector<16xf32>
    %get3A_1158 = arith.constant 11 : i32
    %get3A_1159 = arith.index_cast %get3A_1158 : i32 to index
    %get3A_1160 = arith.constant 208 : index
    %get3A_1161 = tpu.vector_load %arg7[%get3A_1159, %get3A_1160] {strides = array<i32>} : memref<16x640xf32, #tpu.memory_space<vmem>>, vector<16xf32>,
    %add3A_1162 = arith.addf %add3A_1157, %get3A_1161 : vector<16xf32>
    %get3A_1163 = arith.constant 12 : i32
    %get3A_1164 = arith.index_cast %get3A_1163 : i32 to index
    %get3A_1165 = arith.constant 208 : index
    %get3A_1166 = tpu.vector_load %arg7[%get3A_1164, %get3A_1165] {strides = array<i32>} : memref<16x640xf32, #tpu.memory_space<vmem>>, vector<16xf32>,
    %add3A_1167 = arith.addf %add3A_1162, %get3A_1166 : vector<16xf32>
    %get3A_1168 = arith.constant 13 : i32
    %get3A_1169 = arith.index_cast %get3A_1168 : i32 to index
    %get3A_1170 = arith.constant 208 : index
    %get3A_1171 = tpu.vector_load %arg7[%get3A_1169, %get3A_1170] {strides = array<i32>} : memref<16x640xf32, #tpu.memory_space<vmem>>, vector<16xf32>,
    %add3A_1172 = arith.addf %add3A_1167, %get3A_1171 : vector<16xf32>
    %get3A_1173 = arith.constant 14 : i32
    %get3A_1174 = arith.index_cast %get3A_1173 : i32 to index
    %get3A_1175 = arith.constant 208 : index
    %get3A_1176 = tpu.vector_load %arg7[%get3A_1174, %get3A_1175] {strides = array<i32>} : memref<16x640xf32, #tpu.memory_space<vmem>>, vector<16xf32>,
    %add3A_1177 = arith.addf %add3A_1172, %get3A_1176 : vector<16xf32>
    %get3A_1178 = arith.constant 15 : i32
    %get3A_1179 = arith.index_cast %get3A_1178 : i32 to index
    %get3A_1180 = arith.constant 208 : index
    %get3A_1181 = tpu.vector_load %arg7[%get3A_1179, %get3A_1180] {strides = array<i32>} : memref<16x640xf32, #tpu.memory_space<vmem>>, vector<16xf32>,
    %add3A_1182 = arith.addf %add3A_1177, %get3A_1181 : vector<16xf32>
    %swap3A_1183 = arith.constant 208 : index
    %swap3A_1184 = tpu.vector_load %arg6[%swap3A_1183] {strides = array<i32>} : memref<10240xf32, #tpu.memory_space<vmem>>, vector<16xf32>,
    tpu.vector_store %arg6[%swap3A_1183], %add3A_1182 {strides = array<i32>} : memref<10240xf32, #tpu.memory_space<vmem>>, vector<16xf32>,
    %get3A_1185 = arith.constant 0 : i32
    %get3A_1186 = arith.index_cast %get3A_1185 : i32 to index
    %get3A_1187 = arith.constant 224 : index
    %get3A_1188 = tpu.vector_load %arg7[%get3A_1186, %get3A_1187] {strides = array<i32>} : memref<16x640xf32, #tpu.memory_space<vmem>>, vector<16xf32>,
    %get3A_1189 = arith.constant 1 : i32
    %get3A_1190 = arith.index_cast %get3A_1189 : i32 to index
    %get3A_1191 = arith.constant 224 : index
    %get3A_1192 = tpu.vector_load %arg7[%get3A_1190, %get3A_1191] {strides = array<i32>} : memref<16x640xf32, #tpu.memory_space<vmem>>, vector<16xf32>,
    %add3A_1193 = arith.addf %get3A_1188, %get3A_1192 : vector<16xf32>
    %get3A_1194 = arith.constant 2 : i32
    %get3A_1195 = arith.index_cast %get3A_1194 : i32 to index
    %get3A_1196 = arith.constant 224 : index
    %get3A_1197 = tpu.vector_load %arg7[%get3A_1195, %get3A_1196] {strides = array<i32>} : memref<16x640xf32, #tpu.memory_space<vmem>>, vector<16xf32>,
    %add3A_1198 = arith.addf %add3A_1193, %get3A_1197 : vector<16xf32>
    %get3A_1199 = arith.constant 3 : i32
    %get3A_1200 = arith.index_cast %get3A_1199 : i32 to index
    %get3A_1201 = arith.constant 224 : index
    %get3A_1202 = tpu.vector_load %arg7[%get3A_1200, %get3A_1201] {strides = array<i32>} : memref<16x640xf32, #tpu.memory_space<vmem>>, vector<16xf32>,
    %add3A_1203 = arith.addf %add3A_1198, %get3A_1202 : vector<16xf32>
    %get3A_1204 = arith.constant 4 : i32
    %get3A_1205 = arith.index_cast %get3A_1204 : i32 to index
    %get3A_1206 = arith.constant 224 : index
    %get3A_1207 = tpu.vector_load %arg7[%get3A_1205, %get3A_1206] {strides = array<i32>} : memref<16x640xf32, #tpu.memory_space<vmem>>, vector<16xf32>,
    %add3A_1208 = arith.addf %add3A_1203, %get3A_1207 : vector<16xf32>
    %get3A_1209 = arith.constant 5 : i32
    %get3A_1210 = arith.index_cast %get3A_1209 : i32 to index
    %get3A_1211 = arith.constant 224 : index
    %get3A_1212 = tpu.vector_load %arg7[%get3A_1210, %get3A_1211] {strides = array<i32>} : memref<16x640xf32, #tpu.memory_space<vmem>>, vector<16xf32>,
    %add3A_1213 = arith.addf %add3A_1208, %get3A_1212 : vector<16xf32>
    %get3A_1214 = arith.constant 6 : i32
    %get3A_1215 = arith.index_cast %get3A_1214 : i32 to index
    %get3A_1216 = arith.constant 224 : index
    %get3A_1217 = tpu.vector_load %arg7[%get3A_1215, %get3A_1216] {strides = array<i32>} : memref<16x640xf32, #tpu.memory_space<vmem>>, vector<16xf32>,
    %add3A_1218 = arith.addf %add3A_1213, %get3A_1217 : vector<16xf32>
    %get3A_1219 = arith.constant 7 : i32
    %get3A_1220 = arith.index_cast %get3A_1219 : i32 to index
    %get3A_1221 = arith.constant 224 : index
    %get3A_1222 = tpu.vector_load %arg7[%get3A_1220, %get3A_1221] {strides = array<i32>} : memref<16x640xf32, #tpu.memory_space<vmem>>, vector<16xf32>,
    %add3A_1223 = arith.addf %add3A_1218, %get3A_1222 : vector<16xf32>
    %get3A_1224 = arith.constant 8 : i32
    %get3A_1225 = arith.index_cast %get3A_1224 : i32 to index
    %get3A_1226 = arith.constant 224 : index
    %get3A_1227 = tpu.vector_load %arg7[%get3A_1225, %get3A_1226] {strides = array<i32>} : memref<16x640xf32, #tpu.memory_space<vmem>>, vector<16xf32>,
    %add3A_1228 = arith.addf %add3A_1223, %get3A_1227 : vector<16xf32>
    %get3A_1229 = arith.constant 9 : i32
    %get3A_1230 = arith.index_cast %get3A_1229 : i32 to index
    %get3A_1231 = arith.constant 224 : index
    %get3A_1232 = tpu.vector_load %arg7[%get3A_1230, %get3A_1231] {strides = array<i32>} : memref<16x640xf32, #tpu.memory_space<vmem>>, vector<16xf32>,
    %add3A_1233 = arith.addf %add3A_1228, %get3A_1232 : vector<16xf32>
    %get3A_1234 = arith.constant 10 : i32
    %get3A_1235 = arith.index_cast %get3A_1234 : i32 to index
    %get3A_1236 = arith.constant 224 : index
    %get3A_1237 = tpu.vector_load %arg7[%get3A_1235, %get3A_1236] {strides = array<i32>} : memref<16x640xf32, #tpu.memory_space<vmem>>, vector<16xf32>,
    %add3A_1238 = arith.addf %add3A_1233, %get3A_1237 : vector<16xf32>
    %get3A_1239 = arith.constant 11 : i32
    %get3A_1240 = arith.index_cast %get3A_1239 : i32 to index
    %get3A_1241 = arith.constant 224 : index
    %get3A_1242 = tpu.vector_load %arg7[%get3A_1240, %get3A_1241] {strides = array<i32>} : memref<16x640xf32, #tpu.memory_space<vmem>>, vector<16xf32>,
    %add3A_1243 = arith.addf %add3A_1238, %get3A_1242 : vector<16xf32>
    %get3A_1244 = arith.constant 12 : i32
    %get3A_1245 = arith.index_cast %get3A_1244 : i32 to index
    %get3A_1246 = arith.constant 224 : index
    %get3A_1247 = tpu.vector_load %arg7[%get3A_1245, %get3A_1246] {strides = array<i32>} : memref<16x640xf32, #tpu.memory_space<vmem>>, vector<16xf32>,
    %add3A_1248 = arith.addf %add3A_1243, %get3A_1247 : vector<16xf32>
    %get3A_1249 = arith.constant 13 : i32
    %get3A_1250 = arith.index_cast %get3A_1249 : i32 to index
    %get3A_1251 = arith.constant 224 : index
    %get3A_1252 = tpu.vector_load %arg7[%get3A_1250, %get3A_1251] {strides = array<i32>} : memref<16x640xf32, #tpu.memory_space<vmem>>, vector<16xf32>,
    %add3A_1253 = arith.addf %add3A_1248, %get3A_1252 : vector<16xf32>
    %get3A_1254 = arith.constant 14 : i32
    %get3A_1255 = arith.index_cast %get3A_1254 : i32 to index
    %get3A_1256 = arith.constant 224 : index
    %get3A_1257 = tpu.vector_load %arg7[%get3A_1255, %get3A_1256] {strides = array<i32>} : memref<16x640xf32, #tpu.memory_space<vmem>>, vector<16xf32>,
    %add3A_1258 = arith.addf %add3A_1253, %get3A_1257 : vector<16xf32>
    %get3A_1259 = arith.constant 15 : i32
    %get3A_1260 = arith.index_cast %get3A_1259 : i32 to index
    %get3A_1261 = arith.constant 224 : index
    %get3A_1262 = tpu.vector_load %arg7[%get3A_1260, %get3A_1261] {strides = array<i32>} : memref<16x640xf32, #tpu.memory_space<vmem>>, vector<16xf32>,
    %add3A_1263 = arith.addf %add3A_1258, %get3A_1262 : vector<16xf32>
    %swap3A_1264 = arith.constant 224 : index
    %swap3A_1265 = tpu.vector_load %arg6[%swap3A_1264] {strides = array<i32>} : memref<10240xf32, #tpu.memory_space<vmem>>, vector<16xf32>,
    tpu.vector_store %arg6[%swap3A_1264], %add3A_1263 {strides = array<i32>} : memref<10240xf32, #tpu.memory_space<vmem>>, vector<16xf32>,
    %get3A_1266 = arith.constant 0 : i32
    %get3A_1267 = arith.index_cast %get3A_1266 : i32 to index
    %get3A_1268 = arith.constant 240 : index
    %get3A_1269 = tpu.vector_load %arg7[%get3A_1267, %get3A_1268] {strides = array<i32>} : memref<16x640xf32, #tpu.memory_space<vmem>>, vector<16xf32>,
    %get3A_1270 = arith.constant 1 : i32
    %get3A_1271 = arith.index_cast %get3A_1270 : i32 to index
    %get3A_1272 = arith.constant 240 : index
    %get3A_1273 = tpu.vector_load %arg7[%get3A_1271, %get3A_1272] {strides = array<i32>} : memref<16x640xf32, #tpu.memory_space<vmem>>, vector<16xf32>,
    %add3A_1274 = arith.addf %get3A_1269, %get3A_1273 : vector<16xf32>
    %get3A_1275 = arith.constant 2 : i32
    %get3A_1276 = arith.index_cast %get3A_1275 : i32 to index
    %get3A_1277 = arith.constant 240 : index
    %get3A_1278 = tpu.vector_load %arg7[%get3A_1276, %get3A_1277] {strides = array<i32>} : memref<16x640xf32, #tpu.memory_space<vmem>>, vector<16xf32>,
    %add3A_1279 = arith.addf %add3A_1274, %get3A_1278 : vector<16xf32>
    %get3A_1280 = arith.constant 3 : i32
    %get3A_1281 = arith.index_cast %get3A_1280 : i32 to index
    %get3A_1282 = arith.constant 240 : index
    %get3A_1283 = tpu.vector_load %arg7[%get3A_1281, %get3A_1282] {strides = array<i32>} : memref<16x640xf32, #tpu.memory_space<vmem>>, vector<16xf32>,
    %add3A_1284 = arith.addf %add3A_1279, %get3A_1283 : vector<16xf32>
    %get3A_1285 = arith.constant 4 : i32
    %get3A_1286 = arith.index_cast %get3A_1285 : i32 to index
    %get3A_1287 = arith.constant 240 : index
    %get3A_1288 = tpu.vector_load %arg7[%get3A_1286, %get3A_1287] {strides = array<i32>} : memref<16x640xf32, #tpu.memory_space<vmem>>, vector<16xf32>,
    %add3A_1289 = arith.addf %add3A_1284, %get3A_1288 : vector<16xf32>
    %get3A_1290 = arith.constant 5 : i32
    %get3A_1291 = arith.index_cast %get3A_1290 : i32 to index
    %get3A_1292 = arith.constant 240 : index
    %get3A_1293 = tpu.vector_load %arg7[%get3A_1291, %get3A_1292] {strides = array<i32>} : memref<16x640xf32, #tpu.memory_space<vmem>>, vector<16xf32>,
    %add3A_1294 = arith.addf %add3A_1289, %get3A_1293 : vector<16xf32>
    %get3A_1295 = arith.constant 6 : i32
    %get3A_1296 = arith.index_cast %get3A_1295 : i32 to index
    %get3A_1297 = arith.constant 240 : index
    %get3A_1298 = tpu.vector_load %arg7[%get3A_1296, %get3A_1297] {strides = array<i32>} : memref<16x640xf32, #tpu.memory_space<vmem>>, vector<16xf32>,
    %add3A_1299 = arith.addf %add3A_1294, %get3A_1298 : vector<16xf32>
    %get3A_1300 = arith.constant 7 : i32
    %get3A_1301 = arith.index_cast %get3A_1300 : i32 to index
    %get3A_1302 = arith.constant 240 : index
    %get3A_1303 = tpu.vector_load %arg7[%get3A_1301, %get3A_1302] {strides = array<i32>} : memref<16x640xf32, #tpu.memory_space<vmem>>, vector<16xf32>,
    %add3A_1304 = arith.addf %add3A_1299, %get3A_1303 : vector<16xf32>
    %get3A_1305 = arith.constant 8 : i32
    %get3A_1306 = arith.index_cast %get3A_1305 : i32 to index
    %get3A_1307 = arith.constant 240 : index
    %get3A_1308 = tpu.vector_load %arg7[%get3A_1306, %get3A_1307] {strides = array<i32>} : memref<16x640xf32, #tpu.memory_space<vmem>>, vector<16xf32>,
    %add3A_1309 = arith.addf %add3A_1304, %get3A_1308 : vector<16xf32>
    %get3A_1310 = arith.constant 9 : i32
    %get3A_1311 = arith.index_cast %get3A_1310 : i32 to index
    %get3A_1312 = arith.constant 240 : index
    %get3A_1313 = tpu.vector_load %arg7[%get3A_1311, %get3A_1312] {strides = array<i32>} : memref<16x640xf32, #tpu.memory_space<vmem>>, vector<16xf32>,
    %add3A_1314 = arith.addf %add3A_1309, %get3A_1313 : vector<16xf32>
    %get3A_1315 = arith.constant 10 : i32
    %get3A_1316 = arith.index_cast %get3A_1315 : i32 to index
    %get3A_1317 = arith.constant 240 : index
    %get3A_1318 = tpu.vector_load %arg7[%get3A_1316, %get3A_1317] {strides = array<i32>} : memref<16x640xf32, #tpu.memory_space<vmem>>, vector<16xf32>,
    %add3A_1319 = arith.addf %add3A_1314, %get3A_1318 : vector<16xf32>
    %get3A_1320 = arith.constant 11 : i32
    %get3A_1321 = arith.index_cast %get3A_1320 : i32 to index
    %get3A_1322 = arith.constant 240 : index
    %get3A_1323 = tpu.vector_load %arg7[%get3A_1321, %get3A_1322] {strides = array<i32>} : memref<16x640xf32, #tpu.memory_space<vmem>>, vector<16xf32>,
    %add3A_1324 = arith.addf %add3A_1319, %get3A_1323 : vector<16xf32>
    %get3A_1325 = arith.constant 12 : i32
    %get3A_1326 = arith.index_cast %get3A_1325 : i32 to index
    %get3A_1327 = arith.constant 240 : index
    %get3A_1328 = tpu.vector_load %arg7[%get3A_1326, %get3A_1327] {strides = array<i32>} : memref<16x640xf32, #tpu.memory_space<vmem>>, vector<16xf32>,
    %add3A_1329 = arith.addf %add3A_1324, %get3A_1328 : vector<16xf32>
    %get3A_1330 = arith.constant 13 : i32
    %get3A_1331 = arith.index_cast %get3A_1330 : i32 to index
    %get3A_1332 = arith.constant 240 : index
    %get3A_1333 = tpu.vector_load %arg7[%get3A_1331, %get3A_1332] {strides = array<i32>} : memref<16x640xf32, #tpu.memory_space<vmem>>, vector<16xf32>,
    %add3A_1334 = arith.addf %add3A_1329, %get3A_1333 : vector<16xf32>
    %get3A_1335 = arith.constant 14 : i32
    %get3A_1336 = arith.index_cast %get3A_1335 : i32 to index
    %get3A_1337 = arith.constant 240 : index
    %get3A_1338 = tpu.vector_load %arg7[%get3A_1336, %get3A_1337] {strides = array<i32>} : memref<16x640xf32, #tpu.memory_space<vmem>>, vector<16xf32>,
    %add3A_1339 = arith.addf %add3A_1334, %get3A_1338 : vector<16xf32>
    %get3A_1340 = arith.constant 15 : i32
    %get3A_1341 = arith.index_cast %get3A_1340 : i32 to index
    %get3A_1342 = arith.constant 240 : index
    %get3A_1343 = tpu.vector_load %arg7[%get3A_1341, %get3A_1342] {strides = array<i32>} : memref<16x640xf32, #tpu.memory_space<vmem>>, vector<16xf32>,
    %add3A_1344 = arith.addf %add3A_1339, %get3A_1343 : vector<16xf32>
    %swap3A_1345 = arith.constant 240 : index
    %swap3A_1346 = tpu.vector_load %arg6[%swap3A_1345] {strides = array<i32>} : memref<10240xf32, #tpu.memory_space<vmem>>, vector<16xf32>,
    tpu.vector_store %arg6[%swap3A_1345], %add3A_1344 {strides = array<i32>} : memref<10240xf32, #tpu.memory_space<vmem>>, vector<16xf32>,
    %get3A_1347 = arith.constant 0 : i32
    %get3A_1348 = arith.index_cast %get3A_1347 : i32 to index
    %get3A_1349 = arith.constant 256 : index
    %get3A_1350 = tpu.vector_load %arg7[%get3A_1348, %get3A_1349] {strides = array<i32>} : memref<16x640xf32, #tpu.memory_space<vmem>>, vector<16xf32>,
    %get3A_1351 = arith.constant 1 : i32
    %get3A_1352 = arith.index_cast %get3A_1351 : i32 to index
    %get3A_1353 = arith.constant 256 : index
    %get3A_1354 = tpu.vector_load %arg7[%get3A_1352, %get3A_1353] {strides = array<i32>} : memref<16x640xf32, #tpu.memory_space<vmem>>, vector<16xf32>,
    %add3A_1355 = arith.addf %get3A_1350, %get3A_1354 : vector<16xf32>
    %get3A_1356 = arith.constant 2 : i32
    %get3A_1357 = arith.index_cast %get3A_1356 : i32 to index
    %get3A_1358 = arith.constant 256 : index
    %get3A_1359 = tpu.vector_load %arg7[%get3A_1357, %get3A_1358] {strides = array<i32>} : memref<16x640xf32, #tpu.memory_space<vmem>>, vector<16xf32>,
    %add3A_1360 = arith.addf %add3A_1355, %get3A_1359 : vector<16xf32>
    %get3A_1361 = arith.constant 3 : i32
    %get3A_1362 = arith.index_cast %get3A_1361 : i32 to index
    %get3A_1363 = arith.constant 256 : index
    %get3A_1364 = tpu.vector_load %arg7[%get3A_1362, %get3A_1363] {strides = array<i32>} : memref<16x640xf32, #tpu.memory_space<vmem>>, vector<16xf32>,
    %add3A_1365 = arith.addf %add3A_1360, %get3A_1364 : vector<16xf32>
    %get3A_1366 = arith.constant 4 : i32
    %get3A_1367 = arith.index_cast %get3A_1366 : i32 to index
    %get3A_1368 = arith.constant 256 : index
    %get3A_1369 = tpu.vector_load %arg7[%get3A_1367, %get3A_1368] {strides = array<i32>} : memref<16x640xf32, #tpu.memory_space<vmem>>, vector<16xf32>,
    %add3A_1370 = arith.addf %add3A_1365, %get3A_1369 : vector<16xf32>
    %get3A_1371 = arith.constant 5 : i32
    %get3A_1372 = arith.index_cast %get3A_1371 : i32 to index
    %get3A_1373 = arith.constant 256 : index
    %get3A_1374 = tpu.vector_load %arg7[%get3A_1372, %get3A_1373] {strides = array<i32>} : memref<16x640xf32, #tpu.memory_space<vmem>>, vector<16xf32>,
    %add3A_1375 = arith.addf %add3A_1370, %get3A_1374 : vector<16xf32>
    %get3A_1376 = arith.constant 6 : i32
    %get3A_1377 = arith.index_cast %get3A_1376 : i32 to index
    %get3A_1378 = arith.constant 256 : index
    %get3A_1379 = tpu.vector_load %arg7[%get3A_1377, %get3A_1378] {strides = array<i32>} : memref<16x640xf32, #tpu.memory_space<vmem>>, vector<16xf32>,
    %add3A_1380 = arith.addf %add3A_1375, %get3A_1379 : vector<16xf32>
    %get3A_1381 = arith.constant 7 : i32
    %get3A_1382 = arith.index_cast %get3A_1381 : i32 to index
    %get3A_1383 = arith.constant 256 : index
    %get3A_1384 = tpu.vector_load %arg7[%get3A_1382, %get3A_1383] {strides = array<i32>} : memref<16x640xf32, #tpu.memory_space<vmem>>, vector<16xf32>,
    %add3A_1385 = arith.addf %add3A_1380, %get3A_1384 : vector<16xf32>
    %get3A_1386 = arith.constant 8 : i32
    %get3A_1387 = arith.index_cast %get3A_1386 : i32 to index
    %get3A_1388 = arith.constant 256 : index
    %get3A_1389 = tpu.vector_load %arg7[%get3A_1387, %get3A_1388] {strides = array<i32>} : memref<16x640xf32, #tpu.memory_space<vmem>>, vector<16xf32>,
    %add3A_1390 = arith.addf %add3A_1385, %get3A_1389 : vector<16xf32>
    %get3A_1391 = arith.constant 9 : i32
    %get3A_1392 = arith.index_cast %get3A_1391 : i32 to index
    %get3A_1393 = arith.constant 256 : index
    %get3A_1394 = tpu.vector_load %arg7[%get3A_1392, %get3A_1393] {strides = array<i32>} : memref<16x640xf32, #tpu.memory_space<vmem>>, vector<16xf32>,
    %add3A_1395 = arith.addf %add3A_1390, %get3A_1394 : vector<16xf32>
    %get3A_1396 = arith.constant 10 : i32
    %get3A_1397 = arith.index_cast %get3A_1396 : i32 to index
    %get3A_1398 = arith.constant 256 : index
    %get3A_1399 = tpu.vector_load %arg7[%get3A_1397, %get3A_1398] {strides = array<i32>} : memref<16x640xf32, #tpu.memory_space<vmem>>, vector<16xf32>,
    %add3A_1400 = arith.addf %add3A_1395, %get3A_1399 : vector<16xf32>
    %get3A_1401 = arith.constant 11 : i32
    %get3A_1402 = arith.index_cast %get3A_1401 : i32 to index
    %get3A_1403 = arith.constant 256 : index
    %get3A_1404 = tpu.vector_load %arg7[%get3A_1402, %get3A_1403] {strides = array<i32>} : memref<16x640xf32, #tpu.memory_space<vmem>>, vector<16xf32>,
    %add3A_1405 = arith.addf %add3A_1400, %get3A_1404 : vector<16xf32>
    %get3A_1406 = arith.constant 12 : i32
    %get3A_1407 = arith.index_cast %get3A_1406 : i32 to index
    %get3A_1408 = arith.constant 256 : index
    %get3A_1409 = tpu.vector_load %arg7[%get3A_1407, %get3A_1408] {strides = array<i32>} : memref<16x640xf32, #tpu.memory_space<vmem>>, vector<16xf32>,
    %add3A_1410 = arith.addf %add3A_1405, %get3A_1409 : vector<16xf32>
    %get3A_1411 = arith.constant 13 : i32
    %get3A_1412 = arith.index_cast %get3A_1411 : i32 to index
    %get3A_1413 = arith.constant 256 : index
    %get3A_1414 = tpu.vector_load %arg7[%get3A_1412, %get3A_1413] {strides = array<i32>} : memref<16x640xf32, #tpu.memory_space<vmem>>, vector<16xf32>,
    %add3A_1415 = arith.addf %add3A_1410, %get3A_1414 : vector<16xf32>
    %get3A_1416 = arith.constant 14 : i32
    %get3A_1417 = arith.index_cast %get3A_1416 : i32 to index
    %get3A_1418 = arith.constant 256 : index
    %get3A_1419 = tpu.vector_load %arg7[%get3A_1417, %get3A_1418] {strides = array<i32>} : memref<16x640xf32, #tpu.memory_space<vmem>>, vector<16xf32>,
    %add3A_1420 = arith.addf %add3A_1415, %get3A_1419 : vector<16xf32>
    %get3A_1421 = arith.constant 15 : i32
    %get3A_1422 = arith.index_cast %get3A_1421 : i32 to index
    %get3A_1423 = arith.constant 256 : index
    %get3A_1424 = tpu.vector_load %arg7[%get3A_1422, %get3A_1423] {strides = array<i32>} : memref<16x640xf32, #tpu.memory_space<vmem>>, vector<16xf32>,
    %add3A_1425 = arith.addf %add3A_1420, %get3A_1424 : vector<16xf32>
    %swap3A_1426 = arith.constant 256 : index
    %swap3A_1427 = tpu.vector_load %arg6[%swap3A_1426] {strides = array<i32>} : memref<10240xf32, #tpu.memory_space<vmem>>, vector<16xf32>,
    tpu.vector_store %arg6[%swap3A_1426], %add3A_1425 {strides = array<i32>} : memref<10240xf32, #tpu.memory_space<vmem>>, vector<16xf32>,
    %get3A_1428 = arith.constant 0 : i32
    %get3A_1429 = arith.index_cast %get3A_1428 : i32 to index
    %get3A_1430 = arith.constant 272 : index
    %get3A_1431 = tpu.vector_load %arg7[%get3A_1429, %get3A_1430] {strides = array<i32>} : memref<16x640xf32, #tpu.memory_space<vmem>>, vector<16xf32>,
    %get3A_1432 = arith.constant 1 : i32
    %get3A_1433 = arith.index_cast %get3A_1432 : i32 to index
    %get3A_1434 = arith.constant 272 : index
    %get3A_1435 = tpu.vector_load %arg7[%get3A_1433, %get3A_1434] {strides = array<i32>} : memref<16x640xf32, #tpu.memory_space<vmem>>, vector<16xf32>,
    %add3A_1436 = arith.addf %get3A_1431, %get3A_1435 : vector<16xf32>
    %get3A_1437 = arith.constant 2 : i32
    %get3A_1438 = arith.index_cast %get3A_1437 : i32 to index
    %get3A_1439 = arith.constant 272 : index
    %get3A_1440 = tpu.vector_load %arg7[%get3A_1438, %get3A_1439] {strides = array<i32>} : memref<16x640xf32, #tpu.memory_space<vmem>>, vector<16xf32>,
    %add3A_1441 = arith.addf %add3A_1436, %get3A_1440 : vector<16xf32>
    %get3A_1442 = arith.constant 3 : i32
    %get3A_1443 = arith.index_cast %get3A_1442 : i32 to index
    %get3A_1444 = arith.constant 272 : index
    %get3A_1445 = tpu.vector_load %arg7[%get3A_1443, %get3A_1444] {strides = array<i32>} : memref<16x640xf32, #tpu.memory_space<vmem>>, vector<16xf32>,
    %add3A_1446 = arith.addf %add3A_1441, %get3A_1445 : vector<16xf32>
    %get3A_1447 = arith.constant 4 : i32
    %get3A_1448 = arith.index_cast %get3A_1447 : i32 to index
    %get3A_1449 = arith.constant 272 : index
    %get3A_1450 = tpu.vector_load %arg7[%get3A_1448, %get3A_1449] {strides = array<i32>} : memref<16x640xf32, #tpu.memory_space<vmem>>, vector<16xf32>,
    %add3A_1451 = arith.addf %add3A_1446, %get3A_1450 : vector<16xf32>
    %get3A_1452 = arith.constant 5 : i32
    %get3A_1453 = arith.index_cast %get3A_1452 : i32 to index
    %get3A_1454 = arith.constant 272 : index
    %get3A_1455 = tpu.vector_load %arg7[%get3A_1453, %get3A_1454] {strides = array<i32>} : memref<16x640xf32, #tpu.memory_space<vmem>>, vector<16xf32>,
    %add3A_1456 = arith.addf %add3A_1451, %get3A_1455 : vector<16xf32>
    %get3A_1457 = arith.constant 6 : i32
    %get3A_1458 = arith.index_cast %get3A_1457 : i32 to index
    %get3A_1459 = arith.constant 272 : index
    %get3A_1460 = tpu.vector_load %arg7[%get3A_1458, %get3A_1459] {strides = array<i32>} : memref<16x640xf32, #tpu.memory_space<vmem>>, vector<16xf32>,
    %add3A_1461 = arith.addf %add3A_1456, %get3A_1460 : vector<16xf32>
    %get3A_1462 = arith.constant 7 : i32
    %get3A_1463 = arith.index_cast %get3A_1462 : i32 to index
    %get3A_1464 = arith.constant 272 : index
    %get3A_1465 = tpu.vector_load %arg7[%get3A_1463, %get3A_1464] {strides = array<i32>} : memref<16x640xf32, #tpu.memory_space<vmem>>, vector<16xf32>,
    %add3A_1466 = arith.addf %add3A_1461, %get3A_1465 : vector<16xf32>
    %get3A_1467 = arith.constant 8 : i32
    %get3A_1468 = arith.index_cast %get3A_1467 : i32 to index
    %get3A_1469 = arith.constant 272 : index
    %get3A_1470 = tpu.vector_load %arg7[%get3A_1468, %get3A_1469] {strides = array<i32>} : memref<16x640xf32, #tpu.memory_space<vmem>>, vector<16xf32>,
    %add3A_1471 = arith.addf %add3A_1466, %get3A_1470 : vector<16xf32>
    %get3A_1472 = arith.constant 9 : i32
    %get3A_1473 = arith.index_cast %get3A_1472 : i32 to index
    %get3A_1474 = arith.constant 272 : index
    %get3A_1475 = tpu.vector_load %arg7[%get3A_1473, %get3A_1474] {strides = array<i32>} : memref<16x640xf32, #tpu.memory_space<vmem>>, vector<16xf32>,
    %add3A_1476 = arith.addf %add3A_1471, %get3A_1475 : vector<16xf32>
    %get3A_1477 = arith.constant 10 : i32
    %get3A_1478 = arith.index_cast %get3A_1477 : i32 to index
    %get3A_1479 = arith.constant 272 : index
    %get3A_1480 = tpu.vector_load %arg7[%get3A_1478, %get3A_1479] {strides = array<i32>} : memref<16x640xf32, #tpu.memory_space<vmem>>, vector<16xf32>,
    %add3A_1481 = arith.addf %add3A_1476, %get3A_1480 : vector<16xf32>
    %get3A_1482 = arith.constant 11 : i32
    %get3A_1483 = arith.index_cast %get3A_1482 : i32 to index
    %get3A_1484 = arith.constant 272 : index
    %get3A_1485 = tpu.vector_load %arg7[%get3A_1483, %get3A_1484] {strides = array<i32>} : memref<16x640xf32, #tpu.memory_space<vmem>>, vector<16xf32>,
    %add3A_1486 = arith.addf %add3A_1481, %get3A_1485 : vector<16xf32>
    %get3A_1487 = arith.constant 12 : i32
    %get3A_1488 = arith.index_cast %get3A_1487 : i32 to index
    %get3A_1489 = arith.constant 272 : index
    %get3A_1490 = tpu.vector_load %arg7[%get3A_1488, %get3A_1489] {strides = array<i32>} : memref<16x640xf32, #tpu.memory_space<vmem>>, vector<16xf32>,
    %add3A_1491 = arith.addf %add3A_1486, %get3A_1490 : vector<16xf32>
    %get3A_1492 = arith.constant 13 : i32
    %get3A_1493 = arith.index_cast %get3A_1492 : i32 to index
    %get3A_1494 = arith.constant 272 : index
    %get3A_1495 = tpu.vector_load %arg7[%get3A_1493, %get3A_1494] {strides = array<i32>} : memref<16x640xf32, #tpu.memory_space<vmem>>, vector<16xf32>,
    %add3A_1496 = arith.addf %add3A_1491, %get3A_1495 : vector<16xf32>
    %get3A_1497 = arith.constant 14 : i32
    %get3A_1498 = arith.index_cast %get3A_1497 : i32 to index
    %get3A_1499 = arith.constant 272 : index
    %get3A_1500 = tpu.vector_load %arg7[%get3A_1498, %get3A_1499] {strides = array<i32>} : memref<16x640xf32, #tpu.memory_space<vmem>>, vector<16xf32>,
    %add3A_1501 = arith.addf %add3A_1496, %get3A_1500 : vector<16xf32>
    %get3A_1502 = arith.constant 15 : i32
    %get3A_1503 = arith.index_cast %get3A_1502 : i32 to index
    %get3A_1504 = arith.constant 272 : index
    %get3A_1505 = tpu.vector_load %arg7[%get3A_1503, %get3A_1504] {strides = array<i32>} : memref<16x640xf32, #tpu.memory_space<vmem>>, vector<16xf32>,
    %add3A_1506 = arith.addf %add3A_1501, %get3A_1505 : vector<16xf32>
    %swap3A_1507 = arith.constant 272 : index
    %swap3A_1508 = tpu.vector_load %arg6[%swap3A_1507] {strides = array<i32>} : memref<10240xf32, #tpu.memory_space<vmem>>, vector<16xf32>,
    tpu.vector_store %arg6[%swap3A_1507], %add3A_1506 {strides = array<i32>} : memref<10240xf32, #tpu.memory_space<vmem>>, vector<16xf32>,
    %get3A_1509 = arith.constant 0 : i32
    %get3A_1510 = arith.index_cast %get3A_1509 : i32 to index
    %get3A_1511 = arith.constant 288 : index
    %get3A_1512 = tpu.vector_load %arg7[%get3A_1510, %get3A_1511] {strides = array<i32>} : memref<16x640xf32, #tpu.memory_space<vmem>>, vector<16xf32>,
    %get3A_1513 = arith.constant 1 : i32
    %get3A_1514 = arith.index_cast %get3A_1513 : i32 to index
    %get3A_1515 = arith.constant 288 : index
    %get3A_1516 = tpu.vector_load %arg7[%get3A_1514, %get3A_1515] {strides = array<i32>} : memref<16x640xf32, #tpu.memory_space<vmem>>, vector<16xf32>,
    %add3A_1517 = arith.addf %get3A_1512, %get3A_1516 : vector<16xf32>
    %get3A_1518 = arith.constant 2 : i32
    %get3A_1519 = arith.index_cast %get3A_1518 : i32 to index
    %get3A_1520 = arith.constant 288 : index
    %get3A_1521 = tpu.vector_load %arg7[%get3A_1519, %get3A_1520] {strides = array<i32>} : memref<16x640xf32, #tpu.memory_space<vmem>>, vector<16xf32>,
    %add3A_1522 = arith.addf %add3A_1517, %get3A_1521 : vector<16xf32>
    %get3A_1523 = arith.constant 3 : i32
    %get3A_1524 = arith.index_cast %get3A_1523 : i32 to index
    %get3A_1525 = arith.constant 288 : index
    %get3A_1526 = tpu.vector_load %arg7[%get3A_1524, %get3A_1525] {strides = array<i32>} : memref<16x640xf32, #tpu.memory_space<vmem>>, vector<16xf32>,
    %add3A_1527 = arith.addf %add3A_1522, %get3A_1526 : vector<16xf32>
    %get3A_1528 = arith.constant 4 : i32
    %get3A_1529 = arith.index_cast %get3A_1528 : i32 to index
    %get3A_1530 = arith.constant 288 : index
    %get3A_1531 = tpu.vector_load %arg7[%get3A_1529, %get3A_1530] {strides = array<i32>} : memref<16x640xf32, #tpu.memory_space<vmem>>, vector<16xf32>,
    %add3A_1532 = arith.addf %add3A_1527, %get3A_1531 : vector<16xf32>
    %get3A_1533 = arith.constant 5 : i32
    %get3A_1534 = arith.index_cast %get3A_1533 : i32 to index
    %get3A_1535 = arith.constant 288 : index
    %get3A_1536 = tpu.vector_load %arg7[%get3A_1534, %get3A_1535] {strides = array<i32>} : memref<16x640xf32, #tpu.memory_space<vmem>>, vector<16xf32>,
    %add3A_1537 = arith.addf %add3A_1532, %get3A_1536 : vector<16xf32>
    %get3A_1538 = arith.constant 6 : i32
    %get3A_1539 = arith.index_cast %get3A_1538 : i32 to index
    %get3A_1540 = arith.constant 288 : index
    %get3A_1541 = tpu.vector_load %arg7[%get3A_1539, %get3A_1540] {strides = array<i32>} : memref<16x640xf32, #tpu.memory_space<vmem>>, vector<16xf32>,
    %add3A_1542 = arith.addf %add3A_1537, %get3A_1541 : vector<16xf32>
    %get3A_1543 = arith.constant 7 : i32
    %get3A_1544 = arith.index_cast %get3A_1543 : i32 to index
    %get3A_1545 = arith.constant 288 : index
    %get3A_1546 = tpu.vector_load %arg7[%get3A_1544, %get3A_1545] {strides = array<i32>} : memref<16x640xf32, #tpu.memory_space<vmem>>, vector<16xf32>,
    %add3A_1547 = arith.addf %add3A_1542, %get3A_1546 : vector<16xf32>
    %get3A_1548 = arith.constant 8 : i32
    %get3A_1549 = arith.index_cast %get3A_1548 : i32 to index
    %get3A_1550 = arith.constant 288 : index
    %get3A_1551 = tpu.vector_load %arg7[%get3A_1549, %get3A_1550] {strides = array<i32>} : memref<16x640xf32, #tpu.memory_space<vmem>>, vector<16xf32>,
    %add3A_1552 = arith.addf %add3A_1547, %get3A_1551 : vector<16xf32>
    %get3A_1553 = arith.constant 9 : i32
    %get3A_1554 = arith.index_cast %get3A_1553 : i32 to index
    %get3A_1555 = arith.constant 288 : index
    %get3A_1556 = tpu.vector_load %arg7[%get3A_1554, %get3A_1555] {strides = array<i32>} : memref<16x640xf32, #tpu.memory_space<vmem>>, vector<16xf32>,
    %add3A_1557 = arith.addf %add3A_1552, %get3A_1556 : vector<16xf32>
    %get3A_1558 = arith.constant 10 : i32
    %get3A_1559 = arith.index_cast %get3A_1558 : i32 to index
    %get3A_1560 = arith.constant 288 : index
    %get3A_1561 = tpu.vector_load %arg7[%get3A_1559, %get3A_1560] {strides = array<i32>} : memref<16x640xf32, #tpu.memory_space<vmem>>, vector<16xf32>,
    %add3A_1562 = arith.addf %add3A_1557, %get3A_1561 : vector<16xf32>
    %get3A_1563 = arith.constant 11 : i32
    %get3A_1564 = arith.index_cast %get3A_1563 : i32 to index
    %get3A_1565 = arith.constant 288 : index
    %get3A_1566 = tpu.vector_load %arg7[%get3A_1564, %get3A_1565] {strides = array<i32>} : memref<16x640xf32, #tpu.memory_space<vmem>>, vector<16xf32>,
    %add3A_1567 = arith.addf %add3A_1562, %get3A_1566 : vector<16xf32>
    %get3A_1568 = arith.constant 12 : i32
    %get3A_1569 = arith.index_cast %get3A_1568 : i32 to index
    %get3A_1570 = arith.constant 288 : index
    %get3A_1571 = tpu.vector_load %arg7[%get3A_1569, %get3A_1570] {strides = array<i32>} : memref<16x640xf32, #tpu.memory_space<vmem>>, vector<16xf32>,
    %add3A_1572 = arith.addf %add3A_1567, %get3A_1571 : vector<16xf32>
    %get3A_1573 = arith.constant 13 : i32
    %get3A_1574 = arith.index_cast %get3A_1573 : i32 to index
    %get3A_1575 = arith.constant 288 : index
    %get3A_1576 = tpu.vector_load %arg7[%get3A_1574, %get3A_1575] {strides = array<i32>} : memref<16x640xf32, #tpu.memory_space<vmem>>, vector<16xf32>,
    %add3A_1577 = arith.addf %add3A_1572, %get3A_1576 : vector<16xf32>
    %get3A_1578 = arith.constant 14 : i32
    %get3A_1579 = arith.index_cast %get3A_1578 : i32 to index
    %get3A_1580 = arith.constant 288 : index
    %get3A_1581 = tpu.vector_load %arg7[%get3A_1579, %get3A_1580] {strides = array<i32>} : memref<16x640xf32, #tpu.memory_space<vmem>>, vector<16xf32>,
    %add3A_1582 = arith.addf %add3A_1577, %get3A_1581 : vector<16xf32>
    %get3A_1583 = arith.constant 15 : i32
    %get3A_1584 = arith.index_cast %get3A_1583 : i32 to index
    %get3A_1585 = arith.constant 288 : index
    %get3A_1586 = tpu.vector_load %arg7[%get3A_1584, %get3A_1585] {strides = array<i32>} : memref<16x640xf32, #tpu.memory_space<vmem>>, vector<16xf32>,
    %add3A_1587 = arith.addf %add3A_1582, %get3A_1586 : vector<16xf32>
    %swap3A_1588 = arith.constant 288 : index
    %swap3A_1589 = tpu.vector_load %arg6[%swap3A_1588] {strides = array<i32>} : memref<10240xf32, #tpu.memory_space<vmem>>, vector<16xf32>,
    tpu.vector_store %arg6[%swap3A_1588], %add3A_1587 {strides = array<i32>} : memref<10240xf32, #tpu.memory_space<vmem>>, vector<16xf32>,
    %get3A_1590 = arith.constant 0 : i32
    %get3A_1591 = arith.index_cast %get3A_1590 : i32 to index
    %get3A_1592 = arith.constant 304 : index
    %get3A_1593 = tpu.vector_load %arg7[%get3A_1591, %get3A_1592] {strides = array<i32>} : memref<16x640xf32, #tpu.memory_space<vmem>>, vector<16xf32>,
    %get3A_1594 = arith.constant 1 : i32
    %get3A_1595 = arith.index_cast %get3A_1594 : i32 to index
    %get3A_1596 = arith.constant 304 : index
    %get3A_1597 = tpu.vector_load %arg7[%get3A_1595, %get3A_1596] {strides = array<i32>} : memref<16x640xf32, #tpu.memory_space<vmem>>, vector<16xf32>,
    %add3A_1598 = arith.addf %get3A_1593, %get3A_1597 : vector<16xf32>
    %get3A_1599 = arith.constant 2 : i32
    %get3A_1600 = arith.index_cast %get3A_1599 : i32 to index
    %get3A_1601 = arith.constant 304 : index
    %get3A_1602 = tpu.vector_load %arg7[%get3A_1600, %get3A_1601] {strides = array<i32>} : memref<16x640xf32, #tpu.memory_space<vmem>>, vector<16xf32>,
    %add3A_1603 = arith.addf %add3A_1598, %get3A_1602 : vector<16xf32>
    %get3A_1604 = arith.constant 3 : i32
    %get3A_1605 = arith.index_cast %get3A_1604 : i32 to index
    %get3A_1606 = arith.constant 304 : index
    %get3A_1607 = tpu.vector_load %arg7[%get3A_1605, %get3A_1606] {strides = array<i32>} : memref<16x640xf32, #tpu.memory_space<vmem>>, vector<16xf32>,
    %add3A_1608 = arith.addf %add3A_1603, %get3A_1607 : vector<16xf32>
    %get3A_1609 = arith.constant 4 : i32
    %get3A_1610 = arith.index_cast %get3A_1609 : i32 to index
    %get3A_1611 = arith.constant 304 : index
    %get3A_1612 = tpu.vector_load %arg7[%get3A_1610, %get3A_1611] {strides = array<i32>} : memref<16x640xf32, #tpu.memory_space<vmem>>, vector<16xf32>,
    %add3A_1613 = arith.addf %add3A_1608, %get3A_1612 : vector<16xf32>
    %get3A_1614 = arith.constant 5 : i32
    %get3A_1615 = arith.index_cast %get3A_1614 : i32 to index
    %get3A_1616 = arith.constant 304 : index
    %get3A_1617 = tpu.vector_load %arg7[%get3A_1615, %get3A_1616] {strides = array<i32>} : memref<16x640xf32, #tpu.memory_space<vmem>>, vector<16xf32>,
    %add3A_1618 = arith.addf %add3A_1613, %get3A_1617 : vector<16xf32>
    %get3A_1619 = arith.constant 6 : i32
    %get3A_1620 = arith.index_cast %get3A_1619 : i32 to index
    %get3A_1621 = arith.constant 304 : index
    %get3A_1622 = tpu.vector_load %arg7[%get3A_1620, %get3A_1621] {strides = array<i32>} : memref<16x640xf32, #tpu.memory_space<vmem>>, vector<16xf32>,
    %add3A_1623 = arith.addf %add3A_1618, %get3A_1622 : vector<16xf32>
    %get3A_1624 = arith.constant 7 : i32
    %get3A_1625 = arith.index_cast %get3A_1624 : i32 to index
    %get3A_1626 = arith.constant 304 : index
    %get3A_1627 = tpu.vector_load %arg7[%get3A_1625, %get3A_1626] {strides = array<i32>} : memref<16x640xf32, #tpu.memory_space<vmem>>, vector<16xf32>,
    %add3A_1628 = arith.addf %add3A_1623, %get3A_1627 : vector<16xf32>
    %get3A_1629 = arith.constant 8 : i32
    %get3A_1630 = arith.index_cast %get3A_1629 : i32 to index
    %get3A_1631 = arith.constant 304 : index
    %get3A_1632 = tpu.vector_load %arg7[%get3A_1630, %get3A_1631] {strides = array<i32>} : memref<16x640xf32, #tpu.memory_space<vmem>>, vector<16xf32>,
    %add3A_1633 = arith.addf %add3A_1628, %get3A_1632 : vector<16xf32>
    %get3A_1634 = arith.constant 9 : i32
    %get3A_1635 = arith.index_cast %get3A_1634 : i32 to index
    %get3A_1636 = arith.constant 304 : index
    %get3A_1637 = tpu.vector_load %arg7[%get3A_1635, %get3A_1636] {strides = array<i32>} : memref<16x640xf32, #tpu.memory_space<vmem>>, vector<16xf32>,
    %add3A_1638 = arith.addf %add3A_1633, %get3A_1637 : vector<16xf32>
    %get3A_1639 = arith.constant 10 : i32
    %get3A_1640 = arith.index_cast %get3A_1639 : i32 to index
    %get3A_1641 = arith.constant 304 : index
    %get3A_1642 = tpu.vector_load %arg7[%get3A_1640, %get3A_1641] {strides = array<i32>} : memref<16x640xf32, #tpu.memory_space<vmem>>, vector<16xf32>,
    %add3A_1643 = arith.addf %add3A_1638, %get3A_1642 : vector<16xf32>
    %get3A_1644 = arith.constant 11 : i32
    %get3A_1645 = arith.index_cast %get3A_1644 : i32 to index
    %get3A_1646 = arith.constant 304 : index
    %get3A_1647 = tpu.vector_load %arg7[%get3A_1645, %get3A_1646] {strides = array<i32>} : memref<16x640xf32, #tpu.memory_space<vmem>>, vector<16xf32>,
    %add3A_1648 = arith.addf %add3A_1643, %get3A_1647 : vector<16xf32>
    %get3A_1649 = arith.constant 12 : i32
    %get3A_1650 = arith.index_cast %get3A_1649 : i32 to index
    %get3A_1651 = arith.constant 304 : index
    %get3A_1652 = tpu.vector_load %arg7[%get3A_1650, %get3A_1651] {strides = array<i32>} : memref<16x640xf32, #tpu.memory_space<vmem>>, vector<16xf32>,
    %add3A_1653 = arith.addf %add3A_1648, %get3A_1652 : vector<16xf32>
    %get3A_1654 = arith.constant 13 : i32
    %get3A_1655 = arith.index_cast %get3A_1654 : i32 to index
    %get3A_1656 = arith.constant 304 : index
    %get3A_1657 = tpu.vector_load %arg7[%get3A_1655, %get3A_1656] {strides = array<i32>} : memref<16x640xf32, #tpu.memory_space<vmem>>, vector<16xf32>,
    %add3A_1658 = arith.addf %add3A_1653, %get3A_1657 : vector<16xf32>
    %get3A_1659 = arith.constant 14 : i32
    %get3A_1660 = arith.index_cast %get3A_1659 : i32 to index
    %get3A_1661 = arith.constant 304 : index
    %get3A_1662 = tpu.vector_load %arg7[%get3A_1660, %get3A_1661] {strides = array<i32>} : memref<16x640xf32, #tpu.memory_space<vmem>>, vector<16xf32>,
    %add3A_1663 = arith.addf %add3A_1658, %get3A_1662 : vector<16xf32>
    %get3A_1664 = arith.constant 15 : i32
    %get3A_1665 = arith.index_cast %get3A_1664 : i32 to index
    %get3A_1666 = arith.constant 304 : index
    %get3A_1667 = tpu.vector_load %arg7[%get3A_1665, %get3A_1666] {strides = array<i32>} : memref<16x640xf32, #tpu.memory_space<vmem>>, vector<16xf32>,
    %add3A_1668 = arith.addf %add3A_1663, %get3A_1667 : vector<16xf32>
    %swap3A_1669 = arith.constant 304 : index
    %swap3A_1670 = tpu.vector_load %arg6[%swap3A_1669] {strides = array<i32>} : memref<10240xf32, #tpu.memory_space<vmem>>, vector<16xf32>,
    tpu.vector_store %arg6[%swap3A_1669], %add3A_1668 {strides = array<i32>} : memref<10240xf32, #tpu.memory_space<vmem>>, vector<16xf32>,
    %get3A_1671 = arith.constant 0 : i32
    %get3A_1672 = arith.index_cast %get3A_1671 : i32 to index
    %get3A_1673 = arith.constant 320 : index
    %get3A_1674 = tpu.vector_load %arg7[%get3A_1672, %get3A_1673] {strides = array<i32>} : memref<16x640xf32, #tpu.memory_space<vmem>>, vector<16xf32>,
    %get3A_1675 = arith.constant 1 : i32
    %get3A_1676 = arith.index_cast %get3A_1675 : i32 to index
    %get3A_1677 = arith.constant 320 : index
    %get3A_1678 = tpu.vector_load %arg7[%get3A_1676, %get3A_1677] {strides = array<i32>} : memref<16x640xf32, #tpu.memory_space<vmem>>, vector<16xf32>,
    %add3A_1679 = arith.addf %get3A_1674, %get3A_1678 : vector<16xf32>
    %get3A_1680 = arith.constant 2 : i32
    %get3A_1681 = arith.index_cast %get3A_1680 : i32 to index
    %get3A_1682 = arith.constant 320 : index
    %get3A_1683 = tpu.vector_load %arg7[%get3A_1681, %get3A_1682] {strides = array<i32>} : memref<16x640xf32, #tpu.memory_space<vmem>>, vector<16xf32>,
    %add3A_1684 = arith.addf %add3A_1679, %get3A_1683 : vector<16xf32>
    %get3A_1685 = arith.constant 3 : i32
    %get3A_1686 = arith.index_cast %get3A_1685 : i32 to index
    %get3A_1687 = arith.constant 320 : index
    %get3A_1688 = tpu.vector_load %arg7[%get3A_1686, %get3A_1687] {strides = array<i32>} : memref<16x640xf32, #tpu.memory_space<vmem>>, vector<16xf32>,
    %add3A_1689 = arith.addf %add3A_1684, %get3A_1688 : vector<16xf32>
    %get3A_1690 = arith.constant 4 : i32
    %get3A_1691 = arith.index_cast %get3A_1690 : i32 to index
    %get3A_1692 = arith.constant 320 : index
    %get3A_1693 = tpu.vector_load %arg7[%get3A_1691, %get3A_1692] {strides = array<i32>} : memref<16x640xf32, #tpu.memory_space<vmem>>, vector<16xf32>,
    %add3A_1694 = arith.addf %add3A_1689, %get3A_1693 : vector<16xf32>
    %get3A_1695 = arith.constant 5 : i32
    %get3A_1696 = arith.index_cast %get3A_1695 : i32 to index
    %get3A_1697 = arith.constant 320 : index
    %get3A_1698 = tpu.vector_load %arg7[%get3A_1696, %get3A_1697] {strides = array<i32>} : memref<16x640xf32, #tpu.memory_space<vmem>>, vector<16xf32>,
    %add3A_1699 = arith.addf %add3A_1694, %get3A_1698 : vector<16xf32>
    %get3A_1700 = arith.constant 6 : i32
    %get3A_1701 = arith.index_cast %get3A_1700 : i32 to index
    %get3A_1702 = arith.constant 320 : index
    %get3A_1703 = tpu.vector_load %arg7[%get3A_1701, %get3A_1702] {strides = array<i32>} : memref<16x640xf32, #tpu.memory_space<vmem>>, vector<16xf32>,
    %add3A_1704 = arith.addf %add3A_1699, %get3A_1703 : vector<16xf32>
    %get3A_1705 = arith.constant 7 : i32
    %get3A_1706 = arith.index_cast %get3A_1705 : i32 to index
    %get3A_1707 = arith.constant 320 : index
    %get3A_1708 = tpu.vector_load %arg7[%get3A_1706, %get3A_1707] {strides = array<i32>} : memref<16x640xf32, #tpu.memory_space<vmem>>, vector<16xf32>,
    %add3A_1709 = arith.addf %add3A_1704, %get3A_1708 : vector<16xf32>
    %get3A_1710 = arith.constant 8 : i32
    %get3A_1711 = arith.index_cast %get3A_1710 : i32 to index
    %get3A_1712 = arith.constant 320 : index
    %get3A_1713 = tpu.vector_load %arg7[%get3A_1711, %get3A_1712] {strides = array<i32>} : memref<16x640xf32, #tpu.memory_space<vmem>>, vector<16xf32>,
    %add3A_1714 = arith.addf %add3A_1709, %get3A_1713 : vector<16xf32>
    %get3A_1715 = arith.constant 9 : i32
    %get3A_1716 = arith.index_cast %get3A_1715 : i32 to index
    %get3A_1717 = arith.constant 320 : index
    %get3A_1718 = tpu.vector_load %arg7[%get3A_1716, %get3A_1717] {strides = array<i32>} : memref<16x640xf32, #tpu.memory_space<vmem>>, vector<16xf32>,
    %add3A_1719 = arith.addf %add3A_1714, %get3A_1718 : vector<16xf32>
    %get3A_1720 = arith.constant 10 : i32
    %get3A_1721 = arith.index_cast %get3A_1720 : i32 to index
    %get3A_1722 = arith.constant 320 : index
    %get3A_1723 = tpu.vector_load %arg7[%get3A_1721, %get3A_1722] {strides = array<i32>} : memref<16x640xf32, #tpu.memory_space<vmem>>, vector<16xf32>,
    %add3A_1724 = arith.addf %add3A_1719, %get3A_1723 : vector<16xf32>
    %get3A_1725 = arith.constant 11 : i32
    %get3A_1726 = arith.index_cast %get3A_1725 : i32 to index
    %get3A_1727 = arith.constant 320 : index
    %get3A_1728 = tpu.vector_load %arg7[%get3A_1726, %get3A_1727] {strides = array<i32>} : memref<16x640xf32, #tpu.memory_space<vmem>>, vector<16xf32>,
    %add3A_1729 = arith.addf %add3A_1724, %get3A_1728 : vector<16xf32>
    %get3A_1730 = arith.constant 12 : i32
    %get3A_1731 = arith.index_cast %get3A_1730 : i32 to index
    %get3A_1732 = arith.constant 320 : index
    %get3A_1733 = tpu.vector_load %arg7[%get3A_1731, %get3A_1732] {strides = array<i32>} : memref<16x640xf32, #tpu.memory_space<vmem>>, vector<16xf32>,
    %add3A_1734 = arith.addf %add3A_1729, %get3A_1733 : vector<16xf32>
    %get3A_1735 = arith.constant 13 : i32
    %get3A_1736 = arith.index_cast %get3A_1735 : i32 to index
    %get3A_1737 = arith.constant 320 : index
    %get3A_1738 = tpu.vector_load %arg7[%get3A_1736, %get3A_1737] {strides = array<i32>} : memref<16x640xf32, #tpu.memory_space<vmem>>, vector<16xf32>,
    %add3A_1739 = arith.addf %add3A_1734, %get3A_1738 : vector<16xf32>
    %get3A_1740 = arith.constant 14 : i32
    %get3A_1741 = arith.index_cast %get3A_1740 : i32 to index
    %get3A_1742 = arith.constant 320 : index
    %get3A_1743 = tpu.vector_load %arg7[%get3A_1741, %get3A_1742] {strides = array<i32>} : memref<16x640xf32, #tpu.memory_space<vmem>>, vector<16xf32>,
    %add3A_1744 = arith.addf %add3A_1739, %get3A_1743 : vector<16xf32>
    %get3A_1745 = arith.constant 15 : i32
    %get3A_1746 = arith.index_cast %get3A_1745 : i32 to index
    %get3A_1747 = arith.constant 320 : index
    %get3A_1748 = tpu.vector_load %arg7[%get3A_1746, %get3A_1747] {strides = array<i32>} : memref<16x640xf32, #tpu.memory_space<vmem>>, vector<16xf32>,
    %add3A_1749 = arith.addf %add3A_1744, %get3A_1748 : vector<16xf32>
    %swap3A_1750 = arith.constant 320 : index
    %swap3A_1751 = tpu.vector_load %arg6[%swap3A_1750] {strides = array<i32>} : memref<10240xf32, #tpu.memory_space<vmem>>, vector<16xf32>,
    tpu.vector_store %arg6[%swap3A_1750], %add3A_1749 {strides = array<i32>} : memref<10240xf32, #tpu.memory_space<vmem>>, vector<16xf32>,
    %get3A_1752 = arith.constant 0 : i32
    %get3A_1753 = arith.index_cast %get3A_1752 : i32 to index
    %get3A_1754 = arith.constant 336 : index
    %get3A_1755 = tpu.vector_load %arg7[%get3A_1753, %get3A_1754] {strides = array<i32>} : memref<16x640xf32, #tpu.memory_space<vmem>>, vector<16xf32>,
    %get3A_1756 = arith.constant 1 : i32
    %get3A_1757 = arith.index_cast %get3A_1756 : i32 to index
    %get3A_1758 = arith.constant 336 : index
    %get3A_1759 = tpu.vector_load %arg7[%get3A_1757, %get3A_1758] {strides = array<i32>} : memref<16x640xf32, #tpu.memory_space<vmem>>, vector<16xf32>,
    %add3A_1760 = arith.addf %get3A_1755, %get3A_1759 : vector<16xf32>
    %get3A_1761 = arith.constant 2 : i32
    %get3A_1762 = arith.index_cast %get3A_1761 : i32 to index
    %get3A_1763 = arith.constant 336 : index
    %get3A_1764 = tpu.vector_load %arg7[%get3A_1762, %get3A_1763] {strides = array<i32>} : memref<16x640xf32, #tpu.memory_space<vmem>>, vector<16xf32>,
    %add3A_1765 = arith.addf %add3A_1760, %get3A_1764 : vector<16xf32>
    %get3A_1766 = arith.constant 3 : i32
    %get3A_1767 = arith.index_cast %get3A_1766 : i32 to index
    %get3A_1768 = arith.constant 336 : index
    %get3A_1769 = tpu.vector_load %arg7[%get3A_1767, %get3A_1768] {strides = array<i32>} : memref<16x640xf32, #tpu.memory_space<vmem>>, vector<16xf32>,
    %add3A_1770 = arith.addf %add3A_1765, %get3A_1769 : vector<16xf32>
    %get3A_1771 = arith.constant 4 : i32
    %get3A_1772 = arith.index_cast %get3A_1771 : i32 to index
    %get3A_1773 = arith.constant 336 : index
    %get3A_1774 = tpu.vector_load %arg7[%get3A_1772, %get3A_1773] {strides = array<i32>} : memref<16x640xf32, #tpu.memory_space<vmem>>, vector<16xf32>,
    %add3A_1775 = arith.addf %add3A_1770, %get3A_1774 : vector<16xf32>
    %get3A_1776 = arith.constant 5 : i32
    %get3A_1777 = arith.index_cast %get3A_1776 : i32 to index
    %get3A_1778 = arith.constant 336 : index
    %get3A_1779 = tpu.vector_load %arg7[%get3A_1777, %get3A_1778] {strides = array<i32>} : memref<16x640xf32, #tpu.memory_space<vmem>>, vector<16xf32>,
    %add3A_1780 = arith.addf %add3A_1775, %get3A_1779 : vector<16xf32>
    %get3A_1781 = arith.constant 6 : i32
    %get3A_1782 = arith.index_cast %get3A_1781 : i32 to index
    %get3A_1783 = arith.constant 336 : index
    %get3A_1784 = tpu.vector_load %arg7[%get3A_1782, %get3A_1783] {strides = array<i32>} : memref<16x640xf32, #tpu.memory_space<vmem>>, vector<16xf32>,
    %add3A_1785 = arith.addf %add3A_1780, %get3A_1784 : vector<16xf32>
    %get3A_1786 = arith.constant 7 : i32
    %get3A_1787 = arith.index_cast %get3A_1786 : i32 to index
    %get3A_1788 = arith.constant 336 : index
    %get3A_1789 = tpu.vector_load %arg7[%get3A_1787, %get3A_1788] {strides = array<i32>} : memref<16x640xf32, #tpu.memory_space<vmem>>, vector<16xf32>,
    %add3A_1790 = arith.addf %add3A_1785, %get3A_1789 : vector<16xf32>
    %get3A_1791 = arith.constant 8 : i32
    %get3A_1792 = arith.index_cast %get3A_1791 : i32 to index
    %get3A_1793 = arith.constant 336 : index
    %get3A_1794 = tpu.vector_load %arg7[%get3A_1792, %get3A_1793] {strides = array<i32>} : memref<16x640xf32, #tpu.memory_space<vmem>>, vector<16xf32>,
    %add3A_1795 = arith.addf %add3A_1790, %get3A_1794 : vector<16xf32>
    %get3A_1796 = arith.constant 9 : i32
    %get3A_1797 = arith.index_cast %get3A_1796 : i32 to index
    %get3A_1798 = arith.constant 336 : index
    %get3A_1799 = tpu.vector_load %arg7[%get3A_1797, %get3A_1798] {strides = array<i32>} : memref<16x640xf32, #tpu.memory_space<vmem>>, vector<16xf32>,
    %add3A_1800 = arith.addf %add3A_1795, %get3A_1799 : vector<16xf32>
    %get3A_1801 = arith.constant 10 : i32
    %get3A_1802 = arith.index_cast %get3A_1801 : i32 to index
    %get3A_1803 = arith.constant 336 : index
    %get3A_1804 = tpu.vector_load %arg7[%get3A_1802, %get3A_1803] {strides = array<i32>} : memref<16x640xf32, #tpu.memory_space<vmem>>, vector<16xf32>,
    %add3A_1805 = arith.addf %add3A_1800, %get3A_1804 : vector<16xf32>
    %get3A_1806 = arith.constant 11 : i32
    %get3A_1807 = arith.index_cast %get3A_1806 : i32 to index
    %get3A_1808 = arith.constant 336 : index
    %get3A_1809 = tpu.vector_load %arg7[%get3A_1807, %get3A_1808] {strides = array<i32>} : memref<16x640xf32, #tpu.memory_space<vmem>>, vector<16xf32>,
    %add3A_1810 = arith.addf %add3A_1805, %get3A_1809 : vector<16xf32>
    %get3A_1811 = arith.constant 12 : i32
    %get3A_1812 = arith.index_cast %get3A_1811 : i32 to index
    %get3A_1813 = arith.constant 336 : index
    %get3A_1814 = tpu.vector_load %arg7[%get3A_1812, %get3A_1813] {strides = array<i32>} : memref<16x640xf32, #tpu.memory_space<vmem>>, vector<16xf32>,
    %add3A_1815 = arith.addf %add3A_1810, %get3A_1814 : vector<16xf32>
    %get3A_1816 = arith.constant 13 : i32
    %get3A_1817 = arith.index_cast %get3A_1816 : i32 to index
    %get3A_1818 = arith.constant 336 : index
    %get3A_1819 = tpu.vector_load %arg7[%get3A_1817, %get3A_1818] {strides = array<i32>} : memref<16x640xf32, #tpu.memory_space<vmem>>, vector<16xf32>,
    %add3A_1820 = arith.addf %add3A_1815, %get3A_1819 : vector<16xf32>
    %get3A_1821 = arith.constant 14 : i32
    %get3A_1822 = arith.index_cast %get3A_1821 : i32 to index
    %get3A_1823 = arith.constant 336 : index
    %get3A_1824 = tpu.vector_load %arg7[%get3A_1822, %get3A_1823] {strides = array<i32>} : memref<16x640xf32, #tpu.memory_space<vmem>>, vector<16xf32>,
    %add3A_1825 = arith.addf %add3A_1820, %get3A_1824 : vector<16xf32>
    %get3A_1826 = arith.constant 15 : i32
    %get3A_1827 = arith.index_cast %get3A_1826 : i32 to index
    %get3A_1828 = arith.constant 336 : index
    %get3A_1829 = tpu.vector_load %arg7[%get3A_1827, %get3A_1828] {strides = array<i32>} : memref<16x640xf32, #tpu.memory_space<vmem>>, vector<16xf32>,
    %add3A_1830 = arith.addf %add3A_1825, %get3A_1829 : vector<16xf32>
    %swap3A_1831 = arith.constant 336 : index
    %swap3A_1832 = tpu.vector_load %arg6[%swap3A_1831] {strides = array<i32>} : memref<10240xf32, #tpu.memory_space<vmem>>, vector<16xf32>,
    tpu.vector_store %arg6[%swap3A_1831], %add3A_1830 {strides = array<i32>} : memref<10240xf32, #tpu.memory_space<vmem>>, vector<16xf32>,
    %get3A_1833 = arith.constant 0 : i32
    %get3A_1834 = arith.index_cast %get3A_1833 : i32 to index
    %get3A_1835 = arith.constant 352 : index
    %get3A_1836 = tpu.vector_load %arg7[%get3A_1834, %get3A_1835] {strides = array<i32>} : memref<16x640xf32, #tpu.memory_space<vmem>>, vector<16xf32>,
    %get3A_1837 = arith.constant 1 : i32
    %get3A_1838 = arith.index_cast %get3A_1837 : i32 to index
    %get3A_1839 = arith.constant 352 : index
    %get3A_1840 = tpu.vector_load %arg7[%get3A_1838, %get3A_1839] {strides = array<i32>} : memref<16x640xf32, #tpu.memory_space<vmem>>, vector<16xf32>,
    %add3A_1841 = arith.addf %get3A_1836, %get3A_1840 : vector<16xf32>
    %get3A_1842 = arith.constant 2 : i32
    %get3A_1843 = arith.index_cast %get3A_1842 : i32 to index
    %get3A_1844 = arith.constant 352 : index
    %get3A_1845 = tpu.vector_load %arg7[%get3A_1843, %get3A_1844] {strides = array<i32>} : memref<16x640xf32, #tpu.memory_space<vmem>>, vector<16xf32>,
    %add3A_1846 = arith.addf %add3A_1841, %get3A_1845 : vector<16xf32>
    %get3A_1847 = arith.constant 3 : i32
    %get3A_1848 = arith.index_cast %get3A_1847 : i32 to index
    %get3A_1849 = arith.constant 352 : index
    %get3A_1850 = tpu.vector_load %arg7[%get3A_1848, %get3A_1849] {strides = array<i32>} : memref<16x640xf32, #tpu.memory_space<vmem>>, vector<16xf32>,
    %add3A_1851 = arith.addf %add3A_1846, %get3A_1850 : vector<16xf32>
    %get3A_1852 = arith.constant 4 : i32
    %get3A_1853 = arith.index_cast %get3A_1852 : i32 to index
    %get3A_1854 = arith.constant 352 : index
    %get3A_1855 = tpu.vector_load %arg7[%get3A_1853, %get3A_1854] {strides = array<i32>} : memref<16x640xf32, #tpu.memory_space<vmem>>, vector<16xf32>,
    %add3A_1856 = arith.addf %add3A_1851, %get3A_1855 : vector<16xf32>
    %get3A_1857 = arith.constant 5 : i32
    %get3A_1858 = arith.index_cast %get3A_1857 : i32 to index
    %get3A_1859 = arith.constant 352 : index
    %get3A_1860 = tpu.vector_load %arg7[%get3A_1858, %get3A_1859] {strides = array<i32>} : memref<16x640xf32, #tpu.memory_space<vmem>>, vector<16xf32>,
    %add3A_1861 = arith.addf %add3A_1856, %get3A_1860 : vector<16xf32>
    %get3A_1862 = arith.constant 6 : i32
    %get3A_1863 = arith.index_cast %get3A_1862 : i32 to index
    %get3A_1864 = arith.constant 352 : index
    %get3A_1865 = tpu.vector_load %arg7[%get3A_1863, %get3A_1864] {strides = array<i32>} : memref<16x640xf32, #tpu.memory_space<vmem>>, vector<16xf32>,
    %add3A_1866 = arith.addf %add3A_1861, %get3A_1865 : vector<16xf32>
    %get3A_1867 = arith.constant 7 : i32
    %get3A_1868 = arith.index_cast %get3A_1867 : i32 to index
    %get3A_1869 = arith.constant 352 : index
    %get3A_1870 = tpu.vector_load %arg7[%get3A_1868, %get3A_1869] {strides = array<i32>} : memref<16x640xf32, #tpu.memory_space<vmem>>, vector<16xf32>,
    %add3A_1871 = arith.addf %add3A_1866, %get3A_1870 : vector<16xf32>
    %get3A_1872 = arith.constant 8 : i32
    %get3A_1873 = arith.index_cast %get3A_1872 : i32 to index
    %get3A_1874 = arith.constant 352 : index
    %get3A_1875 = tpu.vector_load %arg7[%get3A_1873, %get3A_1874] {strides = array<i32>} : memref<16x640xf32, #tpu.memory_space<vmem>>, vector<16xf32>,
    %add3A_1876 = arith.addf %add3A_1871, %get3A_1875 : vector<16xf32>
    %get3A_1877 = arith.constant 9 : i32
    %get3A_1878 = arith.index_cast %get3A_1877 : i32 to index
    %get3A_1879 = arith.constant 352 : index
    %get3A_1880 = tpu.vector_load %arg7[%get3A_1878, %get3A_1879] {strides = array<i32>} : memref<16x640xf32, #tpu.memory_space<vmem>>, vector<16xf32>,
    %add3A_1881 = arith.addf %add3A_1876, %get3A_1880 : vector<16xf32>
    %get3A_1882 = arith.constant 10 : i32
    %get3A_1883 = arith.index_cast %get3A_1882 : i32 to index
    %get3A_1884 = arith.constant 352 : index
    %get3A_1885 = tpu.vector_load %arg7[%get3A_1883, %get3A_1884] {strides = array<i32>} : memref<16x640xf32, #tpu.memory_space<vmem>>, vector<16xf32>,
    %add3A_1886 = arith.addf %add3A_1881, %get3A_1885 : vector<16xf32>
    %get3A_1887 = arith.constant 11 : i32
    %get3A_1888 = arith.index_cast %get3A_1887 : i32 to index
    %get3A_1889 = arith.constant 352 : index
    %get3A_1890 = tpu.vector_load %arg7[%get3A_1888, %get3A_1889] {strides = array<i32>} : memref<16x640xf32, #tpu.memory_space<vmem>>, vector<16xf32>,
    %add3A_1891 = arith.addf %add3A_1886, %get3A_1890 : vector<16xf32>
    %get3A_1892 = arith.constant 12 : i32
    %get3A_1893 = arith.index_cast %get3A_1892 : i32 to index
    %get3A_1894 = arith.constant 352 : index
    %get3A_1895 = tpu.vector_load %arg7[%get3A_1893, %get3A_1894] {strides = array<i32>} : memref<16x640xf32, #tpu.memory_space<vmem>>, vector<16xf32>,
    %add3A_1896 = arith.addf %add3A_1891, %get3A_1895 : vector<16xf32>
    %get3A_1897 = arith.constant 13 : i32
    %get3A_1898 = arith.index_cast %get3A_1897 : i32 to index
    %get3A_1899 = arith.constant 352 : index
    %get3A_1900 = tpu.vector_load %arg7[%get3A_1898, %get3A_1899] {strides = array<i32>} : memref<16x640xf32, #tpu.memory_space<vmem>>, vector<16xf32>,
    %add3A_1901 = arith.addf %add3A_1896, %get3A_1900 : vector<16xf32>
    %get3A_1902 = arith.constant 14 : i32
    %get3A_1903 = arith.index_cast %get3A_1902 : i32 to index
    %get3A_1904 = arith.constant 352 : index
    %get3A_1905 = tpu.vector_load %arg7[%get3A_1903, %get3A_1904] {strides = array<i32>} : memref<16x640xf32, #tpu.memory_space<vmem>>, vector<16xf32>,
    %add3A_1906 = arith.addf %add3A_1901, %get3A_1905 : vector<16xf32>
    %get3A_1907 = arith.constant 15 : i32
    %get3A_1908 = arith.index_cast %get3A_1907 : i32 to index
    %get3A_1909 = arith.constant 352 : index
    %get3A_1910 = tpu.vector_load %arg7[%get3A_1908, %get3A_1909] {strides = array<i32>} : memref<16x640xf32, #tpu.memory_space<vmem>>, vector<16xf32>,
    %add3A_1911 = arith.addf %add3A_1906, %get3A_1910 : vector<16xf32>
    %swap3A_1912 = arith.constant 352 : index
    %swap3A_1913 = tpu.vector_load %arg6[%swap3A_1912] {strides = array<i32>} : memref<10240xf32, #tpu.memory_space<vmem>>, vector<16xf32>,
    tpu.vector_store %arg6[%swap3A_1912], %add3A_1911 {strides = array<i32>} : memref<10240xf32, #tpu.memory_space<vmem>>, vector<16xf32>,
    %get3A_1914 = arith.constant 0 : i32
    %get3A_1915 = arith.index_cast %get3A_1914 : i32 to index
    %get3A_1916 = arith.constant 368 : index
    %get3A_1917 = tpu.vector_load %arg7[%get3A_1915, %get3A_1916] {strides = array<i32>} : memref<16x640xf32, #tpu.memory_space<vmem>>, vector<16xf32>,
    %get3A_1918 = arith.constant 1 : i32
    %get3A_1919 = arith.index_cast %get3A_1918 : i32 to index
    %get3A_1920 = arith.constant 368 : index
    %get3A_1921 = tpu.vector_load %arg7[%get3A_1919, %get3A_1920] {strides = array<i32>} : memref<16x640xf32, #tpu.memory_space<vmem>>, vector<16xf32>,
    %add3A_1922 = arith.addf %get3A_1917, %get3A_1921 : vector<16xf32>
    %get3A_1923 = arith.constant 2 : i32
    %get3A_1924 = arith.index_cast %get3A_1923 : i32 to index
    %get3A_1925 = arith.constant 368 : index
    %get3A_1926 = tpu.vector_load %arg7[%get3A_1924, %get3A_1925] {strides = array<i32>} : memref<16x640xf32, #tpu.memory_space<vmem>>, vector<16xf32>,
    %add3A_1927 = arith.addf %add3A_1922, %get3A_1926 : vector<16xf32>
    %get3A_1928 = arith.constant 3 : i32
    %get3A_1929 = arith.index_cast %get3A_1928 : i32 to index
    %get3A_1930 = arith.constant 368 : index
    %get3A_1931 = tpu.vector_load %arg7[%get3A_1929, %get3A_1930] {strides = array<i32>} : memref<16x640xf32, #tpu.memory_space<vmem>>, vector<16xf32>,
    %add3A_1932 = arith.addf %add3A_1927, %get3A_1931 : vector<16xf32>
    %get3A_1933 = arith.constant 4 : i32
    %get3A_1934 = arith.index_cast %get3A_1933 : i32 to index
    %get3A_1935 = arith.constant 368 : index
    %get3A_1936 = tpu.vector_load %arg7[%get3A_1934, %get3A_1935] {strides = array<i32>} : memref<16x640xf32, #tpu.memory_space<vmem>>, vector<16xf32>,
    %add3A_1937 = arith.addf %add3A_1932, %get3A_1936 : vector<16xf32>
    %get3A_1938 = arith.constant 5 : i32
    %get3A_1939 = arith.index_cast %get3A_1938 : i32 to index
    %get3A_1940 = arith.constant 368 : index
    %get3A_1941 = tpu.vector_load %arg7[%get3A_1939, %get3A_1940] {strides = array<i32>} : memref<16x640xf32, #tpu.memory_space<vmem>>, vector<16xf32>,
    %add3A_1942 = arith.addf %add3A_1937, %get3A_1941 : vector<16xf32>
    %get3A_1943 = arith.constant 6 : i32
    %get3A_1944 = arith.index_cast %get3A_1943 : i32 to index
    %get3A_1945 = arith.constant 368 : index
    %get3A_1946 = tpu.vector_load %arg7[%get3A_1944, %get3A_1945] {strides = array<i32>} : memref<16x640xf32, #tpu.memory_space<vmem>>, vector<16xf32>,
    %add3A_1947 = arith.addf %add3A_1942, %get3A_1946 : vector<16xf32>
    %get3A_1948 = arith.constant 7 : i32
    %get3A_1949 = arith.index_cast %get3A_1948 : i32 to index
    %get3A_1950 = arith.constant 368 : index
    %get3A_1951 = tpu.vector_load %arg7[%get3A_1949, %get3A_1950] {strides = array<i32>} : memref<16x640xf32, #tpu.memory_space<vmem>>, vector<16xf32>,
    %add3A_1952 = arith.addf %add3A_1947, %get3A_1951 : vector<16xf32>
    %get3A_1953 = arith.constant 8 : i32
    %get3A_1954 = arith.index_cast %get3A_1953 : i32 to index
    %get3A_1955 = arith.constant 368 : index
    %get3A_1956 = tpu.vector_load %arg7[%get3A_1954, %get3A_1955] {strides = array<i32>} : memref<16x640xf32, #tpu.memory_space<vmem>>, vector<16xf32>,
    %add3A_1957 = arith.addf %add3A_1952, %get3A_1956 : vector<16xf32>
    %get3A_1958 = arith.constant 9 : i32
    %get3A_1959 = arith.index_cast %get3A_1958 : i32 to index
    %get3A_1960 = arith.constant 368 : index
    %get3A_1961 = tpu.vector_load %arg7[%get3A_1959, %get3A_1960] {strides = array<i32>} : memref<16x640xf32, #tpu.memory_space<vmem>>, vector<16xf32>,
    %add3A_1962 = arith.addf %add3A_1957, %get3A_1961 : vector<16xf32>
    %get3A_1963 = arith.constant 10 : i32
    %get3A_1964 = arith.index_cast %get3A_1963 : i32 to index
    %get3A_1965 = arith.constant 368 : index
    %get3A_1966 = tpu.vector_load %arg7[%get3A_1964, %get3A_1965] {strides = array<i32>} : memref<16x640xf32, #tpu.memory_space<vmem>>, vector<16xf32>,
    %add3A_1967 = arith.addf %add3A_1962, %get3A_1966 : vector<16xf32>
    %get3A_1968 = arith.constant 11 : i32
    %get3A_1969 = arith.index_cast %get3A_1968 : i32 to index
    %get3A_1970 = arith.constant 368 : index
    %get3A_1971 = tpu.vector_load %arg7[%get3A_1969, %get3A_1970] {strides = array<i32>} : memref<16x640xf32, #tpu.memory_space<vmem>>, vector<16xf32>,
    %add3A_1972 = arith.addf %add3A_1967, %get3A_1971 : vector<16xf32>
    %get3A_1973 = arith.constant 12 : i32
    %get3A_1974 = arith.index_cast %get3A_1973 : i32 to index
    %get3A_1975 = arith.constant 368 : index
    %get3A_1976 = tpu.vector_load %arg7[%get3A_1974, %get3A_1975] {strides = array<i32>} : memref<16x640xf32, #tpu.memory_space<vmem>>, vector<16xf32>,
    %add3A_1977 = arith.addf %add3A_1972, %get3A_1976 : vector<16xf32>
    %get3A_1978 = arith.constant 13 : i32
    %get3A_1979 = arith.index_cast %get3A_1978 : i32 to index
    %get3A_1980 = arith.constant 368 : index
    %get3A_1981 = tpu.vector_load %arg7[%get3A_1979, %get3A_1980] {strides = array<i32>} : memref<16x640xf32, #tpu.memory_space<vmem>>, vector<16xf32>,
    %add3A_1982 = arith.addf %add3A_1977, %get3A_1981 : vector<16xf32>
    %get3A_1983 = arith.constant 14 : i32
    %get3A_1984 = arith.index_cast %get3A_1983 : i32 to index
    %get3A_1985 = arith.constant 368 : index
    %get3A_1986 = tpu.vector_load %arg7[%get3A_1984, %get3A_1985] {strides = array<i32>} : memref<16x640xf32, #tpu.memory_space<vmem>>, vector<16xf32>,
    %add3A_1987 = arith.addf %add3A_1982, %get3A_1986 : vector<16xf32>
    %get3A_1988 = arith.constant 15 : i32
    %get3A_1989 = arith.index_cast %get3A_1988 : i32 to index
    %get3A_1990 = arith.constant 368 : index
    %get3A_1991 = tpu.vector_load %arg7[%get3A_1989, %get3A_1990] {strides = array<i32>} : memref<16x640xf32, #tpu.memory_space<vmem>>, vector<16xf32>,
    %add3A_1992 = arith.addf %add3A_1987, %get3A_1991 : vector<16xf32>
    %swap3A_1993 = arith.constant 368 : index
    %swap3A_1994 = tpu.vector_load %arg6[%swap3A_1993] {strides = array<i32>} : memref<10240xf32, #tpu.memory_space<vmem>>, vector<16xf32>,
    tpu.vector_store %arg6[%swap3A_1993], %add3A_1992 {strides = array<i32>} : memref<10240xf32, #tpu.memory_space<vmem>>, vector<16xf32>,
    %get3A_1995 = arith.constant 0 : i32
    %get3A_1996 = arith.index_cast %get3A_1995 : i32 to index
    %get3A_1997 = arith.constant 384 : index
    %get3A_1998 = tpu.vector_load %arg7[%get3A_1996, %get3A_1997] {strides = array<i32>} : memref<16x640xf32, #tpu.memory_space<vmem>>, vector<16xf32>,
    %get3A_1999 = arith.constant 1 : i32
    %get3A_2000 = arith.index_cast %get3A_1999 : i32 to index
    %get3A_2001 = arith.constant 384 : index
    %get3A_2002 = tpu.vector_load %arg7[%get3A_2000, %get3A_2001] {strides = array<i32>} : memref<16x640xf32, #tpu.memory_space<vmem>>, vector<16xf32>,
    %add3A_2003 = arith.addf %get3A_1998, %get3A_2002 : vector<16xf32>
    %get3A_2004 = arith.constant 2 : i32
    %get3A_2005 = arith.index_cast %get3A_2004 : i32 to index
    %get3A_2006 = arith.constant 384 : index
    %get3A_2007 = tpu.vector_load %arg7[%get3A_2005, %get3A_2006] {strides = array<i32>} : memref<16x640xf32, #tpu.memory_space<vmem>>, vector<16xf32>,
    %add3A_2008 = arith.addf %add3A_2003, %get3A_2007 : vector<16xf32>
    %get3A_2009 = arith.constant 3 : i32
    %get3A_2010 = arith.index_cast %get3A_2009 : i32 to index
    %get3A_2011 = arith.constant 384 : index
    %get3A_2012 = tpu.vector_load %arg7[%get3A_2010, %get3A_2011] {strides = array<i32>} : memref<16x640xf32, #tpu.memory_space<vmem>>, vector<16xf32>,
    %add3A_2013 = arith.addf %add3A_2008, %get3A_2012 : vector<16xf32>
    %get3A_2014 = arith.constant 4 : i32
    %get3A_2015 = arith.index_cast %get3A_2014 : i32 to index
    %get3A_2016 = arith.constant 384 : index
    %get3A_2017 = tpu.vector_load %arg7[%get3A_2015, %get3A_2016] {strides = array<i32>} : memref<16x640xf32, #tpu.memory_space<vmem>>, vector<16xf32>,
    %add3A_2018 = arith.addf %add3A_2013, %get3A_2017 : vector<16xf32>
    %get3A_2019 = arith.constant 5 : i32
    %get3A_2020 = arith.index_cast %get3A_2019 : i32 to index
    %get3A_2021 = arith.constant 384 : index
    %get3A_2022 = tpu.vector_load %arg7[%get3A_2020, %get3A_2021] {strides = array<i32>} : memref<16x640xf32, #tpu.memory_space<vmem>>, vector<16xf32>,
    %add3A_2023 = arith.addf %add3A_2018, %get3A_2022 : vector<16xf32>
    %get3A_2024 = arith.constant 6 : i32
    %get3A_2025 = arith.index_cast %get3A_2024 : i32 to index
    %get3A_2026 = arith.constant 384 : index
    %get3A_2027 = tpu.vector_load %arg7[%get3A_2025, %get3A_2026] {strides = array<i32>} : memref<16x640xf32, #tpu.memory_space<vmem>>, vector<16xf32>,
    %add3A_2028 = arith.addf %add3A_2023, %get3A_2027 : vector<16xf32>
    %get3A_2029 = arith.constant 7 : i32
    %get3A_2030 = arith.index_cast %get3A_2029 : i32 to index
    %get3A_2031 = arith.constant 384 : index
    %get3A_2032 = tpu.vector_load %arg7[%get3A_2030, %get3A_2031] {strides = array<i32>} : memref<16x640xf32, #tpu.memory_space<vmem>>, vector<16xf32>,
    %add3A_2033 = arith.addf %add3A_2028, %get3A_2032 : vector<16xf32>
    %get3A_2034 = arith.constant 8 : i32
    %get3A_2035 = arith.index_cast %get3A_2034 : i32 to index
    %get3A_2036 = arith.constant 384 : index
    %get3A_2037 = tpu.vector_load %arg7[%get3A_2035, %get3A_2036] {strides = array<i32>} : memref<16x640xf32, #tpu.memory_space<vmem>>, vector<16xf32>,
    %add3A_2038 = arith.addf %add3A_2033, %get3A_2037 : vector<16xf32>
    %get3A_2039 = arith.constant 9 : i32
    %get3A_2040 = arith.index_cast %get3A_2039 : i32 to index
    %get3A_2041 = arith.constant 384 : index
    %get3A_2042 = tpu.vector_load %arg7[%get3A_2040, %get3A_2041] {strides = array<i32>} : memref<16x640xf32, #tpu.memory_space<vmem>>, vector<16xf32>,
    %add3A_2043 = arith.addf %add3A_2038, %get3A_2042 : vector<16xf32>
    %get3A_2044 = arith.constant 10 : i32
    %get3A_2045 = arith.index_cast %get3A_2044 : i32 to index
    %get3A_2046 = arith.constant 384 : index
    %get3A_2047 = tpu.vector_load %arg7[%get3A_2045, %get3A_2046] {strides = array<i32>} : memref<16x640xf32, #tpu.memory_space<vmem>>, vector<16xf32>,
    %add3A_2048 = arith.addf %add3A_2043, %get3A_2047 : vector<16xf32>
    %get3A_2049 = arith.constant 11 : i32
    %get3A_2050 = arith.index_cast %get3A_2049 : i32 to index
    %get3A_2051 = arith.constant 384 : index
    %get3A_2052 = tpu.vector_load %arg7[%get3A_2050, %get3A_2051] {strides = array<i32>} : memref<16x640xf32, #tpu.memory_space<vmem>>, vector<16xf32>,
    %add3A_2053 = arith.addf %add3A_2048, %get3A_2052 : vector<16xf32>
    %get3A_2054 = arith.constant 12 : i32
    %get3A_2055 = arith.index_cast %get3A_2054 : i32 to index
    %get3A_2056 = arith.constant 384 : index
    %get3A_2057 = tpu.vector_load %arg7[%get3A_2055, %get3A_2056] {strides = array<i32>} : memref<16x640xf32, #tpu.memory_space<vmem>>, vector<16xf32>,
    %add3A_2058 = arith.addf %add3A_2053, %get3A_2057 : vector<16xf32>
    %get3A_2059 = arith.constant 13 : i32
    %get3A_2060 = arith.index_cast %get3A_2059 : i32 to index
    %get3A_2061 = arith.constant 384 : index
    %get3A_2062 = tpu.vector_load %arg7[%get3A_2060, %get3A_2061] {strides = array<i32>} : memref<16x640xf32, #tpu.memory_space<vmem>>, vector<16xf32>,
    %add3A_2063 = arith.addf %add3A_2058, %get3A_2062 : vector<16xf32>
    %get3A_2064 = arith.constant 14 : i32
    %get3A_2065 = arith.index_cast %get3A_2064 : i32 to index
    %get3A_2066 = arith.constant 384 : index
    %get3A_2067 = tpu.vector_load %arg7[%get3A_2065, %get3A_2066] {strides = array<i32>} : memref<16x640xf32, #tpu.memory_space<vmem>>, vector<16xf32>,
    %add3A_2068 = arith.addf %add3A_2063, %get3A_2067 : vector<16xf32>
    %get3A_2069 = arith.constant 15 : i32
    %get3A_2070 = arith.index_cast %get3A_2069 : i32 to index
    %get3A_2071 = arith.constant 384 : index
    %get3A_2072 = tpu.vector_load %arg7[%get3A_2070, %get3A_2071] {strides = array<i32>} : memref<16x640xf32, #tpu.memory_space<vmem>>, vector<16xf32>,
    %add3A_2073 = arith.addf %add3A_2068, %get3A_2072 : vector<16xf32>
    %swap3A_2074 = arith.constant 384 : index
    %swap3A_2075 = tpu.vector_load %arg6[%swap3A_2074] {strides = array<i32>} : memref<10240xf32, #tpu.memory_space<vmem>>, vector<16xf32>,
    tpu.vector_store %arg6[%swap3A_2074], %add3A_2073 {strides = array<i32>} : memref<10240xf32, #tpu.memory_space<vmem>>, vector<16xf32>,
    %get3A_2076 = arith.constant 0 : i32
    %get3A_2077 = arith.index_cast %get3A_2076 : i32 to index
    %get3A_2078 = arith.constant 400 : index
    %get3A_2079 = tpu.vector_load %arg7[%get3A_2077, %get3A_2078] {strides = array<i32>} : memref<16x640xf32, #tpu.memory_space<vmem>>, vector<16xf32>,
    %get3A_2080 = arith.constant 1 : i32
    %get3A_2081 = arith.index_cast %get3A_2080 : i32 to index
    %get3A_2082 = arith.constant 400 : index
    %get3A_2083 = tpu.vector_load %arg7[%get3A_2081, %get3A_2082] {strides = array<i32>} : memref<16x640xf32, #tpu.memory_space<vmem>>, vector<16xf32>,
    %add3A_2084 = arith.addf %get3A_2079, %get3A_2083 : vector<16xf32>
    %get3A_2085 = arith.constant 2 : i32
    %get3A_2086 = arith.index_cast %get3A_2085 : i32 to index
    %get3A_2087 = arith.constant 400 : index
    %get3A_2088 = tpu.vector_load %arg7[%get3A_2086, %get3A_2087] {strides = array<i32>} : memref<16x640xf32, #tpu.memory_space<vmem>>, vector<16xf32>,
    %add3A_2089 = arith.addf %add3A_2084, %get3A_2088 : vector<16xf32>
    %get3A_2090 = arith.constant 3 : i32
    %get3A_2091 = arith.index_cast %get3A_2090 : i32 to index
    %get3A_2092 = arith.constant 400 : index
    %get3A_2093 = tpu.vector_load %arg7[%get3A_2091, %get3A_2092] {strides = array<i32>} : memref<16x640xf32, #tpu.memory_space<vmem>>, vector<16xf32>,
    %add3A_2094 = arith.addf %add3A_2089, %get3A_2093 : vector<16xf32>
    %get3A_2095 = arith.constant 4 : i32
    %get3A_2096 = arith.index_cast %get3A_2095 : i32 to index
    %get3A_2097 = arith.constant 400 : index
    %get3A_2098 = tpu.vector_load %arg7[%get3A_2096, %get3A_2097] {strides = array<i32>} : memref<16x640xf32, #tpu.memory_space<vmem>>, vector<16xf32>,
    %add3A_2099 = arith.addf %add3A_2094, %get3A_2098 : vector<16xf32>
    %get3A_2100 = arith.constant 5 : i32
    %get3A_2101 = arith.index_cast %get3A_2100 : i32 to index
    %get3A_2102 = arith.constant 400 : index
    %get3A_2103 = tpu.vector_load %arg7[%get3A_2101, %get3A_2102] {strides = array<i32>} : memref<16x640xf32, #tpu.memory_space<vmem>>, vector<16xf32>,
    %add3A_2104 = arith.addf %add3A_2099, %get3A_2103 : vector<16xf32>
    %get3A_2105 = arith.constant 6 : i32
    %get3A_2106 = arith.index_cast %get3A_2105 : i32 to index
    %get3A_2107 = arith.constant 400 : index
    %get3A_2108 = tpu.vector_load %arg7[%get3A_2106, %get3A_2107] {strides = array<i32>} : memref<16x640xf32, #tpu.memory_space<vmem>>, vector<16xf32>,
    %add3A_2109 = arith.addf %add3A_2104, %get3A_2108 : vector<16xf32>
    %get3A_2110 = arith.constant 7 : i32
    %get3A_2111 = arith.index_cast %get3A_2110 : i32 to index
    %get3A_2112 = arith.constant 400 : index
    %get3A_2113 = tpu.vector_load %arg7[%get3A_2111, %get3A_2112] {strides = array<i32>} : memref<16x640xf32, #tpu.memory_space<vmem>>, vector<16xf32>,
    %add3A_2114 = arith.addf %add3A_2109, %get3A_2113 : vector<16xf32>
    %get3A_2115 = arith.constant 8 : i32
    %get3A_2116 = arith.index_cast %get3A_2115 : i32 to index
    %get3A_2117 = arith.constant 400 : index
    %get3A_2118 = tpu.vector_load %arg7[%get3A_2116, %get3A_2117] {strides = array<i32>} : memref<16x640xf32, #tpu.memory_space<vmem>>, vector<16xf32>,
    %add3A_2119 = arith.addf %add3A_2114, %get3A_2118 : vector<16xf32>
    %get3A_2120 = arith.constant 9 : i32
    %get3A_2121 = arith.index_cast %get3A_2120 : i32 to index
    %get3A_2122 = arith.constant 400 : index
    %get3A_2123 = tpu.vector_load %arg7[%get3A_2121, %get3A_2122] {strides = array<i32>} : memref<16x640xf32, #tpu.memory_space<vmem>>, vector<16xf32>,
    %add3A_2124 = arith.addf %add3A_2119, %get3A_2123 : vector<16xf32>
    %get3A_2125 = arith.constant 10 : i32
    %get3A_2126 = arith.index_cast %get3A_2125 : i32 to index
    %get3A_2127 = arith.constant 400 : index
    %get3A_2128 = tpu.vector_load %arg7[%get3A_2126, %get3A_2127] {strides = array<i32>} : memref<16x640xf32, #tpu.memory_space<vmem>>, vector<16xf32>,
    %add3A_2129 = arith.addf %add3A_2124, %get3A_2128 : vector<16xf32>
    %get3A_2130 = arith.constant 11 : i32
    %get3A_2131 = arith.index_cast %get3A_2130 : i32 to index
    %get3A_2132 = arith.constant 400 : index
    %get3A_2133 = tpu.vector_load %arg7[%get3A_2131, %get3A_2132] {strides = array<i32>} : memref<16x640xf32, #tpu.memory_space<vmem>>, vector<16xf32>,
    %add3A_2134 = arith.addf %add3A_2129, %get3A_2133 : vector<16xf32>
    %get3A_2135 = arith.constant 12 : i32
    %get3A_2136 = arith.index_cast %get3A_2135 : i32 to index
    %get3A_2137 = arith.constant 400 : index
    %get3A_2138 = tpu.vector_load %arg7[%get3A_2136, %get3A_2137] {strides = array<i32>} : memref<16x640xf32, #tpu.memory_space<vmem>>, vector<16xf32>,
    %add3A_2139 = arith.addf %add3A_2134, %get3A_2138 : vector<16xf32>
    %get3A_2140 = arith.constant 13 : i32
    %get3A_2141 = arith.index_cast %get3A_2140 : i32 to index
    %get3A_2142 = arith.constant 400 : index
    %get3A_2143 = tpu.vector_load %arg7[%get3A_2141, %get3A_2142] {strides = array<i32>} : memref<16x640xf32, #tpu.memory_space<vmem>>, vector<16xf32>,
    %add3A_2144 = arith.addf %add3A_2139, %get3A_2143 : vector<16xf32>
    %get3A_2145 = arith.constant 14 : i32
    %get3A_2146 = arith.index_cast %get3A_2145 : i32 to index
    %get3A_2147 = arith.constant 400 : index
    %get3A_2148 = tpu.vector_load %arg7[%get3A_2146, %get3A_2147] {strides = array<i32>} : memref<16x640xf32, #tpu.memory_space<vmem>>, vector<16xf32>,
    %add3A_2149 = arith.addf %add3A_2144, %get3A_2148 : vector<16xf32>
    %get3A_2150 = arith.constant 15 : i32
    %get3A_2151 = arith.index_cast %get3A_2150 : i32 to index
    %get3A_2152 = arith.constant 400 : index
    %get3A_2153 = tpu.vector_load %arg7[%get3A_2151, %get3A_2152] {strides = array<i32>} : memref<16x640xf32, #tpu.memory_space<vmem>>, vector<16xf32>,
    %add3A_2154 = arith.addf %add3A_2149, %get3A_2153 : vector<16xf32>
    %swap3A_2155 = arith.constant 400 : index
    %swap3A_2156 = tpu.vector_load %arg6[%swap3A_2155] {strides = array<i32>} : memref<10240xf32, #tpu.memory_space<vmem>>, vector<16xf32>,
    tpu.vector_store %arg6[%swap3A_2155], %add3A_2154 {strides = array<i32>} : memref<10240xf32, #tpu.memory_space<vmem>>, vector<16xf32>,
    %get3A_2157 = arith.constant 0 : i32
    %get3A_2158 = arith.index_cast %get3A_2157 : i32 to index
    %get3A_2159 = arith.constant 416 : index
    %get3A_2160 = tpu.vector_load %arg7[%get3A_2158, %get3A_2159] {strides = array<i32>} : memref<16x640xf32, #tpu.memory_space<vmem>>, vector<16xf32>,
    %get3A_2161 = arith.constant 1 : i32
    %get3A_2162 = arith.index_cast %get3A_2161 : i32 to index
    %get3A_2163 = arith.constant 416 : index
    %get3A_2164 = tpu.vector_load %arg7[%get3A_2162, %get3A_2163] {strides = array<i32>} : memref<16x640xf32, #tpu.memory_space<vmem>>, vector<16xf32>,
    %add3A_2165 = arith.addf %get3A_2160, %get3A_2164 : vector<16xf32>
    %get3A_2166 = arith.constant 2 : i32
    %get3A_2167 = arith.index_cast %get3A_2166 : i32 to index
    %get3A_2168 = arith.constant 416 : index
    %get3A_2169 = tpu.vector_load %arg7[%get3A_2167, %get3A_2168] {strides = array<i32>} : memref<16x640xf32, #tpu.memory_space<vmem>>, vector<16xf32>,
    %add3A_2170 = arith.addf %add3A_2165, %get3A_2169 : vector<16xf32>
    %get3A_2171 = arith.constant 3 : i32
    %get3A_2172 = arith.index_cast %get3A_2171 : i32 to index
    %get3A_2173 = arith.constant 416 : index
    %get3A_2174 = tpu.vector_load %arg7[%get3A_2172, %get3A_2173] {strides = array<i32>} : memref<16x640xf32, #tpu.memory_space<vmem>>, vector<16xf32>,
    %add3A_2175 = arith.addf %add3A_2170, %get3A_2174 : vector<16xf32>
    %get3A_2176 = arith.constant 4 : i32
    %get3A_2177 = arith.index_cast %get3A_2176 : i32 to index
    %get3A_2178 = arith.constant 416 : index
    %get3A_2179 = tpu.vector_load %arg7[%get3A_2177, %get3A_2178] {strides = array<i32>} : memref<16x640xf32, #tpu.memory_space<vmem>>, vector<16xf32>,
    %add3A_2180 = arith.addf %add3A_2175, %get3A_2179 : vector<16xf32>
    %get3A_2181 = arith.constant 5 : i32
    %get3A_2182 = arith.index_cast %get3A_2181 : i32 to index
    %get3A_2183 = arith.constant 416 : index
    %get3A_2184 = tpu.vector_load %arg7[%get3A_2182, %get3A_2183] {strides = array<i32>} : memref<16x640xf32, #tpu.memory_space<vmem>>, vector<16xf32>,
    %add3A_2185 = arith.addf %add3A_2180, %get3A_2184 : vector<16xf32>
    %get3A_2186 = arith.constant 6 : i32
    %get3A_2187 = arith.index_cast %get3A_2186 : i32 to index
    %get3A_2188 = arith.constant 416 : index
    %get3A_2189 = tpu.vector_load %arg7[%get3A_2187, %get3A_2188] {strides = array<i32>} : memref<16x640xf32, #tpu.memory_space<vmem>>, vector<16xf32>,
    %add3A_2190 = arith.addf %add3A_2185, %get3A_2189 : vector<16xf32>
    %get3A_2191 = arith.constant 7 : i32
    %get3A_2192 = arith.index_cast %get3A_2191 : i32 to index
    %get3A_2193 = arith.constant 416 : index
    %get3A_2194 = tpu.vector_load %arg7[%get3A_2192, %get3A_2193] {strides = array<i32>} : memref<16x640xf32, #tpu.memory_space<vmem>>, vector<16xf32>,
    %add3A_2195 = arith.addf %add3A_2190, %get3A_2194 : vector<16xf32>
    %get3A_2196 = arith.constant 8 : i32
    %get3A_2197 = arith.index_cast %get3A_2196 : i32 to index
    %get3A_2198 = arith.constant 416 : index
    %get3A_2199 = tpu.vector_load %arg7[%get3A_2197, %get3A_2198] {strides = array<i32>} : memref<16x640xf32, #tpu.memory_space<vmem>>, vector<16xf32>,
    %add3A_2200 = arith.addf %add3A_2195, %get3A_2199 : vector<16xf32>
    %get3A_2201 = arith.constant 9 : i32
    %get3A_2202 = arith.index_cast %get3A_2201 : i32 to index
    %get3A_2203 = arith.constant 416 : index
    %get3A_2204 = tpu.vector_load %arg7[%get3A_2202, %get3A_2203] {strides = array<i32>} : memref<16x640xf32, #tpu.memory_space<vmem>>, vector<16xf32>,
    %add3A_2205 = arith.addf %add3A_2200, %get3A_2204 : vector<16xf32>
    %get3A_2206 = arith.constant 10 : i32
    %get3A_2207 = arith.index_cast %get3A_2206 : i32 to index
    %get3A_2208 = arith.constant 416 : index
    %get3A_2209 = tpu.vector_load %arg7[%get3A_2207, %get3A_2208] {strides = array<i32>} : memref<16x640xf32, #tpu.memory_space<vmem>>, vector<16xf32>,
    %add3A_2210 = arith.addf %add3A_2205, %get3A_2209 : vector<16xf32>
    %get3A_2211 = arith.constant 11 : i32
    %get3A_2212 = arith.index_cast %get3A_2211 : i32 to index
    %get3A_2213 = arith.constant 416 : index
    %get3A_2214 = tpu.vector_load %arg7[%get3A_2212, %get3A_2213] {strides = array<i32>} : memref<16x640xf32, #tpu.memory_space<vmem>>, vector<16xf32>,
    %add3A_2215 = arith.addf %add3A_2210, %get3A_2214 : vector<16xf32>
    %get3A_2216 = arith.constant 12 : i32
    %get3A_2217 = arith.index_cast %get3A_2216 : i32 to index
    %get3A_2218 = arith.constant 416 : index
    %get3A_2219 = tpu.vector_load %arg7[%get3A_2217, %get3A_2218] {strides = array<i32>} : memref<16x640xf32, #tpu.memory_space<vmem>>, vector<16xf32>,
    %add3A_2220 = arith.addf %add3A_2215, %get3A_2219 : vector<16xf32>
    %get3A_2221 = arith.constant 13 : i32
    %get3A_2222 = arith.index_cast %get3A_2221 : i32 to index
    %get3A_2223 = arith.constant 416 : index
    %get3A_2224 = tpu.vector_load %arg7[%get3A_2222, %get3A_2223] {strides = array<i32>} : memref<16x640xf32, #tpu.memory_space<vmem>>, vector<16xf32>,
    %add3A_2225 = arith.addf %add3A_2220, %get3A_2224 : vector<16xf32>
    %get3A_2226 = arith.constant 14 : i32
    %get3A_2227 = arith.index_cast %get3A_2226 : i32 to index
    %get3A_2228 = arith.constant 416 : index
    %get3A_2229 = tpu.vector_load %arg7[%get3A_2227, %get3A_2228] {strides = array<i32>} : memref<16x640xf32, #tpu.memory_space<vmem>>, vector<16xf32>,
    %add3A_2230 = arith.addf %add3A_2225, %get3A_2229 : vector<16xf32>
    %get3A_2231 = arith.constant 15 : i32
    %get3A_2232 = arith.index_cast %get3A_2231 : i32 to index
    %get3A_2233 = arith.constant 416 : index
    %get3A_2234 = tpu.vector_load %arg7[%get3A_2232, %get3A_2233] {strides = array<i32>} : memref<16x640xf32, #tpu.memory_space<vmem>>, vector<16xf32>,
    %add3A_2235 = arith.addf %add3A_2230, %get3A_2234 : vector<16xf32>
    %swap3A_2236 = arith.constant 416 : index
    %swap3A_2237 = tpu.vector_load %arg6[%swap3A_2236] {strides = array<i32>} : memref<10240xf32, #tpu.memory_space<vmem>>, vector<16xf32>,
    tpu.vector_store %arg6[%swap3A_2236], %add3A_2235 {strides = array<i32>} : memref<10240xf32, #tpu.memory_space<vmem>>, vector<16xf32>,
    %get3A_2238 = arith.constant 0 : i32
    %get3A_2239 = arith.index_cast %get3A_2238 : i32 to index
    %get3A_2240 = arith.constant 432 : index
    %get3A_2241 = tpu.vector_load %arg7[%get3A_2239, %get3A_2240] {strides = array<i32>} : memref<16x640xf32, #tpu.memory_space<vmem>>, vector<16xf32>,
    %get3A_2242 = arith.constant 1 : i32
    %get3A_2243 = arith.index_cast %get3A_2242 : i32 to index
    %get3A_2244 = arith.constant 432 : index
    %get3A_2245 = tpu.vector_load %arg7[%get3A_2243, %get3A_2244] {strides = array<i32>} : memref<16x640xf32, #tpu.memory_space<vmem>>, vector<16xf32>,
    %add3A_2246 = arith.addf %get3A_2241, %get3A_2245 : vector<16xf32>
    %get3A_2247 = arith.constant 2 : i32
    %get3A_2248 = arith.index_cast %get3A_2247 : i32 to index
    %get3A_2249 = arith.constant 432 : index
    %get3A_2250 = tpu.vector_load %arg7[%get3A_2248, %get3A_2249] {strides = array<i32>} : memref<16x640xf32, #tpu.memory_space<vmem>>, vector<16xf32>,
    %add3A_2251 = arith.addf %add3A_2246, %get3A_2250 : vector<16xf32>
    %get3A_2252 = arith.constant 3 : i32
    %get3A_2253 = arith.index_cast %get3A_2252 : i32 to index
    %get3A_2254 = arith.constant 432 : index
    %get3A_2255 = tpu.vector_load %arg7[%get3A_2253, %get3A_2254] {strides = array<i32>} : memref<16x640xf32, #tpu.memory_space<vmem>>, vector<16xf32>,
    %add3A_2256 = arith.addf %add3A_2251, %get3A_2255 : vector<16xf32>
    %get3A_2257 = arith.constant 4 : i32
    %get3A_2258 = arith.index_cast %get3A_2257 : i32 to index
    %get3A_2259 = arith.constant 432 : index
    %get3A_2260 = tpu.vector_load %arg7[%get3A_2258, %get3A_2259] {strides = array<i32>} : memref<16x640xf32, #tpu.memory_space<vmem>>, vector<16xf32>,
    %add3A_2261 = arith.addf %add3A_2256, %get3A_2260 : vector<16xf32>
    %get3A_2262 = arith.constant 5 : i32
    %get3A_2263 = arith.index_cast %get3A_2262 : i32 to index
    %get3A_2264 = arith.constant 432 : index
    %get3A_2265 = tpu.vector_load %arg7[%get3A_2263, %get3A_2264] {strides = array<i32>} : memref<16x640xf32, #tpu.memory_space<vmem>>, vector<16xf32>,
    %add3A_2266 = arith.addf %add3A_2261, %get3A_2265 : vector<16xf32>
    %get3A_2267 = arith.constant 6 : i32
    %get3A_2268 = arith.index_cast %get3A_2267 : i32 to index
    %get3A_2269 = arith.constant 432 : index
    %get3A_2270 = tpu.vector_load %arg7[%get3A_2268, %get3A_2269] {strides = array<i32>} : memref<16x640xf32, #tpu.memory_space<vmem>>, vector<16xf32>,
    %add3A_2271 = arith.addf %add3A_2266, %get3A_2270 : vector<16xf32>
    %get3A_2272 = arith.constant 7 : i32
    %get3A_2273 = arith.index_cast %get3A_2272 : i32 to index
    %get3A_2274 = arith.constant 432 : index
    %get3A_2275 = tpu.vector_load %arg7[%get3A_2273, %get3A_2274] {strides = array<i32>} : memref<16x640xf32, #tpu.memory_space<vmem>>, vector<16xf32>,
    %add3A_2276 = arith.addf %add3A_2271, %get3A_2275 : vector<16xf32>
    %get3A_2277 = arith.constant 8 : i32
    %get3A_2278 = arith.index_cast %get3A_2277 : i32 to index
    %get3A_2279 = arith.constant 432 : index
    %get3A_2280 = tpu.vector_load %arg7[%get3A_2278, %get3A_2279] {strides = array<i32>} : memref<16x640xf32, #tpu.memory_space<vmem>>, vector<16xf32>,
    %add3A_2281 = arith.addf %add3A_2276, %get3A_2280 : vector<16xf32>
    %get3A_2282 = arith.constant 9 : i32
    %get3A_2283 = arith.index_cast %get3A_2282 : i32 to index
    %get3A_2284 = arith.constant 432 : index
    %get3A_2285 = tpu.vector_load %arg7[%get3A_2283, %get3A_2284] {strides = array<i32>} : memref<16x640xf32, #tpu.memory_space<vmem>>, vector<16xf32>,
    %add3A_2286 = arith.addf %add3A_2281, %get3A_2285 : vector<16xf32>
    %get3A_2287 = arith.constant 10 : i32
    %get3A_2288 = arith.index_cast %get3A_2287 : i32 to index
    %get3A_2289 = arith.constant 432 : index
    %get3A_2290 = tpu.vector_load %arg7[%get3A_2288, %get3A_2289] {strides = array<i32>} : memref<16x640xf32, #tpu.memory_space<vmem>>, vector<16xf32>,
    %add3A_2291 = arith.addf %add3A_2286, %get3A_2290 : vector<16xf32>
    %get3A_2292 = arith.constant 11 : i32
    %get3A_2293 = arith.index_cast %get3A_2292 : i32 to index
    %get3A_2294 = arith.constant 432 : index
    %get3A_2295 = tpu.vector_load %arg7[%get3A_2293, %get3A_2294] {strides = array<i32>} : memref<16x640xf32, #tpu.memory_space<vmem>>, vector<16xf32>,
    %add3A_2296 = arith.addf %add3A_2291, %get3A_2295 : vector<16xf32>
    %get3A_2297 = arith.constant 12 : i32
    %get3A_2298 = arith.index_cast %get3A_2297 : i32 to index
    %get3A_2299 = arith.constant 432 : index
    %get3A_2300 = tpu.vector_load %arg7[%get3A_2298, %get3A_2299] {strides = array<i32>} : memref<16x640xf32, #tpu.memory_space<vmem>>, vector<16xf32>,
    %add3A_2301 = arith.addf %add3A_2296, %get3A_2300 : vector<16xf32>
    %get3A_2302 = arith.constant 13 : i32
    %get3A_2303 = arith.index_cast %get3A_2302 : i32 to index
    %get3A_2304 = arith.constant 432 : index
    %get3A_2305 = tpu.vector_load %arg7[%get3A_2303, %get3A_2304] {strides = array<i32>} : memref<16x640xf32, #tpu.memory_space<vmem>>, vector<16xf32>,
    %add3A_2306 = arith.addf %add3A_2301, %get3A_2305 : vector<16xf32>
    %get3A_2307 = arith.constant 14 : i32
    %get3A_2308 = arith.index_cast %get3A_2307 : i32 to index
    %get3A_2309 = arith.constant 432 : index
    %get3A_2310 = tpu.vector_load %arg7[%get3A_2308, %get3A_2309] {strides = array<i32>} : memref<16x640xf32, #tpu.memory_space<vmem>>, vector<16xf32>,
    %add3A_2311 = arith.addf %add3A_2306, %get3A_2310 : vector<16xf32>
    %get3A_2312 = arith.constant 15 : i32
    %get3A_2313 = arith.index_cast %get3A_2312 : i32 to index
    %get3A_2314 = arith.constant 432 : index
    %get3A_2315 = tpu.vector_load %arg7[%get3A_2313, %get3A_2314] {strides = array<i32>} : memref<16x640xf32, #tpu.memory_space<vmem>>, vector<16xf32>,
    %add3A_2316 = arith.addf %add3A_2311, %get3A_2315 : vector<16xf32>
    %swap3A_2317 = arith.constant 432 : index
    %swap3A_2318 = tpu.vector_load %arg6[%swap3A_2317] {strides = array<i32>} : memref<10240xf32, #tpu.memory_space<vmem>>, vector<16xf32>,
    tpu.vector_store %arg6[%swap3A_2317], %add3A_2316 {strides = array<i32>} : memref<10240xf32, #tpu.memory_space<vmem>>, vector<16xf32>,
    %get3A_2319 = arith.constant 0 : i32
    %get3A_2320 = arith.index_cast %get3A_2319 : i32 to index
    %get3A_2321 = arith.constant 448 : index
    %get3A_2322 = tpu.vector_load %arg7[%get3A_2320, %get3A_2321] {strides = array<i32>} : memref<16x640xf32, #tpu.memory_space<vmem>>, vector<16xf32>,
    %get3A_2323 = arith.constant 1 : i32
    %get3A_2324 = arith.index_cast %get3A_2323 : i32 to index
    %get3A_2325 = arith.constant 448 : index
    %get3A_2326 = tpu.vector_load %arg7[%get3A_2324, %get3A_2325] {strides = array<i32>} : memref<16x640xf32, #tpu.memory_space<vmem>>, vector<16xf32>,
    %add3A_2327 = arith.addf %get3A_2322, %get3A_2326 : vector<16xf32>
    %get3A_2328 = arith.constant 2 : i32
    %get3A_2329 = arith.index_cast %get3A_2328 : i32 to index
    %get3A_2330 = arith.constant 448 : index
    %get3A_2331 = tpu.vector_load %arg7[%get3A_2329, %get3A_2330] {strides = array<i32>} : memref<16x640xf32, #tpu.memory_space<vmem>>, vector<16xf32>,
    %add3A_2332 = arith.addf %add3A_2327, %get3A_2331 : vector<16xf32>
    %get3A_2333 = arith.constant 3 : i32
    %get3A_2334 = arith.index_cast %get3A_2333 : i32 to index
    %get3A_2335 = arith.constant 448 : index
    %get3A_2336 = tpu.vector_load %arg7[%get3A_2334, %get3A_2335] {strides = array<i32>} : memref<16x640xf32, #tpu.memory_space<vmem>>, vector<16xf32>,
    %add3A_2337 = arith.addf %add3A_2332, %get3A_2336 : vector<16xf32>
    %get3A_2338 = arith.constant 4 : i32
    %get3A_2339 = arith.index_cast %get3A_2338 : i32 to index
    %get3A_2340 = arith.constant 448 : index
    %get3A_2341 = tpu.vector_load %arg7[%get3A_2339, %get3A_2340] {strides = array<i32>} : memref<16x640xf32, #tpu.memory_space<vmem>>, vector<16xf32>,
    %add3A_2342 = arith.addf %add3A_2337, %get3A_2341 : vector<16xf32>
    %get3A_2343 = arith.constant 5 : i32
    %get3A_2344 = arith.index_cast %get3A_2343 : i32 to index
    %get3A_2345 = arith.constant 448 : index
    %get3A_2346 = tpu.vector_load %arg7[%get3A_2344, %get3A_2345] {strides = array<i32>} : memref<16x640xf32, #tpu.memory_space<vmem>>, vector<16xf32>,
    %add3A_2347 = arith.addf %add3A_2342, %get3A_2346 : vector<16xf32>
    %get3A_2348 = arith.constant 6 : i32
    %get3A_2349 = arith.index_cast %get3A_2348 : i32 to index
    %get3A_2350 = arith.constant 448 : index
    %get3A_2351 = tpu.vector_load %arg7[%get3A_2349, %get3A_2350] {strides = array<i32>} : memref<16x640xf32, #tpu.memory_space<vmem>>, vector<16xf32>,
    %add3A_2352 = arith.addf %add3A_2347, %get3A_2351 : vector<16xf32>
    %get3A_2353 = arith.constant 7 : i32
    %get3A_2354 = arith.index_cast %get3A_2353 : i32 to index
    %get3A_2355 = arith.constant 448 : index
    %get3A_2356 = tpu.vector_load %arg7[%get3A_2354, %get3A_2355] {strides = array<i32>} : memref<16x640xf32, #tpu.memory_space<vmem>>, vector<16xf32>,
    %add3A_2357 = arith.addf %add3A_2352, %get3A_2356 : vector<16xf32>
    %get3A_2358 = arith.constant 8 : i32
    %get3A_2359 = arith.index_cast %get3A_2358 : i32 to index
    %get3A_2360 = arith.constant 448 : index
    %get3A_2361 = tpu.vector_load %arg7[%get3A_2359, %get3A_2360] {strides = array<i32>} : memref<16x640xf32, #tpu.memory_space<vmem>>, vector<16xf32>,
    %add3A_2362 = arith.addf %add3A_2357, %get3A_2361 : vector<16xf32>
    %get3A_2363 = arith.constant 9 : i32
    %get3A_2364 = arith.index_cast %get3A_2363 : i32 to index
    %get3A_2365 = arith.constant 448 : index
    %get3A_2366 = tpu.vector_load %arg7[%get3A_2364, %get3A_2365] {strides = array<i32>} : memref<16x640xf32, #tpu.memory_space<vmem>>, vector<16xf32>,
    %add3A_2367 = arith.addf %add3A_2362, %get3A_2366 : vector<16xf32>
    %get3A_2368 = arith.constant 10 : i32
    %get3A_2369 = arith.index_cast %get3A_2368 : i32 to index
    %get3A_2370 = arith.constant 448 : index
    %get3A_2371 = tpu.vector_load %arg7[%get3A_2369, %get3A_2370] {strides = array<i32>} : memref<16x640xf32, #tpu.memory_space<vmem>>, vector<16xf32>,
    %add3A_2372 = arith.addf %add3A_2367, %get3A_2371 : vector<16xf32>
    %get3A_2373 = arith.constant 11 : i32
    %get3A_2374 = arith.index_cast %get3A_2373 : i32 to index
    %get3A_2375 = arith.constant 448 : index
    %get3A_2376 = tpu.vector_load %arg7[%get3A_2374, %get3A_2375] {strides = array<i32>} : memref<16x640xf32, #tpu.memory_space<vmem>>, vector<16xf32>,
    %add3A_2377 = arith.addf %add3A_2372, %get3A_2376 : vector<16xf32>
    %get3A_2378 = arith.constant 12 : i32
    %get3A_2379 = arith.index_cast %get3A_2378 : i32 to index
    %get3A_2380 = arith.constant 448 : index
    %get3A_2381 = tpu.vector_load %arg7[%get3A_2379, %get3A_2380] {strides = array<i32>} : memref<16x640xf32, #tpu.memory_space<vmem>>, vector<16xf32>,
    %add3A_2382 = arith.addf %add3A_2377, %get3A_2381 : vector<16xf32>
    %get3A_2383 = arith.constant 13 : i32
    %get3A_2384 = arith.index_cast %get3A_2383 : i32 to index
    %get3A_2385 = arith.constant 448 : index
    %get3A_2386 = tpu.vector_load %arg7[%get3A_2384, %get3A_2385] {strides = array<i32>} : memref<16x640xf32, #tpu.memory_space<vmem>>, vector<16xf32>,
    %add3A_2387 = arith.addf %add3A_2382, %get3A_2386 : vector<16xf32>
    %get3A_2388 = arith.constant 14 : i32
    %get3A_2389 = arith.index_cast %get3A_2388 : i32 to index
    %get3A_2390 = arith.constant 448 : index
    %get3A_2391 = tpu.vector_load %arg7[%get3A_2389, %get3A_2390] {strides = array<i32>} : memref<16x640xf32, #tpu.memory_space<vmem>>, vector<16xf32>,
    %add3A_2392 = arith.addf %add3A_2387, %get3A_2391 : vector<16xf32>
    %get3A_2393 = arith.constant 15 : i32
    %get3A_2394 = arith.index_cast %get3A_2393 : i32 to index
    %get3A_2395 = arith.constant 448 : index
    %get3A_2396 = tpu.vector_load %arg7[%get3A_2394, %get3A_2395] {strides = array<i32>} : memref<16x640xf32, #tpu.memory_space<vmem>>, vector<16xf32>,
    %add3A_2397 = arith.addf %add3A_2392, %get3A_2396 : vector<16xf32>
    %swap3A_2398 = arith.constant 448 : index
    %swap3A_2399 = tpu.vector_load %arg6[%swap3A_2398] {strides = array<i32>} : memref<10240xf32, #tpu.memory_space<vmem>>, vector<16xf32>,
    tpu.vector_store %arg6[%swap3A_2398], %add3A_2397 {strides = array<i32>} : memref<10240xf32, #tpu.memory_space<vmem>>, vector<16xf32>,
    %get3A_2400 = arith.constant 0 : i32
    %get3A_2401 = arith.index_cast %get3A_2400 : i32 to index
    %get3A_2402 = arith.constant 464 : index
    %get3A_2403 = tpu.vector_load %arg7[%get3A_2401, %get3A_2402] {strides = array<i32>} : memref<16x640xf32, #tpu.memory_space<vmem>>, vector<16xf32>,
    %get3A_2404 = arith.constant 1 : i32
    %get3A_2405 = arith.index_cast %get3A_2404 : i32 to index
    %get3A_2406 = arith.constant 464 : index
    %get3A_2407 = tpu.vector_load %arg7[%get3A_2405, %get3A_2406] {strides = array<i32>} : memref<16x640xf32, #tpu.memory_space<vmem>>, vector<16xf32>,
    %add3A_2408 = arith.addf %get3A_2403, %get3A_2407 : vector<16xf32>
    %get3A_2409 = arith.constant 2 : i32
    %get3A_2410 = arith.index_cast %get3A_2409 : i32 to index
    %get3A_2411 = arith.constant 464 : index
    %get3A_2412 = tpu.vector_load %arg7[%get3A_2410, %get3A_2411] {strides = array<i32>} : memref<16x640xf32, #tpu.memory_space<vmem>>, vector<16xf32>,
    %add3A_2413 = arith.addf %add3A_2408, %get3A_2412 : vector<16xf32>
    %get3A_2414 = arith.constant 3 : i32
    %get3A_2415 = arith.index_cast %get3A_2414 : i32 to index
    %get3A_2416 = arith.constant 464 : index
    %get3A_2417 = tpu.vector_load %arg7[%get3A_2415, %get3A_2416] {strides = array<i32>} : memref<16x640xf32, #tpu.memory_space<vmem>>, vector<16xf32>,
    %add3A_2418 = arith.addf %add3A_2413, %get3A_2417 : vector<16xf32>
    %get3A_2419 = arith.constant 4 : i32
    %get3A_2420 = arith.index_cast %get3A_2419 : i32 to index
    %get3A_2421 = arith.constant 464 : index
    %get3A_2422 = tpu.vector_load %arg7[%get3A_2420, %get3A_2421] {strides = array<i32>} : memref<16x640xf32, #tpu.memory_space<vmem>>, vector<16xf32>,
    %add3A_2423 = arith.addf %add3A_2418, %get3A_2422 : vector<16xf32>
    %get3A_2424 = arith.constant 5 : i32
    %get3A_2425 = arith.index_cast %get3A_2424 : i32 to index
    %get3A_2426 = arith.constant 464 : index
    %get3A_2427 = tpu.vector_load %arg7[%get3A_2425, %get3A_2426] {strides = array<i32>} : memref<16x640xf32, #tpu.memory_space<vmem>>, vector<16xf32>,
    %add3A_2428 = arith.addf %add3A_2423, %get3A_2427 : vector<16xf32>
    %get3A_2429 = arith.constant 6 : i32
    %get3A_2430 = arith.index_cast %get3A_2429 : i32 to index
    %get3A_2431 = arith.constant 464 : index
    %get3A_2432 = tpu.vector_load %arg7[%get3A_2430, %get3A_2431] {strides = array<i32>} : memref<16x640xf32, #tpu.memory_space<vmem>>, vector<16xf32>,
    %add3A_2433 = arith.addf %add3A_2428, %get3A_2432 : vector<16xf32>
    %get3A_2434 = arith.constant 7 : i32
    %get3A_2435 = arith.index_cast %get3A_2434 : i32 to index
    %get3A_2436 = arith.constant 464 : index
    %get3A_2437 = tpu.vector_load %arg7[%get3A_2435, %get3A_2436] {strides = array<i32>} : memref<16x640xf32, #tpu.memory_space<vmem>>, vector<16xf32>,
    %add3A_2438 = arith.addf %add3A_2433, %get3A_2437 : vector<16xf32>
    %get3A_2439 = arith.constant 8 : i32
    %get3A_2440 = arith.index_cast %get3A_2439 : i32 to index
    %get3A_2441 = arith.constant 464 : index
    %get3A_2442 = tpu.vector_load %arg7[%get3A_2440, %get3A_2441] {strides = array<i32>} : memref<16x640xf32, #tpu.memory_space<vmem>>, vector<16xf32>,
    %add3A_2443 = arith.addf %add3A_2438, %get3A_2442 : vector<16xf32>
    %get3A_2444 = arith.constant 9 : i32
    %get3A_2445 = arith.index_cast %get3A_2444 : i32 to index
    %get3A_2446 = arith.constant 464 : index
    %get3A_2447 = tpu.vector_load %arg7[%get3A_2445, %get3A_2446] {strides = array<i32>} : memref<16x640xf32, #tpu.memory_space<vmem>>, vector<16xf32>,
    %add3A_2448 = arith.addf %add3A_2443, %get3A_2447 : vector<16xf32>
    %get3A_2449 = arith.constant 10 : i32
    %get3A_2450 = arith.index_cast %get3A_2449 : i32 to index
    %get3A_2451 = arith.constant 464 : index
    %get3A_2452 = tpu.vector_load %arg7[%get3A_2450, %get3A_2451] {strides = array<i32>} : memref<16x640xf32, #tpu.memory_space<vmem>>, vector<16xf32>,
    %add3A_2453 = arith.addf %add3A_2448, %get3A_2452 : vector<16xf32>
    %get3A_2454 = arith.constant 11 : i32
    %get3A_2455 = arith.index_cast %get3A_2454 : i32 to index
    %get3A_2456 = arith.constant 464 : index
    %get3A_2457 = tpu.vector_load %arg7[%get3A_2455, %get3A_2456] {strides = array<i32>} : memref<16x640xf32, #tpu.memory_space<vmem>>, vector<16xf32>,
    %add3A_2458 = arith.addf %add3A_2453, %get3A_2457 : vector<16xf32>
    %get3A_2459 = arith.constant 12 : i32
    %get3A_2460 = arith.index_cast %get3A_2459 : i32 to index
    %get3A_2461 = arith.constant 464 : index
    %get3A_2462 = tpu.vector_load %arg7[%get3A_2460, %get3A_2461] {strides = array<i32>} : memref<16x640xf32, #tpu.memory_space<vmem>>, vector<16xf32>,
    %add3A_2463 = arith.addf %add3A_2458, %get3A_2462 : vector<16xf32>
    %get3A_2464 = arith.constant 13 : i32
    %get3A_2465 = arith.index_cast %get3A_2464 : i32 to index
    %get3A_2466 = arith.constant 464 : index
    %get3A_2467 = tpu.vector_load %arg7[%get3A_2465, %get3A_2466] {strides = array<i32>} : memref<16x640xf32, #tpu.memory_space<vmem>>, vector<16xf32>,
    %add3A_2468 = arith.addf %add3A_2463, %get3A_2467 : vector<16xf32>
    %get3A_2469 = arith.constant 14 : i32
    %get3A_2470 = arith.index_cast %get3A_2469 : i32 to index
    %get3A_2471 = arith.constant 464 : index
    %get3A_2472 = tpu.vector_load %arg7[%get3A_2470, %get3A_2471] {strides = array<i32>} : memref<16x640xf32, #tpu.memory_space<vmem>>, vector<16xf32>,
    %add3A_2473 = arith.addf %add3A_2468, %get3A_2472 : vector<16xf32>
    %get3A_2474 = arith.constant 15 : i32
    %get3A_2475 = arith.index_cast %get3A_2474 : i32 to index
    %get3A_2476 = arith.constant 464 : index
    %get3A_2477 = tpu.vector_load %arg7[%get3A_2475, %get3A_2476] {strides = array<i32>} : memref<16x640xf32, #tpu.memory_space<vmem>>, vector<16xf32>,
    %add3A_2478 = arith.addf %add3A_2473, %get3A_2477 : vector<16xf32>
    %swap3A_2479 = arith.constant 464 : index
    %swap3A_2480 = tpu.vector_load %arg6[%swap3A_2479] {strides = array<i32>} : memref<10240xf32, #tpu.memory_space<vmem>>, vector<16xf32>,
    tpu.vector_store %arg6[%swap3A_2479], %add3A_2478 {strides = array<i32>} : memref<10240xf32, #tpu.memory_space<vmem>>, vector<16xf32>,
    %get3A_2481 = arith.constant 0 : i32
    %get3A_2482 = arith.index_cast %get3A_2481 : i32 to index
    %get3A_2483 = arith.constant 480 : index
    %get3A_2484 = tpu.vector_load %arg7[%get3A_2482, %get3A_2483] {strides = array<i32>} : memref<16x640xf32, #tpu.memory_space<vmem>>, vector<16xf32>,
    %get3A_2485 = arith.constant 1 : i32
    %get3A_2486 = arith.index_cast %get3A_2485 : i32 to index
    %get3A_2487 = arith.constant 480 : index
    %get3A_2488 = tpu.vector_load %arg7[%get3A_2486, %get3A_2487] {strides = array<i32>} : memref<16x640xf32, #tpu.memory_space<vmem>>, vector<16xf32>,
    %add3A_2489 = arith.addf %get3A_2484, %get3A_2488 : vector<16xf32>
    %get3A_2490 = arith.constant 2 : i32
    %get3A_2491 = arith.index_cast %get3A_2490 : i32 to index
    %get3A_2492 = arith.constant 480 : index
    %get3A_2493 = tpu.vector_load %arg7[%get3A_2491, %get3A_2492] {strides = array<i32>} : memref<16x640xf32, #tpu.memory_space<vmem>>, vector<16xf32>,
    %add3A_2494 = arith.addf %add3A_2489, %get3A_2493 : vector<16xf32>
    %get3A_2495 = arith.constant 3 : i32
    %get3A_2496 = arith.index_cast %get3A_2495 : i32 to index
    %get3A_2497 = arith.constant 480 : index
    %get3A_2498 = tpu.vector_load %arg7[%get3A_2496, %get3A_2497] {strides = array<i32>} : memref<16x640xf32, #tpu.memory_space<vmem>>, vector<16xf32>,
    %add3A_2499 = arith.addf %add3A_2494, %get3A_2498 : vector<16xf32>
    %get3A_2500 = arith.constant 4 : i32
    %get3A_2501 = arith.index_cast %get3A_2500 : i32 to index
    %get3A_2502 = arith.constant 480 : index
    %get3A_2503 = tpu.vector_load %arg7[%get3A_2501, %get3A_2502] {strides = array<i32>} : memref<16x640xf32, #tpu.memory_space<vmem>>, vector<16xf32>,
    %add3A_2504 = arith.addf %add3A_2499, %get3A_2503 : vector<16xf32>
    %get3A_2505 = arith.constant 5 : i32
    %get3A_2506 = arith.index_cast %get3A_2505 : i32 to index
    %get3A_2507 = arith.constant 480 : index
    %get3A_2508 = tpu.vector_load %arg7[%get3A_2506, %get3A_2507] {strides = array<i32>} : memref<16x640xf32, #tpu.memory_space<vmem>>, vector<16xf32>,
    %add3A_2509 = arith.addf %add3A_2504, %get3A_2508 : vector<16xf32>
    %get3A_2510 = arith.constant 6 : i32
    %get3A_2511 = arith.index_cast %get3A_2510 : i32 to index
    %get3A_2512 = arith.constant 480 : index
    %get3A_2513 = tpu.vector_load %arg7[%get3A_2511, %get3A_2512] {strides = array<i32>} : memref<16x640xf32, #tpu.memory_space<vmem>>, vector<16xf32>,
    %add3A_2514 = arith.addf %add3A_2509, %get3A_2513 : vector<16xf32>
    %get3A_2515 = arith.constant 7 : i32
    %get3A_2516 = arith.index_cast %get3A_2515 : i32 to index
    %get3A_2517 = arith.constant 480 : index
    %get3A_2518 = tpu.vector_load %arg7[%get3A_2516, %get3A_2517] {strides = array<i32>} : memref<16x640xf32, #tpu.memory_space<vmem>>, vector<16xf32>,
    %add3A_2519 = arith.addf %add3A_2514, %get3A_2518 : vector<16xf32>
    %get3A_2520 = arith.constant 8 : i32
    %get3A_2521 = arith.index_cast %get3A_2520 : i32 to index
    %get3A_2522 = arith.constant 480 : index
    %get3A_2523 = tpu.vector_load %arg7[%get3A_2521, %get3A_2522] {strides = array<i32>} : memref<16x640xf32, #tpu.memory_space<vmem>>, vector<16xf32>,
    %add3A_2524 = arith.addf %add3A_2519, %get3A_2523 : vector<16xf32>
    %get3A_2525 = arith.constant 9 : i32
    %get3A_2526 = arith.index_cast %get3A_2525 : i32 to index
    %get3A_2527 = arith.constant 480 : index
    %get3A_2528 = tpu.vector_load %arg7[%get3A_2526, %get3A_2527] {strides = array<i32>} : memref<16x640xf32, #tpu.memory_space<vmem>>, vector<16xf32>,
    %add3A_2529 = arith.addf %add3A_2524, %get3A_2528 : vector<16xf32>
    %get3A_2530 = arith.constant 10 : i32
    %get3A_2531 = arith.index_cast %get3A_2530 : i32 to index
    %get3A_2532 = arith.constant 480 : index
    %get3A_2533 = tpu.vector_load %arg7[%get3A_2531, %get3A_2532] {strides = array<i32>} : memref<16x640xf32, #tpu.memory_space<vmem>>, vector<16xf32>,
    %add3A_2534 = arith.addf %add3A_2529, %get3A_2533 : vector<16xf32>
    %get3A_2535 = arith.constant 11 : i32
    %get3A_2536 = arith.index_cast %get3A_2535 : i32 to index
    %get3A_2537 = arith.constant 480 : index
    %get3A_2538 = tpu.vector_load %arg7[%get3A_2536, %get3A_2537] {strides = array<i32>} : memref<16x640xf32, #tpu.memory_space<vmem>>, vector<16xf32>,
    %add3A_2539 = arith.addf %add3A_2534, %get3A_2538 : vector<16xf32>
    %get3A_2540 = arith.constant 12 : i32
    %get3A_2541 = arith.index_cast %get3A_2540 : i32 to index
    %get3A_2542 = arith.constant 480 : index
    %get3A_2543 = tpu.vector_load %arg7[%get3A_2541, %get3A_2542] {strides = array<i32>} : memref<16x640xf32, #tpu.memory_space<vmem>>, vector<16xf32>,
    %add3A_2544 = arith.addf %add3A_2539, %get3A_2543 : vector<16xf32>
    %get3A_2545 = arith.constant 13 : i32
    %get3A_2546 = arith.index_cast %get3A_2545 : i32 to index
    %get3A_2547 = arith.constant 480 : index
    %get3A_2548 = tpu.vector_load %arg7[%get3A_2546, %get3A_2547] {strides = array<i32>} : memref<16x640xf32, #tpu.memory_space<vmem>>, vector<16xf32>,
    %add3A_2549 = arith.addf %add3A_2544, %get3A_2548 : vector<16xf32>
    %get3A_2550 = arith.constant 14 : i32
    %get3A_2551 = arith.index_cast %get3A_2550 : i32 to index
    %get3A_2552 = arith.constant 480 : index
    %get3A_2553 = tpu.vector_load %arg7[%get3A_2551, %get3A_2552] {strides = array<i32>} : memref<16x640xf32, #tpu.memory_space<vmem>>, vector<16xf32>,
    %add3A_2554 = arith.addf %add3A_2549, %get3A_2553 : vector<16xf32>
    %get3A_2555 = arith.constant 15 : i32
    %get3A_2556 = arith.index_cast %get3A_2555 : i32 to index
    %get3A_2557 = arith.constant 480 : index
    %get3A_2558 = tpu.vector_load %arg7[%get3A_2556, %get3A_2557] {strides = array<i32>} : memref<16x640xf32, #tpu.memory_space<vmem>>, vector<16xf32>,
    %add3A_2559 = arith.addf %add3A_2554, %get3A_2558 : vector<16xf32>
    %swap3A_2560 = arith.constant 480 : index
    %swap3A_2561 = tpu.vector_load %arg6[%swap3A_2560] {strides = array<i32>} : memref<10240xf32, #tpu.memory_space<vmem>>, vector<16xf32>,
    tpu.vector_store %arg6[%swap3A_2560], %add3A_2559 {strides = array<i32>} : memref<10240xf32, #tpu.memory_space<vmem>>, vector<16xf32>,
    %get3A_2562 = arith.constant 0 : i32
    %get3A_2563 = arith.index_cast %get3A_2562 : i32 to index
    %get3A_2564 = arith.constant 496 : index
    %get3A_2565 = tpu.vector_load %arg7[%get3A_2563, %get3A_2564] {strides = array<i32>} : memref<16x640xf32, #tpu.memory_space<vmem>>, vector<16xf32>,
    %get3A_2566 = arith.constant 1 : i32
    %get3A_2567 = arith.index_cast %get3A_2566 : i32 to index
    %get3A_2568 = arith.constant 496 : index
    %get3A_2569 = tpu.vector_load %arg7[%get3A_2567, %get3A_2568] {strides = array<i32>} : memref<16x640xf32, #tpu.memory_space<vmem>>, vector<16xf32>,
    %add3A_2570 = arith.addf %get3A_2565, %get3A_2569 : vector<16xf32>
    %get3A_2571 = arith.constant 2 : i32
    %get3A_2572 = arith.index_cast %get3A_2571 : i32 to index
    %get3A_2573 = arith.constant 496 : index
    %get3A_2574 = tpu.vector_load %arg7[%get3A_2572, %get3A_2573] {strides = array<i32>} : memref<16x640xf32, #tpu.memory_space<vmem>>, vector<16xf32>,
    %add3A_2575 = arith.addf %add3A_2570, %get3A_2574 : vector<16xf32>
    %get3A_2576 = arith.constant 3 : i32
    %get3A_2577 = arith.index_cast %get3A_2576 : i32 to index
    %get3A_2578 = arith.constant 496 : index
    %get3A_2579 = tpu.vector_load %arg7[%get3A_2577, %get3A_2578] {strides = array<i32>} : memref<16x640xf32, #tpu.memory_space<vmem>>, vector<16xf32>,
    %add3A_2580 = arith.addf %add3A_2575, %get3A_2579 : vector<16xf32>
    %get3A_2581 = arith.constant 4 : i32
    %get3A_2582 = arith.index_cast %get3A_2581 : i32 to index
    %get3A_2583 = arith.constant 496 : index
    %get3A_2584 = tpu.vector_load %arg7[%get3A_2582, %get3A_2583] {strides = array<i32>} : memref<16x640xf32, #tpu.memory_space<vmem>>, vector<16xf32>,
    %add3A_2585 = arith.addf %add3A_2580, %get3A_2584 : vector<16xf32>
    %get3A_2586 = arith.constant 5 : i32
    %get3A_2587 = arith.index_cast %get3A_2586 : i32 to index
    %get3A_2588 = arith.constant 496 : index
    %get3A_2589 = tpu.vector_load %arg7[%get3A_2587, %get3A_2588] {strides = array<i32>} : memref<16x640xf32, #tpu.memory_space<vmem>>, vector<16xf32>,
    %add3A_2590 = arith.addf %add3A_2585, %get3A_2589 : vector<16xf32>
    %get3A_2591 = arith.constant 6 : i32
    %get3A_2592 = arith.index_cast %get3A_2591 : i32 to index
    %get3A_2593 = arith.constant 496 : index
    %get3A_2594 = tpu.vector_load %arg7[%get3A_2592, %get3A_2593] {strides = array<i32>} : memref<16x640xf32, #tpu.memory_space<vmem>>, vector<16xf32>,
    %add3A_2595 = arith.addf %add3A_2590, %get3A_2594 : vector<16xf32>
    %get3A_2596 = arith.constant 7 : i32
    %get3A_2597 = arith.index_cast %get3A_2596 : i32 to index
    %get3A_2598 = arith.constant 496 : index
    %get3A_2599 = tpu.vector_load %arg7[%get3A_2597, %get3A_2598] {strides = array<i32>} : memref<16x640xf32, #tpu.memory_space<vmem>>, vector<16xf32>,
    %add3A_2600 = arith.addf %add3A_2595, %get3A_2599 : vector<16xf32>
    %get3A_2601 = arith.constant 8 : i32
    %get3A_2602 = arith.index_cast %get3A_2601 : i32 to index
    %get3A_2603 = arith.constant 496 : index
    %get3A_2604 = tpu.vector_load %arg7[%get3A_2602, %get3A_2603] {strides = array<i32>} : memref<16x640xf32, #tpu.memory_space<vmem>>, vector<16xf32>,
    %add3A_2605 = arith.addf %add3A_2600, %get3A_2604 : vector<16xf32>
    %get3A_2606 = arith.constant 9 : i32
    %get3A_2607 = arith.index_cast %get3A_2606 : i32 to index
    %get3A_2608 = arith.constant 496 : index
    %get3A_2609 = tpu.vector_load %arg7[%get3A_2607, %get3A_2608] {strides = array<i32>} : memref<16x640xf32, #tpu.memory_space<vmem>>, vector<16xf32>,
    %add3A_2610 = arith.addf %add3A_2605, %get3A_2609 : vector<16xf32>
    %get3A_2611 = arith.constant 10 : i32
    %get3A_2612 = arith.index_cast %get3A_2611 : i32 to index
    %get3A_2613 = arith.constant 496 : index
    %get3A_2614 = tpu.vector_load %arg7[%get3A_2612, %get3A_2613] {strides = array<i32>} : memref<16x640xf32, #tpu.memory_space<vmem>>, vector<16xf32>,
    %add3A_2615 = arith.addf %add3A_2610, %get3A_2614 : vector<16xf32>
    %get3A_2616 = arith.constant 11 : i32
    %get3A_2617 = arith.index_cast %get3A_2616 : i32 to index
    %get3A_2618 = arith.constant 496 : index
    %get3A_2619 = tpu.vector_load %arg7[%get3A_2617, %get3A_2618] {strides = array<i32>} : memref<16x640xf32, #tpu.memory_space<vmem>>, vector<16xf32>,
    %add3A_2620 = arith.addf %add3A_2615, %get3A_2619 : vector<16xf32>
    %get3A_2621 = arith.constant 12 : i32
    %get3A_2622 = arith.index_cast %get3A_2621 : i32 to index
    %get3A_2623 = arith.constant 496 : index
    %get3A_2624 = tpu.vector_load %arg7[%get3A_2622, %get3A_2623] {strides = array<i32>} : memref<16x640xf32, #tpu.memory_space<vmem>>, vector<16xf32>,
    %add3A_2625 = arith.addf %add3A_2620, %get3A_2624 : vector<16xf32>
    %get3A_2626 = arith.constant 13 : i32
    %get3A_2627 = arith.index_cast %get3A_2626 : i32 to index
    %get3A_2628 = arith.constant 496 : index
    %get3A_2629 = tpu.vector_load %arg7[%get3A_2627, %get3A_2628] {strides = array<i32>} : memref<16x640xf32, #tpu.memory_space<vmem>>, vector<16xf32>,
    %add3A_2630 = arith.addf %add3A_2625, %get3A_2629 : vector<16xf32>
    %get3A_2631 = arith.constant 14 : i32
    %get3A_2632 = arith.index_cast %get3A_2631 : i32 to index
    %get3A_2633 = arith.constant 496 : index
    %get3A_2634 = tpu.vector_load %arg7[%get3A_2632, %get3A_2633] {strides = array<i32>} : memref<16x640xf32, #tpu.memory_space<vmem>>, vector<16xf32>,
    %add3A_2635 = arith.addf %add3A_2630, %get3A_2634 : vector<16xf32>
    %get3A_2636 = arith.constant 15 : i32
    %get3A_2637 = arith.index_cast %get3A_2636 : i32 to index
    %get3A_2638 = arith.constant 496 : index
    %get3A_2639 = tpu.vector_load %arg7[%get3A_2637, %get3A_2638] {strides = array<i32>} : memref<16x640xf32, #tpu.memory_space<vmem>>, vector<16xf32>,
    %add3A_2640 = arith.addf %add3A_2635, %get3A_2639 : vector<16xf32>
    %swap3A_2641 = arith.constant 496 : index
    %swap3A_2642 = tpu.vector_load %arg6[%swap3A_2641] {strides = array<i32>} : memref<10240xf32, #tpu.memory_space<vmem>>, vector<16xf32>,
    tpu.vector_store %arg6[%swap3A_2641], %add3A_2640 {strides = array<i32>} : memref<10240xf32, #tpu.memory_space<vmem>>, vector<16xf32>,
    %get3A_2643 = arith.constant 0 : i32
    %get3A_2644 = arith.index_cast %get3A_2643 : i32 to index
    %get3A_2645 = arith.constant 512 : index
    %get3A_2646 = tpu.vector_load %arg7[%get3A_2644, %get3A_2645] {strides = array<i32>} : memref<16x640xf32, #tpu.memory_space<vmem>>, vector<16xf32>,
    %get3A_2647 = arith.constant 1 : i32
    %get3A_2648 = arith.index_cast %get3A_2647 : i32 to index
    %get3A_2649 = arith.constant 512 : index
    %get3A_2650 = tpu.vector_load %arg7[%get3A_2648, %get3A_2649] {strides = array<i32>} : memref<16x640xf32, #tpu.memory_space<vmem>>, vector<16xf32>,
    %add3A_2651 = arith.addf %get3A_2646, %get3A_2650 : vector<16xf32>
    %get3A_2652 = arith.constant 2 : i32
    %get3A_2653 = arith.index_cast %get3A_2652 : i32 to index
    %get3A_2654 = arith.constant 512 : index
    %get3A_2655 = tpu.vector_load %arg7[%get3A_2653, %get3A_2654] {strides = array<i32>} : memref<16x640xf32, #tpu.memory_space<vmem>>, vector<16xf32>,
    %add3A_2656 = arith.addf %add3A_2651, %get3A_2655 : vector<16xf32>
    %get3A_2657 = arith.constant 3 : i32
    %get3A_2658 = arith.index_cast %get3A_2657 : i32 to index
    %get3A_2659 = arith.constant 512 : index
    %get3A_2660 = tpu.vector_load %arg7[%get3A_2658, %get3A_2659] {strides = array<i32>} : memref<16x640xf32, #tpu.memory_space<vmem>>, vector<16xf32>,
    %add3A_2661 = arith.addf %add3A_2656, %get3A_2660 : vector<16xf32>
    %get3A_2662 = arith.constant 4 : i32
    %get3A_2663 = arith.index_cast %get3A_2662 : i32 to index
    %get3A_2664 = arith.constant 512 : index
    %get3A_2665 = tpu.vector_load %arg7[%get3A_2663, %get3A_2664] {strides = array<i32>} : memref<16x640xf32, #tpu.memory_space<vmem>>, vector<16xf32>,
    %add3A_2666 = arith.addf %add3A_2661, %get3A_2665 : vector<16xf32>
    %get3A_2667 = arith.constant 5 : i32
    %get3A_2668 = arith.index_cast %get3A_2667 : i32 to index
    %get3A_2669 = arith.constant 512 : index
    %get3A_2670 = tpu.vector_load %arg7[%get3A_2668, %get3A_2669] {strides = array<i32>} : memref<16x640xf32, #tpu.memory_space<vmem>>, vector<16xf32>,
    %add3A_2671 = arith.addf %add3A_2666, %get3A_2670 : vector<16xf32>
    %get3A_2672 = arith.constant 6 : i32
    %get3A_2673 = arith.index_cast %get3A_2672 : i32 to index
    %get3A_2674 = arith.constant 512 : index
    %get3A_2675 = tpu.vector_load %arg7[%get3A_2673, %get3A_2674] {strides = array<i32>} : memref<16x640xf32, #tpu.memory_space<vmem>>, vector<16xf32>,
    %add3A_2676 = arith.addf %add3A_2671, %get3A_2675 : vector<16xf32>
    %get3A_2677 = arith.constant 7 : i32
    %get3A_2678 = arith.index_cast %get3A_2677 : i32 to index
    %get3A_2679 = arith.constant 512 : index
    %get3A_2680 = tpu.vector_load %arg7[%get3A_2678, %get3A_2679] {strides = array<i32>} : memref<16x640xf32, #tpu.memory_space<vmem>>, vector<16xf32>,
    %add3A_2681 = arith.addf %add3A_2676, %get3A_2680 : vector<16xf32>
    %get3A_2682 = arith.constant 8 : i32
    %get3A_2683 = arith.index_cast %get3A_2682 : i32 to index
    %get3A_2684 = arith.constant 512 : index
    %get3A_2685 = tpu.vector_load %arg7[%get3A_2683, %get3A_2684] {strides = array<i32>} : memref<16x640xf32, #tpu.memory_space<vmem>>, vector<16xf32>,
    %add3A_2686 = arith.addf %add3A_2681, %get3A_2685 : vector<16xf32>
    %get3A_2687 = arith.constant 9 : i32
    %get3A_2688 = arith.index_cast %get3A_2687 : i32 to index
    %get3A_2689 = arith.constant 512 : index
    %get3A_2690 = tpu.vector_load %arg7[%get3A_2688, %get3A_2689] {strides = array<i32>} : memref<16x640xf32, #tpu.memory_space<vmem>>, vector<16xf32>,
    %add3A_2691 = arith.addf %add3A_2686, %get3A_2690 : vector<16xf32>
    %get3A_2692 = arith.constant 10 : i32
    %get3A_2693 = arith.index_cast %get3A_2692 : i32 to index
    %get3A_2694 = arith.constant 512 : index
    %get3A_2695 = tpu.vector_load %arg7[%get3A_2693, %get3A_2694] {strides = array<i32>} : memref<16x640xf32, #tpu.memory_space<vmem>>, vector<16xf32>,
    %add3A_2696 = arith.addf %add3A_2691, %get3A_2695 : vector<16xf32>
    %get3A_2697 = arith.constant 11 : i32
    %get3A_2698 = arith.index_cast %get3A_2697 : i32 to index
    %get3A_2699 = arith.constant 512 : index
    %get3A_2700 = tpu.vector_load %arg7[%get3A_2698, %get3A_2699] {strides = array<i32>} : memref<16x640xf32, #tpu.memory_space<vmem>>, vector<16xf32>,
    %add3A_2701 = arith.addf %add3A_2696, %get3A_2700 : vector<16xf32>
    %get3A_2702 = arith.constant 12 : i32
    %get3A_2703 = arith.index_cast %get3A_2702 : i32 to index
    %get3A_2704 = arith.constant 512 : index
    %get3A_2705 = tpu.vector_load %arg7[%get3A_2703, %get3A_2704] {strides = array<i32>} : memref<16x640xf32, #tpu.memory_space<vmem>>, vector<16xf32>,
    %add3A_2706 = arith.addf %add3A_2701, %get3A_2705 : vector<16xf32>
    %get3A_2707 = arith.constant 13 : i32
    %get3A_2708 = arith.index_cast %get3A_2707 : i32 to index
    %get3A_2709 = arith.constant 512 : index
    %get3A_2710 = tpu.vector_load %arg7[%get3A_2708, %get3A_2709] {strides = array<i32>} : memref<16x640xf32, #tpu.memory_space<vmem>>, vector<16xf32>,
    %add3A_2711 = arith.addf %add3A_2706, %get3A_2710 : vector<16xf32>
    %get3A_2712 = arith.constant 14 : i32
    %get3A_2713 = arith.index_cast %get3A_2712 : i32 to index
    %get3A_2714 = arith.constant 512 : index
    %get3A_2715 = tpu.vector_load %arg7[%get3A_2713, %get3A_2714] {strides = array<i32>} : memref<16x640xf32, #tpu.memory_space<vmem>>, vector<16xf32>,
    %add3A_2716 = arith.addf %add3A_2711, %get3A_2715 : vector<16xf32>
    %get3A_2717 = arith.constant 15 : i32
    %get3A_2718 = arith.index_cast %get3A_2717 : i32 to index
    %get3A_2719 = arith.constant 512 : index
    %get3A_2720 = tpu.vector_load %arg7[%get3A_2718, %get3A_2719] {strides = array<i32>} : memref<16x640xf32, #tpu.memory_space<vmem>>, vector<16xf32>,
    %add3A_2721 = arith.addf %add3A_2716, %get3A_2720 : vector<16xf32>
    %swap3A_2722 = arith.constant 512 : index
    %swap3A_2723 = tpu.vector_load %arg6[%swap3A_2722] {strides = array<i32>} : memref<10240xf32, #tpu.memory_space<vmem>>, vector<16xf32>,
    tpu.vector_store %arg6[%swap3A_2722], %add3A_2721 {strides = array<i32>} : memref<10240xf32, #tpu.memory_space<vmem>>, vector<16xf32>,
    %get3A_2724 = arith.constant 0 : i32
    %get3A_2725 = arith.index_cast %get3A_2724 : i32 to index
    %get3A_2726 = arith.constant 528 : index
    %get3A_2727 = tpu.vector_load %arg7[%get3A_2725, %get3A_2726] {strides = array<i32>} : memref<16x640xf32, #tpu.memory_space<vmem>>, vector<16xf32>,
    %get3A_2728 = arith.constant 1 : i32
    %get3A_2729 = arith.index_cast %get3A_2728 : i32 to index
    %get3A_2730 = arith.constant 528 : index
    %get3A_2731 = tpu.vector_load %arg7[%get3A_2729, %get3A_2730] {strides = array<i32>} : memref<16x640xf32, #tpu.memory_space<vmem>>, vector<16xf32>,
    %add3A_2732 = arith.addf %get3A_2727, %get3A_2731 : vector<16xf32>
    %get3A_2733 = arith.constant 2 : i32
    %get3A_2734 = arith.index_cast %get3A_2733 : i32 to index
    %get3A_2735 = arith.constant 528 : index
    %get3A_2736 = tpu.vector_load %arg7[%get3A_2734, %get3A_2735] {strides = array<i32>} : memref<16x640xf32, #tpu.memory_space<vmem>>, vector<16xf32>,
    %add3A_2737 = arith.addf %add3A_2732, %get3A_2736 : vector<16xf32>
    %get3A_2738 = arith.constant 3 : i32
    %get3A_2739 = arith.index_cast %get3A_2738 : i32 to index
    %get3A_2740 = arith.constant 528 : index
    %get3A_2741 = tpu.vector_load %arg7[%get3A_2739, %get3A_2740] {strides = array<i32>} : memref<16x640xf32, #tpu.memory_space<vmem>>, vector<16xf32>,
    %add3A_2742 = arith.addf %add3A_2737, %get3A_2741 : vector<16xf32>
    %get3A_2743 = arith.constant 4 : i32
    %get3A_2744 = arith.index_cast %get3A_2743 : i32 to index
    %get3A_2745 = arith.constant 528 : index
    %get3A_2746 = tpu.vector_load %arg7[%get3A_2744, %get3A_2745] {strides = array<i32>} : memref<16x640xf32, #tpu.memory_space<vmem>>, vector<16xf32>,
    %add3A_2747 = arith.addf %add3A_2742, %get3A_2746 : vector<16xf32>
    %get3A_2748 = arith.constant 5 : i32
    %get3A_2749 = arith.index_cast %get3A_2748 : i32 to index
    %get3A_2750 = arith.constant 528 : index
    %get3A_2751 = tpu.vector_load %arg7[%get3A_2749, %get3A_2750] {strides = array<i32>} : memref<16x640xf32, #tpu.memory_space<vmem>>, vector<16xf32>,
    %add3A_2752 = arith.addf %add3A_2747, %get3A_2751 : vector<16xf32>
    %get3A_2753 = arith.constant 6 : i32
    %get3A_2754 = arith.index_cast %get3A_2753 : i32 to index
    %get3A_2755 = arith.constant 528 : index
    %get3A_2756 = tpu.vector_load %arg7[%get3A_2754, %get3A_2755] {strides = array<i32>} : memref<16x640xf32, #tpu.memory_space<vmem>>, vector<16xf32>,
    %add3A_2757 = arith.addf %add3A_2752, %get3A_2756 : vector<16xf32>
    %get3A_2758 = arith.constant 7 : i32
    %get3A_2759 = arith.index_cast %get3A_2758 : i32 to index
    %get3A_2760 = arith.constant 528 : index
    %get3A_2761 = tpu.vector_load %arg7[%get3A_2759, %get3A_2760] {strides = array<i32>} : memref<16x640xf32, #tpu.memory_space<vmem>>, vector<16xf32>,
    %add3A_2762 = arith.addf %add3A_2757, %get3A_2761 : vector<16xf32>
    %get3A_2763 = arith.constant 8 : i32
    %get3A_2764 = arith.index_cast %get3A_2763 : i32 to index
    %get3A_2765 = arith.constant 528 : index
    %get3A_2766 = tpu.vector_load %arg7[%get3A_2764, %get3A_2765] {strides = array<i32>} : memref<16x640xf32, #tpu.memory_space<vmem>>, vector<16xf32>,
    %add3A_2767 = arith.addf %add3A_2762, %get3A_2766 : vector<16xf32>
    %get3A_2768 = arith.constant 9 : i32
    %get3A_2769 = arith.index_cast %get3A_2768 : i32 to index
    %get3A_2770 = arith.constant 528 : index
    %get3A_2771 = tpu.vector_load %arg7[%get3A_2769, %get3A_2770] {strides = array<i32>} : memref<16x640xf32, #tpu.memory_space<vmem>>, vector<16xf32>,
    %add3A_2772 = arith.addf %add3A_2767, %get3A_2771 : vector<16xf32>
    %get3A_2773 = arith.constant 10 : i32
    %get3A_2774 = arith.index_cast %get3A_2773 : i32 to index
    %get3A_2775 = arith.constant 528 : index
    %get3A_2776 = tpu.vector_load %arg7[%get3A_2774, %get3A_2775] {strides = array<i32>} : memref<16x640xf32, #tpu.memory_space<vmem>>, vector<16xf32>,
    %add3A_2777 = arith.addf %add3A_2772, %get3A_2776 : vector<16xf32>
    %get3A_2778 = arith.constant 11 : i32
    %get3A_2779 = arith.index_cast %get3A_2778 : i32 to index
    %get3A_2780 = arith.constant 528 : index
    %get3A_2781 = tpu.vector_load %arg7[%get3A_2779, %get3A_2780] {strides = array<i32>} : memref<16x640xf32, #tpu.memory_space<vmem>>, vector<16xf32>,
    %add3A_2782 = arith.addf %add3A_2777, %get3A_2781 : vector<16xf32>
    %get3A_2783 = arith.constant 12 : i32
    %get3A_2784 = arith.index_cast %get3A_2783 : i32 to index
    %get3A_2785 = arith.constant 528 : index
    %get3A_2786 = tpu.vector_load %arg7[%get3A_2784, %get3A_2785] {strides = array<i32>} : memref<16x640xf32, #tpu.memory_space<vmem>>, vector<16xf32>,
    %add3A_2787 = arith.addf %add3A_2782, %get3A_2786 : vector<16xf32>
    %get3A_2788 = arith.constant 13 : i32
    %get3A_2789 = arith.index_cast %get3A_2788 : i32 to index
    %get3A_2790 = arith.constant 528 : index
    %get3A_2791 = tpu.vector_load %arg7[%get3A_2789, %get3A_2790] {strides = array<i32>} : memref<16x640xf32, #tpu.memory_space<vmem>>, vector<16xf32>,
    %add3A_2792 = arith.addf %add3A_2787, %get3A_2791 : vector<16xf32>
    %get3A_2793 = arith.constant 14 : i32
    %get3A_2794 = arith.index_cast %get3A_2793 : i32 to index
    %get3A_2795 = arith.constant 528 : index
    %get3A_2796 = tpu.vector_load %arg7[%get3A_2794, %get3A_2795] {strides = array<i32>} : memref<16x640xf32, #tpu.memory_space<vmem>>, vector<16xf32>,
    %add3A_2797 = arith.addf %add3A_2792, %get3A_2796 : vector<16xf32>
    %get3A_2798 = arith.constant 15 : i32
    %get3A_2799 = arith.index_cast %get3A_2798 : i32 to index
    %get3A_2800 = arith.constant 528 : index
    %get3A_2801 = tpu.vector_load %arg7[%get3A_2799, %get3A_2800] {strides = array<i32>} : memref<16x640xf32, #tpu.memory_space<vmem>>, vector<16xf32>,
    %add3A_2802 = arith.addf %add3A_2797, %get3A_2801 : vector<16xf32>
    %swap3A_2803 = arith.constant 528 : index
    %swap3A_2804 = tpu.vector_load %arg6[%swap3A_2803] {strides = array<i32>} : memref<10240xf32, #tpu.memory_space<vmem>>, vector<16xf32>,
    tpu.vector_store %arg6[%swap3A_2803], %add3A_2802 {strides = array<i32>} : memref<10240xf32, #tpu.memory_space<vmem>>, vector<16xf32>,
    %get3A_2805 = arith.constant 0 : i32
    %get3A_2806 = arith.index_cast %get3A_2805 : i32 to index
    %get3A_2807 = arith.constant 544 : index
    %get3A_2808 = tpu.vector_load %arg7[%get3A_2806, %get3A_2807] {strides = array<i32>} : memref<16x640xf32, #tpu.memory_space<vmem>>, vector<16xf32>,
    %get3A_2809 = arith.constant 1 : i32
    %get3A_2810 = arith.index_cast %get3A_2809 : i32 to index
    %get3A_2811 = arith.constant 544 : index
    %get3A_2812 = tpu.vector_load %arg7[%get3A_2810, %get3A_2811] {strides = array<i32>} : memref<16x640xf32, #tpu.memory_space<vmem>>, vector<16xf32>,
    %add3A_2813 = arith.addf %get3A_2808, %get3A_2812 : vector<16xf32>
    %get3A_2814 = arith.constant 2 : i32
    %get3A_2815 = arith.index_cast %get3A_2814 : i32 to index
    %get3A_2816 = arith.constant 544 : index
    %get3A_2817 = tpu.vector_load %arg7[%get3A_2815, %get3A_2816] {strides = array<i32>} : memref<16x640xf32, #tpu.memory_space<vmem>>, vector<16xf32>,
    %add3A_2818 = arith.addf %add3A_2813, %get3A_2817 : vector<16xf32>
    %get3A_2819 = arith.constant 3 : i32
    %get3A_2820 = arith.index_cast %get3A_2819 : i32 to index
    %get3A_2821 = arith.constant 544 : index
    %get3A_2822 = tpu.vector_load %arg7[%get3A_2820, %get3A_2821] {strides = array<i32>} : memref<16x640xf32, #tpu.memory_space<vmem>>, vector<16xf32>,
    %add3A_2823 = arith.addf %add3A_2818, %get3A_2822 : vector<16xf32>
    %get3A_2824 = arith.constant 4 : i32
    %get3A_2825 = arith.index_cast %get3A_2824 : i32 to index
    %get3A_2826 = arith.constant 544 : index
    %get3A_2827 = tpu.vector_load %arg7[%get3A_2825, %get3A_2826] {strides = array<i32>} : memref<16x640xf32, #tpu.memory_space<vmem>>, vector<16xf32>,
    %add3A_2828 = arith.addf %add3A_2823, %get3A_2827 : vector<16xf32>
    %get3A_2829 = arith.constant 5 : i32
    %get3A_2830 = arith.index_cast %get3A_2829 : i32 to index
    %get3A_2831 = arith.constant 544 : index
    %get3A_2832 = tpu.vector_load %arg7[%get3A_2830, %get3A_2831] {strides = array<i32>} : memref<16x640xf32, #tpu.memory_space<vmem>>, vector<16xf32>,
    %add3A_2833 = arith.addf %add3A_2828, %get3A_2832 : vector<16xf32>
    %get3A_2834 = arith.constant 6 : i32
    %get3A_2835 = arith.index_cast %get3A_2834 : i32 to index
    %get3A_2836 = arith.constant 544 : index
    %get3A_2837 = tpu.vector_load %arg7[%get3A_2835, %get3A_2836] {strides = array<i32>} : memref<16x640xf32, #tpu.memory_space<vmem>>, vector<16xf32>,
    %add3A_2838 = arith.addf %add3A_2833, %get3A_2837 : vector<16xf32>
    %get3A_2839 = arith.constant 7 : i32
    %get3A_2840 = arith.index_cast %get3A_2839 : i32 to index
    %get3A_2841 = arith.constant 544 : index
    %get3A_2842 = tpu.vector_load %arg7[%get3A_2840, %get3A_2841] {strides = array<i32>} : memref<16x640xf32, #tpu.memory_space<vmem>>, vector<16xf32>,
    %add3A_2843 = arith.addf %add3A_2838, %get3A_2842 : vector<16xf32>
    %get3A_2844 = arith.constant 8 : i32
    %get3A_2845 = arith.index_cast %get3A_2844 : i32 to index
    %get3A_2846 = arith.constant 544 : index
    %get3A_2847 = tpu.vector_load %arg7[%get3A_2845, %get3A_2846] {strides = array<i32>} : memref<16x640xf32, #tpu.memory_space<vmem>>, vector<16xf32>,
    %add3A_2848 = arith.addf %add3A_2843, %get3A_2847 : vector<16xf32>
    %get3A_2849 = arith.constant 9 : i32
    %get3A_2850 = arith.index_cast %get3A_2849 : i32 to index
    %get3A_2851 = arith.constant 544 : index
    %get3A_2852 = tpu.vector_load %arg7[%get3A_2850, %get3A_2851] {strides = array<i32>} : memref<16x640xf32, #tpu.memory_space<vmem>>, vector<16xf32>,
    %add3A_2853 = arith.addf %add3A_2848, %get3A_2852 : vector<16xf32>
    %get3A_2854 = arith.constant 10 : i32
    %get3A_2855 = arith.index_cast %get3A_2854 : i32 to index
    %get3A_2856 = arith.constant 544 : index
    %get3A_2857 = tpu.vector_load %arg7[%get3A_2855, %get3A_2856] {strides = array<i32>} : memref<16x640xf32, #tpu.memory_space<vmem>>, vector<16xf32>,
    %add3A_2858 = arith.addf %add3A_2853, %get3A_2857 : vector<16xf32>
    %get3A_2859 = arith.constant 11 : i32
    %get3A_2860 = arith.index_cast %get3A_2859 : i32 to index
    %get3A_2861 = arith.constant 544 : index
    %get3A_2862 = tpu.vector_load %arg7[%get3A_2860, %get3A_2861] {strides = array<i32>} : memref<16x640xf32, #tpu.memory_space<vmem>>, vector<16xf32>,
    %add3A_2863 = arith.addf %add3A_2858, %get3A_2862 : vector<16xf32>
    %get3A_2864 = arith.constant 12 : i32
    %get3A_2865 = arith.index_cast %get3A_2864 : i32 to index
    %get3A_2866 = arith.constant 544 : index
    %get3A_2867 = tpu.vector_load %arg7[%get3A_2865, %get3A_2866] {strides = array<i32>} : memref<16x640xf32, #tpu.memory_space<vmem>>, vector<16xf32>,
    %add3A_2868 = arith.addf %add3A_2863, %get3A_2867 : vector<16xf32>
    %get3A_2869 = arith.constant 13 : i32
    %get3A_2870 = arith.index_cast %get3A_2869 : i32 to index
    %get3A_2871 = arith.constant 544 : index
    %get3A_2872 = tpu.vector_load %arg7[%get3A_2870, %get3A_2871] {strides = array<i32>} : memref<16x640xf32, #tpu.memory_space<vmem>>, vector<16xf32>,
    %add3A_2873 = arith.addf %add3A_2868, %get3A_2872 : vector<16xf32>
    %get3A_2874 = arith.constant 14 : i32
    %get3A_2875 = arith.index_cast %get3A_2874 : i32 to index
    %get3A_2876 = arith.constant 544 : index
    %get3A_2877 = tpu.vector_load %arg7[%get3A_2875, %get3A_2876] {strides = array<i32>} : memref<16x640xf32, #tpu.memory_space<vmem>>, vector<16xf32>,
    %add3A_2878 = arith.addf %add3A_2873, %get3A_2877 : vector<16xf32>
    %get3A_2879 = arith.constant 15 : i32
    %get3A_2880 = arith.index_cast %get3A_2879 : i32 to index
    %get3A_2881 = arith.constant 544 : index
    %get3A_2882 = tpu.vector_load %arg7[%get3A_2880, %get3A_2881] {strides = array<i32>} : memref<16x640xf32, #tpu.memory_space<vmem>>, vector<16xf32>,
    %add3A_2883 = arith.addf %add3A_2878, %get3A_2882 : vector<16xf32>
    %swap3A_2884 = arith.constant 544 : index
    %swap3A_2885 = tpu.vector_load %arg6[%swap3A_2884] {strides = array<i32>} : memref<10240xf32, #tpu.memory_space<vmem>>, vector<16xf32>,
    tpu.vector_store %arg6[%swap3A_2884], %add3A_2883 {strides = array<i32>} : memref<10240xf32, #tpu.memory_space<vmem>>, vector<16xf32>,
    %get3A_2886 = arith.constant 0 : i32
    %get3A_2887 = arith.index_cast %get3A_2886 : i32 to index
    %get3A_2888 = arith.constant 560 : index
    %get3A_2889 = tpu.vector_load %arg7[%get3A_2887, %get3A_2888] {strides = array<i32>} : memref<16x640xf32, #tpu.memory_space<vmem>>, vector<16xf32>,
    %get3A_2890 = arith.constant 1 : i32
    %get3A_2891 = arith.index_cast %get3A_2890 : i32 to index
    %get3A_2892 = arith.constant 560 : index
    %get3A_2893 = tpu.vector_load %arg7[%get3A_2891, %get3A_2892] {strides = array<i32>} : memref<16x640xf32, #tpu.memory_space<vmem>>, vector<16xf32>,
    %add3A_2894 = arith.addf %get3A_2889, %get3A_2893 : vector<16xf32>
    %get3A_2895 = arith.constant 2 : i32
    %get3A_2896 = arith.index_cast %get3A_2895 : i32 to index
    %get3A_2897 = arith.constant 560 : index
    %get3A_2898 = tpu.vector_load %arg7[%get3A_2896, %get3A_2897] {strides = array<i32>} : memref<16x640xf32, #tpu.memory_space<vmem>>, vector<16xf32>,
    %add3A_2899 = arith.addf %add3A_2894, %get3A_2898 : vector<16xf32>
    %get3A_2900 = arith.constant 3 : i32
    %get3A_2901 = arith.index_cast %get3A_2900 : i32 to index
    %get3A_2902 = arith.constant 560 : index
    %get3A_2903 = tpu.vector_load %arg7[%get3A_2901, %get3A_2902] {strides = array<i32>} : memref<16x640xf32, #tpu.memory_space<vmem>>, vector<16xf32>,
    %add3A_2904 = arith.addf %add3A_2899, %get3A_2903 : vector<16xf32>
    %get3A_2905 = arith.constant 4 : i32
    %get3A_2906 = arith.index_cast %get3A_2905 : i32 to index
    %get3A_2907 = arith.constant 560 : index
    %get3A_2908 = tpu.vector_load %arg7[%get3A_2906, %get3A_2907] {strides = array<i32>} : memref<16x640xf32, #tpu.memory_space<vmem>>, vector<16xf32>,
    %add3A_2909 = arith.addf %add3A_2904, %get3A_2908 : vector<16xf32>
    %get3A_2910 = arith.constant 5 : i32
    %get3A_2911 = arith.index_cast %get3A_2910 : i32 to index
    %get3A_2912 = arith.constant 560 : index
    %get3A_2913 = tpu.vector_load %arg7[%get3A_2911, %get3A_2912] {strides = array<i32>} : memref<16x640xf32, #tpu.memory_space<vmem>>, vector<16xf32>,
    %add3A_2914 = arith.addf %add3A_2909, %get3A_2913 : vector<16xf32>
    %get3A_2915 = arith.constant 6 : i32
    %get3A_2916 = arith.index_cast %get3A_2915 : i32 to index
    %get3A_2917 = arith.constant 560 : index
    %get3A_2918 = tpu.vector_load %arg7[%get3A_2916, %get3A_2917] {strides = array<i32>} : memref<16x640xf32, #tpu.memory_space<vmem>>, vector<16xf32>,
    %add3A_2919 = arith.addf %add3A_2914, %get3A_2918 : vector<16xf32>
    %get3A_2920 = arith.constant 7 : i32
    %get3A_2921 = arith.index_cast %get3A_2920 : i32 to index
    %get3A_2922 = arith.constant 560 : index
    %get3A_2923 = tpu.vector_load %arg7[%get3A_2921, %get3A_2922] {strides = array<i32>} : memref<16x640xf32, #tpu.memory_space<vmem>>, vector<16xf32>,
    %add3A_2924 = arith.addf %add3A_2919, %get3A_2923 : vector<16xf32>
    %get3A_2925 = arith.constant 8 : i32
    %get3A_2926 = arith.index_cast %get3A_2925 : i32 to index
    %get3A_2927 = arith.constant 560 : index
    %get3A_2928 = tpu.vector_load %arg7[%get3A_2926, %get3A_2927] {strides = array<i32>} : memref<16x640xf32, #tpu.memory_space<vmem>>, vector<16xf32>,
    %add3A_2929 = arith.addf %add3A_2924, %get3A_2928 : vector<16xf32>
    %get3A_2930 = arith.constant 9 : i32
    %get3A_2931 = arith.index_cast %get3A_2930 : i32 to index
    %get3A_2932 = arith.constant 560 : index
    %get3A_2933 = tpu.vector_load %arg7[%get3A_2931, %get3A_2932] {strides = array<i32>} : memref<16x640xf32, #tpu.memory_space<vmem>>, vector<16xf32>,
    %add3A_2934 = arith.addf %add3A_2929, %get3A_2933 : vector<16xf32>
    %get3A_2935 = arith.constant 10 : i32
    %get3A_2936 = arith.index_cast %get3A_2935 : i32 to index
    %get3A_2937 = arith.constant 560 : index
    %get3A_2938 = tpu.vector_load %arg7[%get3A_2936, %get3A_2937] {strides = array<i32>} : memref<16x640xf32, #tpu.memory_space<vmem>>, vector<16xf32>,
    %add3A_2939 = arith.addf %add3A_2934, %get3A_2938 : vector<16xf32>
    %get3A_2940 = arith.constant 11 : i32
    %get3A_2941 = arith.index_cast %get3A_2940 : i32 to index
    %get3A_2942 = arith.constant 560 : index
    %get3A_2943 = tpu.vector_load %arg7[%get3A_2941, %get3A_2942] {strides = array<i32>} : memref<16x640xf32, #tpu.memory_space<vmem>>, vector<16xf32>,
    %add3A_2944 = arith.addf %add3A_2939, %get3A_2943 : vector<16xf32>
    %get3A_2945 = arith.constant 12 : i32
    %get3A_2946 = arith.index_cast %get3A_2945 : i32 to index
    %get3A_2947 = arith.constant 560 : index
    %get3A_2948 = tpu.vector_load %arg7[%get3A_2946, %get3A_2947] {strides = array<i32>} : memref<16x640xf32, #tpu.memory_space<vmem>>, vector<16xf32>,
    %add3A_2949 = arith.addf %add3A_2944, %get3A_2948 : vector<16xf32>
    %get3A_2950 = arith.constant 13 : i32
    %get3A_2951 = arith.index_cast %get3A_2950 : i32 to index
    %get3A_2952 = arith.constant 560 : index
    %get3A_2953 = tpu.vector_load %arg7[%get3A_2951, %get3A_2952] {strides = array<i32>} : memref<16x640xf32, #tpu.memory_space<vmem>>, vector<16xf32>,
    %add3A_2954 = arith.addf %add3A_2949, %get3A_2953 : vector<16xf32>
    %get3A_2955 = arith.constant 14 : i32
    %get3A_2956 = arith.index_cast %get3A_2955 : i32 to index
    %get3A_2957 = arith.constant 560 : index
    %get3A_2958 = tpu.vector_load %arg7[%get3A_2956, %get3A_2957] {strides = array<i32>} : memref<16x640xf32, #tpu.memory_space<vmem>>, vector<16xf32>,
    %add3A_2959 = arith.addf %add3A_2954, %get3A_2958 : vector<16xf32>
    %get3A_2960 = arith.constant 15 : i32
    %get3A_2961 = arith.index_cast %get3A_2960 : i32 to index
    %get3A_2962 = arith.constant 560 : index
    %get3A_2963 = tpu.vector_load %arg7[%get3A_2961, %get3A_2962] {strides = array<i32>} : memref<16x640xf32, #tpu.memory_space<vmem>>, vector<16xf32>,
    %add3A_2964 = arith.addf %add3A_2959, %get3A_2963 : vector<16xf32>
    %swap3A_2965 = arith.constant 560 : index
    %swap3A_2966 = tpu.vector_load %arg6[%swap3A_2965] {strides = array<i32>} : memref<10240xf32, #tpu.memory_space<vmem>>, vector<16xf32>,
    tpu.vector_store %arg6[%swap3A_2965], %add3A_2964 {strides = array<i32>} : memref<10240xf32, #tpu.memory_space<vmem>>, vector<16xf32>,
    %get3A_2967 = arith.constant 0 : i32
    %get3A_2968 = arith.index_cast %get3A_2967 : i32 to index
    %get3A_2969 = arith.constant 576 : index
    %get3A_2970 = tpu.vector_load %arg7[%get3A_2968, %get3A_2969] {strides = array<i32>} : memref<16x640xf32, #tpu.memory_space<vmem>>, vector<16xf32>,
    %get3A_2971 = arith.constant 1 : i32
    %get3A_2972 = arith.index_cast %get3A_2971 : i32 to index
    %get3A_2973 = arith.constant 576 : index
    %get3A_2974 = tpu.vector_load %arg7[%get3A_2972, %get3A_2973] {strides = array<i32>} : memref<16x640xf32, #tpu.memory_space<vmem>>, vector<16xf32>,
    %add3A_2975 = arith.addf %get3A_2970, %get3A_2974 : vector<16xf32>
    %get3A_2976 = arith.constant 2 : i32
    %get3A_2977 = arith.index_cast %get3A_2976 : i32 to index
    %get3A_2978 = arith.constant 576 : index
    %get3A_2979 = tpu.vector_load %arg7[%get3A_2977, %get3A_2978] {strides = array<i32>} : memref<16x640xf32, #tpu.memory_space<vmem>>, vector<16xf32>,
    %add3A_2980 = arith.addf %add3A_2975, %get3A_2979 : vector<16xf32>
    %get3A_2981 = arith.constant 3 : i32
    %get3A_2982 = arith.index_cast %get3A_2981 : i32 to index
    %get3A_2983 = arith.constant 576 : index
    %get3A_2984 = tpu.vector_load %arg7[%get3A_2982, %get3A_2983] {strides = array<i32>} : memref<16x640xf32, #tpu.memory_space<vmem>>, vector<16xf32>,
    %add3A_2985 = arith.addf %add3A_2980, %get3A_2984 : vector<16xf32>
    %get3A_2986 = arith.constant 4 : i32
    %get3A_2987 = arith.index_cast %get3A_2986 : i32 to index
    %get3A_2988 = arith.constant 576 : index
    %get3A_2989 = tpu.vector_load %arg7[%get3A_2987, %get3A_2988] {strides = array<i32>} : memref<16x640xf32, #tpu.memory_space<vmem>>, vector<16xf32>,
    %add3A_2990 = arith.addf %add3A_2985, %get3A_2989 : vector<16xf32>
    %get3A_2991 = arith.constant 5 : i32
    %get3A_2992 = arith.index_cast %get3A_2991 : i32 to index
    %get3A_2993 = arith.constant 576 : index
    %get3A_2994 = tpu.vector_load %arg7[%get3A_2992, %get3A_2993] {strides = array<i32>} : memref<16x640xf32, #tpu.memory_space<vmem>>, vector<16xf32>,
    %add3A_2995 = arith.addf %add3A_2990, %get3A_2994 : vector<16xf32>
    %get3A_2996 = arith.constant 6 : i32
    %get3A_2997 = arith.index_cast %get3A_2996 : i32 to index
    %get3A_2998 = arith.constant 576 : index
    %get3A_2999 = tpu.vector_load %arg7[%get3A_2997, %get3A_2998] {strides = array<i32>} : memref<16x640xf32, #tpu.memory_space<vmem>>, vector<16xf32>,
    %add3A_3000 = arith.addf %add3A_2995, %get3A_2999 : vector<16xf32>
    %get3A_3001 = arith.constant 7 : i32
    %get3A_3002 = arith.index_cast %get3A_3001 : i32 to index
    %get3A_3003 = arith.constant 576 : index
    %get3A_3004 = tpu.vector_load %arg7[%get3A_3002, %get3A_3003] {strides = array<i32>} : memref<16x640xf32, #tpu.memory_space<vmem>>, vector<16xf32>,
    %add3A_3005 = arith.addf %add3A_3000, %get3A_3004 : vector<16xf32>
    %get3A_3006 = arith.constant 8 : i32
    %get3A_3007 = arith.index_cast %get3A_3006 : i32 to index
    %get3A_3008 = arith.constant 576 : index
    %get3A_3009 = tpu.vector_load %arg7[%get3A_3007, %get3A_3008] {strides = array<i32>} : memref<16x640xf32, #tpu.memory_space<vmem>>, vector<16xf32>,
    %add3A_3010 = arith.addf %add3A_3005, %get3A_3009 : vector<16xf32>
    %get3A_3011 = arith.constant 9 : i32
    %get3A_3012 = arith.index_cast %get3A_3011 : i32 to index
    %get3A_3013 = arith.constant 576 : index
    %get3A_3014 = tpu.vector_load %arg7[%get3A_3012, %get3A_3013] {strides = array<i32>} : memref<16x640xf32, #tpu.memory_space<vmem>>, vector<16xf32>,
    %add3A_3015 = arith.addf %add3A_3010, %get3A_3014 : vector<16xf32>
    %get3A_3016 = arith.constant 10 : i32
    %get3A_3017 = arith.index_cast %get3A_3016 : i32 to index
    %get3A_3018 = arith.constant 576 : index
    %get3A_3019 = tpu.vector_load %arg7[%get3A_3017, %get3A_3018] {strides = array<i32>} : memref<16x640xf32, #tpu.memory_space<vmem>>, vector<16xf32>,
    %add3A_3020 = arith.addf %add3A_3015, %get3A_3019 : vector<16xf32>
    %get3A_3021 = arith.constant 11 : i32
    %get3A_3022 = arith.index_cast %get3A_3021 : i32 to index
    %get3A_3023 = arith.constant 576 : index
    %get3A_3024 = tpu.vector_load %arg7[%get3A_3022, %get3A_3023] {strides = array<i32>} : memref<16x640xf32, #tpu.memory_space<vmem>>, vector<16xf32>,
    %add3A_3025 = arith.addf %add3A_3020, %get3A_3024 : vector<16xf32>
    %get3A_3026 = arith.constant 12 : i32
    %get3A_3027 = arith.index_cast %get3A_3026 : i32 to index
    %get3A_3028 = arith.constant 576 : index
    %get3A_3029 = tpu.vector_load %arg7[%get3A_3027, %get3A_3028] {strides = array<i32>} : memref<16x640xf32, #tpu.memory_space<vmem>>, vector<16xf32>,
    %add3A_3030 = arith.addf %add3A_3025, %get3A_3029 : vector<16xf32>
    %get3A_3031 = arith.constant 13 : i32
    %get3A_3032 = arith.index_cast %get3A_3031 : i32 to index
    %get3A_3033 = arith.constant 576 : index
    %get3A_3034 = tpu.vector_load %arg7[%get3A_3032, %get3A_3033] {strides = array<i32>} : memref<16x640xf32, #tpu.memory_space<vmem>>, vector<16xf32>,
    %add3A_3035 = arith.addf %add3A_3030, %get3A_3034 : vector<16xf32>
    %get3A_3036 = arith.constant 14 : i32
    %get3A_3037 = arith.index_cast %get3A_3036 : i32 to index
    %get3A_3038 = arith.constant 576 : index
    %get3A_3039 = tpu.vector_load %arg7[%get3A_3037, %get3A_3038] {strides = array<i32>} : memref<16x640xf32, #tpu.memory_space<vmem>>, vector<16xf32>,
    %add3A_3040 = arith.addf %add3A_3035, %get3A_3039 : vector<16xf32>
    %get3A_3041 = arith.constant 15 : i32
    %get3A_3042 = arith.index_cast %get3A_3041 : i32 to index
    %get3A_3043 = arith.constant 576 : index
    %get3A_3044 = tpu.vector_load %arg7[%get3A_3042, %get3A_3043] {strides = array<i32>} : memref<16x640xf32, #tpu.memory_space<vmem>>, vector<16xf32>,
    %add3A_3045 = arith.addf %add3A_3040, %get3A_3044 : vector<16xf32>
    %swap3A_3046 = arith.constant 576 : index
    %swap3A_3047 = tpu.vector_load %arg6[%swap3A_3046] {strides = array<i32>} : memref<10240xf32, #tpu.memory_space<vmem>>, vector<16xf32>,
    tpu.vector_store %arg6[%swap3A_3046], %add3A_3045 {strides = array<i32>} : memref<10240xf32, #tpu.memory_space<vmem>>, vector<16xf32>,
    %get3A_3048 = arith.constant 0 : i32
    %get3A_3049 = arith.index_cast %get3A_3048 : i32 to index
    %get3A_3050 = arith.constant 592 : index
    %get3A_3051 = tpu.vector_load %arg7[%get3A_3049, %get3A_3050] {strides = array<i32>} : memref<16x640xf32, #tpu.memory_space<vmem>>, vector<16xf32>,
    %get3A_3052 = arith.constant 1 : i32
    %get3A_3053 = arith.index_cast %get3A_3052 : i32 to index
    %get3A_3054 = arith.constant 592 : index
    %get3A_3055 = tpu.vector_load %arg7[%get3A_3053, %get3A_3054] {strides = array<i32>} : memref<16x640xf32, #tpu.memory_space<vmem>>, vector<16xf32>,
    %add3A_3056 = arith.addf %get3A_3051, %get3A_3055 : vector<16xf32>
    %get3A_3057 = arith.constant 2 : i32
    %get3A_3058 = arith.index_cast %get3A_3057 : i32 to index
    %get3A_3059 = arith.constant 592 : index
    %get3A_3060 = tpu.vector_load %arg7[%get3A_3058, %get3A_3059] {strides = array<i32>} : memref<16x640xf32, #tpu.memory_space<vmem>>, vector<16xf32>,
    %add3A_3061 = arith.addf %add3A_3056, %get3A_3060 : vector<16xf32>
    %get3A_3062 = arith.constant 3 : i32
    %get3A_3063 = arith.index_cast %get3A_3062 : i32 to index
    %get3A_3064 = arith.constant 592 : index
    %get3A_3065 = tpu.vector_load %arg7[%get3A_3063, %get3A_3064] {strides = array<i32>} : memref<16x640xf32, #tpu.memory_space<vmem>>, vector<16xf32>,
    %add3A_3066 = arith.addf %add3A_3061, %get3A_3065 : vector<16xf32>
    %get3A_3067 = arith.constant 4 : i32
    %get3A_3068 = arith.index_cast %get3A_3067 : i32 to index
    %get3A_3069 = arith.constant 592 : index
    %get3A_3070 = tpu.vector_load %arg7[%get3A_3068, %get3A_3069] {strides = array<i32>} : memref<16x640xf32, #tpu.memory_space<vmem>>, vector<16xf32>,
    %add3A_3071 = arith.addf %add3A_3066, %get3A_3070 : vector<16xf32>
    %get3A_3072 = arith.constant 5 : i32
    %get3A_3073 = arith.index_cast %get3A_3072 : i32 to index
    %get3A_3074 = arith.constant 592 : index
    %get3A_3075 = tpu.vector_load %arg7[%get3A_3073, %get3A_3074] {strides = array<i32>} : memref<16x640xf32, #tpu.memory_space<vmem>>, vector<16xf32>,
    %add3A_3076 = arith.addf %add3A_3071, %get3A_3075 : vector<16xf32>
    %get3A_3077 = arith.constant 6 : i32
    %get3A_3078 = arith.index_cast %get3A_3077 : i32 to index
    %get3A_3079 = arith.constant 592 : index
    %get3A_3080 = tpu.vector_load %arg7[%get3A_3078, %get3A_3079] {strides = array<i32>} : memref<16x640xf32, #tpu.memory_space<vmem>>, vector<16xf32>,
    %add3A_3081 = arith.addf %add3A_3076, %get3A_3080 : vector<16xf32>
    %get3A_3082 = arith.constant 7 : i32
    %get3A_3083 = arith.index_cast %get3A_3082 : i32 to index
    %get3A_3084 = arith.constant 592 : index
    %get3A_3085 = tpu.vector_load %arg7[%get3A_3083, %get3A_3084] {strides = array<i32>} : memref<16x640xf32, #tpu.memory_space<vmem>>, vector<16xf32>,
    %add3A_3086 = arith.addf %add3A_3081, %get3A_3085 : vector<16xf32>
    %get3A_3087 = arith.constant 8 : i32
    %get3A_3088 = arith.index_cast %get3A_3087 : i32 to index
    %get3A_3089 = arith.constant 592 : index
    %get3A_3090 = tpu.vector_load %arg7[%get3A_3088, %get3A_3089] {strides = array<i32>} : memref<16x640xf32, #tpu.memory_space<vmem>>, vector<16xf32>,
    %add3A_3091 = arith.addf %add3A_3086, %get3A_3090 : vector<16xf32>
    %get3A_3092 = arith.constant 9 : i32
    %get3A_3093 = arith.index_cast %get3A_3092 : i32 to index
    %get3A_3094 = arith.constant 592 : index
    %get3A_3095 = tpu.vector_load %arg7[%get3A_3093, %get3A_3094] {strides = array<i32>} : memref<16x640xf32, #tpu.memory_space<vmem>>, vector<16xf32>,
    %add3A_3096 = arith.addf %add3A_3091, %get3A_3095 : vector<16xf32>
    %get3A_3097 = arith.constant 10 : i32
    %get3A_3098 = arith.index_cast %get3A_3097 : i32 to index
    %get3A_3099 = arith.constant 592 : index
    %get3A_3100 = tpu.vector_load %arg7[%get3A_3098, %get3A_3099] {strides = array<i32>} : memref<16x640xf32, #tpu.memory_space<vmem>>, vector<16xf32>,
    %add3A_3101 = arith.addf %add3A_3096, %get3A_3100 : vector<16xf32>
    %get3A_3102 = arith.constant 11 : i32
    %get3A_3103 = arith.index_cast %get3A_3102 : i32 to index
    %get3A_3104 = arith.constant 592 : index
    %get3A_3105 = tpu.vector_load %arg7[%get3A_3103, %get3A_3104] {strides = array<i32>} : memref<16x640xf32, #tpu.memory_space<vmem>>, vector<16xf32>,
    %add3A_3106 = arith.addf %add3A_3101, %get3A_3105 : vector<16xf32>
    %get3A_3107 = arith.constant 12 : i32
    %get3A_3108 = arith.index_cast %get3A_3107 : i32 to index
    %get3A_3109 = arith.constant 592 : index
    %get3A_3110 = tpu.vector_load %arg7[%get3A_3108, %get3A_3109] {strides = array<i32>} : memref<16x640xf32, #tpu.memory_space<vmem>>, vector<16xf32>,
    %add3A_3111 = arith.addf %add3A_3106, %get3A_3110 : vector<16xf32>
    %get3A_3112 = arith.constant 13 : i32
    %get3A_3113 = arith.index_cast %get3A_3112 : i32 to index
    %get3A_3114 = arith.constant 592 : index
    %get3A_3115 = tpu.vector_load %arg7[%get3A_3113, %get3A_3114] {strides = array<i32>} : memref<16x640xf32, #tpu.memory_space<vmem>>, vector<16xf32>,
    %add3A_3116 = arith.addf %add3A_3111, %get3A_3115 : vector<16xf32>
    %get3A_3117 = arith.constant 14 : i32
    %get3A_3118 = arith.index_cast %get3A_3117 : i32 to index
    %get3A_3119 = arith.constant 592 : index
    %get3A_3120 = tpu.vector_load %arg7[%get3A_3118, %get3A_3119] {strides = array<i32>} : memref<16x640xf32, #tpu.memory_space<vmem>>, vector<16xf32>,
    %add3A_3121 = arith.addf %add3A_3116, %get3A_3120 : vector<16xf32>
    %get3A_3122 = arith.constant 15 : i32
    %get3A_3123 = arith.index_cast %get3A_3122 : i32 to index
    %get3A_3124 = arith.constant 592 : index
    %get3A_3125 = tpu.vector_load %arg7[%get3A_3123, %get3A_3124] {strides = array<i32>} : memref<16x640xf32, #tpu.memory_space<vmem>>, vector<16xf32>,
    %add3A_3126 = arith.addf %add3A_3121, %get3A_3125 : vector<16xf32>
    %swap3A_3127 = arith.constant 592 : index
    %swap3A_3128 = tpu.vector_load %arg6[%swap3A_3127] {strides = array<i32>} : memref<10240xf32, #tpu.memory_space<vmem>>, vector<16xf32>,
    tpu.vector_store %arg6[%swap3A_3127], %add3A_3126 {strides = array<i32>} : memref<10240xf32, #tpu.memory_space<vmem>>, vector<16xf32>,
    %get3A_3129 = arith.constant 0 : i32
    %get3A_3130 = arith.index_cast %get3A_3129 : i32 to index
    %get3A_3131 = arith.constant 608 : index
    %get3A_3132 = tpu.vector_load %arg7[%get3A_3130, %get3A_3131] {strides = array<i32>} : memref<16x640xf32, #tpu.memory_space<vmem>>, vector<16xf32>,
    %get3A_3133 = arith.constant 1 : i32
    %get3A_3134 = arith.index_cast %get3A_3133 : i32 to index
    %get3A_3135 = arith.constant 608 : index
    %get3A_3136 = tpu.vector_load %arg7[%get3A_3134, %get3A_3135] {strides = array<i32>} : memref<16x640xf32, #tpu.memory_space<vmem>>, vector<16xf32>,
    %add3A_3137 = arith.addf %get3A_3132, %get3A_3136 : vector<16xf32>
    %get3A_3138 = arith.constant 2 : i32
    %get3A_3139 = arith.index_cast %get3A_3138 : i32 to index
    %get3A_3140 = arith.constant 608 : index
    %get3A_3141 = tpu.vector_load %arg7[%get3A_3139, %get3A_3140] {strides = array<i32>} : memref<16x640xf32, #tpu.memory_space<vmem>>, vector<16xf32>,
    %add3A_3142 = arith.addf %add3A_3137, %get3A_3141 : vector<16xf32>
    %get3A_3143 = arith.constant 3 : i32
    %get3A_3144 = arith.index_cast %get3A_3143 : i32 to index
    %get3A_3145 = arith.constant 608 : index
    %get3A_3146 = tpu.vector_load %arg7[%get3A_3144, %get3A_3145] {strides = array<i32>} : memref<16x640xf32, #tpu.memory_space<vmem>>, vector<16xf32>,
    %add3A_3147 = arith.addf %add3A_3142, %get3A_3146 : vector<16xf32>
    %get3A_3148 = arith.constant 4 : i32
    %get3A_3149 = arith.index_cast %get3A_3148 : i32 to index
    %get3A_3150 = arith.constant 608 : index
    %get3A_3151 = tpu.vector_load %arg7[%get3A_3149, %get3A_3150] {strides = array<i32>} : memref<16x640xf32, #tpu.memory_space<vmem>>, vector<16xf32>,
    %add3A_3152 = arith.addf %add3A_3147, %get3A_3151 : vector<16xf32>
    %get3A_3153 = arith.constant 5 : i32
    %get3A_3154 = arith.index_cast %get3A_3153 : i32 to index
    %get3A_3155 = arith.constant 608 : index
    %get3A_3156 = tpu.vector_load %arg7[%get3A_3154, %get3A_3155] {strides = array<i32>} : memref<16x640xf32, #tpu.memory_space<vmem>>, vector<16xf32>,
    %add3A_3157 = arith.addf %add3A_3152, %get3A_3156 : vector<16xf32>
    %get3A_3158 = arith.constant 6 : i32
    %get3A_3159 = arith.index_cast %get3A_3158 : i32 to index
    %get3A_3160 = arith.constant 608 : index
    %get3A_3161 = tpu.vector_load %arg7[%get3A_3159, %get3A_3160] {strides = array<i32>} : memref<16x640xf32, #tpu.memory_space<vmem>>, vector<16xf32>,
    %add3A_3162 = arith.addf %add3A_3157, %get3A_3161 : vector<16xf32>
    %get3A_3163 = arith.constant 7 : i32
    %get3A_3164 = arith.index_cast %get3A_3163 : i32 to index
    %get3A_3165 = arith.constant 608 : index
    %get3A_3166 = tpu.vector_load %arg7[%get3A_3164, %get3A_3165] {strides = array<i32>} : memref<16x640xf32, #tpu.memory_space<vmem>>, vector<16xf32>,
    %add3A_3167 = arith.addf %add3A_3162, %get3A_3166 : vector<16xf32>
    %get3A_3168 = arith.constant 8 : i32
    %get3A_3169 = arith.index_cast %get3A_3168 : i32 to index
    %get3A_3170 = arith.constant 608 : index
    %get3A_3171 = tpu.vector_load %arg7[%get3A_3169, %get3A_3170] {strides = array<i32>} : memref<16x640xf32, #tpu.memory_space<vmem>>, vector<16xf32>,
    %add3A_3172 = arith.addf %add3A_3167, %get3A_3171 : vector<16xf32>
    %get3A_3173 = arith.constant 9 : i32
    %get3A_3174 = arith.index_cast %get3A_3173 : i32 to index
    %get3A_3175 = arith.constant 608 : index
    %get3A_3176 = tpu.vector_load %arg7[%get3A_3174, %get3A_3175] {strides = array<i32>} : memref<16x640xf32, #tpu.memory_space<vmem>>, vector<16xf32>,
    %add3A_3177 = arith.addf %add3A_3172, %get3A_3176 : vector<16xf32>
    %get3A_3178 = arith.constant 10 : i32
    %get3A_3179 = arith.index_cast %get3A_3178 : i32 to index
    %get3A_3180 = arith.constant 608 : index
    %get3A_3181 = tpu.vector_load %arg7[%get3A_3179, %get3A_3180] {strides = array<i32>} : memref<16x640xf32, #tpu.memory_space<vmem>>, vector<16xf32>,
    %add3A_3182 = arith.addf %add3A_3177, %get3A_3181 : vector<16xf32>
    %get3A_3183 = arith.constant 11 : i32
    %get3A_3184 = arith.index_cast %get3A_3183 : i32 to index
    %get3A_3185 = arith.constant 608 : index
    %get3A_3186 = tpu.vector_load %arg7[%get3A_3184, %get3A_3185] {strides = array<i32>} : memref<16x640xf32, #tpu.memory_space<vmem>>, vector<16xf32>,
    %add3A_3187 = arith.addf %add3A_3182, %get3A_3186 : vector<16xf32>
    %get3A_3188 = arith.constant 12 : i32
    %get3A_3189 = arith.index_cast %get3A_3188 : i32 to index
    %get3A_3190 = arith.constant 608 : index
    %get3A_3191 = tpu.vector_load %arg7[%get3A_3189, %get3A_3190] {strides = array<i32>} : memref<16x640xf32, #tpu.memory_space<vmem>>, vector<16xf32>,
    %add3A_3192 = arith.addf %add3A_3187, %get3A_3191 : vector<16xf32>
    %get3A_3193 = arith.constant 13 : i32
    %get3A_3194 = arith.index_cast %get3A_3193 : i32 to index
    %get3A_3195 = arith.constant 608 : index
    %get3A_3196 = tpu.vector_load %arg7[%get3A_3194, %get3A_3195] {strides = array<i32>} : memref<16x640xf32, #tpu.memory_space<vmem>>, vector<16xf32>,
    %add3A_3197 = arith.addf %add3A_3192, %get3A_3196 : vector<16xf32>
    %get3A_3198 = arith.constant 14 : i32
    %get3A_3199 = arith.index_cast %get3A_3198 : i32 to index
    %get3A_3200 = arith.constant 608 : index
    %get3A_3201 = tpu.vector_load %arg7[%get3A_3199, %get3A_3200] {strides = array<i32>} : memref<16x640xf32, #tpu.memory_space<vmem>>, vector<16xf32>,
    %add3A_3202 = arith.addf %add3A_3197, %get3A_3201 : vector<16xf32>
    %get3A_3203 = arith.constant 15 : i32
    %get3A_3204 = arith.index_cast %get3A_3203 : i32 to index
    %get3A_3205 = arith.constant 608 : index
    %get3A_3206 = tpu.vector_load %arg7[%get3A_3204, %get3A_3205] {strides = array<i32>} : memref<16x640xf32, #tpu.memory_space<vmem>>, vector<16xf32>,
    %add3A_3207 = arith.addf %add3A_3202, %get3A_3206 : vector<16xf32>
    %swap3A_3208 = arith.constant 608 : index
    %swap3A_3209 = tpu.vector_load %arg6[%swap3A_3208] {strides = array<i32>} : memref<10240xf32, #tpu.memory_space<vmem>>, vector<16xf32>,
    tpu.vector_store %arg6[%swap3A_3208], %add3A_3207 {strides = array<i32>} : memref<10240xf32, #tpu.memory_space<vmem>>, vector<16xf32>,
    %get3A_3210 = arith.constant 0 : i32
    %get3A_3211 = arith.index_cast %get3A_3210 : i32 to index
    %get3A_3212 = arith.constant 624 : index
    %get3A_3213 = tpu.vector_load %arg7[%get3A_3211, %get3A_3212] {strides = array<i32>} : memref<16x640xf32, #tpu.memory_space<vmem>>, vector<16xf32>,
    %get3A_3214 = arith.constant 1 : i32
    %get3A_3215 = arith.index_cast %get3A_3214 : i32 to index
    %get3A_3216 = arith.constant 624 : index
    %get3A_3217 = tpu.vector_load %arg7[%get3A_3215, %get3A_3216] {strides = array<i32>} : memref<16x640xf32, #tpu.memory_space<vmem>>, vector<16xf32>,
    %add3A_3218 = arith.addf %get3A_3213, %get3A_3217 : vector<16xf32>
    %get3A_3219 = arith.constant 2 : i32
    %get3A_3220 = arith.index_cast %get3A_3219 : i32 to index
    %get3A_3221 = arith.constant 624 : index
    %get3A_3222 = tpu.vector_load %arg7[%get3A_3220, %get3A_3221] {strides = array<i32>} : memref<16x640xf32, #tpu.memory_space<vmem>>, vector<16xf32>,
    %add3A_3223 = arith.addf %add3A_3218, %get3A_3222 : vector<16xf32>
    %get3A_3224 = arith.constant 3 : i32
    %get3A_3225 = arith.index_cast %get3A_3224 : i32 to index
    %get3A_3226 = arith.constant 624 : index
    %get3A_3227 = tpu.vector_load %arg7[%get3A_3225, %get3A_3226] {strides = array<i32>} : memref<16x640xf32, #tpu.memory_space<vmem>>, vector<16xf32>,
    %add3A_3228 = arith.addf %add3A_3223, %get3A_3227 : vector<16xf32>
    %get3A_3229 = arith.constant 4 : i32
    %get3A_3230 = arith.index_cast %get3A_3229 : i32 to index
    %get3A_3231 = arith.constant 624 : index
    %get3A_3232 = tpu.vector_load %arg7[%get3A_3230, %get3A_3231] {strides = array<i32>} : memref<16x640xf32, #tpu.memory_space<vmem>>, vector<16xf32>,
    %add3A_3233 = arith.addf %add3A_3228, %get3A_3232 : vector<16xf32>
    %get3A_3234 = arith.constant 5 : i32
    %get3A_3235 = arith.index_cast %get3A_3234 : i32 to index
    %get3A_3236 = arith.constant 624 : index
    %get3A_3237 = tpu.vector_load %arg7[%get3A_3235, %get3A_3236] {strides = array<i32>} : memref<16x640xf32, #tpu.memory_space<vmem>>, vector<16xf32>,
    %add3A_3238 = arith.addf %add3A_3233, %get3A_3237 : vector<16xf32>
    %get3A_3239 = arith.constant 6 : i32
    %get3A_3240 = arith.index_cast %get3A_3239 : i32 to index
    %get3A_3241 = arith.constant 624 : index
    %get3A_3242 = tpu.vector_load %arg7[%get3A_3240, %get3A_3241] {strides = array<i32>} : memref<16x640xf32, #tpu.memory_space<vmem>>, vector<16xf32>,
    %add3A_3243 = arith.addf %add3A_3238, %get3A_3242 : vector<16xf32>
    %get3A_3244 = arith.constant 7 : i32
    %get3A_3245 = arith.index_cast %get3A_3244 : i32 to index
    %get3A_3246 = arith.constant 624 : index
    %get3A_3247 = tpu.vector_load %arg7[%get3A_3245, %get3A_3246] {strides = array<i32>} : memref<16x640xf32, #tpu.memory_space<vmem>>, vector<16xf32>,
    %add3A_3248 = arith.addf %add3A_3243, %get3A_3247 : vector<16xf32>
    %get3A_3249 = arith.constant 8 : i32
    %get3A_3250 = arith.index_cast %get3A_3249 : i32 to index
    %get3A_3251 = arith.constant 624 : index
    %get3A_3252 = tpu.vector_load %arg7[%get3A_3250, %get3A_3251] {strides = array<i32>} : memref<16x640xf32, #tpu.memory_space<vmem>>, vector<16xf32>,
    %add3A_3253 = arith.addf %add3A_3248, %get3A_3252 : vector<16xf32>
    %get3A_3254 = arith.constant 9 : i32
    %get3A_3255 = arith.index_cast %get3A_3254 : i32 to index
    %get3A_3256 = arith.constant 624 : index
    %get3A_3257 = tpu.vector_load %arg7[%get3A_3255, %get3A_3256] {strides = array<i32>} : memref<16x640xf32, #tpu.memory_space<vmem>>, vector<16xf32>,
    %add3A_3258 = arith.addf %add3A_3253, %get3A_3257 : vector<16xf32>
    %get3A_3259 = arith.constant 10 : i32
    %get3A_3260 = arith.index_cast %get3A_3259 : i32 to index
    %get3A_3261 = arith.constant 624 : index
    %get3A_3262 = tpu.vector_load %arg7[%get3A_3260, %get3A_3261] {strides = array<i32>} : memref<16x640xf32, #tpu.memory_space<vmem>>, vector<16xf32>,
    %add3A_3263 = arith.addf %add3A_3258, %get3A_3262 : vector<16xf32>
    %get3A_3264 = arith.constant 11 : i32
    %get3A_3265 = arith.index_cast %get3A_3264 : i32 to index
    %get3A_3266 = arith.constant 624 : index
    %get3A_3267 = tpu.vector_load %arg7[%get3A_3265, %get3A_3266] {strides = array<i32>} : memref<16x640xf32, #tpu.memory_space<vmem>>, vector<16xf32>,
    %add3A_3268 = arith.addf %add3A_3263, %get3A_3267 : vector<16xf32>
    %get3A_3269 = arith.constant 12 : i32
    %get3A_3270 = arith.index_cast %get3A_3269 : i32 to index
    %get3A_3271 = arith.constant 624 : index
    %get3A_3272 = tpu.vector_load %arg7[%get3A_3270, %get3A_3271] {strides = array<i32>} : memref<16x640xf32, #tpu.memory_space<vmem>>, vector<16xf32>,
    %add3A_3273 = arith.addf %add3A_3268, %get3A_3272 : vector<16xf32>
    %get3A_3274 = arith.constant 13 : i32
    %get3A_3275 = arith.index_cast %get3A_3274 : i32 to index
    %get3A_3276 = arith.constant 624 : index
    %get3A_3277 = tpu.vector_load %arg7[%get3A_3275, %get3A_3276] {strides = array<i32>} : memref<16x640xf32, #tpu.memory_space<vmem>>, vector<16xf32>,
    %add3A_3278 = arith.addf %add3A_3273, %get3A_3277 : vector<16xf32>
    %get3A_3279 = arith.constant 14 : i32
    %get3A_3280 = arith.index_cast %get3A_3279 : i32 to index
    %get3A_3281 = arith.constant 624 : index
    %get3A_3282 = tpu.vector_load %arg7[%get3A_3280, %get3A_3281] {strides = array<i32>} : memref<16x640xf32, #tpu.memory_space<vmem>>, vector<16xf32>,
    %add3A_3283 = arith.addf %add3A_3278, %get3A_3282 : vector<16xf32>
    %get3A_3284 = arith.constant 15 : i32
    %get3A_3285 = arith.index_cast %get3A_3284 : i32 to index
    %get3A_3286 = arith.constant 624 : index
    %get3A_3287 = tpu.vector_load %arg7[%get3A_3285, %get3A_3286] {strides = array<i32>} : memref<16x640xf32, #tpu.memory_space<vmem>>, vector<16xf32>,
    %add3A_3288 = arith.addf %add3A_3283, %get3A_3287 : vector<16xf32>
    %swap3A_3289 = arith.constant 624 : index
    %swap3A_3290 = tpu.vector_load %arg6[%swap3A_3289] {strides = array<i32>} : memref<10240xf32, #tpu.memory_space<vmem>>, vector<16xf32>,
    tpu.vector_store %arg6[%swap3A_3289], %add3A_3288 {strides = array<i32>} : memref<10240xf32, #tpu.memory_space<vmem>>, vector<16xf32>,
    %eq3A = arith.constant 0 : i32
    %eq3A_3291 = arith.cmpi eq, %arg0, %eq3A : i32
    %convert_element_type3A_3292 = arith.extui %eq3A_3291 : i1 to i32
    %cond3A_3293 = arith.constant 0 : i32
    %cond3A_3294 = arith.cmpi ne, %convert_element_type3A_3292, %cond3A_3293 : i32
    scf.if %cond3A_3294 {
      "tpu.region"() ({
        %run_scoped3A = tpu.sem_alloc : memref<!tpu.dma_semaphore, #tpu.memory_space<semaphore_mem>>
        %dma_start3A = arith.constant 0 : i32
        %dma_start3A_3300 = tpu.memref_slice %arg6[%dma_start3A] : memref<10240xf32, #tpu.memory_space<vmem>> -> memref<640xf32, #tpu.memory_space<vmem>>
        %dma_start3A_3301 = tpu.memref_slice %arg3[%mul3A_52] : memref<10240xf32, #tpu.memory_space<hbm>> -> memref<640xf32, #tpu.memory_space<hbm>>
        %dma_start3A_3302 = tpu.memref_slice %arg3[%mul3A_52] : memref<10240xf32, #tpu.memory_space<hbm>> -> memref<640xf32, #tpu.memory_space<hbm>>
        %dma_start3A_3303 = arith.constant 0 : i32
        %dma_start3A_3304 = tpu.memref_slice %arg6[%dma_start3A_3303] : memref<10240xf32, #tpu.memory_space<vmem>> -> memref<640xf32, #tpu.memory_space<vmem>>
        tpu.enqueue_dma source(%dma_start3A_3304 : memref<640xf32, #tpu.memory_space<vmem>>) target(%dma_start3A_3302 : memref<640xf32, #tpu.memory_space<hbm>>) target_semaphore(%run_scoped3A : memref<!tpu.dma_semaphore, #tpu.memory_space<semaphore_mem>>)
        %dma_wait3A = arith.constant 0 : i32
        %dma_wait3A_3305 = tpu.memref_slice %arg6[%dma_wait3A] : memref<10240xf32, #tpu.memory_space<vmem>> -> memref<640xf32, #tpu.memory_space<vmem>>
        %dma_wait3A_3306 = tpu.memref_slice %arg3[%mul3A_52] : memref<10240xf32, #tpu.memory_space<hbm>> -> memref<640xf32, #tpu.memory_space<hbm>>
        %dma_wait3A_3307 = tpu.memref_slice %arg3[%mul3A_52] : memref<10240xf32, #tpu.memory_space<hbm>> -> memref<640xf32, #tpu.memory_space<hbm>>
        %dma_wait3A_3308 = arith.constant 0 : i32
        %dma_wait3A_3309 = tpu.memref_slice %arg6[%dma_wait3A_3308] : memref<10240xf32, #tpu.memory_space<vmem>> -> memref<640xf32, #tpu.memory_space<vmem>>
        tpu.wait_dma2 semaphore(%run_scoped3A : memref<!tpu.dma_semaphore, #tpu.memory_space<semaphore_mem>>) src(%dma_wait3A_3309 : memref<640xf32, #tpu.memory_space<vmem>>) dst(%dma_wait3A_3307 : memref<640xf32, #tpu.memory_space<hbm>>)
        tpu.yield
      }) : () -> ()
    } else {
    }
    %eq3A_3295 = arith.constant 1 : i32
    %eq3A_3296 = arith.cmpi eq, %arg0, %eq3A_3295 : i32
    %convert_element_type3A_3297 = arith.extui %eq3A_3296 : i1 to i32
    %cond3A_3298 = arith.constant 0 : i32
    %cond3A_3299 = arith.cmpi ne, %convert_element_type3A_3297, %cond3A_3298 : i32
    scf.if %cond3A_3299 {
      "tpu.region"() ({
        %run_scoped3A = tpu.sem_alloc : memref<!tpu.dma_semaphore, #tpu.memory_space<semaphore_mem>>
        %dma_start3A = arith.constant 0 : i32
        %dma_start3A_3300 = tpu.memref_slice %arg6[%dma_start3A] : memref<10240xf32, #tpu.memory_space<vmem>> -> memref<640xf32, #tpu.memory_space<vmem>>
        %dma_start3A_3301 = tpu.memref_slice %arg4[%mul3A_52] : memref<10240xf32, #tpu.memory_space<hbm>> -> memref<640xf32, #tpu.memory_space<hbm>>
        %dma_start3A_3302 = tpu.memref_slice %arg4[%mul3A_52] : memref<10240xf32, #tpu.memory_space<hbm>> -> memref<640xf32, #tpu.memory_space<hbm>>
        %dma_start3A_3303 = arith.constant 0 : i32
        %dma_start3A_3304 = tpu.memref_slice %arg6[%dma_start3A_3303] : memref<10240xf32, #tpu.memory_space<vmem>> -> memref<640xf32, #tpu.memory_space<vmem>>
        tpu.enqueue_dma source(%dma_start3A_3304 : memref<640xf32, #tpu.memory_space<vmem>>) target(%dma_start3A_3302 : memref<640xf32, #tpu.memory_space<hbm>>) target_semaphore(%run_scoped3A : memref<!tpu.dma_semaphore, #tpu.memory_space<semaphore_mem>>)
        %dma_wait3A = arith.constant 0 : i32
        %dma_wait3A_3305 = tpu.memref_slice %arg6[%dma_wait3A] : memref<10240xf32, #tpu.memory_space<vmem>> -> memref<640xf32, #tpu.memory_space<vmem>>
        %dma_wait3A_3306 = tpu.memref_slice %arg4[%mul3A_52] : memref<10240xf32, #tpu.memory_space<hbm>> -> memref<640xf32, #tpu.memory_space<hbm>>
        %dma_wait3A_3307 = tpu.memref_slice %arg4[%mul3A_52] : memref<10240xf32, #tpu.memory_space<hbm>> -> memref<640xf32, #tpu.memory_space<hbm>>
        %dma_wait3A_3308 = arith.constant 0 : i32
        %dma_wait3A_3309 = tpu.memref_slice %arg6[%dma_wait3A_3308] : memref<10240xf32, #tpu.memory_space<vmem>> -> memref<640xf32, #tpu.memory_space<vmem>>
        tpu.wait_dma2 semaphore(%run_scoped3A : memref<!tpu.dma_semaphore, #tpu.memory_space<semaphore_mem>>) src(%dma_wait3A_3309 : memref<640xf32, #tpu.memory_space<vmem>>) dst(%dma_wait3A_3307 : memref<640xf32, #tpu.memory_space<hbm>>)
        tpu.yield
      }) : () -> ()
    } else {
    }
    return
  }
}

module attributes {stable_mosaic.version = 14 : i64} {
  func.func @_matmul_body(%arg0: i32, %arg1: memref<1024x128xf32, #tpu.memory_space<vmem>>, %arg2: memref<128x128xf32, #tpu.memory_space<vmem>>, %arg3: memref<1x128xf32, #tpu.memory_space<vmem>>, %arg4: memref<1x128xf32, #tpu.memory_space<vmem>>, %arg5: memref<1024x128xf32, #tpu.memory_space<vmem>>, %arg6: memref<1024x128xf32, #tpu.memory_space<vmem>>) attributes {dimension_semantics = [#tpu.dimension_semantics<arbitrary>], iteration_bounds = array<i64: 10>, scalar_prefetch = 0 : i64, scratch_operands = 0 : i64, tpu.core_type = #tpu.core_type<tc>, window_params = [{transform_indices = @transform_0, window_bounds = array<i64: 1024, 128>}, {pipeline_mode = #tpu.pipeline_mode<synchronous>, transform_indices = @transform_1, window_bounds = array<i64: 128, 128>}, {pipeline_mode = #tpu.pipeline_mode<synchronous>, transform_indices = @transform_2, window_bounds = array<i64: 1, 128>}, {pipeline_mode = #tpu.pipeline_mode<synchronous>, transform_indices = @transform_3, window_bounds = array<i64: 1, 128>}, {transform_indices = @transform_4, window_bounds = array<i64: 1024, 128>}, {transform_indices = @transform_5, window_bounds = array<i64: 1024, 128>}]} {
    %get3A = arith.constant 0 : index
    %get3A_0 = arith.constant 0 : index
    %get3A_1 = vector.load %arg1[%get3A, %get3A_0] : memref<1024x128xf32, #tpu.memory_space<vmem>>, vector<1024x128xf32>
    %get3A_2 = arith.constant 0 : index
    %get3A_3 = arith.constant 0 : index
    %get3A_4 = vector.load %arg2[%get3A_2, %get3A_3] : memref<128x128xf32, #tpu.memory_space<vmem>>, vector<128x128xf32>
    %dot_general3A = arith.constant dense<0.000000e+00> : vector<1024x128xf32>
    %dot_general3A_5 = tpu.matmul %get3A_1, %get3A_4, %dot_general3A {dimension_numbers = #tpu.dot_dimension_numbers<[1], [1], [0], [0], [0, 0, 1, 0], [], []>, transpose_lhs_hint = false} : vector<1024x128xf32>, vector<128x128xf32>, vector<1024x128xf32> -> vector<1024x128xf32>
    %get3A_6 = arith.constant 0 : index
    %get3A_7 = arith.constant 0 : index
    %get3A_8 = vector.load %arg3[%get3A_6, %get3A_7] : memref<1x128xf32, #tpu.memory_space<vmem>>, vector<1x128xf32>
    %add3A = vector.broadcast %get3A_8 : vector<1x128xf32> to vector<1024x128xf32>
    %add3A_9 = arith.addf %dot_general3A_5, %add3A : vector<1024x128xf32>
    %max3A = arith.constant 0.000000e+00 : f32
    %max3A_10 = vector.broadcast %max3A : f32 to vector<1024x128xf32>
    %max3A_11 = arith.maximumf %add3A_9, %max3A_10 : vector<1024x128xf32>
    %swap3A = arith.constant 0 : index
    %swap3A_12 = arith.constant 0 : index
    %swap3A_13 = vector.load %arg5[%swap3A, %swap3A_12] : memref<1024x128xf32, #tpu.memory_space<vmem>>, vector<1024x128xf32>
    tpu.vector_store %arg5[%swap3A, %swap3A_12], %max3A_11 {strides = array<i32>} : memref<1024x128xf32, #tpu.memory_space<vmem>>, vector<1024x128xf32>,
    %get3A_14 = arith.constant 0 : index
    %get3A_15 = arith.constant 0 : index
    %get3A_16 = vector.load %arg4[%get3A_14, %get3A_15] : memref<1x128xf32, #tpu.memory_space<vmem>>, vector<1x128xf32>
    %add3A_17 = vector.broadcast %get3A_16 : vector<1x128xf32> to vector<1024x128xf32>
    %add3A_18 = arith.addf %add3A_9, %add3A_17 : vector<1024x128xf32>
    %max3A_19 = arith.constant 0.000000e+00 : f32
    %max3A_20 = vector.broadcast %max3A_19 : f32 to vector<1024x128xf32>
    %max3A_21 = arith.maximumf %add3A_18, %max3A_20 : vector<1024x128xf32>
    %swap3A_22 = arith.constant 0 : index
    %swap3A_23 = arith.constant 0 : index
    %swap3A_24 = vector.load %arg6[%swap3A_22, %swap3A_23] : memref<1024x128xf32, #tpu.memory_space<vmem>>, vector<1024x128xf32>
    tpu.vector_store %arg6[%swap3A_22, %swap3A_23], %max3A_21 {strides = array<i32>} : memref<1024x128xf32, #tpu.memory_space<vmem>>, vector<1024x128xf32>,
    return
  }
  func.func @transform_0(%arg0: i32) -> (i32, i32) {
    %c0_i32 = arith.constant 0 : i32
    %c0_i32_0 = arith.constant 0 : i32
    return %arg0, %c0_i32 : i32, i32
  }
  func.func @transform_1(%arg0: i32) -> (i32, i32) {
    %c0_i32 = arith.constant 0 : i32
    %c0_i32_0 = arith.constant 0 : i32
    %c0_i32_1 = arith.constant 0 : i32
    return %c0_i32, %c0_i32_0 : i32, i32
  }
  func.func @transform_2(%arg0: i32) -> (i32, i32) {
    %c0_i32 = arith.constant 0 : i32
    %c0_i32_0 = arith.constant 0 : i32
    %c0_i32_1 = arith.constant 0 : i32
    return %c0_i32, %c0_i32_0 : i32, i32
  }
  func.func @transform_3(%arg0: i32) -> (i32, i32) {
    %c0_i32 = arith.constant 0 : i32
    %c0_i32_0 = arith.constant 0 : i32
    %c0_i32_1 = arith.constant 0 : i32
    return %c0_i32, %c0_i32_0 : i32, i32
  }
  func.func @transform_4(%arg0: i32) -> (i32, i32) {
    %c0_i32 = arith.constant 0 : i32
    %c0_i32_0 = arith.constant 0 : i32
    return %arg0, %c0_i32 : i32, i32
  }
  func.func @transform_5(%arg0: i32) -> (i32, i32) {
    %c0_i32 = arith.constant 0 : i32
    %c0_i32_0 = arith.constant 0 : i32
    return %arg0, %c0_i32 : i32, i32
  }
}

module attributes {stable_mosaic.version = 14 : i64} {
  func.func @_scale_body(%arg0: i32, %arg1: memref<8x128xf32, #tpu.memory_space<vmem>>, %arg2: memref<8x128xf32, #tpu.memory_space<vmem>>, %arg3: memref<1024x128xf32, #tpu.memory_space<vmem>>, %arg4: memref<1024x128xf32, #tpu.memory_space<vmem>>) attributes {dimension_semantics = [#tpu.dimension_semantics<arbitrary>], iteration_bounds = array<i64: 10>, scalar_prefetch = 0 : i64, scratch_operands = 0 : i64, tpu.core_type = #tpu.core_type<tc>, window_params = [{transform_indices = @transform_0, window_bounds = array<i64: 8, 128>}, {transform_indices = @transform_1, window_bounds = array<i64: 8, 128>}, {transform_indices = @transform_2, window_bounds = array<i64: 1024, 128>}, {transform_indices = @transform_3, window_bounds = array<i64: 1024, 128>}]} {
    %get3A = arith.constant 0 : index
    %get3A_0 = arith.constant 0 : index
    %get3A_1 = vector.load %arg1[%get3A, %get3A_0] : memref<8x128xf32, #tpu.memory_space<vmem>>, vector<8x128xf32>
    %get3A_2 = arith.constant 0 : index
    %get3A_3 = arith.constant 0 : index
    %get3A_4 = vector.load %arg2[%get3A_2, %get3A_3] : memref<8x128xf32, #tpu.memory_space<vmem>>, vector<8x128xf32>
    %add3A = arith.addf %get3A_1, %get3A_4 : vector<8x128xf32>
    %add3A_5 = arith.constant 1.000000e+00 : f32
    %add3A_6 = vector.broadcast %add3A_5 : f32 to vector<8x128xf32>
    %add3A_7 = arith.addf %add3A, %add3A_6 : vector<8x128xf32>
    %iota3A = tpu.iota {dimensions = array<i32: 0>} : vector<1024x8xi32>
    %jit3A = arith.constant 128 : i32
    %div3A = vector.broadcast %jit3A : i32 to vector<1024x8xi32>
    %div3A_8 = arith.divsi %iota3A, %div3A : vector<1024x8xi32>
    %sign3A = arith.constant 0 : i32
    %sign3A_9 = vector.broadcast %sign3A : i32 to vector<1024x8xi32>
    %sign3A_10 = arith.cmpi sgt, %iota3A, %sign3A_9 : vector<1024x8xi32>
    %sign3A_11 = arith.extui %sign3A_10 : vector<1024x8xi1> to vector<1024x8xi32>
    %sign3A_12 = arith.constant 0 : i32
    %sign3A_13 = vector.broadcast %sign3A_12 : i32 to vector<1024x8xi32>
    %sign3A_14 = arith.cmpi slt, %iota3A, %sign3A_13 : vector<1024x8xi32>
    %sign3A_15 = arith.extui %sign3A_14 : vector<1024x8xi1> to vector<1024x8xi32>
    %sign3A_16 = arith.subi %sign3A_11, %sign3A_15 : vector<1024x8xi32>
    %sign3A_17 = arith.constant 0 : i32
    %sign3A_18 = arith.cmpi sgt, %jit3A, %sign3A_17 : i32
    %sign3A_19 = arith.extui %sign3A_18 : i1 to i32
    %sign3A_20 = arith.constant 0 : i32
    %sign3A_21 = arith.cmpi slt, %jit3A, %sign3A_20 : i32
    %sign3A_22 = arith.extui %sign3A_21 : i1 to i32
    %sign3A_23 = arith.subi %sign3A_19, %sign3A_22 : i32
    %ne3A = vector.broadcast %sign3A_23 : i32 to vector<1024x8xi32>
    %ne3A_24 = arith.cmpi ne, %sign3A_16, %ne3A : vector<1024x8xi32>
    %rem3A = vector.broadcast %jit3A : i32 to vector<1024x8xi32>
    %rem3A_25 = arith.remsi %iota3A, %rem3A : vector<1024x8xi32>
    %ne3A_26 = arith.constant 0 : i32
    %ne3A_27 = vector.broadcast %ne3A_26 : i32 to vector<1024x8xi32>
    %ne3A_28 = arith.cmpi ne, %rem3A_25, %ne3A_27 : vector<1024x8xi32>
    %and3A = arith.andi %ne3A_24, %ne3A_28 : vector<1024x8xi1>
    %sub3A = arith.constant 1 : i32
    %sub3A_29 = vector.broadcast %sub3A : i32 to vector<1024x8xi32>
    %sub3A_30 = arith.subi %div3A_8, %sub3A_29 : vector<1024x8xi32>
    %select_n3A = arith.select %and3A, %sub3A_30, %div3A_8 : vector<1024x8xi1>, vector<1024x8xi32>
    %iota3A_31 = tpu.iota {dimensions = array<i32: 1>} : vector<1024x8xi32>
    %eq3A = arith.cmpi eq, %select_n3A, %iota3A_31 : vector<1024x8xi32>
    %convert_element_type3A = arith.extui %eq3A : vector<1024x8xi1> to vector<1024x8xi32>
    %convert_element_type3A_32 = arith.sitofp %convert_element_type3A : vector<1024x8xi32> to vector<1024x8xf32>
    %dot_general3A = arith.constant dense<0.000000e+00> : vector<1024x128xf32>
    %dot_general3A_33 = tpu.matmul %convert_element_type3A_32, %add3A_7, %dot_general3A {dimension_numbers = #tpu.dot_dimension_numbers<[1], [0], [0], [1], [0, 0, 1, 1], [], []>, transpose_lhs_hint = false} : vector<1024x8xf32>, vector<8x128xf32>, vector<1024x128xf32> -> vector<1024x128xf32>
    %iota3A_34 = tpu.iota {dimensions = array<i32: 0>} : vector<1024x128xi32>
    %jit3A_35 = arith.constant 128 : i32
    %eq3A_36 = arith.constant 0 : i32
    %eq3A_37 = arith.cmpi eq, %jit3A_35, %eq3A_36 : i32
    %jit3A_38 = arith.constant 1 : i32
    %select_n3A_39 = arith.select %eq3A_37, %jit3A_38, %jit3A_35 : i32
    %rem3A_40 = vector.broadcast %select_n3A_39 : i32 to vector<1024x128xi32>
    %rem3A_41 = arith.remsi %iota3A_34, %rem3A_40 : vector<1024x128xi32>
    %ne3A_42 = arith.constant 0 : i32
    %ne3A_43 = vector.broadcast %ne3A_42 : i32 to vector<1024x128xi32>
    %ne3A_44 = arith.cmpi ne, %rem3A_41, %ne3A_43 : vector<1024x128xi32>
    %lt3A = arith.constant 0 : i32
    %lt3A_45 = vector.broadcast %lt3A : i32 to vector<1024x128xi32>
    %lt3A_46 = arith.cmpi slt, %rem3A_41, %lt3A_45 : vector<1024x128xi32>
    %lt3A_47 = arith.constant 0 : i32
    %lt3A_48 = arith.cmpi slt, %select_n3A_39, %lt3A_47 : i32
    %ne3A_49 = vector.broadcast %lt3A_48 : i1 to vector<1024x128xi1>
    %ne3A_50 = vector.broadcast %ne3A_49 : vector<1024x128xi1> to vector<1024x128xi1>
    %ne3A_51 = arith.xori %lt3A_46, %ne3A_50 : vector<1024x128xi1>
    %and3A_52 = arith.andi %ne3A_51, %ne3A_44 : vector<1024x128xi1>
    %add3A_53 = vector.broadcast %select_n3A_39 : i32 to vector<1024x128xi32>
    %add3A_54 = arith.addi %rem3A_41, %add3A_53 : vector<1024x128xi32>
    %select_n3A_55 = arith.select %and3A_52, %add3A_54, %rem3A_41 : vector<1024x128xi1>, vector<1024x128xi32>
    %iota3A_56 = tpu.iota {dimensions = array<i32: 1>} : vector<1024x128xi32>
    %eq3A_57 = arith.cmpi eq, %select_n3A_55, %iota3A_56 : vector<1024x128xi32>
    %jit3A_58 = arith.constant 0.000000e+00 : f32
    %broadcast_in_dim3A = vector.broadcast %jit3A_58 : f32 to vector<1024x128xf32>
    %select_n3A_59 = arith.select %eq3A_57, %dot_general3A_33, %broadcast_in_dim3A : vector<1024x128xi1>, vector<1024x128xf32>
    %reduce_sum3A = arith.constant dense<0.000000e+00> : vector<1024xf32>
    %reduce_sum3A_60 = vector.multi_reduction <add>, %select_n3A_59, %reduce_sum3A [1] : vector<1024x128xf32> to vector<1024xf32>
    %broadcast_in_dim3A_61 = vector.shape_cast %reduce_sum3A_60 : vector<1024xf32> to vector<1024x1xf32>
    %rsqrt3A = math.rsqrt %broadcast_in_dim3A_61 : vector<1024x1xf32>
    %get3A_62 = arith.constant 0 : index
    %get3A_63 = arith.constant 0 : index
    %get3A_64 = vector.load %arg3[%get3A_62, %get3A_63] : memref<1024x128xf32, #tpu.memory_space<vmem>>, vector<1024x128xf32>
    %mul3A = vector.broadcast %rsqrt3A : vector<1024x1xf32> to vector<1024x128xf32>
    %mul3A_65 = arith.mulf %mul3A, %get3A_64 : vector<1024x128xf32>
    %swap3A = arith.constant 0 : index
    %swap3A_66 = arith.constant 0 : index
    %swap3A_67 = vector.load %arg4[%swap3A, %swap3A_66] : memref<1024x128xf32, #tpu.memory_space<vmem>>, vector<1024x128xf32>
    tpu.vector_store %arg4[%swap3A, %swap3A_66], %mul3A_65 {strides = array<i32>} : memref<1024x128xf32, #tpu.memory_space<vmem>>, vector<1024x128xf32>,
    return
  }
  func.func @transform_0(%arg0: i32) -> (i32, i32) {
    %c0_i32 = arith.constant 0 : i32
    %c0_i32_0 = arith.constant 0 : i32
    return %arg0, %c0_i32 : i32, i32
  }
  func.func @transform_1(%arg0: i32) -> (i32, i32) {
    %c0_i32 = arith.constant 0 : i32
    %c0_i32_0 = arith.constant 0 : i32
    return %arg0, %c0_i32 : i32, i32
  }
  func.func @transform_2(%arg0: i32) -> (i32, i32) {
    %c0_i32 = arith.constant 0 : i32
    %c0_i32_0 = arith.constant 0 : i32
    return %arg0, %c0_i32 : i32, i32
  }
  func.func @transform_3(%arg0: i32) -> (i32, i32) {
    %c0_i32 = arith.constant 0 : i32
    %c0_i32_0 = arith.constant 0 : i32
    return %arg0, %c0_i32 : i32, i32
  }
}

module attributes {stable_mosaic.version = 14 : i64} {
  func.func @_combine_body(%arg0: i32, %arg1: memref<8x128xf32, #tpu.memory_space<vmem>>, %arg2: memref<8x128xf32, #tpu.memory_space<vmem>>, %arg3: memref<2x1024x128xf32, #tpu.memory_space<vmem>>, %arg4: memref<1024x128xf32, #tpu.memory_space<vmem>>, %arg5: memref<1024x128xf32, #tpu.memory_space<vmem>>) attributes {dimension_semantics = [#tpu.dimension_semantics<arbitrary>], iteration_bounds = array<i64: 10>, scalar_prefetch = 0 : i64, scratch_operands = 0 : i64, tpu.core_type = #tpu.core_type<tc>, window_params = [{transform_indices = @transform_0, window_bounds = array<i64: 8, 128>}, {transform_indices = @transform_1, window_bounds = array<i64: 8, 128>}, {transform_indices = @transform_2, window_bounds = array<i64: 2, 1024, 128>}, {transform_indices = @transform_3, window_bounds = array<i64: 1024, 128>}, {transform_indices = @transform_4, window_bounds = array<i64: 1024, 128>}]} {
    %get3A = arith.constant 0 : index
    %get3A_0 = arith.constant 0 : index
    %get3A_1 = vector.load %arg1[%get3A, %get3A_0] : memref<8x128xf32, #tpu.memory_space<vmem>>, vector<8x128xf32>
    %get3A_2 = arith.constant 0 : index
    %get3A_3 = arith.constant 0 : index
    %get3A_4 = vector.load %arg2[%get3A_2, %get3A_3] : memref<8x128xf32, #tpu.memory_space<vmem>>, vector<8x128xf32>
    %add3A = arith.addf %get3A_1, %get3A_4 : vector<8x128xf32>
    %add3A_5 = arith.constant 1.000000e+00 : f32
    %add3A_6 = vector.broadcast %add3A_5 : f32 to vector<8x128xf32>
    %add3A_7 = arith.addf %add3A, %add3A_6 : vector<8x128xf32>
    %iota3A = tpu.iota {dimensions = array<i32: 0>} : vector<1024x8xi32>
    %jit3A = arith.constant 128 : i32
    %div3A = vector.broadcast %jit3A : i32 to vector<1024x8xi32>
    %div3A_8 = arith.divsi %iota3A, %div3A : vector<1024x8xi32>
    %sign3A = arith.constant 0 : i32
    %sign3A_9 = vector.broadcast %sign3A : i32 to vector<1024x8xi32>
    %sign3A_10 = arith.cmpi sgt, %iota3A, %sign3A_9 : vector<1024x8xi32>
    %sign3A_11 = arith.extui %sign3A_10 : vector<1024x8xi1> to vector<1024x8xi32>
    %sign3A_12 = arith.constant 0 : i32
    %sign3A_13 = vector.broadcast %sign3A_12 : i32 to vector<1024x8xi32>
    %sign3A_14 = arith.cmpi slt, %iota3A, %sign3A_13 : vector<1024x8xi32>
    %sign3A_15 = arith.extui %sign3A_14 : vector<1024x8xi1> to vector<1024x8xi32>
    %sign3A_16 = arith.subi %sign3A_11, %sign3A_15 : vector<1024x8xi32>
    %sign3A_17 = arith.constant 0 : i32
    %sign3A_18 = arith.cmpi sgt, %jit3A, %sign3A_17 : i32
    %sign3A_19 = arith.extui %sign3A_18 : i1 to i32
    %sign3A_20 = arith.constant 0 : i32
    %sign3A_21 = arith.cmpi slt, %jit3A, %sign3A_20 : i32
    %sign3A_22 = arith.extui %sign3A_21 : i1 to i32
    %sign3A_23 = arith.subi %sign3A_19, %sign3A_22 : i32
    %ne3A = vector.broadcast %sign3A_23 : i32 to vector<1024x8xi32>
    %ne3A_24 = arith.cmpi ne, %sign3A_16, %ne3A : vector<1024x8xi32>
    %rem3A = vector.broadcast %jit3A : i32 to vector<1024x8xi32>
    %rem3A_25 = arith.remsi %iota3A, %rem3A : vector<1024x8xi32>
    %ne3A_26 = arith.constant 0 : i32
    %ne3A_27 = vector.broadcast %ne3A_26 : i32 to vector<1024x8xi32>
    %ne3A_28 = arith.cmpi ne, %rem3A_25, %ne3A_27 : vector<1024x8xi32>
    %and3A = arith.andi %ne3A_24, %ne3A_28 : vector<1024x8xi1>
    %sub3A = arith.constant 1 : i32
    %sub3A_29 = vector.broadcast %sub3A : i32 to vector<1024x8xi32>
    %sub3A_30 = arith.subi %div3A_8, %sub3A_29 : vector<1024x8xi32>
    %select_n3A = arith.select %and3A, %sub3A_30, %div3A_8 : vector<1024x8xi1>, vector<1024x8xi32>
    %iota3A_31 = tpu.iota {dimensions = array<i32: 1>} : vector<1024x8xi32>
    %eq3A = arith.cmpi eq, %select_n3A, %iota3A_31 : vector<1024x8xi32>
    %convert_element_type3A = arith.extui %eq3A : vector<1024x8xi1> to vector<1024x8xi32>
    %convert_element_type3A_32 = arith.sitofp %convert_element_type3A : vector<1024x8xi32> to vector<1024x8xf32>
    %dot_general3A = arith.constant dense<0.000000e+00> : vector<1024x128xf32>
    %dot_general3A_33 = tpu.matmul %convert_element_type3A_32, %add3A_7, %dot_general3A {dimension_numbers = #tpu.dot_dimension_numbers<[1], [0], [0], [1], [0, 0, 1, 1], [], []>, transpose_lhs_hint = false} : vector<1024x8xf32>, vector<8x128xf32>, vector<1024x128xf32> -> vector<1024x128xf32>
    %iota3A_34 = tpu.iota {dimensions = array<i32: 0>} : vector<1024x128xi32>
    %jit3A_35 = arith.constant 128 : i32
    %eq3A_36 = arith.constant 0 : i32
    %eq3A_37 = arith.cmpi eq, %jit3A_35, %eq3A_36 : i32
    %jit3A_38 = arith.constant 1 : i32
    %select_n3A_39 = arith.select %eq3A_37, %jit3A_38, %jit3A_35 : i32
    %rem3A_40 = vector.broadcast %select_n3A_39 : i32 to vector<1024x128xi32>
    %rem3A_41 = arith.remsi %iota3A_34, %rem3A_40 : vector<1024x128xi32>
    %ne3A_42 = arith.constant 0 : i32
    %ne3A_43 = vector.broadcast %ne3A_42 : i32 to vector<1024x128xi32>
    %ne3A_44 = arith.cmpi ne, %rem3A_41, %ne3A_43 : vector<1024x128xi32>
    %lt3A = arith.constant 0 : i32
    %lt3A_45 = vector.broadcast %lt3A : i32 to vector<1024x128xi32>
    %lt3A_46 = arith.cmpi slt, %rem3A_41, %lt3A_45 : vector<1024x128xi32>
    %lt3A_47 = arith.constant 0 : i32
    %lt3A_48 = arith.cmpi slt, %select_n3A_39, %lt3A_47 : i32
    %ne3A_49 = vector.broadcast %lt3A_48 : i1 to vector<1024x128xi1>
    %ne3A_50 = vector.broadcast %ne3A_49 : vector<1024x128xi1> to vector<1024x128xi1>
    %ne3A_51 = arith.xori %lt3A_46, %ne3A_50 : vector<1024x128xi1>
    %and3A_52 = arith.andi %ne3A_51, %ne3A_44 : vector<1024x128xi1>
    %add3A_53 = vector.broadcast %select_n3A_39 : i32 to vector<1024x128xi32>
    %add3A_54 = arith.addi %rem3A_41, %add3A_53 : vector<1024x128xi32>
    %select_n3A_55 = arith.select %and3A_52, %add3A_54, %rem3A_41 : vector<1024x128xi1>, vector<1024x128xi32>
    %iota3A_56 = tpu.iota {dimensions = array<i32: 1>} : vector<1024x128xi32>
    %eq3A_57 = arith.cmpi eq, %select_n3A_55, %iota3A_56 : vector<1024x128xi32>
    %jit3A_58 = arith.constant 0.000000e+00 : f32
    %broadcast_in_dim3A = vector.broadcast %jit3A_58 : f32 to vector<1024x128xf32>
    %select_n3A_59 = arith.select %eq3A_57, %dot_general3A_33, %broadcast_in_dim3A : vector<1024x128xi1>, vector<1024x128xf32>
    %reduce_sum3A = arith.constant dense<0.000000e+00> : vector<1024xf32>
    %reduce_sum3A_60 = vector.multi_reduction <add>, %select_n3A_59, %reduce_sum3A [1] : vector<1024x128xf32> to vector<1024xf32>
    %broadcast_in_dim3A_61 = vector.shape_cast %reduce_sum3A_60 : vector<1024xf32> to vector<1024x1xf32>
    %rsqrt3A = math.rsqrt %broadcast_in_dim3A_61 : vector<1024x1xf32>
    %get3A_62 = arith.constant 0 : index
    %get3A_63 = arith.constant 0 : index
    %get3A_64 = arith.constant 0 : index
    %get3A_65 = vector.load %arg3[%get3A_62, %get3A_63, %get3A_64] : memref<2x1024x128xf32, #tpu.memory_space<vmem>>, vector<1x1024x128xf32>
    %get3A_66 = vector.shape_cast %get3A_65 : vector<1x1024x128xf32> to vector<1024x128xf32>
    %get3A_67 = arith.constant 1 : index
    %get3A_68 = arith.constant 0 : index
    %get3A_69 = arith.constant 0 : index
    %get3A_70 = vector.load %arg3[%get3A_67, %get3A_68, %get3A_69] : memref<2x1024x128xf32, #tpu.memory_space<vmem>>, vector<1x1024x128xf32>
    %get3A_71 = vector.shape_cast %get3A_70 : vector<1x1024x128xf32> to vector<1024x128xf32>
    %add3A_72 = arith.addf %get3A_66, %get3A_71 : vector<1024x128xf32>
    %mul3A = vector.broadcast %rsqrt3A : vector<1024x1xf32> to vector<1024x128xf32>
    %mul3A_73 = arith.mulf %mul3A, %add3A_72 : vector<1024x128xf32>
    %get3A_74 = arith.constant 0 : index
    %get3A_75 = arith.constant 0 : index
    %get3A_76 = vector.load %arg4[%get3A_74, %get3A_75] : memref<1024x128xf32, #tpu.memory_space<vmem>>, vector<1024x128xf32>
    %div3A_77 = vector.broadcast %broadcast_in_dim3A_61 : vector<1024x1xf32> to vector<1024x128xf32>
    %div3A_78 = arith.divf %get3A_76, %div3A_77 : vector<1024x128xf32>
    %add3A_79 = arith.addf %mul3A_73, %div3A_78 : vector<1024x128xf32>
    %swap3A = arith.constant 0 : index
    %swap3A_80 = arith.constant 0 : index
    %swap3A_81 = vector.load %arg5[%swap3A, %swap3A_80] : memref<1024x128xf32, #tpu.memory_space<vmem>>, vector<1024x128xf32>
    tpu.vector_store %arg5[%swap3A, %swap3A_80], %add3A_79 {strides = array<i32>} : memref<1024x128xf32, #tpu.memory_space<vmem>>, vector<1024x128xf32>,
    return
  }
  func.func @transform_0(%arg0: i32) -> (i32, i32) {
    %c0_i32 = arith.constant 0 : i32
    %c0_i32_0 = arith.constant 0 : i32
    return %arg0, %c0_i32 : i32, i32
  }
  func.func @transform_1(%arg0: i32) -> (i32, i32) {
    %c0_i32 = arith.constant 0 : i32
    %c0_i32_0 = arith.constant 0 : i32
    return %arg0, %c0_i32 : i32, i32
  }
  func.func @transform_2(%arg0: i32) -> (i32, i32, i32) {
    %c0_i32 = arith.constant 0 : i32
    %c0_i32_0 = arith.constant 0 : i32
    %c0_i32_1 = arith.constant 0 : i32
    return %c0_i32, %arg0, %c0_i32_0 : i32, i32, i32
  }
  func.func @transform_3(%arg0: i32) -> (i32, i32) {
    %c0_i32 = arith.constant 0 : i32
    %c0_i32_0 = arith.constant 0 : i32
    return %arg0, %c0_i32 : i32, i32
  }
  func.func @transform_4(%arg0: i32) -> (i32, i32) {
    %c0_i32 = arith.constant 0 : i32
    %c0_i32_0 = arith.constant 0 : i32
    return %arg0, %c0_i32 : i32, i32
  }
}

</mosaic_0001>

<sc_bundles>
// kernel: kernel.10.cloned.1.call-start
scs
__scs_entry_jumppad:
0x0: {  	(pc) =	sbr.rel $0x88, $3  }
0x1: {  	(tag) =	ssettag $0x0;
	lr =	simm.s32 $0x1  }
0x2: {  	[smem:$0x3F9C] =	sst lr;
	_ =	strace $0xD0000000  }
0x3: {  	_ = 	snop  }
0x4: {  	_ = 	snop  }
0x5: {  	_ = 	snop  }
0x6: {  	_ = 	snop  }
0x7: {  	_ = 	snop  }
__scs_overlays_trampoline_lowered:
0x8: {  	[smem:$0x3FAB] =	sst s0  }
0x9: {  	[smem:$0x3FAC] =	sst s1  }
0xa: {  	[smem:$0x3FAD] =	sst s2  }
0xb: {  	[smem:$0x3FAE] =	sst s3  }
0xc: {  	[smem:$0x3FAF] =	sst s4  }
0xd: {  	[smem:$0x3FB0] =	sst s5  }
0xe: {  	[smem:$0x3FB1] =	sst s6  }
0xf: {  	[smem:$0x3FB2] =	sst s7  }
0x10: {  	[smem:$0x3FB3] =	sst s8  }
0x11: {  	[smem:$0x3FB4] =	sst s9;
	s0 =	simm.s32 @!p0 $0x0  }
0x12: {  	s1 =	sld [smem:$0x3F9A];
	s0 =	simm.s32 @p0 $0x1  }
0x13: {  	[smem:$0x3FB5] =	sst s0;
	s0 =	simm.s32 @!p1 $0x0  }
0x14: {  	s2 =	sld [smem:$0x3F99];
	s0 =	simm.s32 @p1 $0x1  }
0x15: {  	[smem:$0x3FB6] =	sst s0;
	s0 =	simm.s32 @!p2 $0x0  }
0x16: {  	s3 =	sld [smem:$0x3FDB];
	s0 =	simm.s32 @p2 $0x1  }
0x17: {  	s4 =	simm.s32 $0x1BF5;
	[smem:$0x3FB8] =	sst s0  }
0x18: {  	s0 =	sld [smem:$0x3F9B];
	_ =	swait.ge [sflag:s4], $0x0  }
0x19: {  	s7 =	sld [smem:$0x3F9C]  }
0x1a: {  	s8 =	sadd.s32 $0xFFFFE003, lr  }
0x1b: {  	s9 =	sadd.s32 $0xFFFFFEF7, lr;
	s5 =	simm.s32 $0xFFFFFFFF;
	p2 =	slt.u32 s8, $0xFFFFF086  }
0x1c: {  	p1 =	slt.u32 s9, $0xF7A;
	s5 =	simm.s32 @!p2 $0x0  }
0x1d: {  	s5 =	simm.s32 @p1 $0x1;
	p0 =	seq.s32 s7, s2  }
0x1e: {  	s7 =	smul.u32 @!p0 $0xF7A, s2;
	p2 =	seq.s32 @!p0 s5, $0x0  }
0x1f: {  	s9 =	smul.u32 $0xF7A, s1;
	s8 =	simm.s32 @!p0 $0x1BF5;
	p2 =	por !p2, p0  }
0x20: {  	[sflag:s8] =	ssyncset.s32 @!p0 $0xFFFFF086;
	s6 =	sadd.s32 @!p0 s3, s7;
	s7 =	simm.s32 @!p0 $0x108  }
0x21: {  	s3 =	sadd.s32 s3, s9;
	s6 =	sadd.s32 @!p0 $0x88, s6;
	s7 =	simm.s32 @p2 $0x1082  }
0x22: {  	[simem:s7], [sflag:s8] =	dma.local @!p0 [hbm:s6], $0xF7A  }
0x23: {  	s9 =	sor.u32 $0xD0000000, s2;
	s6 =	simm.s32 $0x108;
	_ =	swait.ge @!p0 [sflag:s8], $0x0  }
0x24: {  	s3 =	sadd.s32 $0x88, s3;
	s6 =	simm.s32 @!p1 $0x1082;
	[sflag:s4] =	ssyncset.s32 $0xFFFFF086  }
0x25: {  	[simem:s6], [sflag:s4] =	dma.local [hbm:s3], $0xF7A  }
0x26: {  	[smem:$0x3F9C] =	sst s1;
	(tag) =	ssettag s2;
	_ =	strace s9  }
0x27: {  	s1 =	sld [smem:$0x3FAC]  }
0x28: {  	s2 =	sld [smem:$0x3FAD]  }
0x29: {  	s4 =	sld [smem:$0x3FAF]  }
0x2a: {  	p0 =	seq.s32 s5, $0x0;
	s5 =	sld [smem:$0x3FB0]  }
0x2b: {  	s6 =	sld [smem:$0x3FB1]  }
0x2c: {  	s7 =	sld [smem:$0x3FB2]  }
0x2d: {  	s3 =	simm.s32 $0x108;
	s8 =	sld [smem:$0x3FB3]  }
0x2e: {  	s3 =	simm.s32 @!p0 $0x1082;
	s9 =	sld [smem:$0x3FB4]  }
0x2f: {  	lr =	sadd.s32 s0, s3;
	s0 =	sld [smem:$0x3FAB]  }
0x30: {  	s3 =	sld [smem:$0x3FAE]  }
0x31: {  	[smem:$0x3FB7] =	sst s10  }
0x32: {  	s10 =	sld [smem:$0x3FB5];
	_ =	sdelay $0x3  }
0x33: {  	p0 =	seq.s32 s10, $0x1;
	s10 =	sld [smem:$0x3FB7];
	_ =	sdelay $0x3  }
0x34: {  	[smem:$0x3FB7] =	sst s10  }
0x35: {  	s10 =	sld [smem:$0x3FB6];
	_ =	sdelay $0x3  }
0x36: {  	p1 =	seq.s32 s10, $0x1;
	s10 =	sld [smem:$0x3FB7];
	_ =	sdelay $0x3  }
0x37: {  	[smem:$0x3FB7] =	sst s10  }
0x38: {  	s10 =	sld [smem:$0x3FB8]  }
0x39: {  	_ = 	snop;
	(pc) =	sbr.ind lr, $3  }
0x3a: {  	_ = 	snop  }
0x3b: {  	_ = 	snop  }
0x3c: {  	p2 =	seq.s32 s10, $0x1;
	s10 =	sld [smem:$0x3FB7]  }
0x3d: {  	_ =	shalt  }
0x3e: {  	_ =	shalt  }
0x3f: {  	_ =	shalt  }
0x40: {  	_ =	shalt  }
0x41: {  	_ =	shalt  }
0x42: {  	_ =	shalt  }
0x43: {  	_ =	shalt  }
0x44: {  	_ =	shalt  }
0x45: {  	_ =	shalt  }
0x46: {  	_ =	shalt  }
0x47: {  	_ =	shalt  }
0x48: {  	_ =	shalt  }
0x49: {  	_ =	shalt  }
0x4a: {  	_ =	shalt  }
0x4b: {  	_ =	shalt  }
0x4c: {  	_ =	shalt  }
0x4d: {  	_ =	shalt  }
0x4e: {  	_ =	shalt  }
0x4f: {  	_ =	shalt  }
0x50: {  	_ =	shalt  }
0x51: {  	_ =	shalt  }
0x52: {  	_ =	shalt  }
0x53: {  	_ =	shalt  }
0x54: {  	_ =	shalt  }
0x55: {  	_ =	shalt  }
0x56: {  	_ =	shalt  }
0x57: {  	_ =	shalt  }
0x58: {  	_ =	shalt  }
0x59: {  	_ =	shalt  }
0x5a: {  	_ =	shalt  }
0x5b: {  	_ =	shalt  }
0x5c: {  	_ =	shalt  }
0x5d: {  	_ =	shalt  }
0x5e: {  	_ =	shalt  }
0x5f: {  	_ =	shalt  }
0x60: {  	_ =	shalt  }
0x61: {  	_ =	shalt  }
0x62: {  	_ =	shalt  }
0x63: {  	_ =	shalt  }
0x64: {  	_ =	shalt  }
0x65: {  	_ =	shalt  }
0x66: {  	_ =	shalt  }
0x67: {  	_ =	shalt  }
0x68: {  	_ =	shalt  }
0x69: {  	_ =	shalt  }
0x6a: {  	_ =	shalt  }
0x6b: {  	_ =	shalt  }
0x6c: {  	_ =	shalt  }
0x6d: {  	_ =	shalt  }
0x6e: {  	_ =	shalt  }
0x6f: {  	_ =	shalt  }
0x70: {  	_ =	shalt  }
0x71: {  	_ =	shalt  }
0x72: {  	_ =	shalt  }
0x73: {  	_ =	shalt  }
0x74: {  	_ =	shalt  }
0x75: {  	_ =	shalt  }
0x76: {  	_ =	shalt  }
0x77: {  	_ =	shalt  }
0x78: {  	_ =	shalt  }
0x79: {  	_ =	shalt  }
0x7a: {  	_ =	shalt  }
0x7b: {  	_ =	shalt  }
0x7c: {  	_ =	shalt  }
0x7d: {  	_ =	shalt  }
0x7e: {  	_ =	shalt  }
0x7f: {  	_ =	shalt  }
0x80: {  	_ =	shalt  }
0x81: {  	_ =	shalt  }
0x82: {  	_ =	shalt  }
0x83: {  	_ =	shalt  }
0x84: {  	_ =	shalt  }
0x85: {  	_ =	shalt  }
0x86: {  	_ =	shalt  }
0x87: {  	_ =	shalt  }
.Lfunc_end0:
.L_simem_size_0:
called_computation.1_lowered:
.L_overlay_start_0:
0x88: {  	s2 =	sld [smem:$0x3FD9]  }
0x89: {  	s3 =	sld [smem:$0x3FFE];
	_ =	sdelay $0x1  }
0x8a: {  	s1 =	srdreg.scid  }
0x8b: {  	s0 =	sand.u32 $0x1, s1  }
0x8c: {  	s17 =	sshll.u32 s0, $0xA;
	s2 =	sadd.s32 s3, s2  }
0x8d: {  	s2 =	sadd.s32 s2, s17  }
0x8e: {  	[smem:$0x3FC3] =	sst s2  }
0x8f: {  	_ = 	snop  }
0x90: {  	s2 =	sld [smem:$0x3FD0];
	(tm) =	ssettm $0x1  }
0x91: {  	s18 =	sld [smem:$0x3FFB];
	_ =	sdelay $0x3  }
0x92: {  	_ =	strace s18  }
0x93: {  	s3 =	sld [smem:$0x3FFC];
	_ =	sdelay $0x3  }
0x94: {  	_ =	strace s3  }
0x95: {  	s3 =	sld [smem:$0x3FFD];
	_ =	sdelay $0x3  }
0x96: {  	_ =	strace s3  }
0x97: {  	_ =	strace $0x8FFFFFFF  }
0x98: {  	s19 =	sld [smem:$0x3FDB];
	_ =	sdelay $0x1  }
0x99: {  	s4 =	simm.s32 $_scs_section_size  }
0x9a: {  	s5 =	simm.s32 $_size__tile_overlayer_lowered;
	s6 =	simm.s32 $_tile_overlayer_lowered  }
0x9b: {  	s22 =	simm.s32 $0x1BFF;
	s21 =	sshll.u32 s6, $0x1;
	s3 =	sadd.s32 s4, s19  }
0x9c: {  	s7 =	simm.s32 $0x0;
	s20 =	sshll.u32 s5, $0x1;
	s5 =	sadd.s32 s21, s3  }
0x9d: {  	[timem:s7], [sflag:s22] =	dma.local [hbm:s5], s20  }
0x9e: {  	_ =	swait.ge [sflag:s22], s20  }
0x9f: {  	s4 =	ssub.s32 $0x0, s20;
	[sflag:s22] =	ssyncset.done $0x0  }
0xa0: {  	[sflag:s22] =	ssyncadd.s32 s4;
	_ =	sdelay $0x1  }
0xa1: {  	s23 =	simm.s32 $0x1B8B  }
0xa2: {  	_ =	swait.ge [sflag:s23], $0x1  }
0xa3: {  	[sflag:s23] =	ssyncset.done $0x0  }
0xa4: {  	s25 =	simm.s32 $0x1B8E;
	s24 =	sld [smem:$0x3FFE];
	[sflag:s23] =	ssyncadd.s32 $0xFFFFFFFF  }
0xa5: {  	s26 =	simm.s32 $execute0_lowered;
	[smem:$0x3FD2] =	sst s25  }
0xa6: {  	s5 =	sshll.u32 s26, $0x1;
	_ =	strace $0x80000049;
	[dreg:$0x1] =	wrdreg $0xFFFFFFFF  }
0xa7: {  	s28 =	simm.s32 $_size_execute0_lowered;
	s3 =	sadd.s32 s3, s5;
	[dreg:$0x0] =	wrdreg $0x0  }
0xa8: {  	s5 =	sshll.u32 s28, $0x1;
	[dreg:$0x2] =	wrdreg s3  }
0xa9: {  	[dreg:$0x3] =	wrdreg s5  }
0xaa: {  	[dreg:$0x4] =	wrdreg $0xC0  }
0xab: {  	_ =	task [dreg:s7], $0x5FFFF  }
0xac: {  	[dreg:$0x1] =	wrdreg $0xFFFFFFFF  }
0xad: {  	[dreg:$0x0] =	wrdreg $0x60  }
0xae: {  	[dreg:$0x2] =	wrdreg s2  }
0xaf: {  	[dreg:$0x3] =	wrdreg s24  }
0xb0: {  	[dreg:$0x4] =	wrdreg $0xA8000  }
0xb1: {  	[dreg:$0x5] =	wrdreg $0x9  }
0xb2: {  	_ =	task.clear_ibuf [dreg:s7], $0x6FFFF;
	_ =	strace $0x90000049  }
0xb3: {  	s29 =	simm.s32 $0x9;
	_ =	strace $0x8000004B  }
0xb4: {  	_ =	swait.ge [sflag:s29], $0x1  }
0xb5: {  	[sflag:s29] =	ssyncadd.s32 $0xFFFFFFFF  }
0xb6: {  	_ =	strace $0x9000004B  }
0xb7: {  	_ =	sfence  }
0xb8: {  	s30 =	sld [smem:$0x0];
	_ =	sdelay $0x2  }
0xb9: {  	s31 =	sshll.u32 s1, $0xD;
	s1 =	sshrl.u32 s1, $0x2  }
0xba: {  	s3 =	sand.u32 $0x4000, s31;
	s1 =	sadd.s32 s1, s30  }
0xbb: {  	s0 =	sor.u32 s3, s0;
	s1 =	sshll.u32 s1, $0x11  }
0xbc: {  	s0 =	sor.u32 s1, s0  }
0xbd: {  	s0 =	sadd.s32 $0x8F2B, s0  }
0xbe: {  	[sflag:s0] =	ssyncadd.remote.s32 $0x1  }
0xbf: {  	_ =	sfence.sel $0xFFFF  }
0xc0: {  	[dreg:$0x0] =	wrdreg $0xFFFFFFFF;
	(pc) =	sbr.abs _section_cstart, $3  }
0xc1: {  	[dreg:$0x1] =	wrdreg $0xFFFFFFFF  }
0xc2: {  	_ =	task.clear_ibuf [dreg:s7], $0x2FFFF;
	_ =	strace $0x9FFFFFFF  }
0xc3: {  	(tm) =	ssettm $0x7FFFFFFF  }
tec
execute0_lowered:
.L_overlay_start_1:
0x0: {  	(tag) =	ssettag $0x1  }
0x1: {  	s2 =	rddreg [dreg:$0x0]  }
0x2: {  	s1 =	srdreg.scid;
	s6 =	rddreg [dreg:$0x1]  }
0x3: {  	s0 =	stileid.u32;
	s3 =	rddreg [dreg:$0x2];
	s4 =	simm.s32 $0x0  }
0x4: {  	s14 =	simm.s32 $0x3;
	s15 =	simm.s32 $0x1400;
	s16 =	simm.s32 $0x2  }
0x5: {  	s17 =	simm.s32 $0x7D;
	s18 =	simm.s32 $0x2800;
	s19 =	simm.s32 $0x6800  }
0x6: {  	s20 =	simm.s32 $0x1;
	s21 =	simm.s32 $0x1380;
	s22 =	simm.s32 $0x2700  }
0x7: {  	s23 =	simm.s32 $0x2780;
	s5 =	sand.u32 $0x1, s1;
	s9 =	smul.u32 $0x14000, s0  }
0x8: {  	s25 =	sshll.u32 s0, $0x1;
	[smem:$0x7FF] =	sst s4;
	s29 =	smul.u32 $0x50000, s0  }
0x9: {  	s24 =	sshll.u32 s0, $0x6;
	s1 =	sor.u32 s5, s25;
	s8 =	smul.u32 $0x140000, s5  }
0xa: {  	s28 =	ssub.s32 $0x2, s5;
	s5 =	sadd.s32 $0x16C00, s6;
	s25 =	simm.s32 $0x0  }
0xb: {  	s7 =	smul.u32 $0x2800, s1;
	s1 =	rddreg [dreg:$0x3];
	_ =	strace $0x8000004A  }
0xc: {  	s30 =	sshrl.u32 s28, $0x1;
	s31 =	sshrl.u32 s29, $0x2;
	s26 =	sadd.s32 s9, s8  }
0xd: {  	s12 =	ssub.s32 s28, s30;
	s13 =	sadd.s32 s31, s3;
	s7 =	sshrl.u32 s7, $0x3  }
0xe: {  	s12 =	smax.u32 s12, $0x1;
	s10 =	sadd.s32 s7, s6;
	s7 =	sshrl.u32 s26, $0x3  }
0xf: {  	s13 =	sshrl.u32 s13, $0x3;
	s11 =	sadd.s32 s7, s6;
	s6 =	sor.u32 $0x1C02, s24  }
0x10: {  	s7 =	sadd.s32 $0x2C00, s10;
	s8 =	sadd.s32 $0xCC00, s10;
	s9 =	sadd.s32 $0x2E80, s10  }
0x11: {  	s10 =	sadd.s32 $0xCE80, s10;
	s24 =	sor.u32 $0x1C03, s24;
	s11 =	sadd.s32 $0x19400, s11  }
.LBB2_1:
0x12: {  	[spmem:s13], [sflag:s6] =	dma.local [hbm:s5], $0x2800  }
0x13: {  	[tilespmem:s4], [sflag:$0x3] =	stream.linear.gather [hbm4b:s7+s4], $0x1400, $0x38;
	[tilespmem:$0x1E800] =	vst v63  }
0x14: {  	_ =	swait.ge [sflag:s14], $0x1400  }
0x15: {  	[sflag:s14] =	ssyncset.done $0x0  }
0x16: {  	[sflag:s14] =	ssyncadd.s32 $0xFFFFEC00  }
0x17: {  	[tilespmem:s15], [sflag:$0x3] =	stream.linear.gather [hbm4b:s8+s4], $0x1400, $0x38;
	[tilespmem:$0x1E800] =	vst v63  }
0x18: {  	_ =	swait.ge [sflag:s14], $0x1400  }
0x19: {  	[sflag:s14] =	ssyncset.done $0x0  }
0x1a: {  	[sflag:s14] =	ssyncadd.s32 $0xFFFFEC00  }
0x1b: {  	_ =	swait.ge [sflag:s16], $0x2800  }
0x1c: {  	[sflag:s16] =	ssyncset.done $0x0  }
0x1d: {  	[sflag:s16] =	ssyncadd.s32 $0xFFFFD800  }
0x1e: {  	[bflag:$0x0] =	sbarrier.arrive $0xFFFF  }
0x1f: {  	[tilespmem:s18], [sflag:$0x1] =	stream.indirect.gather [hbm4b:s2+s17], $0x80, s4, s17, $0xb8;
	[tilespmem:$0x1E800] =	vst v63  }
0x20: {  	s26 =	simm.s32 $0x80  }
0x21: {  	[tilespmem:s19], [sflag:$0x2] =	stream.indirect.gather [hbm4b:s2+s17], $0x80, s26, s17, $0xb8;
	[tilespmem:$0x1E800] =	vst v63  }
0x22: {  	_ =	swait.ge [sflag:s20], $0x3E80  }
0x23: {  	[sflag:s20] =	ssyncset.done $0x0  }
0x24: {  	s29 =	simm.s32 $0x1400;
	[sflag:s20] =	ssyncadd.s32 $0xFFFFC180  }
0x25: {  	[spmem:s3] =	stream.indirect.scatter.add.f32 [tilespmem:s18], [sflag:$0x3], $0x80, s29, s17, $0xb8;
	[tilespmem:$0x1E800] =	vst v63  }
0x26: {  	_ =	swait.ge [sflag:s14], $0x3E80  }
0x27: {  	[sflag:s14] =	ssyncset.done $0x0  }
0x28: {  	s30 =	simm.s32 $0x100;
	[sflag:s14] =	ssyncadd.s32 $0xFFFFC180  }
0x29: {  	[tilespmem:s18], [sflag:$0x1] =	stream.indirect.gather [hbm4b:s2+s17], $0x80, s30, s17, $0xb8;
	[tilespmem:$0x1E800] =	vst v63  }
0x2a: {  	_ =	swait.ge [sflag:s16], $0x3E80  }
0x2b: {  	[sflag:s16] =	ssyncset.done $0x0  }
0x2c: {  	s31 =	simm.s32 $0x1480;
	[sflag:s16] =	ssyncadd.s32 $0xFFFFC180  }
0x2d: {  	[spmem:s3] =	stream.indirect.scatter.add.f32 [tilespmem:s19], [sflag:$0x3], $0x80, s31, s17, $0xb8;
	[tilespmem:$0x1E800] =	vst v63  }
0x2e: {  	_ =	swait.ge [sflag:s14], $0x3E80  }
0x2f: {  	s28 =	simm.s32 $0x800;
	s26 =	simm.s32 $0x100;
	[sflag:s14] =	ssyncset.done $0x0  }
.LBB2_2:
0x30: {  	s29 =	sadd.s32 $0x80, s26  }
0x31: {  	[sflag:s14] =	ssyncadd.s32 $0xFFFFC180;
	s30 =	smov.u32 s28;
	s31 =	sadd.s32 $0x400, s28  }
0x32: {  	[tilespmem:s19], [sflag:$0x2] =	stream.indirect.gather [hbm4b:s2+s17], $0x80, s29, s17, $0xb8;
	[tilespmem:$0x1E800] =	vst v63  }
0x33: {  	p0 =	sne.s32 s28, $0x4800;
	_ =	swait.ge [sflag:s20], $0x3E80  }
0x34: {  	[sflag:s20] =	ssyncset.done $0x0  }
0x35: {  	s28 =	sadd.s32 $0x1400, s26;
	[sflag:s20] =	ssyncadd.s32 $0xFFFFC180  }
0x36: {  	[spmem:s3] =	stream.indirect.scatter.add.f32 [tilespmem:s18], [sflag:$0x3], $0x80, s28, s17, $0xb8;
	[tilespmem:$0x1E800] =	vst v63  }
0x37: {  	_ =	swait.ge [sflag:s14], $0x3E80  }
0x38: {  	[sflag:s14] =	ssyncset.done $0x0  }
0x39: {  	s28 =	sadd.s32 $0x100, s26;
	[sflag:s14] =	ssyncadd.s32 $0xFFFFC180  }
0x3a: {  	[tilespmem:s18], [sflag:$0x1] =	stream.indirect.gather [hbm4b:s2+s17], $0x80, s28, s17, $0xb8;
	[tilespmem:$0x1E800] =	vst v63  }
0x3b: {  	_ =	swait.ge [sflag:s16], $0x3E80  }
.Ltmp0:
0x3c: {  	[sflag:s16] =	ssyncset.done $0x0;
	(pc) =	sbr.rel @p0 .LBB2_2-.Ltmp0, $4  }
0x3d: {  	s26 =	sadd.s32 $0x1480, s26;
	[sflag:s16] =	ssyncadd.s32 $0xFFFFC180  }
0x3e: {  	[spmem:s3] =	stream.indirect.scatter.add.f32 [tilespmem:s19], [sflag:$0x3], $0x80, s26, s17, $0xb8;
	[tilespmem:$0x1E800] =	vst v63  }
0x3f: {  	_ =	swait.ge [sflag:s14], $0x3E80  }
0x40: {  	s28 =	smov.u32 s31;
	s26 =	sshra.s32 s30, $0x2;
	[sflag:s14] =	ssyncset.done $0x0  }
0x41: {  	s28 =	sadd.s32 $0x80, s26;
	[sflag:s14] =	ssyncadd.s32 $0xFFFFC180  }
0x42: {  	[tilespmem:s19], [sflag:$0x2] =	stream.indirect.gather [hbm4b:s2+s17], $0x80, s28, s17, $0xb8;
	[tilespmem:$0x1E800] =	vst v63  }
0x43: {  	_ =	swait.ge [sflag:s20], $0x3E80  }
0x44: {  	[sflag:s20] =	ssyncset.done $0x0  }
0x45: {  	s28 =	sadd.s32 $0x1400, s26;
	[sflag:s20] =	ssyncadd.s32 $0xFFFFC180  }
0x46: {  	[spmem:s3] =	stream.indirect.scatter.add.f32 [tilespmem:s18], [sflag:$0x3], $0x80, s28, s17, $0xb8;
	[tilespmem:$0x1E800] =	vst v63  }
0x47: {  	_ =	swait.ge [sflag:s14], $0x3E80  }
0x48: {  	[sflag:s14] =	ssyncset.done $0x0  }
0x49: {  	s28 =	sadd.s32 $0x100, s26;
	[sflag:s14] =	ssyncadd.s32 $0xFFFFC180  }
0x4a: {  	[tilespmem:s18], [sflag:$0x1] =	stream.indirect.gather [hbm4b:s2+s17], $0x80, s28, s17, $0xb8;
	[tilespmem:$0x1E800] =	vst v63  }
0x4b: {  	_ =	swait.ge [sflag:s16], $0x3E80  }
0x4c: {  	[sflag:s16] =	ssyncset.done $0x0  }
0x4d: {  	s29 =	sadd.s32 $0x1480, s26;
	[sflag:s16] =	ssyncadd.s32 $0xFFFFC180  }
0x4e: {  	[spmem:s3] =	stream.indirect.scatter.add.f32 [tilespmem:s19], [sflag:$0x3], $0x80, s29, s17, $0xb8;
	[tilespmem:$0x1E800] =	vst v63  }
0x4f: {  	_ =	swait.ge [sflag:s14], $0x3E80  }
0x50: {  	[sflag:s14] =	ssyncset.done $0x0  }
0x51: {  	[sflag:s14] =	ssyncadd.s32 $0xFFFFC180  }
0x52: {  	[tilespmem:s19], [sflag:$0x2] =	stream.indirect.gather [hbm4b:s2+s17], $0x80, s21, s17, $0xb8;
	[tilespmem:$0x1E800] =	vst v63  }
0x53: {  	_ =	swait.ge [sflag:s20], $0x3E80  }
0x54: {  	[sflag:s20] =	ssyncset.done $0x0  }
0x55: {  	[sflag:s20] =	ssyncadd.s32 $0xFFFFC180  }
0x56: {  	[spmem:s3] =	stream.indirect.scatter.add.f32 [tilespmem:s18], [sflag:$0x3], $0x80, s22, s17, $0xb8;
	[tilespmem:$0x1E800] =	vst v63  }
0x57: {  	_ =	swait.ge [sflag:s14], $0x3E80  }
0x58: {  	[sflag:s14] =	ssyncset.done $0x0  }
0x59: {  	[sflag:s14] =	ssyncadd.s32 $0xFFFFC180  }
0x5a: {  	[tilespmem:s18], [sflag:$0x1] =	stream.indirect.gather [hbm4b:s2+s17], $0x80, s21, s17, $0xb8;
	[tilespmem:$0x1E800] =	vst v63  }
0x5b: {  	_ =	swait.ge [sflag:s16], $0x3E80  }
0x5c: {  	[sflag:s16] =	ssyncset.done $0x0  }
0x5d: {  	[sflag:s16] =	ssyncadd.s32 $0xFFFFC180  }
0x5e: {  	[spmem:s3] =	stream.indirect.scatter.add.f32 [tilespmem:s19], [sflag:$0x3], $0x80, s23, s17, $0xb8;
	[tilespmem:$0x1E800] =	vst v63  }
0x5f: {  	_ =	swait.ge [sflag:s14], $0x3E80  }
0x60: {  	[sflag:s14] =	ssyncset.done $0x0  }
0x61: {  	[sflag:s14] =	ssyncadd.s32 $0xFFFFC180  }
0x62: {  	_ =	swait.ge [sflag:s20], $0x3E80  }
0x63: {  	[sflag:s20] =	ssyncset.done $0x0  }
0x64: {  	s30 =	simm.s32 $0x0;
	[sflag:s20] =	ssyncadd.s32 $0xFFFFC180  }
0x65: {  	[tilespmem:s30], [sflag:$0x3] =	stream.linear.gather [hbm4b:s9+s30], $0x1400, $0x38;
	[tilespmem:$0x1E800] =	vst v63  }
0x66: {  	_ =	swait.ge [sflag:s14], $0x1400  }
0x67: {  	[sflag:s14] =	ssyncset.done $0x0  }
0x68: {  	[sflag:s14] =	ssyncadd.s32 $0xFFFFEC00  }
0x69: {  	[tilespmem:s15], [sflag:$0x3] =	stream.linear.gather [hbm4b:s10+s30], $0x1400, $0x38;
	[tilespmem:$0x1E800] =	vst v63  }
0x6a: {  	_ =	swait.ge [sflag:s14], $0x1400  }
0x6b: {  	[sflag:s14] =	ssyncset.done $0x0  }
0x6c: {  	[sflag:s14] =	ssyncadd.s32 $0xFFFFEC00  }
0x6d: {  	[tilespmem:s18], [sflag:$0x1] =	stream.indirect.gather [hbm4b:s2+s17], $0x80, s30, s17, $0xb8;
	[tilespmem:$0x1E800] =	vst v63  }
0x6e: {  	s31 =	simm.s32 $0x80  }
0x6f: {  	[tilespmem:s19], [sflag:$0x2] =	stream.indirect.gather [hbm4b:s2+s17], $0x80, s31, s17, $0xb8;
	[tilespmem:$0x1E800] =	vst v63  }
0x70: {  	_ =	swait.ge [sflag:s20], $0x3E80  }
0x71: {  	[sflag:s20] =	ssyncset.done $0x0  }
0x72: {  	s29 =	simm.s32 $0x1400;
	[sflag:s20] =	ssyncadd.s32 $0xFFFFC180  }
0x73: {  	[spmem:s3] =	stream.indirect.scatter.add.f32 [tilespmem:s18], [sflag:$0x3], $0x80, s29, s17, $0xb8;
	[tilespmem:$0x1E800] =	vst v63  }
0x74: {  	_ =	swait.ge [sflag:s14], $0x3E80  }
0x75: {  	[sflag:s14] =	ssyncset.done $0x0  }
0x76: {  	s30 =	simm.s32 $0x100;
	[sflag:s14] =	ssyncadd.s32 $0xFFFFC180  }
0x77: {  	[tilespmem:s18], [sflag:$0x1] =	stream.indirect.gather [hbm4b:s2+s17], $0x80, s30, s17, $0xb8;
	[tilespmem:$0x1E800] =	vst v63  }
0x78: {  	_ =	swait.ge [sflag:s16], $0x3E80  }
0x79: {  	[sflag:s16] =	ssyncset.done $0x0  }
0x7a: {  	s31 =	simm.s32 $0x1480;
	[sflag:s16] =	ssyncadd.s32 $0xFFFFC180  }
0x7b: {  	[spmem:s3] =	stream.indirect.scatter.add.f32 [tilespmem:s19], [sflag:$0x3], $0x80, s31, s17, $0xb8;
	[tilespmem:$0x1E800] =	vst v63  }
0x7c: {  	_ =	swait.ge [sflag:s14], $0x3E80  }
0x7d: {  	s26 =	simm.s32 $0x100;
	s28 =	simm.s32 $0x800;
	[sflag:s14] =	ssyncset.done $0x0  }
.LBB2_4:
0x7e: {  	s29 =	sadd.s32 $0x80, s26  }
0x7f: {  	[sflag:s14] =	ssyncadd.s32 $0xFFFFC180;
	s30 =	smov.u32 s28;
	s31 =	sadd.s32 $0x400, s28  }
0x80: {  	[tilespmem:s19], [sflag:$0x2] =	stream.indirect.gather [hbm4b:s2+s17], $0x80, s29, s17, $0xb8;
	[tilespmem:$0x1E800] =	vst v63  }
0x81: {  	p0 =	sne.s32 s28, $0x4800;
	_ =	swait.ge [sflag:s20], $0x3E80  }
0x82: {  	[sflag:s20] =	ssyncset.done $0x0  }
0x83: {  	s28 =	sadd.s32 $0x1400, s26;
	[sflag:s20] =	ssyncadd.s32 $0xFFFFC180  }
0x84: {  	[spmem:s3] =	stream.indirect.scatter.add.f32 [tilespmem:s18], [sflag:$0x3], $0x80, s28, s17, $0xb8;
	[tilespmem:$0x1E800] =	vst v63  }
0x85: {  	_ =	swait.ge [sflag:s14], $0x3E80  }
0x86: {  	[sflag:s14] =	ssyncset.done $0x0  }
0x87: {  	s28 =	sadd.s32 $0x100, s26;
	[sflag:s14] =	ssyncadd.s32 $0xFFFFC180  }
0x88: {  	[tilespmem:s18], [sflag:$0x1] =	stream.indirect.gather [hbm4b:s2+s17], $0x80, s28, s17, $0xb8;
	[tilespmem:$0x1E800] =	vst v63  }
0x89: {  	_ =	swait.ge [sflag:s16], $0x3E80  }
.Ltmp1:
0x8a: {  	[sflag:s16] =	ssyncset.done $0x0;
	(pc) =	sbr.rel @p0 .LBB2_4-.Ltmp1, $4  }
0x8b: {  	s26 =	sadd.s32 $0x1480, s26;
	[sflag:s16] =	ssyncadd.s32 $0xFFFFC180  }
0x8c: {  	[spmem:s3] =	stream.indirect.scatter.add.f32 [tilespmem:s19], [sflag:$0x3], $0x80, s26, s17, $0xb8;
	[tilespmem:$0x1E800] =	vst v63  }
0x8d: {  	_ =	swait.ge [sflag:s14], $0x3E80  }
0x8e: {  	s28 =	smov.u32 s31;
	s26 =	sshra.s32 s30, $0x2;
	[sflag:s14] =	ssyncset.done $0x0  }
0x8f: {  	s28 =	sadd.s32 $0x80, s26;
	[sflag:s14] =	ssyncadd.s32 $0xFFFFC180  }
0x90: {  	[tilespmem:s19], [sflag:$0x2] =	stream.indirect.gather [hbm4b:s2+s17], $0x80, s28, s17, $0xb8;
	[tilespmem:$0x1E800] =	vst v63  }
0x91: {  	_ =	swait.ge [sflag:s20], $0x3E80  }
0x92: {  	[sflag:s20] =	ssyncset.done $0x0  }
0x93: {  	s29 =	sadd.s32 $0x1400, s26;
	[sflag:s20] =	ssyncadd.s32 $0xFFFFC180  }
0x94: {  	[spmem:s3] =	stream.indirect.scatter.add.f32 [tilespmem:s18], [sflag:$0x3], $0x80, s29, s17, $0xb8;
	[tilespmem:$0x1E800] =	vst v63  }
0x95: {  	_ =	swait.ge [sflag:s14], $0x3E80  }
0x96: {  	[sflag:s14] =	ssyncset.done $0x0  }
0x97: {  	s30 =	sadd.s32 $0x100, s26;
	[sflag:s14] =	ssyncadd.s32 $0xFFFFC180  }
0x98: {  	[tilespmem:s18], [sflag:$0x1] =	stream.indirect.gather [hbm4b:s2+s17], $0x80, s30, s17, $0xb8;
	[tilespmem:$0x1E800] =	vst v63  }
0x99: {  	_ =	swait.ge [sflag:s16], $0x3E80  }
0x9a: {  	[sflag:s16] =	ssyncset.done $0x0  }
0x9b: {  	s31 =	sadd.s32 $0x1480, s26;
	[sflag:s16] =	ssyncadd.s32 $0xFFFFC180  }
0x9c: {  	[spmem:s3] =	stream.indirect.scatter.add.f32 [tilespmem:s19], [sflag:$0x3], $0x80, s31, s17, $0xb8;
	[tilespmem:$0x1E800] =	vst v63  }
0x9d: {  	_ =	swait.ge [sflag:s14], $0x3E80  }
0x9e: {  	[sflag:s14] =	ssyncset.done $0x0  }
0x9f: {  	[sflag:s14] =	ssyncadd.s32 $0xFFFFC180  }
0xa0: {  	[tilespmem:s19], [sflag:$0x2] =	stream.indirect.gather [hbm4b:s2+s17], $0x80, s21, s17, $0xb8;
	[tilespmem:$0x1E800] =	vst v63  }
0xa1: {  	_ =	swait.ge [sflag:s20], $0x3E80  }
0xa2: {  	[sflag:s20] =	ssyncset.done $0x0  }
0xa3: {  	[sflag:s20] =	ssyncadd.s32 $0xFFFFC180  }
0xa4: {  	[spmem:s3] =	stream.indirect.scatter.add.f32 [tilespmem:s18], [sflag:$0x3], $0x80, s22, s17, $0xb8;
	[tilespmem:$0x1E800] =	vst v63  }
0xa5: {  	_ =	swait.ge [sflag:s14], $0x3E80  }
0xa6: {  	[sflag:s14] =	ssyncset.done $0x0  }
0xa7: {  	[sflag:s14] =	ssyncadd.s32 $0xFFFFC180  }
0xa8: {  	[tilespmem:s18], [sflag:$0x1] =	stream.indirect.gather [hbm4b:s2+s17], $0x80, s21, s17, $0xb8;
	[tilespmem:$0x1E800] =	vst v63  }
0xa9: {  	_ =	swait.ge [sflag:s16], $0x3E80  }
0xaa: {  	[sflag:s16] =	ssyncset.done $0x0  }
0xab: {  	[sflag:s16] =	ssyncadd.s32 $0xFFFFC180  }
0xac: {  	[spmem:s3] =	stream.indirect.scatter.add.f32 [tilespmem:s19], [sflag:$0x3], $0x80, s23, s17, $0xb8;
	[tilespmem:$0x1E800] =	vst v63  }
0xad: {  	_ =	swait.ge [sflag:s14], $0x3E80  }
0xae: {  	[sflag:s14] =	ssyncset.done $0x0  }
0xaf: {  	[sflag:s14] =	ssyncadd.s32 $0xFFFFC180  }
0xb0: {  	_ =	swait.ge [sflag:s20], $0x3E80  }
0xb1: {  	s25 =	sadd.s32 $0x1, s25;
	[sflag:s20] =	ssyncset.done $0x0  }
0xb2: {  	p0 =	sne.s32 s25, s12;
	[sflag:s20] =	ssyncadd.s32 $0xFFFFC180  }
.Ltmp2:
0xb3: {  	[bflag:$0x0] =	sbarrier.arrive $0xFFFF;
	(pc) =	sbr.rel @p0 .LBB2_1-.Ltmp2, $4  }
0xb4: {  	[hbm:s11], [sflag:s24] =	dma.local [spmem:s13], $0x2800  }
0xb5: {  	_ =	swait.ge [sflag:s14], $0x2800  }
0xb6: {  	[sflag:s14] =	ssyncset.done $0x0  }
0xb7: {  	[sflag:s14] =	ssyncadd.s32 $0xFFFFD800  }
0xb8: {  	_ =	sfence.sel $0x180000  }
0xb9: {  	[bflag:$0x0] =	sbarrier.arrive $0xFFFF  }
0xba: {  	p0 =	sne.s32 s0, $0x0;
	_ =	strace $0x9000004A  }
0xbb: {  	s0 =	sadd.s32 @!p0 $0x100000, s1;
	[bflag:$0x2] =	sbarrier.arrive $0xFFFF  }
0xbc: {  	[sflag:s0] =	ssyncadd.tile.s32 @!p0 $0x1;
	_ =	shalt  }
.Lfunc_end2:
_tile_overlayer_lowered:
.L_overlay_start_2:
0xbd: {  	(tag) =	ssettag $0x2  }
0xbe: {  	s0 =	rddreg [dreg:$0x0];
	s2 =	stileid.u32  }
0xbf: {  	s1 =	rddreg [dreg:$0x1];
	p0 =	sne.s32 s2, $0x0  }
0xc0: {  	s3 =	rddreg [dreg:$0x2];
	[bflag:$0x3] =	sbarrier.arrive $0xFFFF;
	s2 =	simm.s32 @!p0 $0x1C03  }
0xc1: {  	[timem:s3], [sflag:s2] =	dma.local @!p0 [hbm:s0], s1  }
0xc2: {  	s0 =	simm.s32 @!p0 $0x3  }
0xc3: {  	_ =	swait.ge @!p0 [sflag:s0], s1  }
0xc4: {  	s1 =	ssub.s32 @!p0 $0x0, s1;
	[sflag:s0] =	ssyncset.done @!p0 $0x0  }
0xc5: {  	[sflag:s0] =	ssyncadd.s32 @!p0 s1  }
0xc6: {  	[bflag:$0x3] =	sbarrier.arrive $0xFFFF  }
0xc7: {  	_ =	shalt  }

// kernel: kernel.7.cloned.1.call-start
scs
__scs_entry_jumppad:
0x0: {  	(pc) =	sbr.rel $0x88, $3  }
0x1: {  	(tag) =	ssettag $0x0;
	lr =	simm.s32 $0x1  }
0x2: {  	[smem:$0x3F9C] =	sst lr;
	_ =	strace $0xD0000000  }
0x3: {  	_ = 	snop  }
0x4: {  	_ = 	snop  }
0x5: {  	_ = 	snop  }
0x6: {  	_ = 	snop  }
0x7: {  	_ = 	snop  }
__scs_overlays_trampoline_lowered:
0x8: {  	[smem:$0x3FAB] =	sst s0  }
0x9: {  	[smem:$0x3FAC] =	sst s1  }
0xa: {  	[smem:$0x3FAD] =	sst s2  }
0xb: {  	[smem:$0x3FAE] =	sst s3  }
0xc: {  	[smem:$0x3FAF] =	sst s4  }
0xd: {  	[smem:$0x3FB0] =	sst s5  }
0xe: {  	[smem:$0x3FB1] =	sst s6  }
0xf: {  	[smem:$0x3FB2] =	sst s7  }
0x10: {  	[smem:$0x3FB3] =	sst s8  }
0x11: {  	[smem:$0x3FB4] =	sst s9;
	s0 =	simm.s32 @!p0 $0x0  }
0x12: {  	s1 =	sld [smem:$0x3F9A];
	s0 =	simm.s32 @p0 $0x1  }
0x13: {  	[smem:$0x3FB5] =	sst s0;
	s0 =	simm.s32 @!p1 $0x0  }
0x14: {  	s2 =	sld [smem:$0x3F99];
	s0 =	simm.s32 @p1 $0x1  }
0x15: {  	[smem:$0x3FB6] =	sst s0;
	s0 =	simm.s32 @!p2 $0x0  }
0x16: {  	s3 =	sld [smem:$0x3FDB];
	s0 =	simm.s32 @p2 $0x1  }
0x17: {  	s4 =	simm.s32 $0x1BF5;
	[smem:$0x3FB8] =	sst s0  }
0x18: {  	s0 =	sld [smem:$0x3F9B];
	_ =	swait.ge [sflag:s4], $0x0  }
0x19: {  	s7 =	sld [smem:$0x3F9C]  }
0x1a: {  	s8 =	sadd.s32 $0xFFFFE003, lr  }
0x1b: {  	s9 =	sadd.s32 $0xFFFFFEF7, lr;
	s5 =	simm.s32 $0xFFFFFFFF;
	p2 =	slt.u32 s8, $0xFFFFF086  }
0x1c: {  	p1 =	slt.u32 s9, $0xF7A;
	s5 =	simm.s32 @!p2 $0x0  }
0x1d: {  	s5 =	simm.s32 @p1 $0x1;
	p0 =	seq.s32 s7, s2  }
0x1e: {  	s7 =	smul.u32 @!p0 $0xF7A, s2;
	p2 =	seq.s32 @!p0 s5, $0x0  }
0x1f: {  	s9 =	smul.u32 $0xF7A, s1;
	s8 =	simm.s32 @!p0 $0x1BF5;
	p2 =	por !p2, p0  }
0x20: {  	[sflag:s8] =	ssyncset.s32 @!p0 $0xFFFFF086;
	s6 =	sadd.s32 @!p0 s3, s7;
	s7 =	simm.s32 @!p0 $0x108  }
0x21: {  	s3 =	sadd.s32 s3, s9;
	s6 =	sadd.s32 @!p0 $0x88, s6;
	s7 =	simm.s32 @p2 $0x1082  }
0x22: {  	[simem:s7], [sflag:s8] =	dma.local @!p0 [hbm:s6], $0xF7A  }
0x23: {  	s9 =	sor.u32 $0xD0000000, s2;
	s6 =	simm.s32 $0x108;
	_ =	swait.ge @!p0 [sflag:s8], $0x0  }
0x24: {  	s3 =	sadd.s32 $0x88, s3;
	s6 =	simm.s32 @!p1 $0x1082;
	[sflag:s4] =	ssyncset.s32 $0xFFFFF086  }
0x25: {  	[simem:s6], [sflag:s4] =	dma.local [hbm:s3], $0xF7A  }
0x26: {  	[smem:$0x3F9C] =	sst s1;
	(tag) =	ssettag s2;
	_ =	strace s9  }
0x27: {  	s1 =	sld [smem:$0x3FAC]  }
0x28: {  	s2 =	sld [smem:$0x3FAD]  }
0x29: {  	s4 =	sld [smem:$0x3FAF]  }
0x2a: {  	p0 =	seq.s32 s5, $0x0;
	s5 =	sld [smem:$0x3FB0]  }
0x2b: {  	s6 =	sld [smem:$0x3FB1]  }
0x2c: {  	s7 =	sld [smem:$0x3FB2]  }
0x2d: {  	s3 =	simm.s32 $0x108;
	s8 =	sld [smem:$0x3FB3]  }
0x2e: {  	s3 =	simm.s32 @!p0 $0x1082;
	s9 =	sld [smem:$0x3FB4]  }
0x2f: {  	lr =	sadd.s32 s0, s3;
	s0 =	sld [smem:$0x3FAB]  }
0x30: {  	s3 =	sld [smem:$0x3FAE]  }
0x31: {  	[smem:$0x3FB7] =	sst s10  }
0x32: {  	s10 =	sld [smem:$0x3FB5];
	_ =	sdelay $0x3  }
0x33: {  	p0 =	seq.s32 s10, $0x1;
	s10 =	sld [smem:$0x3FB7];
	_ =	sdelay $0x3  }
0x34: {  	[smem:$0x3FB7] =	sst s10  }
0x35: {  	s10 =	sld [smem:$0x3FB6];
	_ =	sdelay $0x3  }
0x36: {  	p1 =	seq.s32 s10, $0x1;
	s10 =	sld [smem:$0x3FB7];
	_ =	sdelay $0x3  }
0x37: {  	[smem:$0x3FB7] =	sst s10  }
0x38: {  	s10 =	sld [smem:$0x3FB8]  }
0x39: {  	_ = 	snop;
	(pc) =	sbr.ind lr, $3  }
0x3a: {  	_ = 	snop  }
0x3b: {  	_ = 	snop  }
0x3c: {  	p2 =	seq.s32 s10, $0x1;
	s10 =	sld [smem:$0x3FB7]  }
0x3d: {  	_ =	shalt  }
0x3e: {  	_ =	shalt  }
0x3f: {  	_ =	shalt  }
0x40: {  	_ =	shalt  }
0x41: {  	_ =	shalt  }
0x42: {  	_ =	shalt  }
0x43: {  	_ =	shalt  }
0x44: {  	_ =	shalt  }
0x45: {  	_ =	shalt  }
0x46: {  	_ =	shalt  }
0x47: {  	_ =	shalt  }
0x48: {  	_ =	shalt  }
0x49: {  	_ =	shalt  }
0x4a: {  	_ =	shalt  }
0x4b: {  	_ =	shalt  }
0x4c: {  	_ =	shalt  }
0x4d: {  	_ =	shalt  }
0x4e: {  	_ =	shalt  }
0x4f: {  	_ =	shalt  }
0x50: {  	_ =	shalt  }
0x51: {  	_ =	shalt  }
0x52: {  	_ =	shalt  }
0x53: {  	_ =	shalt  }
0x54: {  	_ =	shalt  }
0x55: {  	_ =	shalt  }
0x56: {  	_ =	shalt  }
0x57: {  	_ =	shalt  }
0x58: {  	_ =	shalt  }
0x59: {  	_ =	shalt  }
0x5a: {  	_ =	shalt  }
0x5b: {  	_ =	shalt  }
0x5c: {  	_ =	shalt  }
0x5d: {  	_ =	shalt  }
0x5e: {  	_ =	shalt  }
0x5f: {  	_ =	shalt  }
0x60: {  	_ =	shalt  }
0x61: {  	_ =	shalt  }
0x62: {  	_ =	shalt  }
0x63: {  	_ =	shalt  }
0x64: {  	_ =	shalt  }
0x65: {  	_ =	shalt  }
0x66: {  	_ =	shalt  }
0x67: {  	_ =	shalt  }
0x68: {  	_ =	shalt  }
0x69: {  	_ =	shalt  }
0x6a: {  	_ =	shalt  }
0x6b: {  	_ =	shalt  }
0x6c: {  	_ =	shalt  }
0x6d: {  	_ =	shalt  }
0x6e: {  	_ =	shalt  }
0x6f: {  	_ =	shalt  }
0x70: {  	_ =	shalt  }
0x71: {  	_ =	shalt  }
0x72: {  	_ =	shalt  }
0x73: {  	_ =	shalt  }
0x74: {  	_ =	shalt  }
0x75: {  	_ =	shalt  }
0x76: {  	_ =	shalt  }
0x77: {  	_ =	shalt  }
0x78: {  	_ =	shalt  }
0x79: {  	_ =	shalt  }
0x7a: {  	_ =	shalt  }
0x7b: {  	_ =	shalt  }
0x7c: {  	_ =	shalt  }
0x7d: {  	_ =	shalt  }
0x7e: {  	_ =	shalt  }
0x7f: {  	_ =	shalt  }
0x80: {  	_ =	shalt  }
0x81: {  	_ =	shalt  }
0x82: {  	_ =	shalt  }
0x83: {  	_ =	shalt  }
0x84: {  	_ =	shalt  }
0x85: {  	_ =	shalt  }
0x86: {  	_ =	shalt  }
0x87: {  	_ =	shalt  }
.Lfunc_end0:
.L_simem_size_0:
called_computation_lowered:
.L_overlay_start_0:
0x88: {  	s2 =	sld [smem:$0x3FD9]  }
0x89: {  	s3 =	sld [smem:$0x3FFE];
	_ =	sdelay $0x1  }
0x8a: {  	s1 =	srdreg.scid  }
0x8b: {  	s0 =	sand.u32 $0x1, s1  }
0x8c: {  	s17 =	sshll.u32 s0, $0xA;
	s2 =	sadd.s32 s3, s2  }
0x8d: {  	s2 =	sadd.s32 s2, s17  }
0x8e: {  	[smem:$0x3FC3] =	sst s2  }
0x8f: {  	_ = 	snop  }
0x90: {  	s2 =	sld [smem:$0x3FC8]  }
0x91: {  	s18 =	sld [smem:$0x3FD0];
	(tm) =	ssettm $0x1  }
0x92: {  	s4 =	sld [smem:$0x3FFB];
	_ =	sdelay $0x3  }
0x93: {  	_ =	strace s4  }
0x94: {  	s4 =	sld [smem:$0x3FFC];
	_ =	sdelay $0x3  }
0x95: {  	_ =	strace s4  }
0x96: {  	s4 =	sld [smem:$0x3FFD];
	_ =	sdelay $0x3  }
0x97: {  	_ =	strace s4  }
0x98: {  	_ =	strace $0x8FFFFFFF  }
0x99: {  	s19 =	sld [smem:$0x3FDB];
	_ =	sdelay $0x1  }
0x9a: {  	s5 =	simm.s32 $_scs_section_size  }
0x9b: {  	s6 =	simm.s32 $_size__tile_overlayer_lowered;
	s7 =	simm.s32 $_tile_overlayer_lowered  }
0x9c: {  	s22 =	simm.s32 $0x1BFF;
	s21 =	sshll.u32 s7, $0x1;
	s4 =	sadd.s32 s5, s19  }
0x9d: {  	s8 =	simm.s32 $0x0;
	s20 =	sshll.u32 s6, $0x1;
	s6 =	sadd.s32 s21, s4  }
0x9e: {  	[timem:s8], [sflag:s22] =	dma.local [hbm:s6], s20  }
0x9f: {  	_ =	swait.ge [sflag:s22], s20  }
0xa0: {  	s5 =	ssub.s32 $0x0, s20;
	[sflag:s22] =	ssyncset.done $0x0  }
0xa1: {  	[sflag:s22] =	ssyncadd.s32 s5;
	_ =	sdelay $0x1  }
0xa2: {  	s23 =	simm.s32 $0x1B8B  }
0xa3: {  	_ =	swait.ge [sflag:s23], $0x1  }
0xa4: {  	[sflag:s23] =	ssyncset.done $0x0  }
0xa5: {  	s25 =	simm.s32 $0x1B8E;
	s24 =	sld [smem:$0x3FFE];
	[sflag:s23] =	ssyncadd.s32 $0xFFFFFFFF  }
0xa6: {  	s26 =	simm.s32 $execute0_lowered;
	[smem:$0x3FD2] =	sst s25  }
0xa7: {  	s6 =	sshll.u32 s26, $0x1;
	_ =	strace $0x80000046;
	[dreg:$0x1] =	wrdreg $0xFFFFFFFF  }
0xa8: {  	s28 =	simm.s32 $_size_execute0_lowered;
	s4 =	sadd.s32 s4, s6;
	[dreg:$0x0] =	wrdreg $0x0  }
0xa9: {  	s6 =	sshll.u32 s28, $0x1;
	[dreg:$0x2] =	wrdreg s4  }
0xaa: {  	[dreg:$0x3] =	wrdreg s6  }
0xab: {  	[dreg:$0x4] =	wrdreg $0xC0  }
0xac: {  	_ =	task [dreg:s8], $0x5FFFF  }
0xad: {  	[dreg:$0x1] =	wrdreg $0xFFFFFFFF  }
0xae: {  	[dreg:$0x0] =	wrdreg $0x60  }
0xaf: {  	[dreg:$0x2] =	wrdreg s2  }
0xb0: {  	[dreg:$0x3] =	wrdreg s18  }
0xb1: {  	[dreg:$0x4] =	wrdreg s24  }
0xb2: {  	[dreg:$0x5] =	wrdreg $0x77800  }
0xb3: {  	[dreg:$0x6] =	wrdreg $0x9  }
0xb4: {  	_ =	task.clear_ibuf [dreg:s8], $0x7FFFF;
	_ =	strace $0x90000046  }
0xb5: {  	s29 =	simm.s32 $0x9;
	_ =	strace $0x80000048  }
0xb6: {  	_ =	swait.ge [sflag:s29], $0x1  }
0xb7: {  	[sflag:s29] =	ssyncadd.s32 $0xFFFFFFFF  }
0xb8: {  	_ =	strace $0x90000048  }
0xb9: {  	_ =	sfence  }
0xba: {  	s30 =	sld [smem:$0x0];
	_ =	sdelay $0x2  }
0xbb: {  	s31 =	sshll.u32 s1, $0xD;
	s1 =	sshrl.u32 s1, $0x2  }
0xbc: {  	s3 =	sand.u32 $0x4000, s31;
	s1 =	sadd.s32 s1, s30  }
0xbd: {  	s0 =	sor.u32 s3, s0;
	s1 =	sshll.u32 s1, $0x11  }
0xbe: {  	s0 =	sor.u32 s1, s0  }
0xbf: {  	s0 =	sadd.s32 $0x8F2B, s0  }
0xc0: {  	[sflag:s0] =	ssyncadd.remote.s32 $0x1  }
0xc1: {  	_ =	sfence.sel $0xFFFF  }
0xc2: {  	[dreg:$0x0] =	wrdreg $0xFFFFFFFF;
	(pc) =	sbr.abs _section_cstart, $3  }
0xc3: {  	[dreg:$0x1] =	wrdreg $0xFFFFFFFF  }
0xc4: {  	_ =	task.clear_ibuf [dreg:s8], $0x2FFFF;
	_ =	strace $0x9FFFFFFF  }
0xc5: {  	(tm) =	ssettm $0x7FFFFFFF  }
tec
execute0_lowered:
.L_overlay_start_1:
0x0: {  	(tag) =	ssettag $0x1  }
0x1: {  	s3 =	rddreg [dreg:$0x0]  }
0x2: {  	s7 =	rddreg [dreg:$0x1]  }
0x3: {  	s4 =	rddreg [dreg:$0x2];
	s1 =	srdreg.scid  }
0x4: {  	s0 =	stileid.u32;
	s5 =	rddreg [dreg:$0x3];
	s2 =	simm.s32 $0x0  }
0x5: {  	s13 =	simm.s32 $0x14000;
	s14 =	simm.s32 $0x4F80;
	s15 =	simm.s32 $0x0  }
0x6: {  	s6 =	sand.u32 $0x1, s1;
	s8 =	sshll.u32 s0, $0x1;
	s1 =	rddreg [dreg:$0x4]  }
0x7: {  	[smem:$0x7FF] =	sst s2;
	s10 =	sadd.s32 $0x2600, s4;
	s30 =	smul.u32 $0x5000, s0  }
0x8: {  	s28 =	sshrl.u32 s0, $0x3;
	s29 =	sshll.u32 s0, $0x7;
	s12 =	smul.u32 $0x50, s0  }
0x9: {  	s8 =	sor.u32 s6, s8;
	_ =	strace $0x80000047;
	s26 =	ssub.s32 $0x2, s6  }
0xa: {  	p0 =	seq.s32 s6, $0x1;
	s9 =	smul.u32 $0x4E, s8;
	s25 =	smin.u32 s8, $0x4  }
0xb: {  	s11 =	sshrl.u32 s26, $0x1;
	s31 =	sshrl.u32 s30, $0x2;
	s7 =	smov.u32 @p0 s10  }
0xc: {  	p0 =	sgt.u32 s0, $0x1;
	s10 =	simm.s32 $0x400;
	s8 =	ssub.s32 s26, s11  }
0xd: {  	s7 =	sadd.s32 s7, s12;
	s4 =	sadd.s32 s25, s9;
	s9 =	smul.u32 $0x50000, s28  }
0xe: {  	s11 =	simm.s32 $0x1;
	s12 =	simm.s32 $0x1400;
	s6 =	smax.u32 s8, $0x1  }
0xf: {  	s8 =	simm.s32 $0x2780;
	s4 =	sshll.u32 s4, $0x5;
	s9 =	sshrl.u32 s9, $0x2  }
0x10: {  	s3 =	sadd.s32 s3, s4;
	s4 =	sand.u32 $0x380, s29;
	s9 =	sadd.s32 s9, s5  }
0x11: {  	v0 =	vimm.f32 $0.0e+00;
	v1 =	vimm.f32 $1.000000000e+00;
	s5 =	sadd.s32 s31, s5;
	s4 =	sadd.s32 s4, s9;
	s9 =	simm.s32 $0x80  }
.LBB2_1:
0x12: {  	s16 =	simm.s32 $0x40;
	s17 =	simm.s32 $0x0  }
.LBB2_2:
0x13: {  	p1 =	sne.s32 s16, $0x9FC0;
	[tilespmem:s17+$0x2780] =	vst v0;
	s17 =	smov.u32 s16;
	s16 =	sadd.s32 $0x40, s16  }
.Ltmp0:
0x14: {  	(pc) =	sbr.rel @p1 .LBB2_2-.Ltmp0, $2  }
0x15: {  	_ =	sdelay $0x2  }
0x16: {  	s17 =	sshra.s32 s17, $0x2  }
0x17: {  	[tilespmem:s17+$0x2780] =	vst v0;
	s16 =	simm.s32 @p0 $0x80;
	s17 =	simm.s32 @p0 $0x100;
	s18 =	simm.s32 @p0 $0x0  }
0x18: {  	[tilespmem:s18], [sflag:$0x1] =	stream.strided.gather @p0 [hbm4b:s3+s16], $0x2700, s17, s16, $0x38;
	[tilespmem:$0x9F80] =	vst v63  }
0x19: {  	s16 =	simm.s32 @p0 $0x1  }
0x1a: {  	_ =	swait.ge @p0 [sflag:s16], $0x2700  }
0x1b: {  	s17 =	simm.s32 @!p0 $0x100;
	[sflag:s16] =	ssyncset.done @p0 $0x0  }
0x1c: {  	s18 =	simm.s32 @!p0 $0x0;
	[sflag:s16] =	ssyncadd.s32 @p0 $0xFFFFD900;
	s16 =	simm.s32 @!p0 $0x80  }
0x1d: {  	[tilespmem:s18], [sflag:$0x1] =	stream.strided.gather @!p0 [hbm4b:s3+s16], $0x2780, s17, s16, $0x38;
	[tilespmem:$0x9F80] =	vst v63  }
0x1e: {  	s17 =	simm.s32 @!p0 $0x278  }
0x1f: {  	s17 =	simm.s32 @p0 $0x270  }
0x20: {  	p1 =	sne.s32 s17, $0x1  }
.Ltmp1:
0x21: {  	s16 =	simm.s32 @!p0 $0x1;
	(pc) =	sbr.rel @!p1 .LBB2_5-.Ltmp1, $4  }
0x22: {  	_ =	swait.ge @!p0 [sflag:s16], $0x2780  }
0x23: {  	[sflag:s16] =	ssyncset.done @!p0 $0x0  }
0x24: {  	[sflag:s16] =	ssyncadd.s32 @!p0 $0xFFFFD880;
	s16 =	simm.s32 $0x0  }
0x25: {  	s17 =	sadd.s32 $0xFFFFFFFF, s17;
	v2 =	vld [tilespmem:s16+$0x0]  }
.LBB2_4:
0x26: {  	p1 =	sne.s32 s17, $0x1;
	_ =	sdelay $0x3  }
.Ltmp2:
0x27: {  	(pc) =	sbr.rel @p1 .LBB2_4-.Ltmp2, $3  }
0x28: {  	_ =	sdelay $0x1  }
0x29: {  	s16 =	sadd.s32 $0x10, s16;
	[tilespmem:v2+s8+$0x0] =	vst.idx.add.f32.msk $0xffff, v1  }
0x2a: {  	s17 =	sadd.s32 $0xFFFFFFFF, s17;
	v2 =	vld [tilespmem:s16+$0x0]  }
.LBB2_5:
0x2b: {  	_ =	sdelay $0x7  }
0x2c: {  	[tilespmem:v2+s8+$0x0] =	vst.idx.add.f32.msk $0xffff, v1  }
0x2d: {  	[spmem:s4] =	stream.strided.scatter [tilespmem:s8], [sflag:$0x1], $0x2800, s10, s9, $0x38;
	[tilespmem:$0x9F80] =	vst v63  }
0x2e: {  	_ =	swait.ge [sflag:s11], $0x2800  }
0x2f: {  	[sflag:s11] =	ssyncset.done $0x0  }
0x30: {  	[sflag:s11] =	ssyncadd.s32 $0xFFFFD800  }
0x31: {  	[bflag:$0x0] =	sbarrier.arrive $0xFFFF  }
0x32: {  	[tilespmem:s14], [sflag:$0x1] =	stream.strided.gather [spmem:s5], $0x2800, s13, s12, $0x38;
	[tilespmem:$0x9F80] =	vst v63  }
0x33: {  	_ =	swait.ge [sflag:s11], $0x2800  }
0x34: {  	[sflag:s11] =	ssyncset.done $0x0  }
0x35: {  	[sflag:s11] =	ssyncadd.s32 $0xFFFFD800  }
0x36: {  	v2 =	vld [tilespmem:$0x52A0]  }
0x37: {  	v6 =	vld [tilespmem:$0x4F80]  }
0x38: {  	v5 =	vld [tilespmem:$0x5000]  }
0x39: {  	v7 =	vld [tilespmem:$0x5080]  }
0x3a: {  	v9 =	vld [tilespmem:$0x5100]  }
0x3b: {  	[tilespmem:$0x1ED50] =	vst v2;
	v2 =	vld [tilespmem:$0x5320]  }
0x3c: {  	v10 =	vld [tilespmem:$0x5180]  }
0x3d: {  	v12 =	vld [tilespmem:$0x5200]  }
0x3e: {  	v15 =	vld [tilespmem:$0x5280]  }
0x3f: {  	v18 =	vld [tilespmem:$0x5300]  }
0x40: {  	[tilespmem:$0x1ED60] =	vst v2;
	v2 =	vld [tilespmem:$0x63A0]  }
0x41: {  	v21 =	vld [tilespmem:$0x6380]  }
0x42: {  	v25 =	vld [tilespmem:$0x6400]  }
0x43: {  	v28 =	vld [tilespmem:$0x6480]  }
0x44: {  	v32 =	vld [tilespmem:$0x6500]  }
0x45: {  	[tilespmem:$0x1ED70] =	vst v2;
	v2 =	vld [tilespmem:$0x6420]  }
0x46: {  	v37 =	vld [tilespmem:$0x6580]  }
0x47: {  	v38 =	vld [tilespmem:$0x6600]  }
0x48: {  	v39 =	vld [tilespmem:$0x6680]  }
0x49: {  	v40 =	vld [tilespmem:$0x6700]  }
0x4a: {  	[tilespmem:$0x1ED80] =	vst v2;
	v2 =	vld [tilespmem:$0x64A0]  }
0x4b: {  	v36 =	vld [tilespmem:$0x4F90]  }
0x4c: {  	v41 =	vld [tilespmem:$0x5010]  }
0x4d: {  	v42 =	vld [tilespmem:$0x5090]  }
0x4e: {  	v43 =	vld [tilespmem:$0x5110]  }
0x4f: {  	[tilespmem:$0x1EDA0] =	vst v2;
	v2 =	vld [tilespmem:$0x6520]  }
0x50: {  	v44 =	vld [tilespmem:$0x5190]  }
0x51: {  	v45 =	vld [tilespmem:$0x5210]  }
0x52: {  	v46 =	vld [tilespmem:$0x5290]  }
0x53: {  	v47 =	vld [tilespmem:$0x5310]  }
0x54: {  	[tilespmem:$0x1EDC0] =	vst v2;
	v2 =	vld [tilespmem:$0x65A0]  }
0x55: {  	v48 =	vld [tilespmem:$0x6390]  }
0x56: {  	v49 =	vld [tilespmem:$0x6410]  }
0x57: {  	v50 =	vld [tilespmem:$0x6490]  }
0x58: {  	v51 =	vld [tilespmem:$0x6510]  }
0x59: {  	[tilespmem:$0x1EDE0] =	vst v2;
	v2 =	vld [tilespmem:$0x6620]  }
0x5a: {  	v52 =	vld [tilespmem:$0x6590]  }
0x5b: {  	v53 =	vld [tilespmem:$0x6610]  }
0x5c: {  	v54 =	vld [tilespmem:$0x6690]  }
0x5d: {  	v55 =	vld [tilespmem:$0x6710]  }
0x5e: {  	[tilespmem:$0x1EE00] =	vst v2;
	v2 =	vld [tilespmem:$0x66A0]  }
0x5f: {  	v56 =	vld [tilespmem:$0x4FA0]  }
0x60: {  	v57 =	vld [tilespmem:$0x5020]  }
0x61: {  	v58 =	vld [tilespmem:$0x50A0]  }
0x62: {  	v59 =	vld [tilespmem:$0x5120]  }
0x63: {  	[tilespmem:$0x1EE30] =	vst v2;
	v2 =	vld [tilespmem:$0x6720]  }
0x64: {  	v60 =	vld [tilespmem:$0x51A0]  }
0x65: {  	v61 =	vld [tilespmem:$0x5220]  }
0x66: {  	v62 =	vld [tilespmem:$0x4FB0]  }
0x67: {  	v63 =	vld [tilespmem:$0x5030]  }
0x68: {  	[tilespmem:$0x1EE60] =	vst v2;
	v2 =	vld [tilespmem:$0x6430]  }
0x69: {  	v14 =	vld [tilespmem:$0x50B0]  }
0x6a: {  	v17 =	vld [tilespmem:$0x5130]  }
0x6b: {  	v20 =	vld [tilespmem:$0x51B0]  }
0x6c: {  	v23 =	vld [tilespmem:$0x5230]  }
0x6d: {  	[tilespmem:$0x1ED90] =	vst v2;
	v2 =	vld [tilespmem:$0x64B0]  }
0x6e: {  	v26 =	vld [tilespmem:$0x52B0]  }
0x6f: {  	v30 =	vld [tilespmem:$0x5330]  }
0x70: {  	v34 =	vld [tilespmem:$0x63B0]  }
0x71: {  	v4 =	vld [tilespmem:$0x4FC0]  }
0x72: {  	[tilespmem:$0x1EDB0] =	vst v2;
	v2 =	vld [tilespmem:$0x6530]  }
0x73: {  	v3 =	vld [tilespmem:$0x5040]  }
0x74: {  	v8 =	vld [tilespmem:$0x50C0]  }
0x75: {  	v11 =	vld [tilespmem:$0x5140]  }
0x76: {  	v13 =	vld [tilespmem:$0x51C0]  }
0x77: {  	[tilespmem:$0x1EDD0] =	vst v2;
	v2 =	vld [tilespmem:$0x65B0]  }
0x78: {  	v16 =	vld [tilespmem:$0x5240]  }
0x79: {  	v19 =	vld [tilespmem:$0x52C0]  }
0x7a: {  	v22 =	vld [tilespmem:$0x5340]  }
0x7b: {  	v24 =	vld [tilespmem:$0x63C0]  }
0x7c: {  	[tilespmem:$0x1EDF0] =	vst v2;
	v2 =	vld [tilespmem:$0x6630]  }
0x7d: {  	v27 =	vld [tilespmem:$0x6440]  }
0x7e: {  	v31 =	vld [tilespmem:$0x64C0]  }
0x7f: {  	v35 =	vld [tilespmem:$0x6540]  }
0x80: {  	v33 =	vld [tilespmem:$0x51E0]  }
0x81: {  	[tilespmem:$0x1EE20] =	vst v2;
	v2 =	vld [tilespmem:$0x66B0]  }
0x82: {  	v5 =	vadd.f32 v5, v6;
	v6 =	vld [tilespmem:$0x5050]  }
0x83: {  	v36 =	vadd.f32 v41, v36;
	v41 =	vld [tilespmem:$0x50D0]  }
0x84: {  	v5 =	vadd.f32 v7, v5;
	v7 =	vld [tilespmem:$0x5150]  }
0x85: {  	v4 =	vadd.f32 v3, v4;
	v36 =	vadd.f32 v42, v36;
	v42 =	vld [tilespmem:$0x51D0]  }
0x86: {  	v56 =	vadd.f32 v57, v56;
	v57 =	vadd.f32 v63, v62;
	[tilespmem:$0x1EE50] =	vst v2;
	v2 =	vld [tilespmem:$0x6730]  }
0x87: {  	v4 =	vadd.f32 v8, v4;
	v8 =	vld [tilespmem:$0x5070]  }
0x88: {  	v14 =	vadd.f32 v14, v57;
	v5 =	vadd.f32 v9, v5;
	v9 =	vld [tilespmem:$0x5250]  }
0x89: {  	v36 =	vadd.f32 v43, v36;
	v43 =	vld [tilespmem:$0x52D0]  }
0x8a: {  	v14 =	vadd.f32 v17, v14;
	v17 =	vld [tilespmem:$0x50F0]  }
0x8b: {  	[tilespmem:$0x1EE80] =	vst v2;
	v2 =	vld [tilespmem:$0x65C0]  }
0x8c: {  	v4 =	vadd.f32 v11, v4;
	v11 =	vld [tilespmem:$0x5170]  }
0x8d: {  	v5 =	vadd.f32 v10, v5;
	v10 =	vld [tilespmem:$0x5350]  }
0x8e: {  	v36 =	vadd.f32 v44, v36;
	v44 =	vld [tilespmem:$0x63D0]  }
0x8f: {  	v4 =	vadd.f32 v13, v4;
	v13 =	vld [tilespmem:$0x5270]  }
0x90: {  	[tilespmem:$0x1EE10] =	vst v2;
	v2 =	vld [tilespmem:$0x6640]  }
0x91: {  	v5 =	vadd.f32 v12, v5;
	v12 =	vld [tilespmem:$0x6450]  }
0x92: {  	v36 =	vadd.f32 v45, v36;
	v45 =	vld [tilespmem:$0x64D0]  }
0x93: {  	v5 =	vadd.f32 v15, v5;
	v15 =	vld [tilespmem:$0x6550]  }
0x94: {  	v14 =	vadd.f32 v20, v14;
	v36 =	vadd.f32 v46, v36;
	v46 =	vld [tilespmem:$0x65D0]  }
0x95: {  	[tilespmem:$0x1EE40] =	vst v2;
	v2 =	vld [tilespmem:$0x66C0]  }
0x96: {  	v58 =	vadd.f32 v58, v56;
	v14 =	vadd.f32 v23, v14;
	v56 =	vld [tilespmem:$0x1ED70]  }
0x97: {  	v5 =	vadd.f32 v18, v5;
	v18 =	vld [tilespmem:$0x6650];
	v36 =	vadd.f32 v47, v36  }
0x98: {  	v4 =	vadd.f32 v16, v4;
	v14 =	vadd.f32 v26, v14;
	v47 =	vld [tilespmem:$0x66D0]  }
0x99: {  	v36 =	vadd.f32 v48, v36;
	v48 =	vld [tilespmem:$0x4FE0]  }
0x9a: {  	v4 =	vadd.f32 v19, v4;
	v14 =	vadd.f32 v30, v14;
	[tilespmem:$0x1EE70] =	vst v2;
	v2 =	vld [tilespmem:$0x6740]  }
0x9b: {  	v5 =	vadd.f32 v21, v5;
	v21 =	vld [tilespmem:$0x5060]  }
0x9c: {  	v4 =	vadd.f32 v22, v4;
	v14 =	vadd.f32 v34, v14;
	v34 =	vld [tilespmem:$0x5480]  }
0x9d: {  	v36 =	vadd.f32 v49, v36;
	v49 =	vld [tilespmem:$0x50E0]  }
0x9e: {  	v4 =	vadd.f32 v24, v4;
	v5 =	vadd.f32 v25, v5;
	v57 =	vld [tilespmem:$0x1ED80]  }
0x9f: {  	[tilespmem:$0x1EE90] =	vst v2;
	v2 =	vld [tilespmem:$0x4FD0]  }
0xa0: {  	v4 =	vadd.f32 v27, v4;
	v5 =	vadd.f32 v28, v5;
	v28 =	vld [tilespmem:$0x5160]  }
0xa1: {  	v25 =	vadd.f32 v50, v36;
	v36 =	vld [tilespmem:$0x5260]  }
0xa2: {  	v59 =	vadd.f32 v59, v58;
	v4 =	vadd.f32 v31, v4;
	v31 =	vld [tilespmem:$0x5400]  }
0xa3: {  	v21 =	vadd.f32 v21, v48;
	v5 =	vadd.f32 v32, v5;
	v32 =	vld [tilespmem:$0x52E0]  }
0xa4: {  	v25 =	vadd.f32 v51, v25;
	v51 =	vld [tilespmem:$0x6460];
	v2 =	vadd.f32 v6, v2  }
0xa5: {  	v62 =	vadd.f32 v60, v59;
	v4 =	vadd.f32 v35, v4;
	v35 =	vld [tilespmem:$0x5500]  }
0xa6: {  	v59 =	vld [tilespmem:$0x1EDA0];
	v21 =	vadd.f32 v49, v21;
	v2 =	vadd.f32 v41, v2  }
0xa7: {  	v49 =	vld [tilespmem:$0x6900];
	v37 =	vadd.f32 v37, v5;
	v50 =	vadd.f32 v52, v25  }
0xa8: {  	v5 =	vld [tilespmem:$0x5360];
	v2 =	vadd.f32 v7, v2  }
0xa9: {  	v25 =	vld [tilespmem:$0x63E0];
	v37 =	vadd.f32 v38, v37;
	v38 =	vadd.f32 v53, v50  }
0xaa: {  	v52 =	vld [tilespmem:$0x65E0];
	v2 =	vadd.f32 v42, v2  }
0xab: {  	v53 =	vld [tilespmem:$0x64E0];
	v37 =	vadd.f32 v39, v37;
	v54 =	vadd.f32 v54, v38  }
0xac: {  	v50 =	vld [tilespmem:$0x6560];
	v2 =	vadd.f32 v9, v2  }
0xad: {  	v38 =	vadd.f32 v40, v37;
	v37 =	vadd.f32 v55, v54;
	v54 =	vld [tilespmem:$0x1ED50]  }
0xae: {  	v39 =	vld [tilespmem:$0x6660];
	v2 =	vadd.f32 v43, v2  }
0xaf: {  	v63 =	vadd.f32 v61, v62;
	v61 =	vld [tilespmem:$0x1EDC0]  }
0xb0: {  	v55 =	vld [tilespmem:$0x1ED60];
	v2 =	vadd.f32 v10, v2  }
0xb1: {  	v21 =	vadd.f32 v28, v21;
	v40 =	vld [tilespmem:$0x66E0]  }
0xb2: {  	v20 =	vadd.f32 v54, v63;
	v63 =	vld [tilespmem:$0x1EDE0];
	v2 =	vadd.f32 v44, v2  }
0xb3: {  	v58 =	vld [tilespmem:$0x1ED90]  }
0xb4: {  	v21 =	vadd.f32 v33, v21;
	v2 =	vadd.f32 v12, v2;
	v12 =	vld [tilespmem:$0x5380]  }
0xb5: {  	v20 =	vadd.f32 v55, v20;
	v60 =	vld [tilespmem:$0x1EDB0]  }
0xb6: {  	v21 =	vadd.f32 v36, v21;
	v62 =	vld [tilespmem:$0x1EDD0]  }
0xb7: {  	v20 =	vadd.f32 v56, v20;
	v55 =	vld [tilespmem:$0x1EE20]  }
0xb8: {  	v21 =	vadd.f32 v32, v21;
	v54 =	vld [tilespmem:$0x1EE10];
	v2 =	vadd.f32 v45, v2  }
0xb9: {  	v20 =	vadd.f32 v57, v20;
	v57 =	vld [tilespmem:$0x1EE40];
	v12 =	vadd.f32 v31, v12  }
0xba: {  	v2 =	vadd.f32 v15, v2;
	v15 =	vld [tilespmem:$0x5580]  }
0xbb: {  	v5 =	vadd.f32 v5, v21;
	v41 =	vld [tilespmem:$0x5600];
	v12 =	vadd.f32 v34, v12  }
0xbc: {  	v20 =	vadd.f32 v59, v20;
	v14 =	vadd.f32 v58, v14;
	v42 =	vld [tilespmem:$0x5680]  }
0xbd: {  	v5 =	vadd.f32 v25, v5;
	v45 =	vld [tilespmem:$0x1EE00];
	v12 =	vadd.f32 v35, v12  }
0xbe: {  	v20 =	vadd.f32 v61, v20;
	v14 =	vadd.f32 v60, v14;
	v44 =	vld [tilespmem:$0x1EDF0]  }
0xbf: {  	v4 =	vadd.f32 v54, v4;
	v6 =	vld [tilespmem:$0x4FF0];
	v12 =	vadd.f32 v15, v12  }
0xc0: {  	v20 =	vadd.f32 v63, v20;
	v14 =	vadd.f32 v62, v14;
	v43 =	vld [tilespmem:$0x5700]  }
0xc1: {  	v4 =	vadd.f32 v57, v4;
	v61 =	vld [tilespmem:$0x1EE70];
	v12 =	vadd.f32 v41, v12  }
0xc2: {  	v2 =	vadd.f32 v46, v2;
	v20 =	vadd.f32 v45, v20;
	v45 =	vld [tilespmem:$0x6780]  }
0xc3: {  	v57 =	vld [tilespmem:$0x6800];
	v14 =	vadd.f32 v44, v14;
	v12 =	vadd.f32 v42, v12  }
0xc4: {  	v7 =	vld [tilespmem:$0x51F0];
	v6 =	vadd.f32 v8, v6;
	v2 =	vadd.f32 v18, v2  }
0xc5: {  	v14 =	vadd.f32 v55, v14;
	v55 =	vld [tilespmem:$0x1EE90];
	v12 =	vadd.f32 v43, v12  }
0xc6: {  	v6 =	vadd.f32 v17, v6;
	v2 =	vadd.f32 v47, v2;
	v47 =	vld [tilespmem:$0x6880]  }
0xc7: {  	v5 =	vadd.f32 v51, v5;
	v56 =	vld [tilespmem:$0x1EE30];
	v12 =	vadd.f32 v45, v12  }
0xc8: {  	v59 =	vld [tilespmem:$0x5390];
	v4 =	vadd.f32 v61, v4;
	v6 =	vadd.f32 v11, v6  }
0xc9: {  	v5 =	vadd.f32 v53, v5;
	v60 =	vld [tilespmem:$0x1EE60];
	v8 =	vadd.f32 v57, v12  }
0xca: {  	v6 =	vadd.f32 v7, v6;
	v4 =	vadd.f32 v55, v4;
	v55 =	vld [tilespmem:$0x6980]  }
0xcb: {  	v5 =	vadd.f32 v50, v5;
	v62 =	vld [tilespmem:$0x5410];
	v8 =	vadd.f32 v47, v8  }
0xcc: {  	v6 =	vadd.f32 v13, v6;
	v13 =	vld [tilespmem:$0x6A00];
	v20 =	vadd.f32 v56, v20  }
0xcd: {  	v3 =	vld [tilespmem:$0x6760];
	v5 =	vadd.f32 v52, v5;
	v8 =	vadd.f32 v49, v8  }
0xce: {  	v20 =	vadd.f32 v60, v20;
	v60 =	vld [tilespmem:$0x6A80]  }
0xcf: {  	v29 =	vld [tilespmem:$0x6750];
	v5 =	vadd.f32 v39, v5;
	v7 =	vadd.f32 v55, v8  }
0xd0: {  	v18 =	vadd.f32 v62, v59;
	v62 =	vld [tilespmem:$0x6B00]  }
0xd1: {  	v23 =	vld [tilespmem:$0x52F0];
	v5 =	vadd.f32 v40, v5;
	v7 =	vadd.f32 v13, v7  }
0xd2: {  	v16 =	vld [tilespmem:$0x5370]  }
0xd3: {  	v19 =	vld [tilespmem:$0x6470];
	v3 =	vadd.f32 v3, v5;
	v39 =	vadd.f32 v60, v7  }
0xd4: {  	v26 =	vld [tilespmem:$0x64F0]  }
0xd5: {  	v22 =	vld [tilespmem:$0x6570];
	[tilespmem:$0x27E0] =	vst v3;
	v3 =	vadd.f32 v62, v39  }
0xd6: {  	v30 =	vld [tilespmem:$0x66F0]  }
0xd7: {  	[tilespmem:$0x2800] =	vst v3;
	v3 =	vld [tilespmem:$0x6920]  }
0xd8: {  	v24 =	vld [tilespmem:$0x6670]  }
0xd9: {  	v27 =	vld [tilespmem:$0x6770]  }
0xda: {  	v48 =	vld [tilespmem:$0x5590]  }
0xdb: {  	v33 =	vld [tilespmem:$0x6990]  }
0xdc: {  	[tilespmem:$0x1EEA0] =	vst v3;
	v3 =	vld [tilespmem:$0x5540]  }
0xdd: {  	v36 =	vld [tilespmem:$0x6B10]  }
0xde: {  	v32 =	vld [tilespmem:$0x6910]  }
0xdf: {  	v21 =	vld [tilespmem:$0x6830]  }
0xe0: {  	v51 =	vld [tilespmem:$0x5520]  }
0xe1: {  	[tilespmem:$0x1EEF0] =	vst v3;
	v3 =	vld [tilespmem:$0x55C0]  }
0xe2: {  	v53 =	vld [tilespmem:$0x5620]  }
0xe3: {  	v50 =	vld [tilespmem:$0x54A0]  }
0xe4: {  	v52 =	vld [tilespmem:$0x55A0]  }
0xe5: {  	v58 =	vld [tilespmem:$0x1EE50]  }
0xe6: {  	[tilespmem:$0x1EF00] =	vst v3;
	v3 =	vld [tilespmem:$0x5640]  }
0xe7: {  	v56 =	vld [tilespmem:$0x5490]  }
0xe8: {  	v54 =	vld [tilespmem:$0x1EE80]  }
0xe9: {  	v63 =	vld [tilespmem:$0x5510]  }
0xea: {  	v61 =	vld [tilespmem:$0x6790]  }
0xeb: {  	v14 =	vadd.f32 v58, v14;
	[tilespmem:$0x1EF10] =	vst v3;
	v3 =	vld [tilespmem:$0x56C0]  }
0xec: {  	v9 =	vld [tilespmem:$0x63F0];
	v18 =	vadd.f32 v56, v18  }
0xed: {  	v14 =	vadd.f32 v54, v14;
	v54 =	vld [tilespmem:$0x5610]  }
0xee: {  	v11 =	vld [tilespmem:$0x5630];
	v18 =	vadd.f32 v63, v18  }
0xef: {  	v6 =	vadd.f32 v23, v6;
	v58 =	vld [tilespmem:$0x5690]  }
0xf0: {  	v18 =	vadd.f32 v48, v18;
	[tilespmem:$0x1EF30] =	vst v3;
	v3 =	vld [tilespmem:$0x5740]  }
0xf1: {  	v6 =	vadd.f32 v16, v6;
	v59 =	vld [tilespmem:$0x5710]  }
0xf2: {  	v10 =	vld [tilespmem:$0x65F0];
	v18 =	vadd.f32 v54, v18  }
0xf3: {  	v16 =	vld [tilespmem:$0x5730];
	v6 =	vadd.f32 v9, v6  }
0xf4: {  	v63 =	vld [tilespmem:$0x6810];
	v15 =	vadd.f32 v58, v18  }
0xf5: {  	v6 =	vadd.f32 v19, v6;
	[tilespmem:$0x1EF50] =	vst v3;
	v3 =	vld [tilespmem:$0x67C0]  }
0xf6: {  	v31 =	vld [tilespmem:$0x6890];
	v2 =	vadd.f32 v29, v2;
	v29 =	vadd.f32 v59, v15  }
0xf7: {  	v19 =	vld [tilespmem:$0x67B0]  }
0xf8: {  	v34 =	vld [tilespmem:$0x6A10];
	v6 =	vadd.f32 v26, v6;
	v9 =	vadd.f32 v61, v29  }
0xf9: {  	v26 =	vld [tilespmem:$0x68B0]  }
0xfa: {  	v6 =	vadd.f32 v22, v6;
	v9 =	vadd.f32 v63, v9;
	[tilespmem:$0x1EF70] =	vst v3;
	v3 =	vld [tilespmem:$0x6840]  }
0xfb: {  	v35 =	vld [tilespmem:$0x6A90]  }
0xfc: {  	v6 =	vadd.f32 v10, v6;
	[tilespmem:$0x27B0] =	vst v14;
	v14 =	vld [tilespmem:$0x56B0];
	v9 =	vadd.f32 v31, v9  }
0xfd: {  	[tilespmem:$0x27C0] =	vst v4;
	v4 =	vld [tilespmem:$0x53B0]  }
0xfe: {  	v6 =	vadd.f32 v24, v6;
	v24 =	vld [tilespmem:$0x5450];
	v9 =	vadd.f32 v32, v9  }
0xff: {  	[tilespmem:$0x1EF90] =	vst v3;
	v3 =	vld [tilespmem:$0x68C0]  }
0x100: {  	[tilespmem:$0x2780] =	vst v38;
	v56 =	vld [tilespmem:$0x6820];
	v38 =	vadd.f32 v33, v9  }
0x101: {  	v6 =	vadd.f32 v30, v6;
	v42 =	vld [tilespmem:$0x5440]  }
0x102: {  	v30 =	vld [tilespmem:$0x54D0];
	v8 =	vadd.f32 v34, v38  }
0x103: {  	[tilespmem:$0x27D0] =	vst v2;
	v2 =	vadd.f32 v27, v6;
	v6 =	vld [tilespmem:$0x54B0]  }
0x104: {  	v40 =	vadd.f32 v35, v8;
	[tilespmem:$0x1EFC0] =	vst v3;
	v3 =	vld [tilespmem:$0x6940]  }
0x105: {  	v43 =	vld [tilespmem:$0x53C0]  }
0x106: {  	v27 =	vld [tilespmem:$0x53D0];
	[tilespmem:$0x27F0] =	vst v2;
	v2 =	vadd.f32 v36, v40  }
0x107: {  	v48 =	vld [tilespmem:$0x5720]  }
0x108: {  	[tilespmem:$0x2810] =	vst v2;
	v2 =	vld [tilespmem:$0x69A0]  }
0x109: {  	[tilespmem:$0x1EFF0] =	vst v3;
	v3 =	vld [tilespmem:$0x69C0]  }
0x10a: {  	v54 =	vld [tilespmem:$0x56A0]  }
0x10b: {  	v57 =	vld [tilespmem:$0x53A0]  }
0x10c: {  	v47 =	vld [tilespmem:$0x5420]  }
0x10d: {  	[tilespmem:$0x1EEB0] =	vst v2;
	v2 =	vld [tilespmem:$0x6A20]  }
0x10e: {  	[tilespmem:$0x1F030] =	vst v3;
	v3 =	vld [tilespmem:$0x6A40]  }
0x10f: {  	v59 =	vld [tilespmem:$0x6B30]  }
0x110: {  	v29 =	vld [tilespmem:$0x6930]  }
0x111: {  	v61 =	vld [tilespmem:$0x54C0]  }
0x112: {  	[tilespmem:$0x1EEC0] =	vst v2;
	v2 =	vld [tilespmem:$0x6AA0]  }
0x113: {  	[tilespmem:$0x1F070] =	vst v3;
	v3 =	vld [tilespmem:$0x6AC0]  }
0x114: {  	v55 =	vld [tilespmem:$0x67A0]  }
0x115: {  	v60 =	vld [tilespmem:$0x68A0]  }
0x116: {  	v9 =	vld [tilespmem:$0x55B0]  }
0x117: {  	[tilespmem:$0x1EED0] =	vst v2;
	v2 =	vld [tilespmem:$0x6B20]  }
0x118: {  	[tilespmem:$0x1F0B0] =	vst v3;
	v3 =	vld [tilespmem:$0x6B40]  }
0x119: {  	v34 =	vld [tilespmem:$0x69B0]  }
0x11a: {  	[tilespmem:$0x2790] =	vst v37;
	v38 =	vld [tilespmem:$0x6A30]  }
0x11b: {  	[tilespmem:$0x27A0] =	vst v20;
	v8 =	vld [tilespmem:$0x5530]  }
0x11c: {  	v40 =	vld [tilespmem:$0x6AB0];
	[tilespmem:$0x1EEE0] =	vst v2  }
0x11d: {  	v2 =	vld [tilespmem:$0x5430];
	[tilespmem:$0x1F0F0] =	vst v3  }
0x11e: {  	v36 =	vld [tilespmem:$0x5550]  }
0x11f: {  	v63 =	vld [tilespmem:$0x6AF0];
	_ =	sdelay $0x4  }
0x120: {  	[tilespmem:$0x1F120] =	vst v63;
	v63 =	vld [tilespmem:$0x5A80];
	_ =	sdelay $0x4  }
0x121: {  	[tilespmem:$0x1F230] =	vst v63;
	v63 =	vld [tilespmem:$0x6E80];
	_ =	sdelay $0x4  }
0x122: {  	[tilespmem:$0x1F430] =	vst v63;
	v63 =	vld [tilespmem:$0x5A90];
	_ =	sdelay $0x4  }
0x123: {  	[tilespmem:$0x1F250] =	vst v63;
	v63 =	vld [tilespmem:$0x6E90];
	_ =	sdelay $0x4  }
0x124: {  	[tilespmem:$0x1F450] =	vst v63;
	v63 =	vld [tilespmem:$0x5AA0];
	_ =	sdelay $0x4  }
0x125: {  	[tilespmem:$0x1F280] =	vst v63;
	v63 =	vld [tilespmem:$0x6D20];
	_ =	sdelay $0x4  }
0x126: {  	[tilespmem:$0x1F3C0] =	vst v63;
	v63 =	vld [tilespmem:$0x5A30];
	_ =	sdelay $0x4  }
0x127: {  	[tilespmem:$0x1F260] =	vst v63;
	v63 =	vld [tilespmem:$0x5AB0];
	_ =	sdelay $0x4  }
0x128: {  	[tilespmem:$0x1F2A0] =	vst v63;
	v63 =	vld [tilespmem:$0x5B30];
	_ =	sdelay $0x4  }
0x129: {  	[tilespmem:$0x1F2E0] =	vst v63;
	v63 =	vld [tilespmem:$0x6BB0];
	_ =	sdelay $0x4  }
0x12a: {  	[tilespmem:$0x1F320] =	vst v63;
	v63 =	vld [tilespmem:$0x6C30];
	_ =	sdelay $0x4  }
0x12b: {  	[tilespmem:$0x1F360] =	vst v63;
	v63 =	vld [tilespmem:$0x6CB0];
	_ =	sdelay $0x4  }
0x12c: {  	[tilespmem:$0x1F3A0] =	vst v63;
	v63 =	vld [tilespmem:$0x6D30];
	_ =	sdelay $0x4  }
0x12d: {  	[tilespmem:$0x1F3E0] =	vst v63;
	v63 =	vld [tilespmem:$0x6DB0];
	_ =	sdelay $0x4  }
0x12e: {  	[tilespmem:$0x1F420] =	vst v63;
	v63 =	vld [tilespmem:$0x6E30];
	_ =	sdelay $0x4  }
0x12f: {  	[tilespmem:$0x1F460] =	vst v63;
	v63 =	vld [tilespmem:$0x6EB0];
	_ =	sdelay $0x4  }
0x130: {  	[tilespmem:$0x1F4A0] =	vst v63;
	v63 =	vld [tilespmem:$0x6F30];
	_ =	sdelay $0x4  }
0x131: {  	[tilespmem:$0x1F4E0] =	vst v63;
	v63 =	vld [tilespmem:$0x57C0];
	_ =	sdelay $0x4  }
0x132: {  	[tilespmem:$0x1F4C0] =	vst v63;
	v63 =	vld [tilespmem:$0x5840];
	_ =	sdelay $0x4  }
0x133: {  	[tilespmem:$0x1F4D0] =	vst v63;
	v63 =	vld [tilespmem:$0x58C0];
	_ =	sdelay $0x4  }
0x134: {  	[tilespmem:$0x1F510] =	vst v63;
	v63 =	vld [tilespmem:$0x5940];
	_ =	sdelay $0x4  }
0x135: {  	[tilespmem:$0x1F570] =	vst v63;
	v63 =	vld [tilespmem:$0x59C0];
	_ =	sdelay $0x4  }
0x136: {  	[tilespmem:$0x1F5B0] =	vst v63;
	v63 =	vld [tilespmem:$0x5A40];
	_ =	sdelay $0x4  }
0x137: {  	[tilespmem:$0x1F5F0] =	vst v63;
	v63 =	vld [tilespmem:$0x5AC0];
	_ =	sdelay $0x4  }
0x138: {  	[tilespmem:$0x1F630] =	vst v63;
	v63 =	vld [tilespmem:$0x5B40];
	_ =	sdelay $0x4  }
0x139: {  	[tilespmem:$0x1F670] =	vst v63;
	v63 =	vld [tilespmem:$0x6BC0];
	_ =	sdelay $0x4  }
0x13a: {  	[tilespmem:$0x1F6B0] =	vst v63;
	v63 =	vld [tilespmem:$0x6C40];
	_ =	sdelay $0x4  }
0x13b: {  	[tilespmem:$0x1F6F0] =	vst v63;
	v63 =	vld [tilespmem:$0x6CC0];
	_ =	sdelay $0x4  }
0x13c: {  	[tilespmem:$0x1F730] =	vst v63;
	v63 =	vld [tilespmem:$0x6D40];
	_ =	sdelay $0x4  }
0x13d: {  	[tilespmem:$0x1F770] =	vst v63;
	v63 =	vld [tilespmem:$0x6DC0];
	_ =	sdelay $0x4  }
0x13e: {  	[tilespmem:$0x1F7B0] =	vst v63;
	v63 =	vld [tilespmem:$0x6E40];
	_ =	sdelay $0x4  }
0x13f: {  	[tilespmem:$0x1F7F0] =	vst v63;
	v63 =	vld [tilespmem:$0x6EC0];
	_ =	sdelay $0x4  }
0x140: {  	[tilespmem:$0x1F830] =	vst v63;
	v63 =	vld [tilespmem:$0x6F40];
	_ =	sdelay $0x4  }
0x141: {  	[tilespmem:$0x1F870] =	vst v63;
	v63 =	vld [tilespmem:$0x57D0];
	_ =	sdelay $0x4  }
0x142: {  	[tilespmem:$0x1F4F0] =	vst v63;
	v63 =	vld [tilespmem:$0x5850];
	_ =	sdelay $0x4  }
0x143: {  	[tilespmem:$0x1F500] =	vst v63;
	v63 =	vld [tilespmem:$0x58D0];
	_ =	sdelay $0x4  }
0x144: {  	[tilespmem:$0x1F540] =	vst v63;
	v63 =	vld [tilespmem:$0x5950];
	_ =	sdelay $0x4  }
0x145: {  	[tilespmem:$0x1F590] =	vst v63;
	v63 =	vld [tilespmem:$0x59D0];
	_ =	sdelay $0x4  }
0x146: {  	[tilespmem:$0x1F5D0] =	vst v63;
	v63 =	vld [tilespmem:$0x5A50];
	_ =	sdelay $0x4  }
0x147: {  	[tilespmem:$0x1F610] =	vst v63;
	v63 =	vld [tilespmem:$0x5AD0];
	_ =	sdelay $0x4  }
0x148: {  	[tilespmem:$0x1F650] =	vst v63;
	v63 =	vld [tilespmem:$0x5B50];
	_ =	sdelay $0x4  }
0x149: {  	[tilespmem:$0x1F690] =	vst v63;
	v63 =	vld [tilespmem:$0x6BD0];
	_ =	sdelay $0x4  }
0x14a: {  	[tilespmem:$0x1F6D0] =	vst v63;
	v63 =	vld [tilespmem:$0x6C50];
	_ =	sdelay $0x4  }
0x14b: {  	[tilespmem:$0x1F710] =	vst v63;
	v63 =	vld [tilespmem:$0x6CD0];
	_ =	sdelay $0x4  }
0x14c: {  	[tilespmem:$0x1F750] =	vst v63;
	v63 =	vld [tilespmem:$0x6D50];
	_ =	sdelay $0x4  }
0x14d: {  	[tilespmem:$0x1F790] =	vst v63;
	v63 =	vld [tilespmem:$0x6DD0];
	_ =	sdelay $0x4  }
0x14e: {  	[tilespmem:$0x1F7D0] =	vst v63;
	v63 =	vld [tilespmem:$0x6E50];
	_ =	sdelay $0x4  }
0x14f: {  	[tilespmem:$0x1F810] =	vst v63;
	v63 =	vld [tilespmem:$0x6ED0];
	_ =	sdelay $0x4  }
0x150: {  	[tilespmem:$0x1F850] =	vst v63;
	v63 =	vld [tilespmem:$0x6F50];
	_ =	sdelay $0x4  }
0x151: {  	[tilespmem:$0x1F890] =	vst v63;
	v63 =	vld [tilespmem:$0x57E0];
	_ =	sdelay $0x4  }
0x152: {  	[tilespmem:$0x1F520] =	vst v63;
	v63 =	vld [tilespmem:$0x5860];
	_ =	sdelay $0x4  }
0x153: {  	[tilespmem:$0x1F530] =	vst v63;
	v63 =	vld [tilespmem:$0x58E0];
	_ =	sdelay $0x4  }
0x154: {  	[tilespmem:$0x1F580] =	vst v63;
	v63 =	vld [tilespmem:$0x5960];
	_ =	sdelay $0x4  }
0x155: {  	[tilespmem:$0x1F5C0] =	vst v63;
	v63 =	vld [tilespmem:$0x59E0];
	_ =	sdelay $0x4  }
0x156: {  	[tilespmem:$0x1F600] =	vst v63;
	v63 =	vld [tilespmem:$0x5A60];
	_ =	sdelay $0x4  }
0x157: {  	[tilespmem:$0x1F640] =	vst v63;
	v63 =	vld [tilespmem:$0x5AE0];
	_ =	sdelay $0x4  }
0x158: {  	[tilespmem:$0x1F680] =	vst v63;
	v63 =	vld [tilespmem:$0x5B60];
	_ =	sdelay $0x4  }
0x159: {  	[tilespmem:$0x1F6C0] =	vst v63;
	v63 =	vld [tilespmem:$0x6BE0];
	_ =	sdelay $0x4  }
0x15a: {  	[tilespmem:$0x1F700] =	vst v63;
	v63 =	vld [tilespmem:$0x6C60];
	_ =	sdelay $0x4  }
0x15b: {  	[tilespmem:$0x1F740] =	vst v63;
	v63 =	vld [tilespmem:$0x6CE0];
	_ =	sdelay $0x4  }
0x15c: {  	[tilespmem:$0x1F780] =	vst v63;
	v63 =	vld [tilespmem:$0x6D60];
	_ =	sdelay $0x4  }
0x15d: {  	[tilespmem:$0x1F7C0] =	vst v63;
	v63 =	vld [tilespmem:$0x6DE0];
	_ =	sdelay $0x4  }
0x15e: {  	[tilespmem:$0x1F800] =	vst v63;
	v63 =	vld [tilespmem:$0x6E60];
	_ =	sdelay $0x4  }
0x15f: {  	[tilespmem:$0x1F840] =	vst v63;
	v63 =	vld [tilespmem:$0x6EE0];
	_ =	sdelay $0x4  }
0x160: {  	[tilespmem:$0x1F880] =	vst v63;
	v63 =	vld [tilespmem:$0x6F60];
	_ =	sdelay $0x4  }
0x161: {  	[tilespmem:$0x1F8B0] =	vst v63;
	v63 =	vld [tilespmem:$0x57F0];
	_ =	sdelay $0x4  }
0x162: {  	[tilespmem:$0x1F550] =	vst v63;
	v63 =	vld [tilespmem:$0x5870];
	_ =	sdelay $0x4  }
0x163: {  	[tilespmem:$0x1F560] =	vst v63;
	v63 =	vld [tilespmem:$0x58F0]  }
0x164: {  	v44 =	vld [tilespmem:$0x55D0]  }
0x165: {  	v3 =	vld [tilespmem:$0x5650]  }
0x166: {  	v13 =	vld [tilespmem:$0x53E0]  }
0x167: {  	v12 =	vld [tilespmem:$0x5460]  }
0x168: {  	[tilespmem:$0x1F5A0] =	vst v63;
	v63 =	vld [tilespmem:$0x5970]  }
0x169: {  	v17 =	vld [tilespmem:$0x54E0]  }
0x16a: {  	v20 =	vld [tilespmem:$0x5560]  }
0x16b: {  	v28 =	vld [tilespmem:$0x55E0]  }
0x16c: {  	v33 =	vld [tilespmem:$0x5660]  }
0x16d: {  	[tilespmem:$0x1F5E0] =	vst v63;
	v63 =	vld [tilespmem:$0x59F0]  }
0x16e: {  	v39 =	vld [tilespmem:$0x56E0]  }
0x16f: {  	v58 =	vld [tilespmem:$0x5760]  }
0x170: {  	v5 =	vld [tilespmem:$0x53F0]  }
0x171: {  	v7 =	vld [tilespmem:$0x54F0]  }
0x172: {  	[tilespmem:$0x1F620] =	vst v63;
	v63 =	vld [tilespmem:$0x5A70]  }
0x173: {  	v10 =	vld [tilespmem:$0x5570]  }
0x174: {  	v15 =	vld [tilespmem:$0x55F0]  }
0x175: {  	v18 =	vld [tilespmem:$0x5670]  }
0x176: {  	v22 =	vld [tilespmem:$0x56F0]  }
0x177: {  	[tilespmem:$0x1F660] =	vst v63;
	v63 =	vld [tilespmem:$0x5AF0]  }
0x178: {  	v31 =	vld [tilespmem:$0x5770]  }
0x179: {  	v35 =	vld [tilespmem:$0x67F0]  }
0x17a: {  	v45 =	vld [tilespmem:$0x6870]  }
0x17b: {  	v41 =	vld [tilespmem:$0x68F0]  }
0x17c: {  	[tilespmem:$0x1F6A0] =	vst v63;
	v63 =	vld [tilespmem:$0x5B70]  }
0x17d: {  	v46 =	vld [tilespmem:$0x6970]  }
0x17e: {  	v49 =	vld [tilespmem:$0x69F0]  }
0x17f: {  	v62 =	vld [tilespmem:$0x6A70]  }
0x180: {  	v47 =	vadd.f32 v47, v57;
	v2 =	vadd.f32 v2, v4;
	v25 =	vld [tilespmem:$0x6B70]  }
0x181: {  	[tilespmem:$0x1F6E0] =	vst v63;
	v63 =	vld [tilespmem:$0x6BF0]  }
0x182: {  	v57 =	vadd.f32 v50, v47;
	v2 =	vadd.f32 v6, v2;
	v32 =	vld [tilespmem:$0x5780]  }
0x183: {  	v37 =	vld [tilespmem:$0x5800]  }
0x184: {  	v4 =	vadd.f32 v51, v57;
	v2 =	vadd.f32 v8, v2;
	v23 =	vld [tilespmem:$0x5830]  }
0x185: {  	v50 =	vld [tilespmem:$0x6F90]  }
0x186: {  	v4 =	vadd.f32 v52, v4;
	v2 =	vadd.f32 v9, v2;
	[tilespmem:$0x1F720] =	vst v63;
	v63 =	vld [tilespmem:$0x6C70]  }
0x187: {  	v47 =	vld [tilespmem:$0x7010]  }
0x188: {  	v4 =	vadd.f32 v53, v4;
	v2 =	vadd.f32 v11, v2;
	v51 =	vld [tilespmem:$0x7090]  }
0x189: {  	v57 =	vld [tilespmem:$0x7110]  }
0x18a: {  	v4 =	vadd.f32 v54, v4;
	v2 =	vadd.f32 v14, v2;
	v9 =	vld [tilespmem:$0x7210]  }
0x18b: {  	[tilespmem:$0x1F760] =	vst v63;
	v63 =	vld [tilespmem:$0x6CF0]  }
0x18c: {  	v4 =	vadd.f32 v48, v4;
	v2 =	vadd.f32 v16, v2;
	v52 =	vld [tilespmem:$0x5BA0]  }
0x18d: {  	v53 =	vld [tilespmem:$0x5C20]  }
0x18e: {  	v4 =	vadd.f32 v55, v4;
	v2 =	vadd.f32 v19, v2;
	v54 =	vld [tilespmem:$0x5CA0]  }
0x18f: {  	v48 =	vld [tilespmem:$0x5EA0]  }
0x190: {  	v4 =	vadd.f32 v56, v4;
	v2 =	vadd.f32 v21, v2;
	[tilespmem:$0x1F7A0] =	vst v63;
	v63 =	vld [tilespmem:$0x6D70]  }
0x191: {  	v11 =	vld [tilespmem:$0x5F20]  }
0x192: {  	v4 =	vadd.f32 v60, v4;
	v2 =	vadd.f32 v26, v2;
	v60 =	vld [tilespmem:$0x6FA0]  }
0x193: {  	v14 =	vld [tilespmem:$0x1EEA0]  }
0x194: {  	v2 =	vadd.f32 v29, v2;
	v16 =	vld [tilespmem:$0x1EEB0]  }
0x195: {  	[tilespmem:$0x1F7E0] =	vst v63;
	v63 =	vld [tilespmem:$0x6DF0]  }
0x196: {  	v2 =	vadd.f32 v34, v2;
	v19 =	vld [tilespmem:$0x7120]  }
0x197: {  	v21 =	vld [tilespmem:$0x1EEC0]  }
0x198: {  	v2 =	vadd.f32 v38, v2;
	v26 =	vld [tilespmem:$0x7220]  }
0x199: {  	v29 =	vld [tilespmem:$0x1EED0]  }
0x19a: {  	v34 =	vadd.f32 v40, v2;
	[tilespmem:$0x1F820] =	vst v63;
	v63 =	vld [tilespmem:$0x6E70]  }
0x19b: {  	v2 =	vld [tilespmem:$0x1EEE0]  }
0x19c: {  	v8 =	vadd.f32 v59, v34;
	v59 =	vld [tilespmem:$0x5D30]  }
0x19d: {  	v56 =	vld [tilespmem:$0x5DB0]  }
0x19e: {  	v38 =	vadd.f32 v42, v43;
	v43 =	vld [tilespmem:$0x1EEF0]  }
0x19f: {  	[tilespmem:$0x1F860] =	vst v63;
	v63 =	vld [tilespmem:$0x6EF0]  }
0x1a0: {  	v40 =	vadd.f32 v24, v27;
	v24 =	vld [tilespmem:$0x7330]  }
0x1a1: {  	v27 =	vld [tilespmem:$0x1EF90]  }
0x1a2: {  	[tilespmem:$0x1EF20] =	vst v3;
	v3 =	vld [tilespmem:$0x56D0]  }
0x1a3: {  	[tilespmem:$0x1F020] =	vst v41;
	v41 =	vld [tilespmem:$0x5880]  }
0x1a4: {  	[tilespmem:$0x1F8A0] =	vst v63;
	v63 =	vld [tilespmem:$0x6F70]  }
0x1a5: {  	[tilespmem:$0x1F060] =	vst v46;
	v46 =	vld [tilespmem:$0x5900]  }
0x1a6: {  	[tilespmem:$0x1F0A0] =	vst v49;
	v49 =	vld [tilespmem:$0x5980]  }
0x1a7: {  	[tilespmem:$0x1F0E0] =	vst v62;
	v62 =	vld [tilespmem:$0x5A00]  }
0x1a8: {  	[tilespmem:$0x1F160] =	vst v25;
	v25 =	vld [tilespmem:$0x5B00]  }
0x1a9: {  	[tilespmem:$0x1F8E0] =	vst v63;
	v63 =	vld [tilespmem:$0x5B80]  }
0x1aa: {  	[tilespmem:$0x1F140] =	vst v32;
	v32 =	vld [tilespmem:$0x6B80]  }
0x1ab: {  	[tilespmem:$0x1F150] =	vst v37;
	v37 =	vld [tilespmem:$0x6C00]  }
0x1ac: {  	[tilespmem:$0x1FA60] =	vst v47;
	v47 =	vld [tilespmem:$0x7290]  }
0x1ad: {  	[tilespmem:$0x1FA80] =	vst v51;
	v51 =	vld [tilespmem:$0x7310]  }
0x1ae: {  	[tilespmem:$0x1F8C0] =	vst v63;
	v63 =	vld [tilespmem:$0x5C00]  }
0x1af: {  	[tilespmem:$0x1FAB0] =	vst v57;
	v57 =	vld [tilespmem:$0x5D20]  }
0x1b0: {  	[tilespmem:$0x1FB00] =	vst v9;
	v9 =	vld [tilespmem:$0x5E20]  }
0x1b1: {  	[tilespmem:$0x1F960] =	vst v54;
	v54 =	vld [tilespmem:$0x7020]  }
0x1b2: {  	v4 =	vadd.f32 v14, v4;
	v14 =	vld [tilespmem:$0x70A0]  }
0x1b3: {  	[tilespmem:$0x1F8D0] =	vst v63;
	v63 =	vld [tilespmem:$0x5C80]  }
0x1b4: {  	[tilespmem:$0x1FAD0] =	vst v19;
	v19 =	vld [tilespmem:$0x72A0]  }
0x1b5: {  	[tilespmem:$0x1F920] =	vst v52;
	v52 =	vld [tilespmem:$0x5CB0]  }
0x1b6: {  	[tilespmem:$0x1FA40] =	vst v11;
	v11 =	vld [tilespmem:$0x5EB0]  }
0x1b7: {  	[tilespmem:$0x1FEF0] =	vst v8;
	v42 =	vadd.f32 v12, v13;
	v13 =	vld [tilespmem:$0x70B0]  }
0x1b8: {  	v8 =	vadd.f32 v30, v40;
	[tilespmem:$0x1F910] =	vst v63;
	v63 =	vld [tilespmem:$0x5D00]  }
0x1b9: {  	[tilespmem:$0x1F930] =	vst v53;
	v53 =	vld [tilespmem:$0x1EF30]  }
0x1ba: {  	[tilespmem:$0x1FB20] =	vst v26;
	v8 =	vadd.f32 v36, v8;
	v26 =	vld [tilespmem:$0x5BC0]  }
0x1bb: {  	v4 =	vadd.f32 v16, v4;
	v16 =	vld [tilespmem:$0x71A0]  }
0x1bc: {  	v8 =	vadd.f32 v44, v8;
	v44 =	vld [tilespmem:$0x1EF10]  }
0x1bd: {  	[tilespmem:$0x1F950] =	vst v63;
	v63 =	vld [tilespmem:$0x5D80]  }
0x1be: {  	v4 =	vadd.f32 v21, v4;
	v21 =	vld [tilespmem:$0x7320]  }
0x1bf: {  	[tilespmem:$0x1EF40] =	vst v3;
	v3 =	vld [tilespmem:$0x5750]  }
0x1c0: {  	[tilespmem:$0x1F190] =	vst v41;
	v41 =	vld [tilespmem:$0x6C80]  }
0x1c1: {  	[tilespmem:$0x1F1B0] =	vst v46;
	v46 =	vld [tilespmem:$0x6D00]  }
0x1c2: {  	[tilespmem:$0x1F980] =	vst v63;
	v63 =	vld [tilespmem:$0x5E00]  }
0x1c3: {  	[tilespmem:$0x1F1D0] =	vst v49;
	v49 =	vld [tilespmem:$0x6D80]  }
0x1c4: {  	[tilespmem:$0x1F200] =	vst v62;
	v62 =	vld [tilespmem:$0x6E00]  }
0x1c5: {  	[tilespmem:$0x1F270] =	vst v25;
	v25 =	vld [tilespmem:$0x6F00]  }
0x1c6: {  	[tilespmem:$0x1F2B0] =	vst v32;
	v32 =	vld [tilespmem:$0x5790]  }
0x1c7: {  	[tilespmem:$0x1F9B0] =	vst v63;
	v63 =	vld [tilespmem:$0x5E80]  }
0x1c8: {  	[tilespmem:$0x1F2F0] =	vst v37;
	v37 =	vld [tilespmem:$0x5810]  }
0x1c9: {  	[tilespmem:$0x1FB30] =	vst v47;
	v47 =	vld [tilespmem:$0x7030]  }
0x1ca: {  	[tilespmem:$0x1FB50] =	vst v51;
	v51 =	vld [tilespmem:$0x1EF20]  }
0x1cb: {  	[tilespmem:$0x1EF60] =	vst v3;
	v3 =	vld [tilespmem:$0x67D0]  }
0x1cc: {  	[tilespmem:$0x1F9E0] =	vst v63;
	v63 =	vld [tilespmem:$0x5F00]  }
0x1cd: {  	[tilespmem:$0x1F9F0] =	vst v9;
	v9 =	vadd.f32 v17, v42;
	v17 =	vld [tilespmem:$0x71B0]  }
0x1ce: {  	[tilespmem:$0x1F990] =	vst v57;
	v57 =	vld [tilespmem:$0x1EF50]  }
0x1cf: {  	v42 =	vld [tilespmem:$0x5E40]  }
0x1d0: {  	[tilespmem:$0x1EF80] =	vst v3;
	v3 =	vld [tilespmem:$0x6850]  }
0x1d1: {  	[tilespmem:$0x1FA10] =	vst v63;
	v63 =	vld [tilespmem:$0x6F80]  }
0x1d2: {  	v6 =	vadd.f32 v29, v4;
	v4 =	vld [tilespmem:$0x5BB0]  }
0x1d3: {  	v55 =	vld [tilespmem:$0x1EF40]  }
0x1d4: {  	v29 =	vld [tilespmem:$0x5C40]  }
0x1d5: {  	[tilespmem:$0x1EFB0] =	vst v3;
	v3 =	vld [tilespmem:$0x68D0]  }
0x1d6: {  	[tilespmem:$0x1FA30] =	vst v63;
	v63 =	vld [tilespmem:$0x7000]  }
0x1d7: {  	v9 =	vadd.f32 v20, v9;
	v20 =	vld [tilespmem:$0x72B0]  }
0x1d8: {  	v2 =	vadd.f32 v2, v6;
	v6 =	vadd.f32 v61, v38;
	v38 =	vld [tilespmem:$0x5DC0]  }
0x1d9: {  	[tilespmem:$0x1F330] =	vst v41;
	v41 =	vld [tilespmem:$0x5890]  }
0x1da: {  	[tilespmem:$0x1EFE0] =	vst v3;
	v3 =	vld [tilespmem:$0x6950]  }
0x1db: {  	[tilespmem:$0x1FA50] =	vst v63;
	v63 =	vld [tilespmem:$0x7080]  }
0x1dc: {  	[tilespmem:$0x1F370] =	vst v46;
	v46 =	vld [tilespmem:$0x5910]  }
0x1dd: {  	[tilespmem:$0x1F3B0] =	vst v49;
	v49 =	vld [tilespmem:$0x5990]  }
0x1de: {  	[tilespmem:$0x1F3F0] =	vst v62;
	v62 =	vld [tilespmem:$0x5A10]  }
0x1df: {  	[tilespmem:$0x1F010] =	vst v3;
	v3 =	vld [tilespmem:$0x69D0]  }
0x1e0: {  	[tilespmem:$0x1FA70] =	vst v63;
	v63 =	vld [tilespmem:$0x7100]  }
0x1e1: {  	[tilespmem:$0x1F470] =	vst v25;
	v25 =	vld [tilespmem:$0x5B10]  }
0x1e2: {  	[tilespmem:$0x1F170] =	vst v32;
	v32 =	vld [tilespmem:$0x6B90]  }
0x1e3: {  	[tilespmem:$0x1F180] =	vst v37;
	v37 =	vld [tilespmem:$0x6C10]  }
0x1e4: {  	[tilespmem:$0x1F050] =	vst v3;
	v3 =	vld [tilespmem:$0x6A50]  }
0x1e5: {  	[tilespmem:$0x1FAA0] =	vst v63;
	v63 =	vld [tilespmem:$0x7180]  }
0x1e6: {  	[tilespmem:$0x1FEE0] =	vst v2;
	v2 =	vld [tilespmem:$0x5C30]  }
0x1e7: {  	[tilespmem:$0x1FA90] =	vst v47;
	v47 =	vld [tilespmem:$0x1F030]  }
0x1e8: {  	[tilespmem:$0x1FC00] =	vst v42;
	v42 =	vld [tilespmem:$0x1F120]  }
0x1e9: {  	[tilespmem:$0x1F090] =	vst v3;
	v3 =	vld [tilespmem:$0x6AD0]  }
0x1ea: {  	v9 =	vadd.f32 v28, v9;
	[tilespmem:$0x1FAC0] =	vst v63;
	v63 =	vld [tilespmem:$0x7200]  }
0x1eb: {  	v61 =	vld [tilespmem:$0x1EF60]  }
0x1ec: {  	v9 =	vadd.f32 v33, v9;
	v33 =	vld [tilespmem:$0x1EFC0]  }
0x1ed: {  	[tilespmem:$0x1FB70] =	vst v29;
	v29 =	vld [tilespmem:$0x1F0B0]  }
0x1ee: {  	[tilespmem:$0x1F0D0] =	vst v3;
	v3 =	vld [tilespmem:$0x6B50]  }
0x1ef: {  	[tilespmem:$0x1FAF0] =	vst v63;
	v63 =	vld [tilespmem:$0x7280]  }
0x1f0: {  	v9 =	vadd.f32 v39, v9;
	v39 =	vld [tilespmem:$0x1EFF0]  }
0x1f1: {  	[tilespmem:$0x1F1A0] =	vst v41;
	v41 =	vld [tilespmem:$0x6C90]  }
0x1f2: {  	[tilespmem:$0x1F1C0] =	vst v46;
	v46 =	vld [tilespmem:$0x6D10]  }
0x1f3: {  	[tilespmem:$0x1F110] =	vst v3;
	v3 =	vld [tilespmem:$0x67E0]  }
0x1f4: {  	[tilespmem:$0x1FB10] =	vst v63;
	v63 =	vld [tilespmem:$0x7300]  }
0x1f5: {  	[tilespmem:$0x1F1F0] =	vst v49;
	v49 =	vld [tilespmem:$0x6D90]  }
0x1f6: {  	[tilespmem:$0x1F220] =	vst v62;
	v62 =	vld [tilespmem:$0x6E10]  }
0x1f7: {  	[tilespmem:$0x1F290] =	vst v25;
	v25 =	vld [tilespmem:$0x6F10]  }
0x1f8: {  	[tilespmem:$0x1EFA0] =	vst v3;
	v3 =	vld [tilespmem:$0x6860]  }
0x1f9: {  	[tilespmem:$0x1FB40] =	vst v63;
	v63 =	vld [tilespmem:$0x5B90]  }
0x1fa: {  	[tilespmem:$0x1F2D0] =	vst v32;
	v32 =	vld [tilespmem:$0x5920]  }
0x1fb: {  	v8 =	vadd.f32 v51, v8;
	[tilespmem:$0x1F310] =	vst v37;
	v37 =	vld [tilespmem:$0x59A0]  }
0x1fc: {  	v9 =	vadd.f32 v58, v9;
	v58 =	vld [tilespmem:$0x6FC0]  }
0x1fd: {  	v8 =	vadd.f32 v55, v8;
	[tilespmem:$0x1EFD0] =	vst v3;
	v3 =	vld [tilespmem:$0x68E0]  }
0x1fe: {  	[tilespmem:$0x1F8F0] =	vst v63;
	v63 =	vld [tilespmem:$0x5C10]  }
0x1ff: {  	v8 =	vadd.f32 v61, v8;
	v61 =	vld [tilespmem:$0x1F070]  }
0x200: {  	[tilespmem:$0x1F390] =	vst v46;
	v46 =	vld [tilespmem:$0x57A0]  }
0x201: {  	[tilespmem:$0x1F350] =	vst v41;
	v41 =	vld [tilespmem:$0x5820]  }
0x202: {  	[tilespmem:$0x1F000] =	vst v3;
	v3 =	vld [tilespmem:$0x6960]  }
0x203: {  	[tilespmem:$0x1F900] =	vst v63;
	v63 =	vld [tilespmem:$0x5C90]  }
0x204: {  	[tilespmem:$0x1F410] =	vst v62;
	v62 =	vld [tilespmem:$0x58A0]  }
0x205: {  	[tilespmem:$0x1F3D0] =	vst v49;
	v49 =	vld [tilespmem:$0x5A20]  }
0x206: {  	[tilespmem:$0x1F490] =	vst v25;
	v25 =	vld [tilespmem:$0x5B20]  }
0x207: {  	[tilespmem:$0x1F040] =	vst v3;
	v3 =	vld [tilespmem:$0x69E0]  }
0x208: {  	[tilespmem:$0x1F940] =	vst v63;
	v63 =	vld [tilespmem:$0x5D10]  }
0x209: {  	[tilespmem:$0x1F1E0] =	vst v32;
	v32 =	vld [tilespmem:$0x6BA0]  }
0x20a: {  	[tilespmem:$0x1F210] =	vst v37;
	v37 =	vld [tilespmem:$0x6C20]  }
0x20b: {  	v30 =	vld [tilespmem:$0x1EFB0]  }
0x20c: {  	[tilespmem:$0x1F080] =	vst v3;
	v3 =	vld [tilespmem:$0x6A60]  }
0x20d: {  	[tilespmem:$0x1F970] =	vst v63;
	v63 =	vld [tilespmem:$0x5D90]  }
0x20e: {  	[tilespmem:$0x1F240] =	vst v49;
	v49 =	vld [tilespmem:$0x6CA0]  }
0x20f: {  	[tilespmem:$0x1F2C0] =	vst v25;
	v25 =	vld [tilespmem:$0x6DA0]  }
0x210: {  	[tilespmem:$0x1F300] =	vst v32;
	v32 =	vld [tilespmem:$0x6E20]  }
0x211: {  	[tilespmem:$0x1F0C0] =	vst v3;
	v3 =	vld [tilespmem:$0x6AE0]  }
0x212: {  	[tilespmem:$0x1F9A0] =	vst v63;
	v63 =	vld [tilespmem:$0x5E10]  }
0x213: {  	[tilespmem:$0x1F340] =	vst v37;
	v37 =	vld [tilespmem:$0x6EA0]  }
0x214: {  	v36 =	vld [tilespmem:$0x1EFE0]  }
0x215: {  	[tilespmem:$0x1F380] =	vst v49;
	v49 =	vld [tilespmem:$0x6F20]  }
0x216: {  	[tilespmem:$0x1F100] =	vst v3;
	v3 =	vld [tilespmem:$0x6B60]  }
0x217: {  	[tilespmem:$0x1F9D0] =	vst v63;
	v63 =	vld [tilespmem:$0x5E90]  }
0x218: {  	[tilespmem:$0x1F400] =	vst v25;
	v25 =	vld [tilespmem:$0x57B0]  }
0x219: {  	[tilespmem:$0x1F440] =	vst v32;
	v32 =	vld [tilespmem:$0x58B0]  }
0x21a: {  	[tilespmem:$0x1F480] =	vst v37;
	v37 =	vld [tilespmem:$0x5930]  }
0x21b: {  	[tilespmem:$0x1F130] =	vst v3;
	v3 =	vld [tilespmem:$0x5470]  }
0x21c: {  	[tilespmem:$0x1FA00] =	vst v63;
	v63 =	vld [tilespmem:$0x5F10]  }
0x21d: {  	v6 =	vadd.f32 v43, v6;
	v43 =	vld [tilespmem:$0x1F010]  }
0x21e: {  	[tilespmem:$0x1F4B0] =	vst v49;
	v49 =	vld [tilespmem:$0x59B0]  }
0x21f: {  	v55 =	vld [tilespmem:$0x1F050]  }
0x220: {  	v28 =	vld [tilespmem:$0x1EFA0]  }
0x221: {  	v3 =	vadd.f32 v3, v5;
	[tilespmem:$0x1FA20] =	vst v63;
	v63 =	vld [tilespmem:$0x7190]  }
0x222: {  	v34 =	vld [tilespmem:$0x1EFD0]  }
0x223: {  	v7 =	vadd.f32 v7, v3;
	v3 =	vld [tilespmem:$0x1EF00]  }
0x224: {  	v40 =	vld [tilespmem:$0x1F000]  }
0x225: {  	[tilespmem:$0x1FB60] =	vst v26;
	v26 =	vld [tilespmem:$0x1F090];
	v9 =	vadd.f32 v28, v9  }
0x226: {  	[tilespmem:$0x1FAE0] =	vst v63;
	v63 =	vld [tilespmem:$0x5DA0]  }
0x227: {  	v28 =	vld [tilespmem:$0x70C0];
	v9 =	vadd.f32 v34, v9  }
0x228: {  	v34 =	vld [tilespmem:$0x1F0E0];
	v7 =	vadd.f32 v10, v7;
	v6 =	vadd.f32 v3, v6  }
0x229: {  	v9 =	vadd.f32 v40, v9;
	v51 =	vld [tilespmem:$0x1F040]  }
0x22a: {  	v40 =	vld [tilespmem:$0x1F110];
	v7 =	vadd.f32 v15, v7;
	v6 =	vadd.f32 v44, v6  }
0x22b: {  	[tilespmem:$0x1F9C0] =	vst v63;
	v63 =	vld [tilespmem:$0x1EF70]  }
0x22c: {  	[tilespmem:$0x1FBE0] =	vst v38;
	v38 =	vld [tilespmem:$0x1F100];
	v7 =	vadd.f32 v18, v7;
	v6 =	vadd.f32 v53, v6  }
0x22d: {  	v5 =	vld [tilespmem:$0x5E30]  }
0x22e: {  	v7 =	vadd.f32 v22, v7;
	v22 =	vld [tilespmem:$0x1EF80];
	v6 =	vadd.f32 v57, v6  }
0x22f: {  	v10 =	vld [tilespmem:$0x6FB0]  }
0x230: {  	v44 =	vld [tilespmem:$0x1F020];
	v6 =	vadd.f32 v63, v6  }
0x231: {  	v53 =	vld [tilespmem:$0x5F40];
	v7 =	vadd.f32 v31, v7  }
0x232: {  	v31 =	vld [tilespmem:$0x5CC0];
	v6 =	vadd.f32 v27, v6  }
0x233: {  	v7 =	vadd.f32 v35, v7;
	v35 =	vld [tilespmem:$0x5D40];
	v8 =	vadd.f32 v22, v8  }
0x234: {  	v22 =	vld [tilespmem:$0x7040];
	v6 =	vadd.f32 v33, v6  }
0x235: {  	v7 =	vadd.f32 v45, v7;
	v45 =	vld [tilespmem:$0x5EC0];
	v8 =	vadd.f32 v30, v8  }
0x236: {  	v30 =	vld [tilespmem:$0x1F0C0];
	v6 =	vadd.f32 v39, v6  }
0x237: {  	v8 =	vadd.f32 v36, v8;
	v63 =	vld [tilespmem:$0x1F080]  }
0x238: {  	[tilespmem:$0x1FBA0] =	vst v31;
	v31 =	vld [tilespmem:$0x7140];
	v6 =	vadd.f32 v47, v6  }
0x239: {  	[tilespmem:$0x1FC70] =	vst v58;
	v36 =	vld [tilespmem:$0x1F0F0];
	v8 =	vadd.f32 v43, v8  }
0x23a: {  	[tilespmem:$0x1FCD0] =	vst v28;
	v9 =	vadd.f32 v51, v9;
	v33 =	vld [tilespmem:$0x1F0D0];
	v6 =	vadd.f32 v61, v6  }
0x23b: {  	[tilespmem:$0x1FBC0] =	vst v35;
	v35 =	vld [tilespmem:$0x71C0];
	v8 =	vadd.f32 v55, v8  }
0x23c: {  	[tilespmem:$0x1FC40] =	vst v53;
	v43 =	vld [tilespmem:$0x1F130];
	v9 =	vadd.f32 v63, v9;
	v6 =	vadd.f32 v29, v6  }
0x23d: {  	[tilespmem:$0x1FCA0] =	vst v22;
	v8 =	vadd.f32 v26, v8;
	v39 =	vld [tilespmem:$0x7240]  }
0x23e: {  	v15 =	vld [tilespmem:$0x7130];
	[tilespmem:$0x1FC20] =	vst v45;
	v9 =	vadd.f32 v30, v9;
	v6 =	vadd.f32 v36, v6  }
0x23f: {  	v3 =	vld [tilespmem:$0x5F30];
	[tilespmem:$0x1FD00] =	vst v31;
	v8 =	vadd.f32 v33, v8  }
0x240: {  	v18 =	vld [tilespmem:$0x7230];
	[tilespmem:$0x1FF00] =	vst v6;
	v6 =	vadd.f32 v38, v9  }
0x241: {  	v57 =	vld [tilespmem:$0x1F060];
	[tilespmem:$0x1FD30] =	vst v35;
	v8 =	vadd.f32 v40, v8  }
0x242: {  	v7 =	vadd.f32 v44, v7;
	v44 =	vld [tilespmem:$0x1F140];
	[tilespmem:$0x1FD60] =	vst v39;
	v6 =	vadd.f32 v43, v6  }
0x243: {  	v45 =	vld [tilespmem:$0x72C0];
	[tilespmem:$0x1FF10] =	vst v8  }
0x244: {  	v27 =	vld [tilespmem:$0x1F0A0];
	[tilespmem:$0x1FF20] =	vst v6  }
0x245: {  	v47 =	vld [tilespmem:$0x1F150]  }
0x246: {  	v51 =	vld [tilespmem:$0x1F160]  }
0x247: {  	v53 =	vld [tilespmem:$0x1F170]  }
0x248: {  	v55 =	vld [tilespmem:$0x1F180]  }
0x249: {  	v7 =	vadd.f32 v57, v7;
	v57 =	vld [tilespmem:$0x5BD0]  }
0x24a: {  	v58 =	vld [tilespmem:$0x1F190]  }
0x24b: {  	v63 =	vld [tilespmem:$0x5C50]  }
0x24c: {  	v12 =	vld [tilespmem:$0x1F1A0]  }
0x24d: {  	v22 =	vadd.f32 v23, v25;
	v23 =	vld [tilespmem:$0x5CD0]  }
0x24e: {  	v25 =	vld [tilespmem:$0x1F1B0]  }
0x24f: {  	v26 =	vld [tilespmem:$0x5D50]  }
0x250: {  	v7 =	vadd.f32 v27, v7;
	v27 =	vld [tilespmem:$0x1F1C0]  }
0x251: {  	v28 =	vld [tilespmem:$0x5DD0]  }
0x252: {  	v29 =	vld [tilespmem:$0x1F1D0]  }
0x253: {  	v30 =	vld [tilespmem:$0x1F1E0]  }
0x254: {  	v31 =	vld [tilespmem:$0x5E50]  }
0x255: {  	v9 =	vadd.f32 v32, v22;
	v32 =	vld [tilespmem:$0x1F1F0]  }
0x256: {  	v33 =	vld [tilespmem:$0x5ED0]  }
0x257: {  	v7 =	vadd.f32 v34, v7;
	v34 =	vld [tilespmem:$0x1F200]  }
0x258: {  	v35 =	vld [tilespmem:$0x1F210]  }
0x259: {  	v36 =	vld [tilespmem:$0x5F50]  }
0x25a: {  	v9 =	vadd.f32 v37, v9;
	v37 =	vld [tilespmem:$0x1F220]  }
0x25b: {  	v38 =	vld [tilespmem:$0x6FD0]  }
0x25c: {  	v2 =	vadd.f32 v2, v4;
	v39 =	vld [tilespmem:$0x1F230]  }
0x25d: {  	v40 =	vld [tilespmem:$0x1F240]  }
0x25e: {  	v2 =	vadd.f32 v52, v2;
	v61 =	vadd.f32 v41, v46;
	v41 =	vld [tilespmem:$0x7050]  }
0x25f: {  	v7 =	vadd.f32 v42, v7;
	v42 =	vld [tilespmem:$0x1F250]  }
0x260: {  	v2 =	vadd.f32 v59, v2;
	v43 =	vld [tilespmem:$0x1F260]  }
0x261: {  	v46 =	vld [tilespmem:$0x70D0]  }
0x262: {  	v2 =	vadd.f32 v56, v2;
	v9 =	vadd.f32 v49, v9;
	v49 =	vld [tilespmem:$0x1F280]  }
0x263: {  	v8 =	vadd.f32 v62, v61;
	v61 =	vld [tilespmem:$0x1F2C0]  }
0x264: {  	v2 =	vadd.f32 v5, v2;
	v62 =	vld [tilespmem:$0x7250]  }
0x265: {  	v22 =	vld [tilespmem:$0x1F2E0]  }
0x266: {  	v2 =	vadd.f32 v11, v2;
	v52 =	vld [tilespmem:$0x1F9E0]  }
0x267: {  	v56 =	vld [tilespmem:$0x1F9F0]  }
0x268: {  	v2 =	vadd.f32 v3, v2;
	v59 =	vld [tilespmem:$0x1FA00]  }
0x269: {  	v3 =	vld [tilespmem:$0x1FA50]  }
0x26a: {  	v2 =	vadd.f32 v10, v2;
	v10 =	vld [tilespmem:$0x1FA80]  }
0x26b: {  	v11 =	vld [tilespmem:$0x1FA90]  }
0x26c: {  	v6 =	vadd.f32 v47, v44;
	v44 =	vld [tilespmem:$0x7340]  }
0x26d: {  	v47 =	vld [tilespmem:$0x1F270]  }
0x26e: {  	v7 =	vadd.f32 v51, v7;
	v51 =	vld [tilespmem:$0x7150]  }
0x26f: {  	[tilespmem:$0x1FB80] =	vst v57;
	v57 =	vld [tilespmem:$0x71D0]  }
0x270: {  	[tilespmem:$0x1FB90] =	vst v63;
	v63 =	vld [tilespmem:$0x1F2D0]  }
0x271: {  	[tilespmem:$0x1FBB0] =	vst v23;
	v23 =	vld [tilespmem:$0x72D0]  }
0x272: {  	[tilespmem:$0x1FBD0] =	vst v26;
	v26 =	vld [tilespmem:$0x1F300]  }
0x273: {  	[tilespmem:$0x1FBF0] =	vst v28;
	v28 =	vld [tilespmem:$0x1F310]  }
0x274: {  	v8 =	vadd.f32 v30, v8;
	v30 =	vld [tilespmem:$0x1F330]  }
0x275: {  	[tilespmem:$0x1FC10] =	vst v31;
	v31 =	vld [tilespmem:$0x1F340]  }
0x276: {  	[tilespmem:$0x1FC90] =	vst v38;
	v38 =	vld [tilespmem:$0x5C60]  }
0x277: {  	[tilespmem:$0x1FC30] =	vst v33;
	v33 =	vld [tilespmem:$0x1F360]  }
0x278: {  	[tilespmem:$0x1FD80] =	vst v62;
	v62 =	vld [tilespmem:$0x5CE0]  }
0x279: {  	[tilespmem:$0x1FC60] =	vst v36;
	v36 =	vld [tilespmem:$0x1F390]  }
0x27a: {  	[tilespmem:$0x1FCC0] =	vst v41;
	v41 =	vld [tilespmem:$0x1F3D0]  }
0x27b: {  	v9 =	vadd.f32 v43, v9;
	v43 =	vld [tilespmem:$0x5EE0]  }
0x27c: {  	[tilespmem:$0x1FCF0] =	vst v46;
	v46 =	vld [tilespmem:$0x1F3F0]  }
0x27d: {  	v2 =	vadd.f32 v11, v2;
	v11 =	vld [tilespmem:$0x1FAE0]  }
0x27e: {  	[tilespmem:$0x1FF30] =	vst v7;
	v7 =	vadd.f32 v55, v53;
	v53 =	vld [tilespmem:$0x1F290]  }
0x27f: {  	v55 =	vld [tilespmem:$0x1F2A0]  }
0x280: {  	v6 =	vadd.f32 v58, v6;
	v58 =	vld [tilespmem:$0x1F2B0]  }
0x281: {  	v8 =	vadd.f32 v35, v8;
	v35 =	vld [tilespmem:$0x1F380]  }
0x282: {  	v2 =	vadd.f32 v13, v2;
	v13 =	vld [tilespmem:$0x6020]  }
0x283: {  	v6 =	vadd.f32 v25, v6;
	v25 =	vld [tilespmem:$0x1F2F0]  }
0x284: {  	v8 =	vadd.f32 v40, v8;
	v40 =	vld [tilespmem:$0x1F3C0]  }
0x285: {  	v7 =	vadd.f32 v12, v7;
	v12 =	vld [tilespmem:$0x1F8D0]  }
0x286: {  	v2 =	vadd.f32 v15, v2;
	v15 =	vld [tilespmem:$0x60A0]  }
0x287: {  	[tilespmem:$0x1FD20] =	vst v51;
	v51 =	vld [tilespmem:$0x5F60]  }
0x288: {  	[tilespmem:$0x1FD50] =	vst v57;
	v57 =	vld [tilespmem:$0x1F420]  }
0x289: {  	[tilespmem:$0x1FDA0] =	vst v23;
	v23 =	vld [tilespmem:$0x1F440]  }
0x28a: {  	[tilespmem:$0x1FC50] =	vst v43;
	v43 =	vld [tilespmem:$0x72E0]  }
0x28b: {  	v7 =	vadd.f32 v27, v7;
	v27 =	vld [tilespmem:$0x7350]  }
0x28c: {  	v6 =	vadd.f32 v29, v6;
	v29 =	vld [tilespmem:$0x1F320]  }
0x28d: {  	v8 =	vadd.f32 v49, v8;
	v49 =	vld [tilespmem:$0x1F400]  }
0x28e: {  	v9 =	vadd.f32 v55, v9;
	v55 =	vld [tilespmem:$0x5DE0]  }
0x28f: {  	v7 =	vadd.f32 v32, v7;
	v32 =	vld [tilespmem:$0x1F350]  }
0x290: {  	v6 =	vadd.f32 v34, v6;
	v34 =	vld [tilespmem:$0x1F370]  }
0x291: {  	v8 =	vadd.f32 v61, v8;
	v61 =	vld [tilespmem:$0x6FE0]  }
0x292: {  	v9 =	vadd.f32 v22, v9;
	v22 =	vld [tilespmem:$0x1F430]  }
0x293: {  	v7 =	vadd.f32 v37, v7;
	v37 =	vld [tilespmem:$0x1F3A0]  }
0x294: {  	v6 =	vadd.f32 v39, v6;
	v39 =	vld [tilespmem:$0x1F3B0]  }
0x295: {  	v8 =	vadd.f32 v26, v8;
	v26 =	vld [tilespmem:$0x1F450]  }
0x296: {  	[tilespmem:$0x1FC80] =	vst v51;
	v51 =	vld [tilespmem:$0x1F530]  }
0x297: {  	[tilespmem:$0x1FDB0] =	vst v43;
	v43 =	vld [tilespmem:$0x1F690]  }
0x298: {  	[tilespmem:$0x1FDC0] =	vst v27;
	v27 =	vld [tilespmem:$0x1F460]  }
0x299: {  	v9 =	vadd.f32 v29, v9;
	v29 =	vld [tilespmem:$0x1F470]  }
0x29a: {  	v6 =	vadd.f32 v47, v6;
	v47 =	vld [tilespmem:$0x5BE0]  }
0x29b: {  	v7 =	vadd.f32 v42, v7;
	v42 =	vld [tilespmem:$0x1F3E0]  }
0x29c: {  	v8 =	vadd.f32 v31, v8;
	v31 =	vld [tilespmem:$0x7160]  }
0x29d: {  	v9 =	vadd.f32 v33, v9;
	v33 =	vld [tilespmem:$0x1F4A0]  }
0x29e: {  	[tilespmem:$0x1FCB0] =	vst v61;
	v61 =	vld [tilespmem:$0x1F550]  }
0x29f: {  	v6 =	vadd.f32 v58, v6;
	v58 =	vld [tilespmem:$0x5D60]  }
0x2a0: {  	v7 =	vadd.f32 v53, v7;
	v53 =	vld [tilespmem:$0x1F410]  }
0x2a1: {  	v8 =	vadd.f32 v35, v8;
	v35 =	vld [tilespmem:$0x1F4B0]  }
0x2a2: {  	v9 =	vadd.f32 v37, v9;
	v37 =	vld [tilespmem:$0x1F4D0]  }
0x2a3: {  	v7 =	vadd.f32 v63, v7;
	v63 =	vld [tilespmem:$0x5E60]  }
0x2a4: {  	v6 =	vadd.f32 v25, v6;
	v25 =	vld [tilespmem:$0x7060]  }
0x2a5: {  	v8 =	vadd.f32 v40, v8;
	v40 =	vld [tilespmem:$0x1F4E0]  }
0x2a6: {  	v9 =	vadd.f32 v42, v9;
	v42 =	vld [tilespmem:$0x1F500]  }
0x2a7: {  	[tilespmem:$0x1FD40] =	vst v31;
	v31 =	vld [tilespmem:$0x1F5E0]  }
0x2a8: {  	v7 =	vadd.f32 v28, v7;
	v28 =	vld [tilespmem:$0x70E0]  }
0x2a9: {  	v6 =	vadd.f32 v30, v6;
	v30 =	vld [tilespmem:$0x1F480]  }
0x2aa: {  	v8 =	vadd.f32 v49, v8;
	v49 =	vld [tilespmem:$0x1F520]  }
0x2ab: {  	v9 =	vadd.f32 v57, v9;
	v57 =	vld [tilespmem:$0x1F540]  }
0x2ac: {  	v7 =	vadd.f32 v32, v7;
	v32 =	vld [tilespmem:$0x1F490]  }
0x2ad: {  	v6 =	vadd.f32 v34, v6;
	v34 =	vld [tilespmem:$0x71E0]  }
0x2ae: {  	v8 =	vadd.f32 v23, v8;
	v23 =	vld [tilespmem:$0x1F570]  }
0x2af: {  	[tilespmem:$0x1FCE0] =	vst v25;
	v25 =	vld [tilespmem:$0x1F580]  }
0x2b0: {  	v9 =	vadd.f32 v27, v9;
	v27 =	vld [tilespmem:$0x1F5A0]  }
0x2b1: {  	v7 =	vadd.f32 v36, v7;
	v36 =	vld [tilespmem:$0x1F4C0]  }
0x2b2: {  	v6 =	vadd.f32 v39, v6;
	v39 =	vld [tilespmem:$0x7260]  }
0x2b3: {  	[tilespmem:$0x1FD10] =	vst v28;
	v28 =	vld [tilespmem:$0x1F5B0]  }
0x2b4: {  	v7 =	vadd.f32 v41, v7;
	v41 =	vld [tilespmem:$0x1F4F0]  }
0x2b5: {  	v6 =	vadd.f32 v46, v6;
	v46 =	vld [tilespmem:$0x1F510]  }
0x2b6: {  	[tilespmem:$0x1FD70] =	vst v34;
	v34 =	vld [tilespmem:$0x1F610]  }
0x2b7: {  	v7 =	vadd.f32 v53, v7;
	v53 =	vld [tilespmem:$0x7360]  }
0x2b8: {  	v6 =	vadd.f32 v22, v6;
	v22 =	vld [tilespmem:$0x1F560]  }
0x2b9: {  	[tilespmem:$0x1FD90] =	vst v39;
	v39 =	vld [tilespmem:$0x1F650]  }
0x2ba: {  	v7 =	vadd.f32 v26, v7;
	v6 =	vadd.f32 v29, v6;
	v26 =	vld [tilespmem:$0x1F590]  }
0x2bb: {  	v29 =	vld [tilespmem:$0x1F5C0]  }
0x2bc: {  	[tilespmem:$0x1FF40] =	vst v6;
	v6 =	vadd.f32 v30, v8;
	v30 =	vld [tilespmem:$0x1F5D0]  }
0x2bd: {  	v7 =	vadd.f32 v32, v7;
	v32 =	vld [tilespmem:$0x1F5F0]  }
0x2be: {  	v8 =	vadd.f32 v51, v49;
	v49 =	vld [tilespmem:$0x1F6B0]  }
0x2bf: {  	v51 =	vld [tilespmem:$0x1F6C0]  }
0x2c0: {  	[tilespmem:$0x1FDD0] =	vst v53;
	v53 =	vld [tilespmem:$0x1F6D0]  }
0x2c1: {  	[tilespmem:$0x1FF50] =	vst v7;
	v7 =	vadd.f32 v33, v9;
	v9 =	vadd.f32 v22, v61;
	v22 =	vld [tilespmem:$0x5BF0]  }
0x2c2: {  	v61 =	vld [tilespmem:$0x5C70]  }
0x2c3: {  	v8 =	vadd.f32 v25, v8;
	v25 =	vld [tilespmem:$0x5D70]  }
0x2c4: {  	v33 =	vld [tilespmem:$0x1F600]  }
0x2c5: {  	v6 =	vadd.f32 v35, v6;
	v35 =	vld [tilespmem:$0x1F620]  }
0x2c6: {  	v9 =	vadd.f32 v27, v9;
	v27 =	vld [tilespmem:$0x5DF0]  }
0x2c7: {  	v8 =	vadd.f32 v29, v8;
	v29 =	vld [tilespmem:$0x5E70]  }
0x2c8: {  	[tilespmem:$0x1FF60] =	vst v6;
	v6 =	vadd.f32 v37, v36;
	v36 =	vld [tilespmem:$0x1F630]  }
0x2c9: {  	v37 =	vld [tilespmem:$0x1F640]  }
0x2ca: {  	v7 =	vadd.f32 v40, v7;
	v40 =	vld [tilespmem:$0x1F660]  }
0x2cb: {  	v9 =	vadd.f32 v31, v9;
	v31 =	vld [tilespmem:$0x5F70]  }
0x2cc: {  	[tilespmem:$0x1FF70] =	vst v7;
	v7 =	vadd.f32 v42, v41;
	v41 =	vld [tilespmem:$0x1F670]  }
0x2cd: {  	v42 =	vld [tilespmem:$0x1F680]  }
0x2ce: {  	v6 =	vadd.f32 v46, v6;
	v46 =	vld [tilespmem:$0x1F6A0]  }
0x2cf: {  	v8 =	vadd.f32 v33, v8;
	v33 =	vld [tilespmem:$0x1F710]  }
0x2d0: {  	v22 =	vadd.f32 v61, v22;
	v61 =	vld [tilespmem:$0x76A0]  }
0x2d1: {  	v6 =	vadd.f32 v23, v6;
	v23 =	vld [tilespmem:$0x5CF0]  }
0x2d2: {  	v7 =	vadd.f32 v57, v7;
	v57 =	vld [tilespmem:$0x1F6E0]  }
0x2d3: {  	v9 =	vadd.f32 v35, v9;
	v35 =	vld [tilespmem:$0x1F730]  }
0x2d4: {  	v8 =	vadd.f32 v37, v8;
	v37 =	vld [tilespmem:$0x70F0]  }
0x2d5: {  	v7 =	vadd.f32 v26, v7;
	v26 =	vld [tilespmem:$0x1F6F0]  }
0x2d6: {  	v6 =	vadd.f32 v28, v6;
	v28 =	vld [tilespmem:$0x1F700]  }
0x2d7: {  	v9 =	vadd.f32 v40, v9;
	v40 =	vld [tilespmem:$0x7370]  }
0x2d8: {  	v8 =	vadd.f32 v42, v8;
	v42 =	vld [tilespmem:$0x1F750]  }
0x2d9: {  	v7 =	vadd.f32 v30, v7;
	v30 =	vld [tilespmem:$0x5EF0]  }
0x2da: {  	v6 =	vadd.f32 v32, v6;
	v32 =	vld [tilespmem:$0x6FF0]  }
0x2db: {  	v9 =	vadd.f32 v46, v9;
	v46 =	vld [tilespmem:$0x71F0]  }
0x2dc: {  	v8 =	vadd.f32 v51, v8;
	v51 =	vld [tilespmem:$0x7270]  }
0x2dd: {  	v22 =	vadd.f32 v23, v22;
	v23 =	vld [tilespmem:$0x1FC10]  }
0x2de: {  	v6 =	vadd.f32 v36, v6;
	v36 =	vld [tilespmem:$0x7070]  }
0x2df: {  	v7 =	vadd.f32 v34, v7;
	v34 =	vld [tilespmem:$0x1F720]  }
0x2e0: {  	v9 =	vadd.f32 v57, v9;
	v57 =	vld [tilespmem:$0x72F0]  }
0x2e1: {  	v8 =	vadd.f32 v28, v8;
	v28 =	vld [tilespmem:$0x1F790]  }
0x2e2: {  	[tilespmem:$0x1FDF0] =	vst v40;
	v40 =	vld [tilespmem:$0x6100]  }
0x2e3: {  	v22 =	vadd.f32 v25, v22;
	v25 =	vld [tilespmem:$0x5FB0]  }
0x2e4: {  	v6 =	vadd.f32 v41, v6;
	v41 =	vld [tilespmem:$0x7170]  }
0x2e5: {  	v7 =	vadd.f32 v39, v7;
	v39 =	vld [tilespmem:$0x1F740]  }
0x2e6: {  	v22 =	vadd.f32 v27, v22;
	v27 =	vld [tilespmem:$0x1FC70]  }
0x2e7: {  	v7 =	vadd.f32 v43, v7;
	v43 =	vld [tilespmem:$0x1F760]  }
0x2e8: {  	v6 =	vadd.f32 v49, v6;
	v49 =	vld [tilespmem:$0x5F80]  }
0x2e9: {  	v9 =	vadd.f32 v34, v9;
	v34 =	vld [tilespmem:$0x6080]  }
0x2ea: {  	v22 =	vadd.f32 v29, v22;
	v29 =	vld [tilespmem:$0x61B0]  }
0x2eb: {  	v7 =	vadd.f32 v53, v7;
	v53 =	vld [tilespmem:$0x1F770]  }
0x2ec: {  	v6 =	vadd.f32 v26, v6;
	v26 =	vld [tilespmem:$0x1F780]  }
0x2ed: {  	[tilespmem:$0x1FE10] =	vst v40;
	v40 =	vld [tilespmem:$0x1F830]  }
0x2ee: {  	v8 =	vadd.f32 v39, v8;
	v39 =	vld [tilespmem:$0x1F7C0]  }
0x2ef: {  	v22 =	vadd.f32 v30, v22;
	v30 =	vld [tilespmem:$0x62B0]  }
0x2f0: {  	v7 =	vadd.f32 v33, v7;
	v33 =	vld [tilespmem:$0x1F7A0]  }
0x2f1: {  	v6 =	vadd.f32 v35, v6;
	v35 =	vld [tilespmem:$0x1F7B0]  }
0x2f2: {  	v9 =	vadd.f32 v43, v9;
	v43 =	vld [tilespmem:$0x1F7E0]  }
0x2f3: {  	[tilespmem:$0x1FDE0] =	vst v49;
	v49 =	vld [tilespmem:$0x6180]  }
0x2f4: {  	v22 =	vadd.f32 v31, v22;
	v31 =	vld [tilespmem:$0x73B0]  }
0x2f5: {  	v7 =	vadd.f32 v42, v7;
	v42 =	vld [tilespmem:$0x1F7D0]  }
0x2f6: {  	[tilespmem:$0x1FE00] =	vst v34;
	v34 =	vld [tilespmem:$0x1F810]  }
0x2f7: {  	v6 =	vadd.f32 v53, v6;
	v53 =	vld [tilespmem:$0x6000]  }
0x2f8: {  	v8 =	vadd.f32 v26, v8;
	v26 =	vld [tilespmem:$0x1F7F0]  }
0x2f9: {  	v22 =	vadd.f32 v32, v22;
	v32 =	vld [tilespmem:$0x74B0]  }
0x2fa: {  	v7 =	vadd.f32 v28, v7;
	v28 =	vld [tilespmem:$0x1F800]  }
0x2fb: {  	v9 =	vadd.f32 v33, v9;
	v33 =	vld [tilespmem:$0x6200]  }
0x2fc: {  	v6 =	vadd.f32 v35, v6;
	v35 =	vld [tilespmem:$0x1F820]  }
0x2fd: {  	v8 =	vadd.f32 v39, v8;
	v39 =	vld [tilespmem:$0x6280]  }
0x2fe: {  	v22 =	vadd.f32 v36, v22;
	v36 =	vld [tilespmem:$0x75B0]  }
0x2ff: {  	[tilespmem:$0x1FE20] =	vst v49;
	v49 =	vld [tilespmem:$0x1F850]  }
0x300: {  	v7 =	vadd.f32 v42, v7;
	v42 =	vld [tilespmem:$0x1F840]  }
0x301: {  	v9 =	vadd.f32 v43, v9;
	v43 =	vld [tilespmem:$0x6300]  }
0x302: {  	v22 =	vadd.f32 v37, v22;
	v37 =	vld [tilespmem:$0x1FD30]  }
0x303: {  	v6 =	vadd.f32 v26, v6;
	v26 =	vld [tilespmem:$0x1F860]  }
0x304: {  	v8 =	vadd.f32 v28, v8;
	v28 =	vld [tilespmem:$0x7380]  }
0x305: {  	v7 =	vadd.f32 v34, v7;
	v34 =	vld [tilespmem:$0x1F880]  }
0x306: {  	v22 =	vadd.f32 v41, v22;
	v41 =	vld [tilespmem:$0x5FC0]  }
0x307: {  	[tilespmem:$0x1FE30] =	vst v33;
	v33 =	vld [tilespmem:$0x1F870]  }
0x308: {  	v9 =	vadd.f32 v35, v9;
	v35 =	vld [tilespmem:$0x7400]  }
0x309: {  	[tilespmem:$0x1FE40] =	vst v39;
	v39 =	vld [tilespmem:$0x1F890]  }
0x30a: {  	v6 =	vadd.f32 v40, v6;
	v40 =	vld [tilespmem:$0x1F8A0]  }
0x30b: {  	v7 =	vadd.f32 v49, v7;
	v49 =	vld [tilespmem:$0x1F8C0]  }
0x30c: {  	v22 =	vadd.f32 v46, v22;
	v46 =	vld [tilespmem:$0x60C0]  }
0x30d: {  	v8 =	vadd.f32 v42, v8;
	v42 =	vld [tilespmem:$0x7480]  }
0x30e: {  	[tilespmem:$0x1FE50] =	vst v43;
	v43 =	vld [tilespmem:$0x1F8B0]  }
0x30f: {  	v9 =	vadd.f32 v26, v9;
	v26 =	vld [tilespmem:$0x7500]  }
0x310: {  	[tilespmem:$0x1FE60] =	vst v28;
	v28 =	vld [tilespmem:$0x1F8E0]  }
0x311: {  	v6 =	vadd.f32 v33, v6;
	v33 =	vld [tilespmem:$0x1F8F0]  }
0x312: {  	[tilespmem:$0x1FE70] =	vst v35;
	v35 =	vld [tilespmem:$0x7580]  }
0x313: {  	v7 =	vadd.f32 v39, v7;
	v39 =	vld [tilespmem:$0x1F910]  }
0x314: {  	[tilespmem:$0x1FF80] =	vst v6;
	v6 =	vadd.f32 v34, v8;
	v34 =	vld [tilespmem:$0x1F900]  }
0x315: {  	[tilespmem:$0x1FF90] =	vst v7;
	v7 =	vadd.f32 v40, v9;
	v40 =	vld [tilespmem:$0x1F920]  }
0x316: {  	[tilespmem:$0x1FE80] =	vst v42;
	v42 =	vld [tilespmem:$0x1F930]  }
0x317: {  	v9 =	vld [tilespmem:$0x1FA70]  }
0x318: {  	[tilespmem:$0x1FE90] =	vst v26;
	v26 =	vld [tilespmem:$0x1F950]  }
0x319: {  	v6 =	vadd.f32 v43, v6;
	v43 =	vld [tilespmem:$0x7600]  }
0x31a: {  	v7 =	vadd.f32 v28, v7;
	v28 =	vld [tilespmem:$0x1F960]  }
0x31b: {  	[tilespmem:$0x1FEA0] =	vst v35;
	v35 =	vld [tilespmem:$0x1F980]  }
0x31c: {  	[tilespmem:$0x1FFA0] =	vst v6;
	v6 =	vadd.f32 v12, v49;
	v49 =	vld [tilespmem:$0x1F940]  }
0x31d: {  	v12 =	vld [tilespmem:$0x7680]  }
0x31e: {  	[tilespmem:$0x1FFB0] =	vst v7;
	v7 =	vadd.f32 v34, v33;
	v33 =	vld [tilespmem:$0x7700]  }
0x31f: {  	v34 =	vld [tilespmem:$0x1F970]  }
0x320: {  	v8 =	vadd.f32 v42, v40;
	v40 =	vld [tilespmem:$0x1F9A0]  }
0x321: {  	v42 =	vld [tilespmem:$0x1F9B0]  }
0x322: {  	v6 =	vadd.f32 v39, v6;
	v39 =	vld [tilespmem:$0x1F990]  }
0x323: {  	[tilespmem:$0x1FEB0] =	vst v43;
	v43 =	vld [tilespmem:$0x1F9C0]  }
0x324: {  	v4 =	vadd.f32 v26, v6;
	v26 =	vld [tilespmem:$0x6010]  }
0x325: {  	v6 =	vadd.f32 v28, v8;
	v28 =	vld [tilespmem:$0x6090]  }
0x326: {  	v8 =	vld [tilespmem:$0x1FA60]  }
0x327: {  	v7 =	vadd.f32 v49, v7;
	v49 =	vld [tilespmem:$0x1F9D0]  }
0x328: {  	[tilespmem:$0x1FEC0] =	vst v12;
	v12 =	vld [tilespmem:$0x1FA10]  }
0x329: {  	[tilespmem:$0x1FED0] =	vst v33;
	v33 =	vld [tilespmem:$0x5F90]  }
0x32a: {  	v4 =	vadd.f32 v35, v4;
	v7 =	vadd.f32 v34, v7;
	v34 =	vld [tilespmem:$0x6110]  }
0x32b: {  	v6 =	vadd.f32 v39, v6;
	v39 =	vld [tilespmem:$0x6190]  }
0x32c: {  	v4 =	vadd.f32 v42, v4;
	v42 =	vld [tilespmem:$0x6290]  }
0x32d: {  	v7 =	vadd.f32 v40, v7;
	v6 =	vadd.f32 v43, v6;
	v40 =	vld [tilespmem:$0x6210]  }
0x32e: {  	v43 =	vld [tilespmem:$0x6310]  }
0x32f: {  	v6 =	vadd.f32 v56, v6;
	v56 =	vld [tilespmem:$0x1FA30]  }
0x330: {  	v4 =	vadd.f32 v52, v4;
	v52 =	vld [tilespmem:$0x1FA20]  }
0x331: {  	v7 =	vadd.f32 v49, v7;
	v49 =	vld [tilespmem:$0x7410]  }
0x332: {  	v4 =	vadd.f32 v12, v4;
	v12 =	vld [tilespmem:$0x1FAA0]  }
0x333: {  	v7 =	vadd.f32 v59, v7;
	v35 =	vadd.f32 v48, v6;
	v48 =	vld [tilespmem:$0x7390]  }
0x334: {  	v59 =	vld [tilespmem:$0x1FA40];
	v4 =	vadd.f32 v56, v4  }
0x335: {  	v6 =	vadd.f32 v52, v7;
	v52 =	vld [tilespmem:$0x7510]  }
0x336: {  	v7 =	vadd.f32 v17, v2;
	v2 =	vld [tilespmem:$0x1FB10];
	v3 =	vadd.f32 v3, v4  }
0x337: {  	v17 =	vld [tilespmem:$0x6220]  }
0x338: {  	v3 =	vadd.f32 v9, v3;
	v9 =	vld [tilespmem:$0x1FAC0]  }
0x339: {  	v56 =	vld [tilespmem:$0x7610];
	v6 =	vadd.f32 v50, v6  }
0x33a: {  	v5 =	vadd.f32 v59, v35;
	v3 =	vadd.f32 v12, v3;
	v12 =	vld [tilespmem:$0x1FAF0]  }
0x33b: {  	v50 =	vld [tilespmem:$0x7490]  }
0x33c: {  	v59 =	vld [tilespmem:$0x7590];
	v60 =	vadd.f32 v60, v5;
	v5 =	vadd.f32 v8, v6  }
0x33d: {  	v35 =	vld [tilespmem:$0x1FAB0];
	v3 =	vadd.f32 v9, v3  }
0x33e: {  	v5 =	vadd.f32 v10, v5;
	v10 =	vld [tilespmem:$0x1FAD0]  }
0x33f: {  	v8 =	vld [tilespmem:$0x1FBC0];
	v4 =	vadd.f32 v54, v60;
	v3 =	vadd.f32 v12, v3  }
0x340: {  	v54 =	vld [tilespmem:$0x7690]  }
0x341: {  	v4 =	vadd.f32 v14, v4;
	v12 =	vadd.f32 v2, v3;
	v2 =	vld [tilespmem:$0x1FB20]  }
0x342: {  	v3 =	vld [tilespmem:$0x1FB40]  }
0x343: {  	v14 =	vld [tilespmem:$0x5FA0];
	v4 =	vadd.f32 v10, v4  }
0x344: {  	v60 =	vld [tilespmem:$0x7710]  }
0x345: {  	v4 =	vadd.f32 v16, v4;
	v16 =	vld [tilespmem:$0x1FB00]  }
0x346: {  	v5 =	vadd.f32 v35, v5;
	v35 =	vld [tilespmem:$0x6120];
	v9 =	vadd.f32 v18, v7  }
0x347: {  	v6 =	vadd.f32 v2, v4;
	v2 =	vld [tilespmem:$0x1FB30];
	v3 =	vadd.f32 v3, v12  }
0x348: {  	v18 =	vld [tilespmem:$0x62A0];
	v5 =	vadd.f32 v11, v5;
	v13 =	vadd.f32 v13, v14  }
0x349: {  	[tilespmem:$0x1FFC0] =	vst v3;
	v3 =	vld [tilespmem:$0x1FB50]  }
0x34a: {  	v11 =	vld [tilespmem:$0x1FBA0];
	v13 =	vadd.f32 v15, v13;
	v5 =	vadd.f32 v16, v5  }
0x34b: {  	v10 =	vld [tilespmem:$0x1FB90]  }
0x34c: {  	v13 =	vadd.f32 v35, v13;
	v35 =	vld [tilespmem:$0x7650];
	v2 =	vadd.f32 v2, v5  }
0x34d: {  	v16 =	vld [tilespmem:$0x61A0];
	v12 =	vadd.f32 v38, v47  }
0x34e: {  	v38 =	vld [tilespmem:$0x7520];
	v7 =	vadd.f32 v19, v6;
	v2 =	vadd.f32 v3, v2  }
0x34f: {  	v47 =	vld [tilespmem:$0x1FBB0]  }
0x350: {  	v19 =	vld [tilespmem:$0x6320];
	v3 =	vadd.f32 v21, v7;
	[tilespmem:$0x1FFD0] =	vst v2;
	v2 =	vadd.f32 v20, v9  }
0x351: {  	v4 =	vadd.f32 v62, v12;
	v62 =	vld [tilespmem:$0x7620]  }
0x352: {  	[tilespmem:$0x1FFE0] =	vst v3;
	v3 =	vld [tilespmem:$0x1FB60];
	v2 =	vadd.f32 v24, v2  }
0x353: {  	v9 =	vld [tilespmem:$0x1FB70]  }
0x354: {  	[tilespmem:$0x1FFF0] =	vst v2;
	v2 =	vld [tilespmem:$0x1FB80]  }
0x355: {  	v12 =	vld [tilespmem:$0x1FC00]  }
0x356: {  	v6 =	vld [tilespmem:$0x7430]  }
0x357: {  	v4 =	vadd.f32 v58, v4;
	v58 =	vld [tilespmem:$0x7720]  }
0x358: {  	v3 =	vadd.f32 v9, v3;
	v9 =	vld [tilespmem:$0x1FBD0]  }
0x359: {  	v2 =	vadd.f32 v10, v2;
	v10 =	vld [tilespmem:$0x1FBE0]  }
0x35a: {  	v3 =	vadd.f32 v11, v3;
	v11 =	vld [tilespmem:$0x1FBF0]  }
0x35b: {  	v5 =	vld [tilespmem:$0x6230];
	v2 =	vadd.f32 v47, v2  }
0x35c: {  	v16 =	vadd.f32 v16, v13;
	v13 =	vld [tilespmem:$0x7740];
	v3 =	vadd.f32 v8, v3  }
0x35d: {  	v8 =	vld [tilespmem:$0x1FC20];
	v2 =	vadd.f32 v9, v2  }
0x35e: {  	v9 =	vld [tilespmem:$0x1FC30];
	v3 =	vadd.f32 v10, v3  }
0x35f: {  	v10 =	vld [tilespmem:$0x1FC40];
	v2 =	vadd.f32 v11, v2  }
0x360: {  	v3 =	vadd.f32 v12, v3;
	v12 =	vld [tilespmem:$0x1FC60]  }
0x361: {  	v11 =	vld [tilespmem:$0x1FC50];
	v2 =	vadd.f32 v23, v2  }
0x362: {  	v4 =	vadd.f32 v55, v4;
	v55 =	vld [tilespmem:$0x6030]  }
0x363: {  	v2 =	vadd.f32 v9, v2;
	v9 =	vld [tilespmem:$0x1FC80]  }
0x364: {  	v21 =	vld [tilespmem:$0x7420];
	v4 =	vadd.f32 v63, v4;
	v3 =	vadd.f32 v8, v3  }
0x365: {  	v2 =	vadd.f32 v12, v2;
	v12 =	vld [tilespmem:$0x1FCB0]  }
0x366: {  	v3 =	vadd.f32 v10, v3;
	v4 =	vadd.f32 v11, v4;
	v10 =	vld [tilespmem:$0x1FC90]  }
0x367: {  	v7 =	vld [tilespmem:$0x7530]  }
0x368: {  	v4 =	vadd.f32 v9, v4;
	v9 =	vld [tilespmem:$0x1FCC0]  }
0x369: {  	v16 =	vadd.f32 v17, v16;
	v17 =	vld [tilespmem:$0x6050]  }
0x36a: {  	v4 =	vadd.f32 v12, v4;
	v12 =	vld [tilespmem:$0x1FCF0]  }
0x36b: {  	v11 =	vld [tilespmem:$0x1FCA0];
	v2 =	vadd.f32 v10, v2  }
0x36c: {  	v63 =	vld [tilespmem:$0x6130]  }
0x36d: {  	v10 =	vld [tilespmem:$0x1FCD0];
	v2 =	vadd.f32 v9, v2  }
0x36e: {  	v20 =	vld [tilespmem:$0x73A0];
	v3 =	vadd.f32 v27, v3  }
0x36f: {  	v2 =	vadd.f32 v12, v2;
	v12 =	vld [tilespmem:$0x1FD00]  }
0x370: {  	v16 =	vadd.f32 v18, v16;
	v18 =	vld [tilespmem:$0x6150];
	v3 =	vadd.f32 v11, v3  }
0x371: {  	v24 =	vld [tilespmem:$0x74A0]  }
0x372: {  	v16 =	vadd.f32 v19, v16;
	v11 =	vld [tilespmem:$0x1FCE0];
	v3 =	vadd.f32 v10, v3  }
0x373: {  	v55 =	vadd.f32 v55, v25;
	v25 =	vld [tilespmem:$0x74C0]  }
0x374: {  	v16 =	vadd.f32 v20, v16;
	v3 =	vadd.f32 v12, v3;
	v12 =	vld [tilespmem:$0x1FD10]  }
0x375: {  	v19 =	vld [tilespmem:$0x6250]  }
0x376: {  	v20 =	vld [tilespmem:$0x6350];
	v16 =	vadd.f32 v21, v16  }
0x377: {  	v47 =	vld [tilespmem:$0x75A0];
	v4 =	vadd.f32 v11, v4  }
0x378: {  	v21 =	vld [tilespmem:$0x7450];
	v16 =	vadd.f32 v24, v16  }
0x379: {  	v4 =	vadd.f32 v12, v4;
	v12 =	vld [tilespmem:$0x1FD20]  }
0x37a: {  	v24 =	vld [tilespmem:$0x7550];
	v16 =	vadd.f32 v38, v16  }
0x37b: {  	v38 =	vld [tilespmem:$0x7750]  }
0x37c: {  	v16 =	vadd.f32 v47, v16;
	v47 =	vld [tilespmem:$0x5FE0]  }
0x37d: {  	v23 =	vld [tilespmem:$0x60B0]  }
0x37e: {  	v2 =	vadd.f32 v12, v2;
	v12 =	vld [tilespmem:$0x1FD40]  }
0x37f: {  	v3 =	vadd.f32 v37, v3;
	v37 =	vld [tilespmem:$0x1FD50]  }
0x380: {  	v8 =	vld [tilespmem:$0x7630];
	v16 =	vadd.f32 v62, v16  }
0x381: {  	v62 =	vld [tilespmem:$0x61E0]  }
0x382: {  	v16 =	vadd.f32 v61, v16;
	v61 =	vld [tilespmem:$0x6170]  }
0x383: {  	v4 =	vadd.f32 v12, v4;
	v12 =	vld [tilespmem:$0x1FD60]  }
0x384: {  	v2 =	vadd.f32 v37, v2;
	v37 =	vld [tilespmem:$0x1FD70]  }
0x385: {  	v27 =	vld [tilespmem:$0x6330]  }
0x386: {  	v9 =	vld [tilespmem:$0x76B0]  }
0x387: {  	v11 =	vld [tilespmem:$0x7730]  }
0x388: {  	v3 =	vadd.f32 v12, v3;
	v12 =	vld [tilespmem:$0x1FD80]  }
0x389: {  	v4 =	vadd.f32 v37, v4;
	v37 =	vld [tilespmem:$0x6040]  }
0x38a: {  	v3 =	vadd.f32 v45, v3;
	v45 =	vld [tilespmem:$0x1FDA0]  }
0x38b: {  	v10 =	vld [tilespmem:$0x6140]  }
0x38c: {  	v22 =	vadd.f32 v51, v22;
	v51 =	vadd.f32 v44, v3;
	v44 =	vld [tilespmem:$0x1FDC0]  }
0x38d: {  	v2 =	vadd.f32 v12, v2;
	v12 =	vld [tilespmem:$0x1FD90]  }
0x38e: {  	v37 =	vadd.f32 v37, v41;
	v41 =	vld [tilespmem:$0x1FFB0]  }
0x38f: {  	v3 =	vld [tilespmem:$0x1FDB0];
	v2 =	vadd.f32 v45, v2  }
0x390: {  	v45 =	vld [tilespmem:$0x1FDF0]  }
0x391: {  	v44 =	vadd.f32 v44, v2;
	v2 =	vadd.f32 v57, v22;
	v22 =	vld [tilespmem:$0x62C0]  }
0x392: {  	v57 =	vld [tilespmem:$0x1FDD0];
	v4 =	vadd.f32 v12, v4  }
0x393: {  	v12 =	vld [tilespmem:$0x61C0]  }
0x394: {  	v3 =	vadd.f32 v3, v4;
	v4 =	vld [tilespmem:$0x6240]  }
0x395: {  	v45 =	vadd.f32 v45, v2;
	v2 =	vadd.f32 v26, v33;
	v26 =	vld [tilespmem:$0x73C0]  }
0x396: {  	v33 =	vld [tilespmem:$0x1FE00]  }
0x397: {  	v57 =	vadd.f32 v57, v3;
	v3 =	vld [tilespmem:$0x1FDE0]  }
0x398: {  	v14 =	vadd.f32 v28, v2;
	v2 =	vld [tilespmem:$0x1FE10]  }
0x399: {  	v28 =	vadd.f32 v23, v55;
	v23 =	vld [tilespmem:$0x75C0]  }
0x39a: {  	v15 =	vadd.f32 v34, v14;
	v34 =	vld [tilespmem:$0x1FE20]  }
0x39b: {  	v14 =	vld [tilespmem:$0x7640]  }
0x39c: {  	v28 =	vadd.f32 v63, v28;
	v63 =	vld [tilespmem:$0x1FE70]  }
0x39d: {  	v15 =	vadd.f32 v39, v15;
	v39 =	vld [tilespmem:$0x1FE30]  }
0x39e: {  	v28 =	vadd.f32 v29, v28;
	v29 =	vld [tilespmem:$0x5FD0]  }
0x39f: {  	v3 =	vadd.f32 v53, v3;
	v53 =	vld [tilespmem:$0x6340]  }
0x3a0: {  	v15 =	vadd.f32 v40, v15;
	v40 =	vld [tilespmem:$0x1FE40]  }
0x3a1: {  	v5 =	vadd.f32 v5, v28;
	v28 =	vld [tilespmem:$0x60D0]  }
0x3a2: {  	v3 =	vadd.f32 v33, v3;
	v33 =	vld [tilespmem:$0x7440]  }
0x3a3: {  	v15 =	vadd.f32 v42, v15;
	v42 =	vld [tilespmem:$0x1FE50]  }
0x3a4: {  	v5 =	vadd.f32 v30, v5;
	v30 =	vld [tilespmem:$0x61D0]  }
0x3a5: {  	v3 =	vadd.f32 v2, v3;
	v2 =	vld [tilespmem:$0x7540]  }
0x3a6: {  	v16 =	vadd.f32 v58, v16;
	v58 =	vadd.f32 v17, v29;
	v29 =	vld [tilespmem:$0x1FF80]  }
0x3a7: {  	v5 =	vadd.f32 v27, v5;
	v27 =	vld [tilespmem:$0x62D0]  }
0x3a8: {  	v15 =	vadd.f32 v43, v15;
	v43 =	vld [tilespmem:$0x1FEB0]  }
0x3a9: {  	v55 =	vadd.f32 v34, v3;
	v3 =	vld [tilespmem:$0x76C0]  }
0x3aa: {  	v5 =	vadd.f32 v31, v5;
	v31 =	vld [tilespmem:$0x73D0]  }
0x3ab: {  	v15 =	vadd.f32 v48, v15;
	v48 =	vld [tilespmem:$0x1FEC0]  }
0x3ac: {  	v34 =	vadd.f32 v39, v55;
	v55 =	vld [tilespmem:$0x1FE60]  }
0x3ad: {  	v39 =	vld [tilespmem:$0x1FE80]  }
0x3ae: {  	v5 =	vadd.f32 v6, v5;
	v6 =	vld [tilespmem:$0x74D0]  }
0x3af: {  	v15 =	vadd.f32 v49, v15;
	v49 =	vld [tilespmem:$0x6060]  }
0x3b0: {  	v34 =	vadd.f32 v40, v34;
	v40 =	vld [tilespmem:$0x1FE90]  }
0x3b1: {  	v5 =	vadd.f32 v32, v5;
	v32 =	vld [tilespmem:$0x75D0]  }
0x3b2: {  	v15 =	vadd.f32 v50, v15;
	v50 =	vld [tilespmem:$0x5FF0]  }
0x3b3: {  	v34 =	vadd.f32 v42, v34;
	v42 =	vld [tilespmem:$0x1FEA0]  }
0x3b4: {  	v5 =	vadd.f32 v7, v5;
	v7 =	vld [tilespmem:$0x76D0]  }
0x3b5: {  	v15 =	vadd.f32 v52, v15;
	v52 =	vld [tilespmem:$0x1FED0]  }
0x3b6: {  	v34 =	vadd.f32 v55, v34;
	v55 =	vld [tilespmem:$0x60E0]  }
0x3b7: {  	v15 =	vadd.f32 v59, v15;
	v59 =	vld [tilespmem:$0x6160]  }
0x3b8: {  	v5 =	vadd.f32 v36, v5;
	v36 =	vadd.f32 v49, v47;
	v47 =	vld [tilespmem:$0x1FF00]  }
0x3b9: {  	v49 =	vld [tilespmem:$0x1FF10]  }
0x3ba: {  	v34 =	vadd.f32 v63, v34;
	v63 =	vld [tilespmem:$0x1FEE0]  }
0x3bb: {  	v15 =	vadd.f32 v56, v15;
	v56 =	vld [tilespmem:$0x60F0]  }
0x3bc: {  	v5 =	vadd.f32 v8, v5;
	v34 =	vadd.f32 v39, v34;
	v39 =	vld [tilespmem:$0x1FFA0]  }
0x3bd: {  	v15 =	vadd.f32 v54, v15;
	v54 =	vld [tilespmem:$0x6070]  }
0x3be: {  	v5 =	vadd.f32 v9, v5;
	v9 =	vadd.f32 v55, v36;
	v55 =	vld [tilespmem:$0x1FF30]  }
0x3bf: {  	v36 =	vld [tilespmem:$0x1FF90]  }
0x3c0: {  	v34 =	vadd.f32 v40, v34;
	v40 =	vld [tilespmem:$0x74F0]  }
0x3c1: {  	[tilespmem:$0x2840] =	vst v47;
	v47 =	vld [tilespmem:$0x1FFD0]  }
0x3c2: {  	[tilespmem:$0x2850] =	vst v49;
	v49 =	vld [tilespmem:$0x1FFE0]  }
0x3c3: {  	v15 =	vadd.f32 v60, v15;
	v60 =	vadd.f32 v46, v37;
	v46 =	vld [tilespmem:$0x6260]  }
0x3c4: {  	v5 =	vadd.f32 v11, v5;
	v11 =	vadd.f32 v28, v58;
	v58 =	vld [tilespmem:$0x1FF40]  }
0x3c5: {  	v9 =	vadd.f32 v59, v9;
	v59 =	vld [tilespmem:$0x6370]  }
0x3c6: {  	[tilespmem:$0x2820] =	vst v63;
	v63 =	vld [tilespmem:$0x73F0]  }
0x3c7: {  	v28 =	vld [tilespmem:$0x7460]  }
0x3c8: {  	v37 =	vld [tilespmem:$0x74E0];
	v34 =	vadd.f32 v42, v34  }
0x3c9: {  	v42 =	vld [tilespmem:$0x61F0];
	v10 =	vadd.f32 v10, v60;
	v8 =	vadd.f32 v54, v50  }
0x3ca: {  	v11 =	vadd.f32 v18, v11;
	v60 =	vld [tilespmem:$0x1FF50];
	v34 =	vadd.f32 v43, v34  }
0x3cb: {  	v9 =	vadd.f32 v62, v9;
	v62 =	vld [tilespmem:$0x1FF60];
	v8 =	vadd.f32 v56, v8  }
0x3cc: {  	v10 =	vadd.f32 v12, v10;
	v34 =	vadd.f32 v48, v34;
	v48 =	vld [tilespmem:$0x6270]  }
0x3cd: {  	[tilespmem:$0x29A0] =	vst v16;
	v50 =	vld [tilespmem:$0x62E0];
	v11 =	vadd.f32 v30, v11;
	v8 =	vadd.f32 v61, v8  }
0x3ce: {  	[tilespmem:$0x2940] =	vst v51;
	v54 =	vld [tilespmem:$0x62F0];
	v9 =	vadd.f32 v46, v9;
	v4 =	vadd.f32 v4, v10  }
0x3cf: {  	[tilespmem:$0x28F0] =	vst v41;
	v56 =	vld [tilespmem:$0x6360];
	v11 =	vadd.f32 v19, v11;
	v8 =	vadd.f32 v42, v8  }
0x3d0: {  	[tilespmem:$0x2950] =	vst v44;
	v43 =	vld [tilespmem:$0x1FEF0];
	v34 =	vadd.f32 v52, v34;
	v4 =	vadd.f32 v22, v4  }
0x3d1: {  	[tilespmem:$0x2970] =	vst v45;
	v61 =	vld [tilespmem:$0x73E0];
	v11 =	vadd.f32 v27, v11;
	v8 =	vadd.f32 v48, v8  }
0x3d2: {  	[tilespmem:$0x2870] =	vst v55;
	v55 =	vld [tilespmem:$0x7670];
	v9 =	vadd.f32 v50, v9;
	v4 =	vadd.f32 v53, v4  }
0x3d3: {  	[tilespmem:$0x2960] =	vst v57;
	v30 =	vld [tilespmem:$0x7470];
	v11 =	vadd.f32 v20, v11;
	v8 =	vadd.f32 v54, v8  }
0x3d4: {  	[tilespmem:$0x28C0] =	vst v29;
	v46 =	vld [tilespmem:$0x7570];
	v9 =	vadd.f32 v56, v9;
	v4 =	vadd.f32 v26, v4  }
0x3d5: {  	[tilespmem:$0x28E0] =	vst v39;
	v52 =	vld [tilespmem:$0x1FF20];
	v11 =	vadd.f32 v31, v11;
	v8 =	vadd.f32 v59, v8  }
0x3d6: {  	[tilespmem:$0x2880] =	vst v58;
	v58 =	vld [tilespmem:$0x76F0];
	v9 =	vadd.f32 v61, v9;
	v4 =	vadd.f32 v33, v4  }
0x3d7: {  	[tilespmem:$0x2990] =	vst v15;
	v42 =	vld [tilespmem:$0x7560];
	v11 =	vadd.f32 v21, v11;
	v8 =	vadd.f32 v63, v8  }
0x3d8: {  	[tilespmem:$0x29B0] =	vst v5;
	v27 =	vld [tilespmem:$0x1FF70];
	v9 =	vadd.f32 v28, v9;
	v4 =	vadd.f32 v25, v4  }
0x3d9: {  	[tilespmem:$0x28D0] =	vst v36;
	v48 =	vld [tilespmem:$0x75E0];
	v6 =	vadd.f32 v6, v11;
	v8 =	vadd.f32 v30, v8  }
0x3da: {  	[tilespmem:$0x2860] =	vst v52;
	v52 =	vld [tilespmem:$0x75F0];
	v50 =	vadd.f32 v37, v9;
	v2 =	vadd.f32 v2, v4  }
0x3db: {  	[tilespmem:$0x2910] =	vst v47;
	v54 =	vld [tilespmem:$0x7660];
	v6 =	vadd.f32 v24, v6;
	v8 =	vadd.f32 v40, v8  }
0x3dc: {  	[tilespmem:$0x2830] =	vst v43;
	v43 =	vld [tilespmem:$0x1FFC0];
	v4 =	vadd.f32 v42, v50;
	v2 =	vadd.f32 v23, v2  }
0x3dd: {  	[tilespmem:$0x2920] =	vst v49;
	v56 =	vld [tilespmem:$0x76E0];
	v6 =	vadd.f32 v32, v6;
	v8 =	vadd.f32 v46, v8  }
0x3de: {  	[tilespmem:$0x2890] =	vst v60;
	v53 =	vld [tilespmem:$0x1FFF0];
	v4 =	vadd.f32 v48, v4;
	v2 =	vadd.f32 v14, v2  }
0x3df: {  	[tilespmem:$0x28A0] =	vst v62;
	v59 =	vld [tilespmem:$0x7760];
	v6 =	vadd.f32 v35, v6;
	v8 =	vadd.f32 v52, v8  }
0x3e0: {  	v60 =	vld [tilespmem:$0x7770];
	[tilespmem:$0x2980] =	vst v34;
	v2 =	vadd.f32 v3, v2;
	v3 =	vadd.f32 v54, v4  }
0x3e1: {  	[tilespmem:$0x28B0] =	vst v27;
	v6 =	vadd.f32 v7, v6;
	v61 =	vadd.f32 v55, v8  }
0x3e2: {  	[tilespmem:$0x2900] =	vst v43;
	v2 =	vadd.f32 v13, v2;
	v3 =	vadd.f32 v56, v3  }
0x3e3: {  	[tilespmem:$0x2930] =	vst v53;
	v62 =	vadd.f32 v38, v6;
	v63 =	vadd.f32 v58, v61  }
0x3e4: {  	[tilespmem:$0x29C0] =	vst v2;
	v2 =	vadd.f32 v59, v3  }
0x3e5: {  	s15 =	sadd.s32 $0x1, s15;
	[tilespmem:$0x29D0] =	vst v62;
	v3 =	vadd.f32 v60, v63  }
0x3e6: {  	p1 =	sne.s32 s15, s6;
	[tilespmem:$0x29E0] =	vst v2  }
.Ltmp3:
0x3e7: {  	[tilespmem:$0x29F0] =	vst v3;
	(pc) =	sbr.rel @p1 .LBB2_1-.Ltmp3, $4  }
0x3e8: {  	[hbm4b:s7+s2] =	stream.linear.scatter [tilespmem:s8], [sflag:$0x1], $0x280, $0x38;
	[tilespmem:$0x9F80] =	vst v63  }
0x3e9: {  	_ =	swait.ge [sflag:s11], $0x280  }
0x3ea: {  	[sflag:s11] =	ssyncset.done $0x0  }
0x3eb: {  	[sflag:s11] =	ssyncadd.s32 $0xFFFFFD80  }
0x3ec: {  	_ =	sfence.sel $0x180000  }
0x3ed: {  	[bflag:$0x0] =	sbarrier.arrive $0xFFFF  }
0x3ee: {  	p0 =	sne.s32 s0, $0x0;
	_ =	strace $0x90000047  }
0x3ef: {  	s0 =	sadd.s32 @!p0 $0x100000, s1;
	[bflag:$0x2] =	sbarrier.arrive $0xFFFF  }
0x3f0: {  	[sflag:s0] =	ssyncadd.tile.s32 @!p0 $0x1;
	_ =	shalt  }
.Lfunc_end2:
_tile_overlayer_lowered:
.L_overlay_start_2:
0x3f1: {  	(tag) =	ssettag $0x2  }
0x3f2: {  	s0 =	rddreg [dreg:$0x0];
	s2 =	stileid.u32  }
0x3f3: {  	s1 =	rddreg [dreg:$0x1];
	p0 =	sne.s32 s2, $0x0  }
0x3f4: {  	s3 =	rddreg [dreg:$0x2];
	[bflag:$0x3] =	sbarrier.arrive $0xFFFF;
	s2 =	simm.s32 @!p0 $0x1C01  }
0x3f5: {  	[timem:s3], [sflag:s2] =	dma.local @!p0 [hbm:s0], s1  }
0x3f6: {  	s0 =	simm.s32 @!p0 $0x1  }
0x3f7: {  	_ =	swait.ge @!p0 [sflag:s0], s1  }
0x3f8: {  	s1 =	ssub.s32 @!p0 $0x0, s1;
	[sflag:s0] =	ssyncset.done @!p0 $0x0  }
0x3f9: {  	[sflag:s0] =	ssyncadd.s32 @!p0 s1  }
0x3fa: {  	[bflag:$0x3] =	sbarrier.arrive $0xFFFF  }
0x3fb: {  	_ =	shalt  }

</sc_bundles>
